<compile_context>
chip_gen: v7x
topology: tpu7x:2x2x1
jax: 0.10.2.dev20260603
libtpu: 0.0.44.dev20260713+nightly
codegen_flags: <defaults>
</compile_context>

<pallas_src>
import functools

import numpy as np
import jax
import jax.numpy as jnp
from jax import lax
from jax.experimental import pallas as pl
from jax.experimental.pallas import tpu as pltpu
from jax.experimental.pallas import tpu_sc as plsc

_B = 16
_T = 512
_P = 10
_F = 6
_PF = _P * _F
_DM = 64
_TDIM = 64
_NH = 4
_DH = 16
_DI = 128
_NOBS = 256
_NNEXT = 256

_BPG = 4

_NC = 2
_NS = 16
_NW = _NC * _NS
_ROWS = _B * _NOBS
_RPW = _ROWS // _NW


_SLAB = _T * _PF
_CHUNK = _RPW * _PF
_NGRP = _CHUNK // 16


def _sc_gather(x2d, obs_idx, next_idx):
    mesh = plsc.VectorSubcoreMesh(core_axis_name="c", subcore_axis_name="s")

    @functools.partial(
        pl.kernel,
        mesh=mesh,
        out_type=(
            jax.ShapeDtypeStruct((_ROWS * _PF,), jnp.float32),
            jax.ShapeDtypeStruct((_ROWS * _PF,), jnp.float32),
        ),
        scratch_types=[
            pltpu.VMEM((_SLAB,), jnp.float32),
            pltpu.VMEM((_RPW,), jnp.int32),
            pltpu.VMEM((_RPW,), jnp.int32),
            pltpu.VMEM((_CHUNK,), jnp.float32),
            pltpu.SemaphoreType.DMA,
        ],
        compiler_params=pltpu.CompilerParams(
            use_tc_tiling_on_sc=False, needs_layout_passes=False),
    )
    def k(x_hbm, obs_hbm, nxt_hbm, out_obs, out_gt, slab_v, ti_v, tn_v, buf_v, sem):
        w = lax.axis_index("s") * _NC + lax.axis_index("c")
        b = w // 2
        n0 = pl.multiple_of((w % 2) * _RPW, _RPW)
        base = pl.multiple_of(w * _CHUNK, _CHUNK)
        pltpu.sync_copy(x_hbm.at[b], slab_v)
        pltpu.sync_copy(obs_hbm.at[pl.ds(n0, _RPW)], ti_v)
        pltpu.sync_copy(nxt_hbm.at[pl.ds(n0, _RPW)], tn_v)
        lane = lax.iota(jnp.int32, 16)
        for ti, out_hbm in ((ti_v, out_obs), (tn_v, out_gt)):
            @plsc.parallel_loop(0, _NGRP, step=1, unroll=8)
            def _g(g):
                o = g * 16 + lane
                n = lax.shift_right_logical(o * 34953, 21)
                f = o - n * _PF
                t16 = plsc.load_gather(ti, [n])
                v = plsc.load_gather(slab_v, [t16 * _PF + f])
                buf_v[pl.ds(pl.multiple_of(g * 16, 16), 16)] = v
            pltpu.sync_copy(buf_v, out_hbm.at[pl.ds(base, _CHUNK)])

    return k(x2d.reshape(_B, _SLAB), obs_idx, next_idx)


def _pre_body(oidx_r, nidx_r, gap_r, w_in_r, w_time_r, w_q_r, w_k_r, w_v_r,
              w_o_r, w_ff1_r, w_ff2_r, w_out_r, b_in_r, b_out_r,
              c_obs10_o, qb_o, q_o, wkv_o, w_in_bd_o, w_o_o, w_ff1_o,
              w_ff2_o, w_out_bd_o, b_out60_o):
    bf = jnp.bfloat16
    ig = 1.0 / jnp.maximum(gap_r[0, 0].astype(jnp.float32), 1.0)
    i2 = lax.broadcasted_iota(jnp.int32, (_NOBS, _TDIM // 2), 1).astype(jnp.float32)
    freq = jnp.exp(i2 * jnp.float32(-2.0 * np.log(10000.0) / _TDIM))

    def tenc(pos_col):
        ang = (pos_col * ig) * freq
        return jnp.concatenate([jnp.sin(ang), jnp.cos(ang)], axis=1)

    w_time = w_time_r[...]
    t_obs = tenc(oidx_r[...].astype(jnp.float32))
    t_next = tenc(nidx_r[...].astype(jnp.float32))
    c_obs = jnp.dot(t_obs, w_time, preferred_element_type=jnp.float32) + b_in_r[...]
    c_obs10_o[...] = jnp.concatenate([c_obs] * _P, axis=1)
    qb = jnp.dot(t_next, w_time, preferred_element_type=jnp.float32)
    qb_o[...] = qb
    qsc = jnp.float32(np.log2(np.e) / np.sqrt(_DH))
    q_o[...] = (jnp.dot(qb, w_q_r[...], preferred_element_type=jnp.float32) * qsc).astype(bf)
    wkv_o[...] = jnp.concatenate([w_k_r[...], w_v_r[...]], axis=1).astype(bf)
    w_in16 = w_in_r[...].astype(bf)
    zin = jnp.zeros((_F, _DM), bf)
    rows = []
    for p in range(_P):
        pieces = [w_in16 if j == p else zin for j in range(_P)]
        rows.append(jnp.concatenate(pieces, axis=1))
    w_in_bd_o[...] = jnp.concatenate(rows, axis=0)
    w_out16 = w_out_r[...].astype(bf)
    zout = jnp.zeros((_DM, _F), bf)
    orows = []
    for p in range(_P):
        pieces = [w_out16 if j == p else zout for j in range(_P)]
        orows.append(jnp.concatenate(pieces, axis=1))
    w_out_bd_o[...] = jnp.concatenate(orows, axis=0)
    b_out60_o[...] = jnp.concatenate([b_out_r[...]] * _P, axis=1)
    w_o_o[...] = w_o_r[...].astype(bf)
    w_ff1_o[...] = w_ff1_r[...].astype(bf)
    w_ff2_o[...] = w_ff2_r[...].astype(bf)


def _precompute(oidx, nidx, gap2, W_in, W_time, W_q, W_k, W_v, W_o,
                W_ff1, W_ff2, W_out, b_in, b_out):
    bf = jnp.bfloat16
    out_shape = [
        jax.ShapeDtypeStruct((_NOBS, _P * _DM), jnp.float32),
        jax.ShapeDtypeStruct((_NNEXT, _DM), jnp.float32),
        jax.ShapeDtypeStruct((_NNEXT, _DM), bf),
        jax.ShapeDtypeStruct((_DM, 2 * _DM), bf),
        jax.ShapeDtypeStruct((_PF, _P * _DM), bf),
        jax.ShapeDtypeStruct((_DM, _DM), bf),
        jax.ShapeDtypeStruct((_DM, _DI), bf),
        jax.ShapeDtypeStruct((_DI, _DM), bf),
        jax.ShapeDtypeStruct((_P * _DM, _PF), bf),
        jax.ShapeDtypeStruct((1, _PF), jnp.float32),
    ]
    return pl.pallas_call(_pre_body, out_shape=out_shape)(
        oidx, nidx, gap2, W_in, W_time, W_q, W_k, W_v, W_o,
        W_ff1, W_ff2, W_out, b_in, b_out)


def _tc_body(obs_r, gt_r, c_obs10_r, qb_r, q_r, wkv_r,
             w_in_bd_r, w_o_r, w_ff1_r, w_ff2_r, w_out_bd_r,
             b_ff1_r, b_ff2_r, b_out60_r,
             out_r, loss_r):
    b = pl.program_id(0)
    bf = jnp.bfloat16

    c_obs10 = c_obs10_r[...]
    q_base = qb_r[...]
    q = q_r[...]
    wkv = wkv_r[...]
    w_in_bd = w_in_bd_r[...]
    w_o = w_o_r[...]
    w_ff1 = w_ff1_r[...]
    w_ff2 = w_ff2_r[...]
    w_out_bd = w_out_bd_r[...]
    b_ff1 = b_ff1_r[...]
    b_ff2 = b_ff2_r[...]
    b_out60 = b_out60_r[...]
    ones_col = jnp.ones((_NOBS, 1), bf)

    def fdot(a, b2):
        return jnp.dot(a, b2, preferred_element_type=jnp.float32)

    part = jnp.float32(0.0)
    for bi in range(_BPG):
        part = part + _one_batch(obs_r, gt_r, out_r, bi, c_obs10, q_base, q,
                                 wkv, w_in_bd, w_o, w_ff1, w_ff2, w_out_bd,
                                 b_ff1, b_ff2, b_out60, ones_col, fdot, bf)

    @pl.when(b == 0)
    def _init():
        loss_r[0, 0] = 0.0

    loss_r[0, 0] += part

    @pl.when(b == _B // _BPG - 1)
    def _fin():
        loss_r[0, 0] = loss_r[0, 0] * jnp.float32(1.0 / (_B * _P * _NNEXT * _F))


def _one_batch(obs_r, gt_r, out_r, bi, c_obs10, q_base, q, wkv, w_in_bd,
               w_o, w_ff1, w_ff2, w_out_bd, b_ff1, b_ff2, b_out60,
               ones_col, fdot, bf):
    obs_all = obs_r[bi]
    h0_all = (fdot(obs_all.astype(bf), w_in_bd) + c_obs10).astype(bf)
    h0s = [h0_all[:, _DM * p:_DM * (p + 1)] for p in range(_P)]
    kvs = [fdot(h0, wkv).astype(bf) for h0 in h0s]
    v1s = [jnp.concatenate([kv[:, _DM:], ones_col], axis=1) for kv in kvs]
    qhs = [q[:, _DH * h:_DH * (h + 1)] for h in range(_NH)]
    kstk = [jnp.concatenate([kv[:, _DH * h:_DH * (h + 1)] for kv in kvs],
                            axis=0) for h in range(_NH)]
    lgs = [lax.dot_general(qhs[h], kstk[h], (((1,), (1,)), ((), ())),
                           preferred_element_type=jnp.float32)
           for h in range(_NH)]
    es = [jnp.exp2(lg.astype(bf)) for lg in lgs]
    css = [[fdot(es[h][:, _NOBS * p:_NOBS * (p + 1)], v1s[p])
            for h in range(_NH)] for p in range(_P)]
    ctxs = [jnp.concatenate(
        [cs[:, _DH * h:_DH * (h + 1)] * (1.0 / cs[:, _DM:_DM + 1])
         for h, cs in enumerate(css[p])], axis=1) for p in range(_P)]
    h1s = [q_base + fdot(ctx.astype(bf), w_o) for ctx in ctxs]
    ffs = [jnp.maximum(fdot(h1.astype(bf), w_ff1) + b_ff1, 0.0) for h1 in h1s]
    h2s = [h1 + fdot(ff.astype(bf), w_ff2) + b_ff2 for h1, ff in zip(h1s, ffs)]
    h2_all = jnp.concatenate([h2.astype(bf) for h2 in h2s], axis=1)
    o = fdot(h2_all, w_out_bd) + b_out60
    out_r[bi] = o
    return jnp.sum(jnp.abs(o - gt_r[bi]))


def _tc_main(obs_rows, gt_rows, c_obs10, q_base, q16, wkv16,
             w_in_bd, w_o16, w_ff1_16, w_ff2_16, w_out_bd,
             b_ff1, b_ff2, b_out60):
    bf = jnp.bfloat16
    w2 = lambda b: (0, 0)
    in_specs = [
        pl.BlockSpec((_BPG, _NOBS, _PF), lambda b: (b, 0, 0)),
        pl.BlockSpec((_BPG, _NNEXT, _PF), lambda b: (b, 0, 0)),
        pl.BlockSpec((_NOBS, _P * _DM), w2),
        pl.BlockSpec((_NNEXT, _DM), w2),
        pl.BlockSpec((_NNEXT, _DM), w2),
        pl.BlockSpec((_DM, 2 * _DM), w2),
        pl.BlockSpec((_PF, _P * _DM), w2),
        pl.BlockSpec((_DM, _DM), w2),
        pl.BlockSpec((_DM, _DI), w2),
        pl.BlockSpec((_DI, _DM), w2),
        pl.BlockSpec((_P * _DM, _PF), w2),
        pl.BlockSpec((1, _DI), w2),
        pl.BlockSpec((1, _DM), w2),
        pl.BlockSpec((1, _PF), w2),
    ]
    out_specs = [
        pl.BlockSpec((_BPG, _NNEXT, _PF), lambda b: (b, 0, 0)),
        pl.BlockSpec((1, 1), w2, memory_space=pltpu.SMEM),
    ]
    out_shape = [
        jax.ShapeDtypeStruct((_B, _NNEXT, _PF), jnp.float32),
        jax.ShapeDtypeStruct((1, 1), jnp.float32),
    ]
    return pl.pallas_call(
        _tc_body,
        grid=(_B // _BPG,),
        in_specs=in_specs,
        out_specs=out_specs,
        out_shape=out_shape,
        compiler_params=pltpu.CompilerParams(
            dimension_semantics=("arbitrary",),
        ),
    )(obs_rows, gt_rows, c_obs10, q_base, q16, wkv16,
      w_in_bd, w_o16, w_ff1_16, w_ff2_16, w_out_bd,
      b_ff1, b_ff2, b_out60)


def kernel(input_data, obs_idx, next_idx, gap,
           W_in, b_in, W_time, W_q, W_k, W_v, W_o,
           W_ff1, b_ff1, W_ff2, b_ff2, W_out, b_out):
    x2d = input_data.reshape(_B * _T, _PF)
    r_obs, r_gt = _sc_gather(x2d, obs_idx, next_idx)
    obs_rows = r_obs.reshape(_B, _NOBS, _PF)
    gt_rows = r_gt.reshape(_B, _NNEXT, _PF)

    gap2 = jnp.asarray(gap, jnp.int32).reshape(1, 1)
    pre = _precompute(obs_idx.reshape(_NOBS, 1), next_idx.reshape(_NNEXT, 1),
                      gap2, W_in, W_time, W_q, W_k, W_v, W_o,
                      W_ff1, W_ff2, W_out, b_in.reshape(1, _DM),
                      b_out.reshape(1, _F))

    out, loss = _tc_main(
        obs_rows, gt_rows, *pre[:9],
        b_ff1.reshape(1, _DI), b_ff2.reshape(1, _DM), pre[9],
    )
    return (out, loss.reshape(())[()])

# --- scband reference (transcript-rebuilt; emitter-appended) ---
"""Pipeline reference for scband-nrtsi-11527692223221 (READ-ONLY COPY).

The authoritative reference and input builder live on the scoring server;
editing this copy changes nothing except your own understanding.
"""

import jax, jax.numpy as jnp
import numpy as np

B = 16
T = 512
P = 10
F = 6
D_MODEL = 64
TIME_DIM = 64
N_HEADS = 4
D_HEAD = 16
D_INNER = 128
N_OBS = 256
N_NEXT = 256


def _time_enc(idx, gap, dim):
    pos = idx.astype(jnp.float32)[:, None] / jnp.maximum(jnp.asarray(gap, dtype=jnp.float32), 1.0)
    i = jnp.arange(dim // 2, dtype=jnp.float32)[None, :]
    freq = jnp.exp(-(2.0 * i / dim) * np.log(10000.0))
    ang = pos * freq
    return jnp.concatenate([jnp.sin(ang), jnp.cos(ang)], axis=-1)


def setup_inputs(seed: int = 0):
    key = jax.random.key(seed)
    ks = jax.random.split(key, 16)
    s = 0.05
    inp = {}
    inp["input_data"] = jax.random.normal(ks[0], (B, T, P * F), dtype=jnp.float32)
    inp["obs_idx"] = jnp.sort(jax.random.randint(ks[1], (N_OBS,), 0, T, dtype=jnp.int32))
    inp["next_idx"] = jnp.sort(jax.random.randint(ks[2], (N_NEXT,), 0, T, dtype=jnp.int32))
    inp["gap"] = 16
    inp["W_in"] = jax.random.normal(ks[3], (F, D_MODEL), dtype=jnp.float32) * s
    inp["b_in"] = jnp.zeros((D_MODEL,), dtype=jnp.float32)
    inp["W_time"] = jax.random.normal(ks[4], (TIME_DIM, D_MODEL), dtype=jnp.float32) * s
    inp["W_q"] = jax.random.normal(ks[5], (D_MODEL, D_MODEL), dtype=jnp.float32) * s
    inp["W_k"] = jax.random.normal(ks[6], (D_MODEL, D_MODEL), dtype=jnp.float32) * s
    inp["W_v"] = jax.random.normal(ks[7], (D_MODEL, D_MODEL), dtype=jnp.float32) * s
    inp["W_o"] = jax.random.normal(ks[8], (D_MODEL, D_MODEL), dtype=jnp.float32) * s
    inp["W_ff1"] = jax.random.normal(ks[9], (D_MODEL, D_INNER), dtype=jnp.float32) * s
    inp["b_ff1"] = jnp.zeros((D_INNER,), dtype=jnp.float32)
    inp["W_ff2"] = jax.random.normal(ks[10], (D_INNER, D_MODEL), dtype=jnp.float32) * s
    inp["b_ff2"] = jnp.zeros((D_MODEL,), dtype=jnp.float32)
    inp["W_out"] = jax.random.normal(ks[11], (D_MODEL, F), dtype=jnp.float32) * s
    inp["b_out"] = jnp.zeros((F,), dtype=jnp.float32)
    return inp


def reference(input_data, obs_idx, next_idx, gap, W_in, b_in, W_time, W_q, W_k, W_v, W_o, W_ff1, b_ff1, W_ff2, b_ff2, W_out, b_out):
    # Per-player slicing: (B, T, P*F) -> (B*P, T, F), as in NRTSI's per-player loop (vectorized).
    x = input_data.reshape(B, T, P, F).transpose(0, 2, 1, 3).reshape(B * P, T, F)
    # Ragged gather of observed frames (obs_data = p_input[:, obs_list, :]) and imputation targets.
    obs = jnp.take(x, obs_idx, axis=1)
    gt = jnp.take(x, next_idx, axis=1)  # target_data = input_data.clone() in xy_sort branch
    t_obs = _time_enc(obs_idx, gap, TIME_DIM)
    t_next = _time_enc(next_idx, gap, TIME_DIM)
    h_obs = obs @ W_in + b_in + (t_obs @ W_time)[None, :, :]
    q_base = jnp.broadcast_to((t_next @ W_time)[None, :, :], (B * P, N_NEXT, D_MODEL))
    q = q_base @ W_q
    k = h_obs @ W_k
    v = h_obs @ W_v
    qh = q.reshape(B * P, N_NEXT, N_HEADS, D_HEAD).transpose(0, 2, 1, 3)
    kh = k.reshape(B * P, N_OBS, N_HEADS, D_HEAD).transpose(0, 2, 1, 3)
    vh = v.reshape(B * P, N_OBS, N_HEADS, D_HEAD).transpose(0, 2, 1, 3)
    logits = jnp.einsum("bhqd,bhkd->bhqk", qh, kh) / float(np.sqrt(D_HEAD))
    attn = jax.nn.softmax(logits, axis=-1)
    ctx = jnp.einsum("bhqk,bhkd->bhqd", attn, vh).transpose(0, 2, 1, 3).reshape(B * P, N_NEXT, D_MODEL)
    h = q_base + ctx @ W_o
    h = h + jax.nn.relu(h @ W_ff1 + b_ff1) @ W_ff2 + b_ff2
    imput = h @ W_out + b_out
    out = imput.reshape(B, P, N_NEXT, F).transpose(0, 2, 1, 3).reshape(B, N_NEXT, P * F)
    loss = jnp.mean(jnp.abs(imput - gt))  # loss += mean(|imputations - gt_data|)
    return (out, loss)

if __name__ == "__main__":
    import jax
    _d = setup_inputs()
    print(jax.jit(kernel)(*tuple(_d.values())))

</pallas_src>

<mosaic_0001>
#map = affine_map<(d0, d1) -> (0, 0)>
#map1 = affine_map<(d0, d1) -> (0)>
module attributes {stable_mosaic.version = 14 : i64} {
  func.func @k(%arg0: i32, %arg1: i32, %arg2: memref<16x30720xf32, #tpu.memory_space<hbm>>, %arg3: memref<256xi32, #tpu.memory_space<hbm>>, %arg4: memref<256xi32, #tpu.memory_space<hbm>>, %arg5: memref<245760xf32, #tpu.memory_space<hbm>>, %arg6: memref<245760xf32, #tpu.memory_space<hbm>>, %arg7: memref<30720xf32, #tpu.memory_space<vmem>>, %arg8: memref<128xi32, #tpu.memory_space<vmem>>, %arg9: memref<128xi32, #tpu.memory_space<vmem>>, %arg10: memref<7680xf32, #tpu.memory_space<vmem>>, %arg11: memref<!tpu.dma_semaphore, #tpu.memory_space<semaphore_mem>>) attributes {dimension_semantics = [#tpu.dimension_semantics<core_parallel>, #tpu.dimension_semantics<subcore_parallel>], iteration_bounds = array<i64: 2, 16>, scalar_prefetch = 0 : i64, scratch_operands = 5 : i64, tpu.core_type = #tpu.core_type<sc_vector_subcore>, window_params = [{transform_indices = #map}, {transform_indices = #map1}, {transform_indices = #map1}, {transform_indices = #map1}, {transform_indices = #map1}]} {
    %mul3A = arith.constant 2 : i32
    %mul3A_0 = arith.muli %arg1, %mul3A : i32
    %add3A = arith.addi %mul3A_0, %arg0 : i32
    %jit3A = arith.constant 2 : i32
    %div3A = arith.divsi %add3A, %jit3A : i32
    %sign3A = arith.constant 0 : i32
    %sign3A_1 = arith.cmpi sgt, %add3A, %sign3A : i32
    %sign3A_2 = arith.extui %sign3A_1 : i1 to i32
    %sign3A_3 = arith.constant 0 : i32
    %sign3A_4 = arith.cmpi slt, %add3A, %sign3A_3 : i32
    %sign3A_5 = arith.extui %sign3A_4 : i1 to i32
    %sign3A_6 = arith.subi %sign3A_2, %sign3A_5 : i32
    %sign3A_7 = arith.constant 0 : i32
    %sign3A_8 = arith.cmpi sgt, %jit3A, %sign3A_7 : i32
    %sign3A_9 = arith.extui %sign3A_8 : i1 to i32
    %sign3A_10 = arith.constant 0 : i32
    %sign3A_11 = arith.cmpi slt, %jit3A, %sign3A_10 : i32
    %sign3A_12 = arith.extui %sign3A_11 : i1 to i32
    %sign3A_13 = arith.subi %sign3A_9, %sign3A_12 : i32
    %ne3A = arith.cmpi ne, %sign3A_6, %sign3A_13 : i32
    %rem3A = arith.remsi %add3A, %jit3A : i32
    %ne3A_14 = arith.constant 0 : i32
    %ne3A_15 = arith.cmpi ne, %rem3A, %ne3A_14 : i32
    %and3A = arith.andi %ne3A, %ne3A_15 : i1
    %sub3A = arith.constant 1 : i32
    %sub3A_16 = arith.subi %div3A, %sub3A : i32
    %select_n3A = arith.select %and3A, %sub3A_16, %div3A : i32
    %jit3A_17 = arith.constant 2 : i32
    %eq3A = arith.constant 0 : i32
    %eq3A_18 = arith.cmpi eq, %jit3A_17, %eq3A : i32
    %jit3A_19 = arith.constant 1 : i32
    %select_n3A_20 = arith.select %eq3A_18, %jit3A_19, %jit3A_17 : i32
    %rem3A_21 = arith.remsi %add3A, %select_n3A_20 : i32
    %ne3A_22 = arith.constant 0 : i32
    %ne3A_23 = arith.cmpi ne, %rem3A_21, %ne3A_22 : i32
    %lt3A = arith.constant 0 : i32
    %lt3A_24 = arith.cmpi slt, %rem3A_21, %lt3A : i32
    %lt3A_25 = arith.constant 0 : i32
    %lt3A_26 = arith.cmpi slt, %select_n3A_20, %lt3A_25 : i32
    %ne3A_27 = arith.xori %lt3A_24, %lt3A_26 : i1
    %and3A_28 = arith.andi %ne3A_27, %ne3A_23 : i1
    %add3A_29 = arith.addi %rem3A_21, %select_n3A_20 : i32
    %select_n3A_30 = arith.select %and3A_28, %add3A_29, %rem3A_21 : i32
    %mul3A_31 = arith.constant 128 : i32
    %mul3A_32 = arith.muli %select_n3A_30, %mul3A_31 : i32
    %multiple_of3A = tpu.assume_multiple %mul3A_32, 128 : i32
    %mul3A_33 = arith.constant 7680 : i32
    %mul3A_34 = arith.muli %add3A, %mul3A_33 : i32
    %multiple_of3A_35 = tpu.assume_multiple %mul3A_34, 7680 : i32
    "tpu.region"() ({
      %run_scoped3A = tpu.sem_alloc : memref<!tpu.dma_semaphore, #tpu.memory_space<semaphore_mem>>
      %dma_start3A = arith.constant 0 : i32
      %dma_start3A_41 = tpu.memref_slice %arg2[%select_n3A, %dma_start3A] : memref<16x30720xf32, #tpu.memory_space<hbm>> -> memref<1x30720xf32, #tpu.memory_space<hbm>>
      %dma_start3A_42 = tpu.memref_squeeze %dma_start3A_41 : memref<1x30720xf32, #tpu.memory_space<hbm>> -> memref<30720xf32, #tpu.memory_space<hbm>>
      %dma_start3A_43 = arith.constant 0 : i32
      %dma_start3A_44 = tpu.memref_slice %arg2[%select_n3A, %dma_start3A_43] : memref<16x30720xf32, #tpu.memory_space<hbm>> -> memref<1x30720xf32, #tpu.memory_space<hbm>>
      %dma_start3A_45 = tpu.memref_squeeze %dma_start3A_44 : memref<1x30720xf32, #tpu.memory_space<hbm>> -> memref<30720xf32, #tpu.memory_space<hbm>>
      tpu.enqueue_dma source(%dma_start3A_45 : memref<30720xf32, #tpu.memory_space<hbm>>) target(%arg7 : memref<30720xf32, #tpu.memory_space<vmem>>) target_semaphore(%run_scoped3A : memref<!tpu.dma_semaphore, #tpu.memory_space<semaphore_mem>>)
      %dma_wait3A = arith.constant 0 : i32
      %dma_wait3A_46 = tpu.memref_slice %arg2[%select_n3A, %dma_wait3A] : memref<16x30720xf32, #tpu.memory_space<hbm>> -> memref<1x30720xf32, #tpu.memory_space<hbm>>
      %dma_wait3A_47 = tpu.memref_squeeze %dma_wait3A_46 : memref<1x30720xf32, #tpu.memory_space<hbm>> -> memref<30720xf32, #tpu.memory_space<hbm>>
      %dma_wait3A_48 = arith.constant 0 : i32
      %dma_wait3A_49 = tpu.memref_slice %arg2[%select_n3A, %dma_wait3A_48] : memref<16x30720xf32, #tpu.memory_space<hbm>> -> memref<1x30720xf32, #tpu.memory_space<hbm>>
      %dma_wait3A_50 = tpu.memref_squeeze %dma_wait3A_49 : memref<1x30720xf32, #tpu.memory_space<hbm>> -> memref<30720xf32, #tpu.memory_space<hbm>>
      tpu.wait_dma2 semaphore(%run_scoped3A : memref<!tpu.dma_semaphore, #tpu.memory_space<semaphore_mem>>) src(%dma_wait3A_50 : memref<30720xf32, #tpu.memory_space<hbm>>) dst(%arg7 : memref<30720xf32, #tpu.memory_space<vmem>>)
      tpu.yield
    }) : () -> ()
    "tpu.region"() ({
      %run_scoped3A = tpu.sem_alloc : memref<!tpu.dma_semaphore, #tpu.memory_space<semaphore_mem>>
      %dma_start3A = tpu.memref_slice %arg3[%multiple_of3A] : memref<256xi32, #tpu.memory_space<hbm>> -> memref<128xi32, #tpu.memory_space<hbm>>
      %dma_start3A_41 = tpu.memref_slice %arg3[%multiple_of3A] : memref<256xi32, #tpu.memory_space<hbm>> -> memref<128xi32, #tpu.memory_space<hbm>>
      tpu.enqueue_dma source(%dma_start3A_41 : memref<128xi32, #tpu.memory_space<hbm>>) target(%arg8 : memref<128xi32, #tpu.memory_space<vmem>>) target_semaphore(%run_scoped3A : memref<!tpu.dma_semaphore, #tpu.memory_space<semaphore_mem>>)
      %dma_wait3A = tpu.memref_slice %arg3[%multiple_of3A] : memref<256xi32, #tpu.memory_space<hbm>> -> memref<128xi32, #tpu.memory_space<hbm>>
      %dma_wait3A_42 = tpu.memref_slice %arg3[%multiple_of3A] : memref<256xi32, #tpu.memory_space<hbm>> -> memref<128xi32, #tpu.memory_space<hbm>>
      tpu.wait_dma2 semaphore(%run_scoped3A : memref<!tpu.dma_semaphore, #tpu.memory_space<semaphore_mem>>) src(%dma_wait3A_42 : memref<128xi32, #tpu.memory_space<hbm>>) dst(%arg8 : memref<128xi32, #tpu.memory_space<vmem>>)
      tpu.yield
    }) : () -> ()
    "tpu.region"() ({
      %run_scoped3A = tpu.sem_alloc : memref<!tpu.dma_semaphore, #tpu.memory_space<semaphore_mem>>
      %dma_start3A = tpu.memref_slice %arg4[%multiple_of3A] : memref<256xi32, #tpu.memory_space<hbm>> -> memref<128xi32, #tpu.memory_space<hbm>>
      %dma_start3A_41 = tpu.memref_slice %arg4[%multiple_of3A] : memref<256xi32, #tpu.memory_space<hbm>> -> memref<128xi32, #tpu.memory_space<hbm>>
      tpu.enqueue_dma source(%dma_start3A_41 : memref<128xi32, #tpu.memory_space<hbm>>) target(%arg9 : memref<128xi32, #tpu.memory_space<vmem>>) target_semaphore(%run_scoped3A : memref<!tpu.dma_semaphore, #tpu.memory_space<semaphore_mem>>)
      %dma_wait3A = tpu.memref_slice %arg4[%multiple_of3A] : memref<256xi32, #tpu.memory_space<hbm>> -> memref<128xi32, #tpu.memory_space<hbm>>
      %dma_wait3A_42 = tpu.memref_slice %arg4[%multiple_of3A] : memref<256xi32, #tpu.memory_space<hbm>> -> memref<128xi32, #tpu.memory_space<hbm>>
      tpu.wait_dma2 semaphore(%run_scoped3A : memref<!tpu.dma_semaphore, #tpu.memory_space<semaphore_mem>>) src(%dma_wait3A_42 : memref<128xi32, #tpu.memory_space<hbm>>) dst(%arg9 : memref<128xi32, #tpu.memory_space<vmem>>)
      tpu.yield
    }) : () -> ()
    %iota3A = tpu.iota {dimensions = array<i32: 0>} : vector<16xi32>
    %parallel_loop3A = arith.constant 0 : i32
    %parallel_loop3A_36 = arith.constant 480 : i32
    %parallel_loop3A_37 = arith.constant 1 : i32
    scf.for %parallel_loop3A_41 = %parallel_loop3A to %parallel_loop3A_36 step %parallel_loop3A_37  : i32 {
      %parallel_loop3A_42 = arith.constant 16 : i32
      %parallel_loop3A_43 = arith.muli %parallel_loop3A_41, %parallel_loop3A_42 : i32
      %parallel_loop3A_44 = vector.broadcast %parallel_loop3A_43 : i32 to vector<16xi32>
      %parallel_loop3A_45 = arith.addi %parallel_loop3A_44, %iota3A : vector<16xi32>
      %parallel_loop3A_46 = arith.constant 34953 : i32
      %parallel_loop3A_47 = vector.broadcast %parallel_loop3A_46 : i32 to vector<16xi32>
      %parallel_loop3A_48 = arith.muli %parallel_loop3A_45, %parallel_loop3A_47 : vector<16xi32>
      %parallel_loop3A_49 = arith.constant 21 : i32
      %parallel_loop3A_50 = vector.broadcast %parallel_loop3A_49 : i32 to vector<16xi32>
      %parallel_loop3A_51 = arith.shrui %parallel_loop3A_48, %parallel_loop3A_50 : vector<16xi32>
      %parallel_loop3A_52 = arith.constant 60 : i32
      %parallel_loop3A_53 = vector.broadcast %parallel_loop3A_52 : i32 to vector<16xi32>
      %parallel_loop3A_54 = arith.muli %parallel_loop3A_51, %parallel_loop3A_53 : vector<16xi32>
      %parallel_loop3A_55 = arith.subi %parallel_loop3A_45, %parallel_loop3A_54 : vector<16xi32>
      %parallel_loop3A_56 = tpu.vector_load_idx %arg8[%parallel_loop3A_51] : memref<128xi32, #tpu.memory_space<vmem>>[vector<16xi32>], vector<16xi32>,
      %parallel_loop3A_57 = arith.constant 60 : i32
      %parallel_loop3A_58 = vector.broadcast %parallel_loop3A_57 : i32 to vector<16xi32>
      %parallel_loop3A_59 = arith.muli %parallel_loop3A_56, %parallel_loop3A_58 : vector<16xi32>
      %parallel_loop3A_60 = arith.addi %parallel_loop3A_59, %parallel_loop3A_55 : vector<16xi32>
      %parallel_loop3A_61 = tpu.vector_load_idx %arg7[%parallel_loop3A_60] : memref<30720xf32, #tpu.memory_space<vmem>>[vector<16xi32>], vector<16xf32>,
      %parallel_loop3A_62 = arith.constant 16 : i32
      %parallel_loop3A_63 = arith.muli %parallel_loop3A_41, %parallel_loop3A_62 : i32
      %parallel_loop3A_64 = tpu.assume_multiple %parallel_loop3A_63, 16 : i32
      %parallel_loop3A_65 = arith.index_cast %parallel_loop3A_64 : i32 to index
      %parallel_loop3A_66 = tpu.vector_load %arg10[%parallel_loop3A_65] {strides = array<i32>} : memref<7680xf32, #tpu.memory_space<vmem>>, vector<16xf32>,
      tpu.vector_store %arg10[%parallel_loop3A_65], %parallel_loop3A_61 {strides = array<i32>} : memref<7680xf32, #tpu.memory_space<vmem>>, vector<16xf32>,
    } {sc.loop_unroll_factor = 8 : i64, sc.parallel_access}
    "tpu.region"() ({
      %run_scoped3A = tpu.sem_alloc : memref<!tpu.dma_semaphore, #tpu.memory_space<semaphore_mem>>
      %dma_start3A = tpu.memref_slice %arg5[%multiple_of3A_35] : memref<245760xf32, #tpu.memory_space<hbm>> -> memref<7680xf32, #tpu.memory_space<hbm>>
      %dma_start3A_41 = tpu.memref_slice %arg5[%multiple_of3A_35] : memref<245760xf32, #tpu.memory_space<hbm>> -> memref<7680xf32, #tpu.memory_space<hbm>>
      tpu.enqueue_dma source(%arg10 : memref<7680xf32, #tpu.memory_space<vmem>>) target(%dma_start3A_41 : memref<7680xf32, #tpu.memory_space<hbm>>) target_semaphore(%run_scoped3A : memref<!tpu.dma_semaphore, #tpu.memory_space<semaphore_mem>>)
      %dma_wait3A = tpu.memref_slice %arg5[%multiple_of3A_35] : memref<245760xf32, #tpu.memory_space<hbm>> -> memref<7680xf32, #tpu.memory_space<hbm>>
      %dma_wait3A_42 = tpu.memref_slice %arg5[%multiple_of3A_35] : memref<245760xf32, #tpu.memory_space<hbm>> -> memref<7680xf32, #tpu.memory_space<hbm>>
      tpu.wait_dma2 semaphore(%run_scoped3A : memref<!tpu.dma_semaphore, #tpu.memory_space<semaphore_mem>>) src(%arg10 : memref<7680xf32, #tpu.memory_space<vmem>>) dst(%dma_wait3A_42 : memref<7680xf32, #tpu.memory_space<hbm>>)
      tpu.yield
    }) : () -> ()
    %parallel_loop3A_38 = arith.constant 0 : i32
    %parallel_loop3A_39 = arith.constant 480 : i32
    %parallel_loop3A_40 = arith.constant 1 : i32
    scf.for %parallel_loop3A_41 = %parallel_loop3A_38 to %parallel_loop3A_39 step %parallel_loop3A_40  : i32 {
      %parallel_loop3A_42 = arith.constant 16 : i32
      %parallel_loop3A_43 = arith.muli %parallel_loop3A_41, %parallel_loop3A_42 : i32
      %parallel_loop3A_44 = vector.broadcast %parallel_loop3A_43 : i32 to vector<16xi32>
      %parallel_loop3A_45 = arith.addi %parallel_loop3A_44, %iota3A : vector<16xi32>
      %parallel_loop3A_46 = arith.constant 34953 : i32
      %parallel_loop3A_47 = vector.broadcast %parallel_loop3A_46 : i32 to vector<16xi32>
      %parallel_loop3A_48 = arith.muli %parallel_loop3A_45, %parallel_loop3A_47 : vector<16xi32>
      %parallel_loop3A_49 = arith.constant 21 : i32
      %parallel_loop3A_50 = vector.broadcast %parallel_loop3A_49 : i32 to vector<16xi32>
      %parallel_loop3A_51 = arith.shrui %parallel_loop3A_48, %parallel_loop3A_50 : vector<16xi32>
      %parallel_loop3A_52 = arith.constant 60 : i32
      %parallel_loop3A_53 = vector.broadcast %parallel_loop3A_52 : i32 to vector<16xi32>
      %parallel_loop3A_54 = arith.muli %parallel_loop3A_51, %parallel_loop3A_53 : vector<16xi32>
      %parallel_loop3A_55 = arith.subi %parallel_loop3A_45, %parallel_loop3A_54 : vector<16xi32>
      %parallel_loop3A_56 = tpu.vector_load_idx %arg9[%parallel_loop3A_51] : memref<128xi32, #tpu.memory_space<vmem>>[vector<16xi32>], vector<16xi32>,
      %parallel_loop3A_57 = arith.constant 60 : i32
      %parallel_loop3A_58 = vector.broadcast %parallel_loop3A_57 : i32 to vector<16xi32>
      %parallel_loop3A_59 = arith.muli %parallel_loop3A_56, %parallel_loop3A_58 : vector<16xi32>
      %parallel_loop3A_60 = arith.addi %parallel_loop3A_59, %parallel_loop3A_55 : vector<16xi32>
      %parallel_loop3A_61 = tpu.vector_load_idx %arg7[%parallel_loop3A_60] : memref<30720xf32, #tpu.memory_space<vmem>>[vector<16xi32>], vector<16xf32>,
      %parallel_loop3A_62 = arith.constant 16 : i32
      %parallel_loop3A_63 = arith.muli %parallel_loop3A_41, %parallel_loop3A_62 : i32
      %parallel_loop3A_64 = tpu.assume_multiple %parallel_loop3A_63, 16 : i32
      %parallel_loop3A_65 = arith.index_cast %parallel_loop3A_64 : i32 to index
      %parallel_loop3A_66 = tpu.vector_load %arg10[%parallel_loop3A_65] {strides = array<i32>} : memref<7680xf32, #tpu.memory_space<vmem>>, vector<16xf32>,
      tpu.vector_store %arg10[%parallel_loop3A_65], %parallel_loop3A_61 {strides = array<i32>} : memref<7680xf32, #tpu.memory_space<vmem>>, vector<16xf32>,
    } {sc.loop_unroll_factor = 8 : i64, sc.parallel_access}
    "tpu.region"() ({
      %run_scoped3A = tpu.sem_alloc : memref<!tpu.dma_semaphore, #tpu.memory_space<semaphore_mem>>
      %dma_start3A = tpu.memref_slice %arg6[%multiple_of3A_35] : memref<245760xf32, #tpu.memory_space<hbm>> -> memref<7680xf32, #tpu.memory_space<hbm>>
      %dma_start3A_41 = tpu.memref_slice %arg6[%multiple_of3A_35] : memref<245760xf32, #tpu.memory_space<hbm>> -> memref<7680xf32, #tpu.memory_space<hbm>>
      tpu.enqueue_dma source(%arg10 : memref<7680xf32, #tpu.memory_space<vmem>>) target(%dma_start3A_41 : memref<7680xf32, #tpu.memory_space<hbm>>) target_semaphore(%run_scoped3A : memref<!tpu.dma_semaphore, #tpu.memory_space<semaphore_mem>>)
      %dma_wait3A = tpu.memref_slice %arg6[%multiple_of3A_35] : memref<245760xf32, #tpu.memory_space<hbm>> -> memref<7680xf32, #tpu.memory_space<hbm>>
      %dma_wait3A_42 = tpu.memref_slice %arg6[%multiple_of3A_35] : memref<245760xf32, #tpu.memory_space<hbm>> -> memref<7680xf32, #tpu.memory_space<hbm>>
      tpu.wait_dma2 semaphore(%run_scoped3A : memref<!tpu.dma_semaphore, #tpu.memory_space<semaphore_mem>>) src(%arg10 : memref<7680xf32, #tpu.memory_space<vmem>>) dst(%dma_wait3A_42 : memref<7680xf32, #tpu.memory_space<hbm>>)
      tpu.yield
    }) : () -> ()
    return
  }
}

module attributes {stable_mosaic.version = 14 : i64} {
  func.func @_pre_body(%arg0: memref<256x1xi32, #tpu.memory_space<vmem>>, %arg1: memref<256x1xi32, #tpu.memory_space<vmem>>, %arg2: memref<1x1xi32, #tpu.memory_space<vmem>>, %arg3: memref<6x64xf32, #tpu.memory_space<vmem>>, %arg4: memref<64x64xf32, #tpu.memory_space<vmem>>, %arg5: memref<64x64xf32, #tpu.memory_space<vmem>>, %arg6: memref<64x64xf32, #tpu.memory_space<vmem>>, %arg7: memref<64x64xf32, #tpu.memory_space<vmem>>, %arg8: memref<64x64xf32, #tpu.memory_space<vmem>>, %arg9: memref<64x128xf32, #tpu.memory_space<vmem>>, %arg10: memref<128x64xf32, #tpu.memory_space<vmem>>, %arg11: memref<64x6xf32, #tpu.memory_space<vmem>>, %arg12: memref<1x64xf32, #tpu.memory_space<vmem>>, %arg13: memref<1x6xf32, #tpu.memory_space<vmem>>, %arg14: memref<256x640xf32, #tpu.memory_space<vmem>>, %arg15: memref<256x64xf32, #tpu.memory_space<vmem>>, %arg16: memref<256x64xbf16, #tpu.memory_space<vmem>>, %arg17: memref<64x128xbf16, #tpu.memory_space<vmem>>, %arg18: memref<60x640xbf16, #tpu.memory_space<vmem>>, %arg19: memref<64x64xbf16, #tpu.memory_space<vmem>>, %arg20: memref<64x128xbf16, #tpu.memory_space<vmem>>, %arg21: memref<128x64xbf16, #tpu.memory_space<vmem>>, %arg22: memref<640x60xbf16, #tpu.memory_space<vmem>>, %arg23: memref<1x60xf32, #tpu.memory_space<vmem>>) attributes {dimension_semantics = [], scalar_prefetch = 0 : i64, scratch_operands = 0 : i64, tpu.core_type = #tpu.core_type<tc>} {
    %get3A = arith.constant 0 : index
    %get3A_0 = arith.constant 0 : index
    %get3A_1 = vector.load %arg2[%get3A, %get3A_0] : memref<1x1xi32, #tpu.memory_space<vmem>>, vector<1x1xi32>
    %get3A_2 = vector.extract %get3A_1[0, 0] : i32 from vector<1x1xi32>
    %convert_element_type3A = arith.sitofp %get3A_2 : i32 to f32
    %max3A = arith.constant 1.000000e+00 : f32
    %max3A_3 = arith.maximumf %convert_element_type3A, %max3A : f32
    %div3A = arith.constant 1.000000e+00 : f32
    %div3A_4 = arith.divf %div3A, %max3A_3 : f32
    %iota3A = tpu.iota {dimensions = array<i32: 1>} : vector<256x32xi32>
    %convert_element_type3A_5 = arith.sitofp %iota3A : vector<256x32xi32> to vector<256x32xf32>
    %mul3A = arith.constant -0.287823141 : f32
    %mul3A_6 = vector.broadcast %mul3A : f32 to vector<256x32xf32>
    %mul3A_7 = arith.mulf %convert_element_type3A_5, %mul3A_6 : vector<256x32xf32>
    %exp3A = math.exp %mul3A_7 : vector<256x32xf32>
    %get3A_8 = arith.constant 0 : index
    %get3A_9 = arith.constant 0 : index
    %get3A_10 = vector.load %arg4[%get3A_8, %get3A_9] : memref<64x64xf32, #tpu.memory_space<vmem>>, vector<64x64xf32>
    %get3A_11 = arith.constant 0 : index
    %get3A_12 = arith.constant 0 : index
    %get3A_13 = vector.load %arg0[%get3A_11, %get3A_12] : memref<256x1xi32, #tpu.memory_space<vmem>>, vector<256x1xi32>
    %convert_element_type3A_14 = arith.sitofp %get3A_13 : vector<256x1xi32> to vector<256x1xf32>
    %mul3A_15 = vector.broadcast %div3A_4 : f32 to vector<256x1xf32>
    %mul3A_16 = arith.mulf %convert_element_type3A_14, %mul3A_15 : vector<256x1xf32>
    %mul3A_17 = vector.broadcast %mul3A_16 : vector<256x1xf32> to vector<256x32xf32>
    %mul3A_18 = arith.mulf %mul3A_17, %exp3A : vector<256x32xf32>
    %sin3A = math.sin %mul3A_18 : vector<256x32xf32>
    %cos3A = math.cos %mul3A_18 : vector<256x32xf32>
    %concatenate3A = tpu.concatenate %sin3A, %cos3A in 1 : vector<256x32xf32>, vector<256x32xf32> -> vector<256x64xf32>
    %get3A_19 = arith.constant 0 : index
    %get3A_20 = arith.constant 0 : index
    %get3A_21 = vector.load %arg1[%get3A_19, %get3A_20] : memref<256x1xi32, #tpu.memory_space<vmem>>, vector<256x1xi32>
    %convert_element_type3A_22 = arith.sitofp %get3A_21 : vector<256x1xi32> to vector<256x1xf32>
    %mul3A_23 = vector.broadcast %div3A_4 : f32 to vector<256x1xf32>
    %mul3A_24 = arith.mulf %convert_element_type3A_22, %mul3A_23 : vector<256x1xf32>
    %mul3A_25 = vector.broadcast %mul3A_24 : vector<256x1xf32> to vector<256x32xf32>
    %mul3A_26 = arith.mulf %mul3A_25, %exp3A : vector<256x32xf32>
    %sin3A_27 = math.sin %mul3A_26 : vector<256x32xf32>
    %cos3A_28 = math.cos %mul3A_26 : vector<256x32xf32>
    %concatenate3A_29 = tpu.concatenate %sin3A_27, %cos3A_28 in 1 : vector<256x32xf32>, vector<256x32xf32> -> vector<256x64xf32>
    %dot_general3A = arith.constant dense<0.000000e+00> : vector<256x64xf32>
    %dot_general3A_30 = tpu.matmul %concatenate3A, %get3A_10, %dot_general3A {dimension_numbers = #tpu.dot_dimension_numbers<[1], [0], [0], [1], [0, 0, 1, 1], [], []>, transpose_lhs_hint = false} : vector<256x64xf32>, vector<64x64xf32>, vector<256x64xf32> -> vector<256x64xf32>
    %get3A_31 = arith.constant 0 : index
    %get3A_32 = arith.constant 0 : index
    %get3A_33 = vector.load %arg12[%get3A_31, %get3A_32] : memref<1x64xf32, #tpu.memory_space<vmem>>, vector<1x64xf32>
    %add3A = vector.broadcast %get3A_33 : vector<1x64xf32> to vector<256x64xf32>
    %add3A_34 = arith.addf %dot_general3A_30, %add3A : vector<256x64xf32>
    %concatenate3A_35 = tpu.concatenate %add3A_34, %add3A_34, %add3A_34, %add3A_34, %add3A_34, %add3A_34, %add3A_34, %add3A_34, %add3A_34, %add3A_34 in 1 : vector<256x64xf32>, vector<256x64xf32>, vector<256x64xf32>, vector<256x64xf32>, vector<256x64xf32>, vector<256x64xf32>, vector<256x64xf32>, vector<256x64xf32>, vector<256x64xf32>, vector<256x64xf32> -> vector<256x640xf32>
    %swap3A = arith.constant 0 : index
    %swap3A_36 = arith.constant 0 : index
    %swap3A_37 = vector.load %arg14[%swap3A, %swap3A_36] : memref<256x640xf32, #tpu.memory_space<vmem>>, vector<256x640xf32>
    tpu.vector_store %arg14[%swap3A, %swap3A_36], %concatenate3A_35 {strides = array<i32>} : memref<256x640xf32, #tpu.memory_space<vmem>>, vector<256x640xf32>,
    %dot_general3A_38 = arith.constant dense<0.000000e+00> : vector<256x64xf32>
    %dot_general3A_39 = tpu.matmul %concatenate3A_29, %get3A_10, %dot_general3A_38 {dimension_numbers = #tpu.dot_dimension_numbers<[1], [0], [0], [1], [0, 0, 1, 1], [], []>, transpose_lhs_hint = false} : vector<256x64xf32>, vector<64x64xf32>, vector<256x64xf32> -> vector<256x64xf32>
    %swap3A_40 = arith.constant 0 : index
    %swap3A_41 = arith.constant 0 : index
    %swap3A_42 = vector.load %arg15[%swap3A_40, %swap3A_41] : memref<256x64xf32, #tpu.memory_space<vmem>>, vector<256x64xf32>
    tpu.vector_store %arg15[%swap3A_40, %swap3A_41], %dot_general3A_39 {strides = array<i32>} : memref<256x64xf32, #tpu.memory_space<vmem>>, vector<256x64xf32>,
    %get3A_43 = arith.constant 0 : index
    %get3A_44 = arith.constant 0 : index
    %get3A_45 = vector.load %arg5[%get3A_43, %get3A_44] : memref<64x64xf32, #tpu.memory_space<vmem>>, vector<64x64xf32>
    %dot_general3A_46 = arith.constant dense<0.000000e+00> : vector<256x64xf32>
    %dot_general3A_47 = tpu.matmul %dot_general3A_39, %get3A_45, %dot_general3A_46 {dimension_numbers = #tpu.dot_dimension_numbers<[1], [0], [0], [1], [0, 0, 1, 1], [], []>, transpose_lhs_hint = false} : vector<256x64xf32>, vector<64x64xf32>, vector<256x64xf32> -> vector<256x64xf32>
    %mul3A_48 = arith.constant 0.360673755 : f32
    %mul3A_49 = vector.broadcast %mul3A_48 : f32 to vector<256x64xf32>
    %mul3A_50 = arith.mulf %dot_general3A_47, %mul3A_49 : vector<256x64xf32>
    %convert_element_type3A_51 = arith.truncf %mul3A_50 : vector<256x64xf32> to vector<256x64xbf16>
    %swap3A_52 = arith.constant 0 : index
    %swap3A_53 = arith.constant 0 : index
    %swap3A_54 = vector.load %arg16[%swap3A_52, %swap3A_53] : memref<256x64xbf16, #tpu.memory_space<vmem>>, vector<256x64xbf16>
    tpu.vector_store %arg16[%swap3A_52, %swap3A_53], %convert_element_type3A_51 {strides = array<i32>} : memref<256x64xbf16, #tpu.memory_space<vmem>>, vector<256x64xbf16>,
    %get3A_55 = arith.constant 0 : index
    %get3A_56 = arith.constant 0 : index
    %get3A_57 = vector.load %arg6[%get3A_55, %get3A_56] : memref<64x64xf32, #tpu.memory_space<vmem>>, vector<64x64xf32>
    %get3A_58 = arith.constant 0 : index
    %get3A_59 = arith.constant 0 : index
    %get3A_60 = vector.load %arg7[%get3A_58, %get3A_59] : memref<64x64xf32, #tpu.memory_space<vmem>>, vector<64x64xf32>
    %concatenate3A_61 = tpu.concatenate %get3A_57, %get3A_60 in 1 : vector<64x64xf32>, vector<64x64xf32> -> vector<64x128xf32>
    %convert_element_type3A_62 = arith.truncf %concatenate3A_61 : vector<64x128xf32> to vector<64x128xbf16>
    %swap3A_63 = arith.constant 0 : index
    %swap3A_64 = arith.constant 0 : index
    %swap3A_65 = vector.load %arg17[%swap3A_63, %swap3A_64] : memref<64x128xbf16, #tpu.memory_space<vmem>>, vector<64x128xbf16>
    tpu.vector_store %arg17[%swap3A_63, %swap3A_64], %convert_element_type3A_62 {strides = array<i32>} : memref<64x128xbf16, #tpu.memory_space<vmem>>, vector<64x128xbf16>,
    %get3A_66 = arith.constant 0 : index
    %get3A_67 = arith.constant 0 : index
    %get3A_68 = vector.load %arg3[%get3A_66, %get3A_67] : memref<6x64xf32, #tpu.memory_space<vmem>>, vector<6x64xf32>
    %convert_element_type3A_69 = arith.truncf %get3A_68 : vector<6x64xf32> to vector<6x64xbf16>
    %broadcast_in_dim3A = arith.constant 0.000000e+00 : bf16
    %broadcast_in_dim3A_70 = vector.broadcast %broadcast_in_dim3A : bf16 to vector<6x64xbf16>
    %concatenate3A_71 = tpu.concatenate %convert_element_type3A_69, %broadcast_in_dim3A_70, %broadcast_in_dim3A_70, %broadcast_in_dim3A_70, %broadcast_in_dim3A_70, %broadcast_in_dim3A_70, %broadcast_in_dim3A_70, %broadcast_in_dim3A_70, %broadcast_in_dim3A_70, %broadcast_in_dim3A_70 in 1 : vector<6x64xbf16>, vector<6x64xbf16>, vector<6x64xbf16>, vector<6x64xbf16>, vector<6x64xbf16>, vector<6x64xbf16>, vector<6x64xbf16>, vector<6x64xbf16>, vector<6x64xbf16>, vector<6x64xbf16> -> vector<6x640xbf16>
    %concatenate3A_72 = tpu.concatenate %broadcast_in_dim3A_70, %convert_element_type3A_69, %broadcast_in_dim3A_70, %broadcast_in_dim3A_70, %broadcast_in_dim3A_70, %broadcast_in_dim3A_70, %broadcast_in_dim3A_70, %broadcast_in_dim3A_70, %broadcast_in_dim3A_70, %broadcast_in_dim3A_70 in 1 : vector<6x64xbf16>, vector<6x64xbf16>, vector<6x64xbf16>, vector<6x64xbf16>, vector<6x64xbf16>, vector<6x64xbf16>, vector<6x64xbf16>, vector<6x64xbf16>, vector<6x64xbf16>, vector<6x64xbf16> -> vector<6x640xbf16>
    %concatenate3A_73 = tpu.concatenate %broadcast_in_dim3A_70, %broadcast_in_dim3A_70, %convert_element_type3A_69, %broadcast_in_dim3A_70, %broadcast_in_dim3A_70, %broadcast_in_dim3A_70, %broadcast_in_dim3A_70, %broadcast_in_dim3A_70, %broadcast_in_dim3A_70, %broadcast_in_dim3A_70 in 1 : vector<6x64xbf16>, vector<6x64xbf16>, vector<6x64xbf16>, vector<6x64xbf16>, vector<6x64xbf16>, vector<6x64xbf16>, vector<6x64xbf16>, vector<6x64xbf16>, vector<6x64xbf16>, vector<6x64xbf16> -> vector<6x640xbf16>
    %concatenate3A_74 = tpu.concatenate %broadcast_in_dim3A_70, %broadcast_in_dim3A_70, %broadcast_in_dim3A_70, %convert_element_type3A_69, %broadcast_in_dim3A_70, %broadcast_in_dim3A_70, %broadcast_in_dim3A_70, %broadcast_in_dim3A_70, %broadcast_in_dim3A_70, %broadcast_in_dim3A_70 in 1 : vector<6x64xbf16>, vector<6x64xbf16>, vector<6x64xbf16>, vector<6x64xbf16>, vector<6x64xbf16>, vector<6x64xbf16>, vector<6x64xbf16>, vector<6x64xbf16>, vector<6x64xbf16>, vector<6x64xbf16> -> vector<6x640xbf16>
    %concatenate3A_75 = tpu.concatenate %broadcast_in_dim3A_70, %broadcast_in_dim3A_70, %broadcast_in_dim3A_70, %broadcast_in_dim3A_70, %convert_element_type3A_69, %broadcast_in_dim3A_70, %broadcast_in_dim3A_70, %broadcast_in_dim3A_70, %broadcast_in_dim3A_70, %broadcast_in_dim3A_70 in 1 : vector<6x64xbf16>, vector<6x64xbf16>, vector<6x64xbf16>, vector<6x64xbf16>, vector<6x64xbf16>, vector<6x64xbf16>, vector<6x64xbf16>, vector<6x64xbf16>, vector<6x64xbf16>, vector<6x64xbf16> -> vector<6x640xbf16>
    %concatenate3A_76 = tpu.concatenate %broadcast_in_dim3A_70, %broadcast_in_dim3A_70, %broadcast_in_dim3A_70, %broadcast_in_dim3A_70, %broadcast_in_dim3A_70, %convert_element_type3A_69, %broadcast_in_dim3A_70, %broadcast_in_dim3A_70, %broadcast_in_dim3A_70, %broadcast_in_dim3A_70 in 1 : vector<6x64xbf16>, vector<6x64xbf16>, vector<6x64xbf16>, vector<6x64xbf16>, vector<6x64xbf16>, vector<6x64xbf16>, vector<6x64xbf16>, vector<6x64xbf16>, vector<6x64xbf16>, vector<6x64xbf16> -> vector<6x640xbf16>
    %concatenate3A_77 = tpu.concatenate %broadcast_in_dim3A_70, %broadcast_in_dim3A_70, %broadcast_in_dim3A_70, %broadcast_in_dim3A_70, %broadcast_in_dim3A_70, %broadcast_in_dim3A_70, %convert_element_type3A_69, %broadcast_in_dim3A_70, %broadcast_in_dim3A_70, %broadcast_in_dim3A_70 in 1 : vector<6x64xbf16>, vector<6x64xbf16>, vector<6x64xbf16>, vector<6x64xbf16>, vector<6x64xbf16>, vector<6x64xbf16>, vector<6x64xbf16>, vector<6x64xbf16>, vector<6x64xbf16>, vector<6x64xbf16> -> vector<6x640xbf16>
    %concatenate3A_78 = tpu.concatenate %broadcast_in_dim3A_70, %broadcast_in_dim3A_70, %broadcast_in_dim3A_70, %broadcast_in_dim3A_70, %broadcast_in_dim3A_70, %broadcast_in_dim3A_70, %broadcast_in_dim3A_70, %convert_element_type3A_69, %broadcast_in_dim3A_70, %broadcast_in_dim3A_70 in 1 : vector<6x64xbf16>, vector<6x64xbf16>, vector<6x64xbf16>, vector<6x64xbf16>, vector<6x64xbf16>, vector<6x64xbf16>, vector<6x64xbf16>, vector<6x64xbf16>, vector<6x64xbf16>, vector<6x64xbf16> -> vector<6x640xbf16>
    %concatenate3A_79 = tpu.concatenate %broadcast_in_dim3A_70, %broadcast_in_dim3A_70, %broadcast_in_dim3A_70, %broadcast_in_dim3A_70, %broadcast_in_dim3A_70, %broadcast_in_dim3A_70, %broadcast_in_dim3A_70, %broadcast_in_dim3A_70, %convert_element_type3A_69, %broadcast_in_dim3A_70 in 1 : vector<6x64xbf16>, vector<6x64xbf16>, vector<6x64xbf16>, vector<6x64xbf16>, vector<6x64xbf16>, vector<6x64xbf16>, vector<6x64xbf16>, vector<6x64xbf16>, vector<6x64xbf16>, vector<6x64xbf16> -> vector<6x640xbf16>
    %concatenate3A_80 = tpu.concatenate %broadcast_in_dim3A_70, %broadcast_in_dim3A_70, %broadcast_in_dim3A_70, %broadcast_in_dim3A_70, %broadcast_in_dim3A_70, %broadcast_in_dim3A_70, %broadcast_in_dim3A_70, %broadcast_in_dim3A_70, %broadcast_in_dim3A_70, %convert_element_type3A_69 in 1 : vector<6x64xbf16>, vector<6x64xbf16>, vector<6x64xbf16>, vector<6x64xbf16>, vector<6x64xbf16>, vector<6x64xbf16>, vector<6x64xbf16>, vector<6x64xbf16>, vector<6x64xbf16>, vector<6x64xbf16> -> vector<6x640xbf16>
    %concatenate3A_81 = tpu.concatenate %concatenate3A_71, %concatenate3A_72, %concatenate3A_73, %concatenate3A_74, %concatenate3A_75, %concatenate3A_76, %concatenate3A_77, %concatenate3A_78, %concatenate3A_79, %concatenate3A_80 in 0 : vector<6x640xbf16>, vector<6x640xbf16>, vector<6x640xbf16>, vector<6x640xbf16>, vector<6x640xbf16>, vector<6x640xbf16>, vector<6x640xbf16>, vector<6x640xbf16>, vector<6x640xbf16>, vector<6x640xbf16> -> vector<60x640xbf16>
    %swap3A_82 = arith.constant 0 : index
    %swap3A_83 = arith.constant 0 : index
    %swap3A_84 = vector.load %arg18[%swap3A_82, %swap3A_83] : memref<60x640xbf16, #tpu.memory_space<vmem>>, vector<60x640xbf16>
    tpu.vector_store %arg18[%swap3A_82, %swap3A_83], %concatenate3A_81 {strides = array<i32>} : memref<60x640xbf16, #tpu.memory_space<vmem>>, vector<60x640xbf16>,
    %get3A_85 = arith.constant 0 : index
    %get3A_86 = arith.constant 0 : index
    %get3A_87 = vector.load %arg11[%get3A_85, %get3A_86] : memref<64x6xf32, #tpu.memory_space<vmem>>, vector<64x6xf32>
    %convert_element_type3A_88 = arith.truncf %get3A_87 : vector<64x6xf32> to vector<64x6xbf16>
    %broadcast_in_dim3A_89 = arith.constant 0.000000e+00 : bf16
    %broadcast_in_dim3A_90 = vector.broadcast %broadcast_in_dim3A_89 : bf16 to vector<64x6xbf16>
    %concatenate3A_91 = tpu.concatenate %convert_element_type3A_88, %broadcast_in_dim3A_90, %broadcast_in_dim3A_90, %broadcast_in_dim3A_90, %broadcast_in_dim3A_90, %broadcast_in_dim3A_90, %broadcast_in_dim3A_90, %broadcast_in_dim3A_90, %broadcast_in_dim3A_90, %broadcast_in_dim3A_90 in 1 : vector<64x6xbf16>, vector<64x6xbf16>, vector<64x6xbf16>, vector<64x6xbf16>, vector<64x6xbf16>, vector<64x6xbf16>, vector<64x6xbf16>, vector<64x6xbf16>, vector<64x6xbf16>, vector<64x6xbf16> -> vector<64x60xbf16>
    %concatenate3A_92 = tpu.concatenate %broadcast_in_dim3A_90, %convert_element_type3A_88, %broadcast_in_dim3A_90, %broadcast_in_dim3A_90, %broadcast_in_dim3A_90, %broadcast_in_dim3A_90, %broadcast_in_dim3A_90, %broadcast_in_dim3A_90, %broadcast_in_dim3A_90, %broadcast_in_dim3A_90 in 1 : vector<64x6xbf16>, vector<64x6xbf16>, vector<64x6xbf16>, vector<64x6xbf16>, vector<64x6xbf16>, vector<64x6xbf16>, vector<64x6xbf16>, vector<64x6xbf16>, vector<64x6xbf16>, vector<64x6xbf16> -> vector<64x60xbf16>
    %concatenate3A_93 = tpu.concatenate %broadcast_in_dim3A_90, %broadcast_in_dim3A_90, %convert_element_type3A_88, %broadcast_in_dim3A_90, %broadcast_in_dim3A_90, %broadcast_in_dim3A_90, %broadcast_in_dim3A_90, %broadcast_in_dim3A_90, %broadcast_in_dim3A_90, %broadcast_in_dim3A_90 in 1 : vector<64x6xbf16>, vector<64x6xbf16>, vector<64x6xbf16>, vector<64x6xbf16>, vector<64x6xbf16>, vector<64x6xbf16>, vector<64x6xbf16>, vector<64x6xbf16>, vector<64x6xbf16>, vector<64x6xbf16> -> vector<64x60xbf16>
    %concatenate3A_94 = tpu.concatenate %broadcast_in_dim3A_90, %broadcast_in_dim3A_90, %broadcast_in_dim3A_90, %convert_element_type3A_88, %broadcast_in_dim3A_90, %broadcast_in_dim3A_90, %broadcast_in_dim3A_90, %broadcast_in_dim3A_90, %broadcast_in_dim3A_90, %broadcast_in_dim3A_90 in 1 : vector<64x6xbf16>, vector<64x6xbf16>, vector<64x6xbf16>, vector<64x6xbf16>, vector<64x6xbf16>, vector<64x6xbf16>, vector<64x6xbf16>, vector<64x6xbf16>, vector<64x6xbf16>, vector<64x6xbf16> -> vector<64x60xbf16>
    %concatenate3A_95 = tpu.concatenate %broadcast_in_dim3A_90, %broadcast_in_dim3A_90, %broadcast_in_dim3A_90, %broadcast_in_dim3A_90, %convert_element_type3A_88, %broadcast_in_dim3A_90, %broadcast_in_dim3A_90, %broadcast_in_dim3A_90, %broadcast_in_dim3A_90, %broadcast_in_dim3A_90 in 1 : vector<64x6xbf16>, vector<64x6xbf16>, vector<64x6xbf16>, vector<64x6xbf16>, vector<64x6xbf16>, vector<64x6xbf16>, vector<64x6xbf16>, vector<64x6xbf16>, vector<64x6xbf16>, vector<64x6xbf16> -> vector<64x60xbf16>
    %concatenate3A_96 = tpu.concatenate %broadcast_in_dim3A_90, %broadcast_in_dim3A_90, %broadcast_in_dim3A_90, %broadcast_in_dim3A_90, %broadcast_in_dim3A_90, %convert_element_type3A_88, %broadcast_in_dim3A_90, %broadcast_in_dim3A_90, %broadcast_in_dim3A_90, %broadcast_in_dim3A_90 in 1 : vector<64x6xbf16>, vector<64x6xbf16>, vector<64x6xbf16>, vector<64x6xbf16>, vector<64x6xbf16>, vector<64x6xbf16>, vector<64x6xbf16>, vector<64x6xbf16>, vector<64x6xbf16>, vector<64x6xbf16> -> vector<64x60xbf16>
    %concatenate3A_97 = tpu.concatenate %broadcast_in_dim3A_90, %broadcast_in_dim3A_90, %broadcast_in_dim3A_90, %broadcast_in_dim3A_90, %broadcast_in_dim3A_90, %broadcast_in_dim3A_90, %convert_element_type3A_88, %broadcast_in_dim3A_90, %broadcast_in_dim3A_90, %broadcast_in_dim3A_90 in 1 : vector<64x6xbf16>, vector<64x6xbf16>, vector<64x6xbf16>, vector<64x6xbf16>, vector<64x6xbf16>, vector<64x6xbf16>, vector<64x6xbf16>, vector<64x6xbf16>, vector<64x6xbf16>, vector<64x6xbf16> -> vector<64x60xbf16>
    %concatenate3A_98 = tpu.concatenate %broadcast_in_dim3A_90, %broadcast_in_dim3A_90, %broadcast_in_dim3A_90, %broadcast_in_dim3A_90, %broadcast_in_dim3A_90, %broadcast_in_dim3A_90, %broadcast_in_dim3A_90, %convert_element_type3A_88, %broadcast_in_dim3A_90, %broadcast_in_dim3A_90 in 1 : vector<64x6xbf16>, vector<64x6xbf16>, vector<64x6xbf16>, vector<64x6xbf16>, vector<64x6xbf16>, vector<64x6xbf16>, vector<64x6xbf16>, vector<64x6xbf16>, vector<64x6xbf16>, vector<64x6xbf16> -> vector<64x60xbf16>
    %concatenate3A_99 = tpu.concatenate %broadcast_in_dim3A_90, %broadcast_in_dim3A_90, %broadcast_in_dim3A_90, %broadcast_in_dim3A_90, %broadcast_in_dim3A_90, %broadcast_in_dim3A_90, %broadcast_in_dim3A_90, %broadcast_in_dim3A_90, %convert_element_type3A_88, %broadcast_in_dim3A_90 in 1 : vector<64x6xbf16>, vector<64x6xbf16>, vector<64x6xbf16>, vector<64x6xbf16>, vector<64x6xbf16>, vector<64x6xbf16>, vector<64x6xbf16>, vector<64x6xbf16>, vector<64x6xbf16>, vector<64x6xbf16> -> vector<64x60xbf16>
    %concatenate3A_100 = tpu.concatenate %broadcast_in_dim3A_90, %broadcast_in_dim3A_90, %broadcast_in_dim3A_90, %broadcast_in_dim3A_90, %broadcast_in_dim3A_90, %broadcast_in_dim3A_90, %broadcast_in_dim3A_90, %broadcast_in_dim3A_90, %broadcast_in_dim3A_90, %convert_element_type3A_88 in 1 : vector<64x6xbf16>, vector<64x6xbf16>, vector<64x6xbf16>, vector<64x6xbf16>, vector<64x6xbf16>, vector<64x6xbf16>, vector<64x6xbf16>, vector<64x6xbf16>, vector<64x6xbf16>, vector<64x6xbf16> -> vector<64x60xbf16>
    %concatenate3A_101 = tpu.concatenate %concatenate3A_91, %concatenate3A_92, %concatenate3A_93, %concatenate3A_94, %concatenate3A_95, %concatenate3A_96, %concatenate3A_97, %concatenate3A_98, %concatenate3A_99, %concatenate3A_100 in 0 : vector<64x60xbf16>, vector<64x60xbf16>, vector<64x60xbf16>, vector<64x60xbf16>, vector<64x60xbf16>, vector<64x60xbf16>, vector<64x60xbf16>, vector<64x60xbf16>, vector<64x60xbf16>, vector<64x60xbf16> -> vector<640x60xbf16>
    %swap3A_102 = arith.constant 0 : index
    %swap3A_103 = arith.constant 0 : index
    %swap3A_104 = vector.load %arg22[%swap3A_102, %swap3A_103] : memref<640x60xbf16, #tpu.memory_space<vmem>>, vector<640x60xbf16>
    tpu.vector_store %arg22[%swap3A_102, %swap3A_103], %concatenate3A_101 {strides = array<i32>} : memref<640x60xbf16, #tpu.memory_space<vmem>>, vector<640x60xbf16>,
    %get3A_105 = arith.constant 0 : index
    %get3A_106 = arith.constant 0 : index
    %get3A_107 = vector.load %arg13[%get3A_105, %get3A_106] : memref<1x6xf32, #tpu.memory_space<vmem>>, vector<1x6xf32>
    %concatenate3A_108 = tpu.concatenate %get3A_107, %get3A_107, %get3A_107, %get3A_107, %get3A_107, %get3A_107, %get3A_107, %get3A_107, %get3A_107, %get3A_107 in 1 : vector<1x6xf32>, vector<1x6xf32>, vector<1x6xf32>, vector<1x6xf32>, vector<1x6xf32>, vector<1x6xf32>, vector<1x6xf32>, vector<1x6xf32>, vector<1x6xf32>, vector<1x6xf32> -> vector<1x60xf32>
    %swap3A_109 = arith.constant 0 : index
    %swap3A_110 = arith.constant 0 : index
    %swap3A_111 = vector.load %arg23[%swap3A_109, %swap3A_110] : memref<1x60xf32, #tpu.memory_space<vmem>>, vector<1x60xf32>
    tpu.vector_store %arg23[%swap3A_109, %swap3A_110], %concatenate3A_108 {strides = array<i32>} : memref<1x60xf32, #tpu.memory_space<vmem>>, vector<1x60xf32>,
    %get3A_112 = arith.constant 0 : index
    %get3A_113 = arith.constant 0 : index
    %get3A_114 = vector.load %arg8[%get3A_112, %get3A_113] : memref<64x64xf32, #tpu.memory_space<vmem>>, vector<64x64xf32>
    %convert_element_type3A_115 = arith.truncf %get3A_114 : vector<64x64xf32> to vector<64x64xbf16>
    %swap3A_116 = arith.constant 0 : index
    %swap3A_117 = arith.constant 0 : index
    %swap3A_118 = vector.load %arg19[%swap3A_116, %swap3A_117] : memref<64x64xbf16, #tpu.memory_space<vmem>>, vector<64x64xbf16>
    tpu.vector_store %arg19[%swap3A_116, %swap3A_117], %convert_element_type3A_115 {strides = array<i32>} : memref<64x64xbf16, #tpu.memory_space<vmem>>, vector<64x64xbf16>,
    %get3A_119 = arith.constant 0 : index
    %get3A_120 = arith.constant 0 : index
    %get3A_121 = vector.load %arg9[%get3A_119, %get3A_120] : memref<64x128xf32, #tpu.memory_space<vmem>>, vector<64x128xf32>
    %convert_element_type3A_122 = arith.truncf %get3A_121 : vector<64x128xf32> to vector<64x128xbf16>
    %swap3A_123 = arith.constant 0 : index
    %swap3A_124 = arith.constant 0 : index
    %swap3A_125 = vector.load %arg20[%swap3A_123, %swap3A_124] : memref<64x128xbf16, #tpu.memory_space<vmem>>, vector<64x128xbf16>
    tpu.vector_store %arg20[%swap3A_123, %swap3A_124], %convert_element_type3A_122 {strides = array<i32>} : memref<64x128xbf16, #tpu.memory_space<vmem>>, vector<64x128xbf16>,
    %get3A_126 = arith.constant 0 : index
    %get3A_127 = arith.constant 0 : index
    %get3A_128 = vector.load %arg10[%get3A_126, %get3A_127] : memref<128x64xf32, #tpu.memory_space<vmem>>, vector<128x64xf32>
    %convert_element_type3A_129 = arith.truncf %get3A_128 : vector<128x64xf32> to vector<128x64xbf16>
    %swap3A_130 = arith.constant 0 : index
    %swap3A_131 = arith.constant 0 : index
    %swap3A_132 = vector.load %arg21[%swap3A_130, %swap3A_131] : memref<128x64xbf16, #tpu.memory_space<vmem>>, vector<128x64xbf16>
    tpu.vector_store %arg21[%swap3A_130, %swap3A_131], %convert_element_type3A_129 {strides = array<i32>} : memref<128x64xbf16, #tpu.memory_space<vmem>>, vector<128x64xbf16>,
    return
  }
}

module attributes {stable_mosaic.version = 14 : i64} {
  func.func @_tc_body(%arg0: i32, %arg1: memref<4x256x60xf32, #tpu.memory_space<vmem>>, %arg2: memref<4x256x60xf32, #tpu.memory_space<vmem>>, %arg3: memref<256x640xf32, #tpu.memory_space<vmem>>, %arg4: memref<256x64xf32, #tpu.memory_space<vmem>>, %arg5: memref<256x64xbf16, #tpu.memory_space<vmem>>, %arg6: memref<64x128xbf16, #tpu.memory_space<vmem>>, %arg7: memref<60x640xbf16, #tpu.memory_space<vmem>>, %arg8: memref<64x64xbf16, #tpu.memory_space<vmem>>, %arg9: memref<64x128xbf16, #tpu.memory_space<vmem>>, %arg10: memref<128x64xbf16, #tpu.memory_space<vmem>>, %arg11: memref<640x60xbf16, #tpu.memory_space<vmem>>, %arg12: memref<1x128xf32, #tpu.memory_space<vmem>>, %arg13: memref<1x64xf32, #tpu.memory_space<vmem>>, %arg14: memref<1x60xf32, #tpu.memory_space<vmem>>, %arg15: memref<4x256x60xf32, #tpu.memory_space<vmem>>, %arg16: memref<1x1xf32, #tpu.memory_space<smem>>) attributes {dimension_semantics = [#tpu.dimension_semantics<arbitrary>], iteration_bounds = array<i64: 4>, scalar_prefetch = 0 : i64, scratch_operands = 0 : i64, tpu.core_type = #tpu.core_type<tc>, window_params = [{transform_indices = @transform_0, window_bounds = array<i64: 4, 256, 60>}, {transform_indices = @transform_1, window_bounds = array<i64: 4, 256, 60>}, {pipeline_mode = #tpu.pipeline_mode<synchronous>, transform_indices = @transform_2, window_bounds = array<i64: 256, 640>}, {pipeline_mode = #tpu.pipeline_mode<synchronous>, transform_indices = @transform_3, window_bounds = array<i64: 256, 64>}, {pipeline_mode = #tpu.pipeline_mode<synchronous>, transform_indices = @transform_4, window_bounds = array<i64: 256, 64>}, {pipeline_mode = #tpu.pipeline_mode<synchronous>, transform_indices = @transform_5, window_bounds = array<i64: 64, 128>}, {pipeline_mode = #tpu.pipeline_mode<synchronous>, transform_indices = @transform_6, window_bounds = array<i64: 60, 640>}, {pipeline_mode = #tpu.pipeline_mode<synchronous>, transform_indices = @transform_7, window_bounds = array<i64: 64, 64>}, {pipeline_mode = #tpu.pipeline_mode<synchronous>, transform_indices = @transform_8, window_bounds = array<i64: 64, 128>}, {pipeline_mode = #tpu.pipeline_mode<synchronous>, transform_indices = @transform_9, window_bounds = array<i64: 128, 64>}, {pipeline_mode = #tpu.pipeline_mode<synchronous>, transform_indices = @transform_10, window_bounds = array<i64: 640, 60>}, {pipeline_mode = #tpu.pipeline_mode<synchronous>, transform_indices = @transform_11, window_bounds = array<i64: 1, 128>}, {pipeline_mode = #tpu.pipeline_mode<synchronous>, transform_indices = @transform_12, window_bounds = array<i64: 1, 64>}, {pipeline_mode = #tpu.pipeline_mode<synchronous>, transform_indices = @transform_13, window_bounds = array<i64: 1, 60>}, {transform_indices = @transform_14, window_bounds = array<i64: 4, 256, 60>}, {transform_indices = @transform_15, window_bounds = array<i64: 1, 1>}]} {
    %get3A = arith.constant 0 : index
    %get3A_0 = arith.constant 0 : index
    %get3A_1 = vector.load %arg3[%get3A, %get3A_0] : memref<256x640xf32, #tpu.memory_space<vmem>>, vector<256x640xf32>
    %get3A_2 = arith.constant 0 : index
    %get3A_3 = arith.constant 0 : index
    %get3A_4 = vector.load %arg4[%get3A_2, %get3A_3] : memref<256x64xf32, #tpu.memory_space<vmem>>, vector<256x64xf32>
    %get3A_5 = arith.constant 0 : index
    %get3A_6 = arith.constant 0 : index
    %get3A_7 = vector.load %arg5[%get3A_5, %get3A_6] : memref<256x64xbf16, #tpu.memory_space<vmem>>, vector<256x64xbf16>
    %get3A_8 = arith.constant 0 : index
    %get3A_9 = arith.constant 0 : index
    %get3A_10 = vector.load %arg6[%get3A_8, %get3A_9] : memref<64x128xbf16, #tpu.memory_space<vmem>>, vector<64x128xbf16>
    %get3A_11 = arith.constant 0 : index
    %get3A_12 = arith.constant 0 : index
    %get3A_13 = vector.load %arg7[%get3A_11, %get3A_12] : memref<60x640xbf16, #tpu.memory_space<vmem>>, vector<60x640xbf16>
    %get3A_14 = arith.constant 0 : index
    %get3A_15 = arith.constant 0 : index
    %get3A_16 = vector.load %arg8[%get3A_14, %get3A_15] : memref<64x64xbf16, #tpu.memory_space<vmem>>, vector<64x64xbf16>
    %get3A_17 = arith.constant 0 : index
    %get3A_18 = arith.constant 0 : index
    %get3A_19 = vector.load %arg9[%get3A_17, %get3A_18] : memref<64x128xbf16, #tpu.memory_space<vmem>>, vector<64x128xbf16>
    %get3A_20 = arith.constant 0 : index
    %get3A_21 = arith.constant 0 : index
    %get3A_22 = vector.load %arg10[%get3A_20, %get3A_21] : memref<128x64xbf16, #tpu.memory_space<vmem>>, vector<128x64xbf16>
    %get3A_23 = arith.constant 0 : index
    %get3A_24 = arith.constant 0 : index
    %get3A_25 = vector.load %arg11[%get3A_23, %get3A_24] : memref<640x60xbf16, #tpu.memory_space<vmem>>, vector<640x60xbf16>
    %get3A_26 = arith.constant 0 : index
    %get3A_27 = arith.constant 0 : index
    %get3A_28 = vector.load %arg12[%get3A_26, %get3A_27] : memref<1x128xf32, #tpu.memory_space<vmem>>, vector<1x128xf32>
    %get3A_29 = arith.constant 0 : index
    %get3A_30 = arith.constant 0 : index
    %get3A_31 = vector.load %arg13[%get3A_29, %get3A_30] : memref<1x64xf32, #tpu.memory_space<vmem>>, vector<1x64xf32>
    %get3A_32 = arith.constant 0 : index
    %get3A_33 = arith.constant 0 : index
    %get3A_34 = vector.load %arg14[%get3A_32, %get3A_33] : memref<1x60xf32, #tpu.memory_space<vmem>>, vector<1x60xf32>
    %broadcast_in_dim3A = arith.constant 1.000000e+00 : bf16
    %broadcast_in_dim3A_35 = vector.broadcast %broadcast_in_dim3A : bf16 to vector<256x1xbf16>
    %get3A_36 = arith.constant 0 : index
    %get3A_37 = arith.constant 0 : index
    %get3A_38 = arith.constant 0 : index
    %get3A_39 = vector.load %arg1[%get3A_36, %get3A_37, %get3A_38] : memref<4x256x60xf32, #tpu.memory_space<vmem>>, vector<1x256x60xf32>
    %get3A_40 = vector.shape_cast %get3A_39 : vector<1x256x60xf32> to vector<256x60xf32>
    %convert_element_type3A = arith.truncf %get3A_40 : vector<256x60xf32> to vector<256x60xbf16>
    %dot_general3A = arith.constant dense<0.000000e+00> : vector<256x640xf32>
    %dot_general3A_41 = tpu.matmul %convert_element_type3A, %get3A_13, %dot_general3A {dimension_numbers = #tpu.dot_dimension_numbers<[1], [0], [0], [1], [0, 0, 1, 1], [], []>, transpose_lhs_hint = false} : vector<256x60xbf16>, vector<60x640xbf16>, vector<256x640xf32> -> vector<256x640xf32>
    %add3A = arith.addf %dot_general3A_41, %get3A_1 : vector<256x640xf32>
    %convert_element_type3A_42 = arith.truncf %add3A : vector<256x640xf32> to vector<256x640xbf16>
    %slice3A = vector.extract_strided_slice %convert_element_type3A_42 {offsets = [0, 0], sizes = [256, 64], strides = [1, 1]} : vector<256x640xbf16> to vector<256x64xbf16>
    %slice3A_43 = vector.extract_strided_slice %convert_element_type3A_42 {offsets = [0, 64], sizes = [256, 64], strides = [1, 1]} : vector<256x640xbf16> to vector<256x64xbf16>
    %slice3A_44 = vector.extract_strided_slice %convert_element_type3A_42 {offsets = [0, 128], sizes = [256, 64], strides = [1, 1]} : vector<256x640xbf16> to vector<256x64xbf16>
    %slice3A_45 = vector.extract_strided_slice %convert_element_type3A_42 {offsets = [0, 192], sizes = [256, 64], strides = [1, 1]} : vector<256x640xbf16> to vector<256x64xbf16>
    %slice3A_46 = vector.extract_strided_slice %convert_element_type3A_42 {offsets = [0, 256], sizes = [256, 64], strides = [1, 1]} : vector<256x640xbf16> to vector<256x64xbf16>
    %slice3A_47 = vector.extract_strided_slice %convert_element_type3A_42 {offsets = [0, 320], sizes = [256, 64], strides = [1, 1]} : vector<256x640xbf16> to vector<256x64xbf16>
    %slice3A_48 = vector.extract_strided_slice %convert_element_type3A_42 {offsets = [0, 384], sizes = [256, 64], strides = [1, 1]} : vector<256x640xbf16> to vector<256x64xbf16>
    %slice3A_49 = vector.extract_strided_slice %convert_element_type3A_42 {offsets = [0, 448], sizes = [256, 64], strides = [1, 1]} : vector<256x640xbf16> to vector<256x64xbf16>
    %slice3A_50 = vector.extract_strided_slice %convert_element_type3A_42 {offsets = [0, 512], sizes = [256, 64], strides = [1, 1]} : vector<256x640xbf16> to vector<256x64xbf16>
    %slice3A_51 = vector.extract_strided_slice %convert_element_type3A_42 {offsets = [0, 576], sizes = [256, 64], strides = [1, 1]} : vector<256x640xbf16> to vector<256x64xbf16>
    %dot_general3A_52 = arith.constant dense<0.000000e+00> : vector<256x128xf32>
    %dot_general3A_53 = tpu.matmul %slice3A, %get3A_10, %dot_general3A_52 {dimension_numbers = #tpu.dot_dimension_numbers<[1], [0], [0], [1], [0, 0, 1, 1], [], []>, transpose_lhs_hint = false} : vector<256x64xbf16>, vector<64x128xbf16>, vector<256x128xf32> -> vector<256x128xf32>
    %convert_element_type3A_54 = arith.truncf %dot_general3A_53 : vector<256x128xf32> to vector<256x128xbf16>
    %dot_general3A_55 = arith.constant dense<0.000000e+00> : vector<256x128xf32>
    %dot_general3A_56 = tpu.matmul %slice3A_43, %get3A_10, %dot_general3A_55 {dimension_numbers = #tpu.dot_dimension_numbers<[1], [0], [0], [1], [0, 0, 1, 1], [], []>, transpose_lhs_hint = false} : vector<256x64xbf16>, vector<64x128xbf16>, vector<256x128xf32> -> vector<256x128xf32>
    %convert_element_type3A_57 = arith.truncf %dot_general3A_56 : vector<256x128xf32> to vector<256x128xbf16>
    %dot_general3A_58 = arith.constant dense<0.000000e+00> : vector<256x128xf32>
    %dot_general3A_59 = tpu.matmul %slice3A_44, %get3A_10, %dot_general3A_58 {dimension_numbers = #tpu.dot_dimension_numbers<[1], [0], [0], [1], [0, 0, 1, 1], [], []>, transpose_lhs_hint = false} : vector<256x64xbf16>, vector<64x128xbf16>, vector<256x128xf32> -> vector<256x128xf32>
    %convert_element_type3A_60 = arith.truncf %dot_general3A_59 : vector<256x128xf32> to vector<256x128xbf16>
    %dot_general3A_61 = arith.constant dense<0.000000e+00> : vector<256x128xf32>
    %dot_general3A_62 = tpu.matmul %slice3A_45, %get3A_10, %dot_general3A_61 {dimension_numbers = #tpu.dot_dimension_numbers<[1], [0], [0], [1], [0, 0, 1, 1], [], []>, transpose_lhs_hint = false} : vector<256x64xbf16>, vector<64x128xbf16>, vector<256x128xf32> -> vector<256x128xf32>
    %convert_element_type3A_63 = arith.truncf %dot_general3A_62 : vector<256x128xf32> to vector<256x128xbf16>
    %dot_general3A_64 = arith.constant dense<0.000000e+00> : vector<256x128xf32>
    %dot_general3A_65 = tpu.matmul %slice3A_46, %get3A_10, %dot_general3A_64 {dimension_numbers = #tpu.dot_dimension_numbers<[1], [0], [0], [1], [0, 0, 1, 1], [], []>, transpose_lhs_hint = false} : vector<256x64xbf16>, vector<64x128xbf16>, vector<256x128xf32> -> vector<256x128xf32>
    %convert_element_type3A_66 = arith.truncf %dot_general3A_65 : vector<256x128xf32> to vector<256x128xbf16>
    %dot_general3A_67 = arith.constant dense<0.000000e+00> : vector<256x128xf32>
    %dot_general3A_68 = tpu.matmul %slice3A_47, %get3A_10, %dot_general3A_67 {dimension_numbers = #tpu.dot_dimension_numbers<[1], [0], [0], [1], [0, 0, 1, 1], [], []>, transpose_lhs_hint = false} : vector<256x64xbf16>, vector<64x128xbf16>, vector<256x128xf32> -> vector<256x128xf32>
    %convert_element_type3A_69 = arith.truncf %dot_general3A_68 : vector<256x128xf32> to vector<256x128xbf16>
    %dot_general3A_70 = arith.constant dense<0.000000e+00> : vector<256x128xf32>
    %dot_general3A_71 = tpu.matmul %slice3A_48, %get3A_10, %dot_general3A_70 {dimension_numbers = #tpu.dot_dimension_numbers<[1], [0], [0], [1], [0, 0, 1, 1], [], []>, transpose_lhs_hint = false} : vector<256x64xbf16>, vector<64x128xbf16>, vector<256x128xf32> -> vector<256x128xf32>
    %convert_element_type3A_72 = arith.truncf %dot_general3A_71 : vector<256x128xf32> to vector<256x128xbf16>
    %dot_general3A_73 = arith.constant dense<0.000000e+00> : vector<256x128xf32>
    %dot_general3A_74 = tpu.matmul %slice3A_49, %get3A_10, %dot_general3A_73 {dimension_numbers = #tpu.dot_dimension_numbers<[1], [0], [0], [1], [0, 0, 1, 1], [], []>, transpose_lhs_hint = false} : vector<256x64xbf16>, vector<64x128xbf16>, vector<256x128xf32> -> vector<256x128xf32>
    %convert_element_type3A_75 = arith.truncf %dot_general3A_74 : vector<256x128xf32> to vector<256x128xbf16>
    %dot_general3A_76 = arith.constant dense<0.000000e+00> : vector<256x128xf32>
    %dot_general3A_77 = tpu.matmul %slice3A_50, %get3A_10, %dot_general3A_76 {dimension_numbers = #tpu.dot_dimension_numbers<[1], [0], [0], [1], [0, 0, 1, 1], [], []>, transpose_lhs_hint = false} : vector<256x64xbf16>, vector<64x128xbf16>, vector<256x128xf32> -> vector<256x128xf32>
    %convert_element_type3A_78 = arith.truncf %dot_general3A_77 : vector<256x128xf32> to vector<256x128xbf16>
    %dot_general3A_79 = arith.constant dense<0.000000e+00> : vector<256x128xf32>
    %dot_general3A_80 = tpu.matmul %slice3A_51, %get3A_10, %dot_general3A_79 {dimension_numbers = #tpu.dot_dimension_numbers<[1], [0], [0], [1], [0, 0, 1, 1], [], []>, transpose_lhs_hint = false} : vector<256x64xbf16>, vector<64x128xbf16>, vector<256x128xf32> -> vector<256x128xf32>
    %convert_element_type3A_81 = arith.truncf %dot_general3A_80 : vector<256x128xf32> to vector<256x128xbf16>
    %slice3A_82 = vector.extract_strided_slice %convert_element_type3A_54 {offsets = [0, 64], sizes = [256, 64], strides = [1, 1]} : vector<256x128xbf16> to vector<256x64xbf16>
    %concatenate3A = tpu.concatenate %slice3A_82, %broadcast_in_dim3A_35 in 1 : vector<256x64xbf16>, vector<256x1xbf16> -> vector<256x65xbf16>
    %slice3A_83 = vector.extract_strided_slice %convert_element_type3A_57 {offsets = [0, 64], sizes = [256, 64], strides = [1, 1]} : vector<256x128xbf16> to vector<256x64xbf16>
    %concatenate3A_84 = tpu.concatenate %slice3A_83, %broadcast_in_dim3A_35 in 1 : vector<256x64xbf16>, vector<256x1xbf16> -> vector<256x65xbf16>
    %slice3A_85 = vector.extract_strided_slice %convert_element_type3A_60 {offsets = [0, 64], sizes = [256, 64], strides = [1, 1]} : vector<256x128xbf16> to vector<256x64xbf16>
    %concatenate3A_86 = tpu.concatenate %slice3A_85, %broadcast_in_dim3A_35 in 1 : vector<256x64xbf16>, vector<256x1xbf16> -> vector<256x65xbf16>
    %slice3A_87 = vector.extract_strided_slice %convert_element_type3A_63 {offsets = [0, 64], sizes = [256, 64], strides = [1, 1]} : vector<256x128xbf16> to vector<256x64xbf16>
    %concatenate3A_88 = tpu.concatenate %slice3A_87, %broadcast_in_dim3A_35 in 1 : vector<256x64xbf16>, vector<256x1xbf16> -> vector<256x65xbf16>
    %slice3A_89 = vector.extract_strided_slice %convert_element_type3A_66 {offsets = [0, 64], sizes = [256, 64], strides = [1, 1]} : vector<256x128xbf16> to vector<256x64xbf16>
    %concatenate3A_90 = tpu.concatenate %slice3A_89, %broadcast_in_dim3A_35 in 1 : vector<256x64xbf16>, vector<256x1xbf16> -> vector<256x65xbf16>
    %slice3A_91 = vector.extract_strided_slice %convert_element_type3A_69 {offsets = [0, 64], sizes = [256, 64], strides = [1, 1]} : vector<256x128xbf16> to vector<256x64xbf16>
    %concatenate3A_92 = tpu.concatenate %slice3A_91, %broadcast_in_dim3A_35 in 1 : vector<256x64xbf16>, vector<256x1xbf16> -> vector<256x65xbf16>
    %slice3A_93 = vector.extract_strided_slice %convert_element_type3A_72 {offsets = [0, 64], sizes = [256, 64], strides = [1, 1]} : vector<256x128xbf16> to vector<256x64xbf16>
    %concatenate3A_94 = tpu.concatenate %slice3A_93, %broadcast_in_dim3A_35 in 1 : vector<256x64xbf16>, vector<256x1xbf16> -> vector<256x65xbf16>
    %slice3A_95 = vector.extract_strided_slice %convert_element_type3A_75 {offsets = [0, 64], sizes = [256, 64], strides = [1, 1]} : vector<256x128xbf16> to vector<256x64xbf16>
    %concatenate3A_96 = tpu.concatenate %slice3A_95, %broadcast_in_dim3A_35 in 1 : vector<256x64xbf16>, vector<256x1xbf16> -> vector<256x65xbf16>
    %slice3A_97 = vector.extract_strided_slice %convert_element_type3A_78 {offsets = [0, 64], sizes = [256, 64], strides = [1, 1]} : vector<256x128xbf16> to vector<256x64xbf16>
    %concatenate3A_98 = tpu.concatenate %slice3A_97, %broadcast_in_dim3A_35 in 1 : vector<256x64xbf16>, vector<256x1xbf16> -> vector<256x65xbf16>
    %slice3A_99 = vector.extract_strided_slice %convert_element_type3A_81 {offsets = [0, 64], sizes = [256, 64], strides = [1, 1]} : vector<256x128xbf16> to vector<256x64xbf16>
    %concatenate3A_100 = tpu.concatenate %slice3A_99, %broadcast_in_dim3A_35 in 1 : vector<256x64xbf16>, vector<256x1xbf16> -> vector<256x65xbf16>
    %slice3A_101 = vector.extract_strided_slice %get3A_7 {offsets = [0, 0], sizes = [256, 16], strides = [1, 1]} : vector<256x64xbf16> to vector<256x16xbf16>
    %slice3A_102 = vector.extract_strided_slice %get3A_7 {offsets = [0, 16], sizes = [256, 16], strides = [1, 1]} : vector<256x64xbf16> to vector<256x16xbf16>
    %slice3A_103 = vector.extract_strided_slice %get3A_7 {offsets = [0, 32], sizes = [256, 16], strides = [1, 1]} : vector<256x64xbf16> to vector<256x16xbf16>
    %slice3A_104 = vector.extract_strided_slice %get3A_7 {offsets = [0, 48], sizes = [256, 16], strides = [1, 1]} : vector<256x64xbf16> to vector<256x16xbf16>
    %slice3A_105 = vector.extract_strided_slice %convert_element_type3A_54 {offsets = [0, 0], sizes = [256, 16], strides = [1, 1]} : vector<256x128xbf16> to vector<256x16xbf16>
    %slice3A_106 = vector.extract_strided_slice %convert_element_type3A_57 {offsets = [0, 0], sizes = [256, 16], strides = [1, 1]} : vector<256x128xbf16> to vector<256x16xbf16>
    %slice3A_107 = vector.extract_strided_slice %convert_element_type3A_60 {offsets = [0, 0], sizes = [256, 16], strides = [1, 1]} : vector<256x128xbf16> to vector<256x16xbf16>
    %slice3A_108 = vector.extract_strided_slice %convert_element_type3A_63 {offsets = [0, 0], sizes = [256, 16], strides = [1, 1]} : vector<256x128xbf16> to vector<256x16xbf16>
    %slice3A_109 = vector.extract_strided_slice %convert_element_type3A_66 {offsets = [0, 0], sizes = [256, 16], strides = [1, 1]} : vector<256x128xbf16> to vector<256x16xbf16>
    %slice3A_110 = vector.extract_strided_slice %convert_element_type3A_69 {offsets = [0, 0], sizes = [256, 16], strides = [1, 1]} : vector<256x128xbf16> to vector<256x16xbf16>
    %slice3A_111 = vector.extract_strided_slice %convert_element_type3A_72 {offsets = [0, 0], sizes = [256, 16], strides = [1, 1]} : vector<256x128xbf16> to vector<256x16xbf16>
    %slice3A_112 = vector.extract_strided_slice %convert_element_type3A_75 {offsets = [0, 0], sizes = [256, 16], strides = [1, 1]} : vector<256x128xbf16> to vector<256x16xbf16>
    %slice3A_113 = vector.extract_strided_slice %convert_element_type3A_78 {offsets = [0, 0], sizes = [256, 16], strides = [1, 1]} : vector<256x128xbf16> to vector<256x16xbf16>
    %slice3A_114 = vector.extract_strided_slice %convert_element_type3A_81 {offsets = [0, 0], sizes = [256, 16], strides = [1, 1]} : vector<256x128xbf16> to vector<256x16xbf16>
    %concatenate3A_115 = tpu.concatenate %slice3A_105, %slice3A_106, %slice3A_107, %slice3A_108, %slice3A_109, %slice3A_110, %slice3A_111, %slice3A_112, %slice3A_113, %slice3A_114 in 0 : vector<256x16xbf16>, vector<256x16xbf16>, vector<256x16xbf16>, vector<256x16xbf16>, vector<256x16xbf16>, vector<256x16xbf16>, vector<256x16xbf16>, vector<256x16xbf16>, vector<256x16xbf16>, vector<256x16xbf16> -> vector<2560x16xbf16>
    %slice3A_116 = vector.extract_strided_slice %convert_element_type3A_54 {offsets = [0, 16], sizes = [256, 16], strides = [1, 1]} : vector<256x128xbf16> to vector<256x16xbf16>
    %slice3A_117 = vector.extract_strided_slice %convert_element_type3A_57 {offsets = [0, 16], sizes = [256, 16], strides = [1, 1]} : vector<256x128xbf16> to vector<256x16xbf16>
    %slice3A_118 = vector.extract_strided_slice %convert_element_type3A_60 {offsets = [0, 16], sizes = [256, 16], strides = [1, 1]} : vector<256x128xbf16> to vector<256x16xbf16>
    %slice3A_119 = vector.extract_strided_slice %convert_element_type3A_63 {offsets = [0, 16], sizes = [256, 16], strides = [1, 1]} : vector<256x128xbf16> to vector<256x16xbf16>
    %slice3A_120 = vector.extract_strided_slice %convert_element_type3A_66 {offsets = [0, 16], sizes = [256, 16], strides = [1, 1]} : vector<256x128xbf16> to vector<256x16xbf16>
    %slice3A_121 = vector.extract_strided_slice %convert_element_type3A_69 {offsets = [0, 16], sizes = [256, 16], strides = [1, 1]} : vector<256x128xbf16> to vector<256x16xbf16>
    %slice3A_122 = vector.extract_strided_slice %convert_element_type3A_72 {offsets = [0, 16], sizes = [256, 16], strides = [1, 1]} : vector<256x128xbf16> to vector<256x16xbf16>
    %slice3A_123 = vector.extract_strided_slice %convert_element_type3A_75 {offsets = [0, 16], sizes = [256, 16], strides = [1, 1]} : vector<256x128xbf16> to vector<256x16xbf16>
    %slice3A_124 = vector.extract_strided_slice %convert_element_type3A_78 {offsets = [0, 16], sizes = [256, 16], strides = [1, 1]} : vector<256x128xbf16> to vector<256x16xbf16>
    %slice3A_125 = vector.extract_strided_slice %convert_element_type3A_81 {offsets = [0, 16], sizes = [256, 16], strides = [1, 1]} : vector<256x128xbf16> to vector<256x16xbf16>
    %concatenate3A_126 = tpu.concatenate %slice3A_116, %slice3A_117, %slice3A_118, %slice3A_119, %slice3A_120, %slice3A_121, %slice3A_122, %slice3A_123, %slice3A_124, %slice3A_125 in 0 : vector<256x16xbf16>, vector<256x16xbf16>, vector<256x16xbf16>, vector<256x16xbf16>, vector<256x16xbf16>, vector<256x16xbf16>, vector<256x16xbf16>, vector<256x16xbf16>, vector<256x16xbf16>, vector<256x16xbf16> -> vector<2560x16xbf16>
    %slice3A_127 = vector.extract_strided_slice %convert_element_type3A_54 {offsets = [0, 32], sizes = [256, 16], strides = [1, 1]} : vector<256x128xbf16> to vector<256x16xbf16>
    %slice3A_128 = vector.extract_strided_slice %convert_element_type3A_57 {offsets = [0, 32], sizes = [256, 16], strides = [1, 1]} : vector<256x128xbf16> to vector<256x16xbf16>
    %slice3A_129 = vector.extract_strided_slice %convert_element_type3A_60 {offsets = [0, 32], sizes = [256, 16], strides = [1, 1]} : vector<256x128xbf16> to vector<256x16xbf16>
    %slice3A_130 = vector.extract_strided_slice %convert_element_type3A_63 {offsets = [0, 32], sizes = [256, 16], strides = [1, 1]} : vector<256x128xbf16> to vector<256x16xbf16>
    %slice3A_131 = vector.extract_strided_slice %convert_element_type3A_66 {offsets = [0, 32], sizes = [256, 16], strides = [1, 1]} : vector<256x128xbf16> to vector<256x16xbf16>
    %slice3A_132 = vector.extract_strided_slice %convert_element_type3A_69 {offsets = [0, 32], sizes = [256, 16], strides = [1, 1]} : vector<256x128xbf16> to vector<256x16xbf16>
    %slice3A_133 = vector.extract_strided_slice %convert_element_type3A_72 {offsets = [0, 32], sizes = [256, 16], strides = [1, 1]} : vector<256x128xbf16> to vector<256x16xbf16>
    %slice3A_134 = vector.extract_strided_slice %convert_element_type3A_75 {offsets = [0, 32], sizes = [256, 16], strides = [1, 1]} : vector<256x128xbf16> to vector<256x16xbf16>
    %slice3A_135 = vector.extract_strided_slice %convert_element_type3A_78 {offsets = [0, 32], sizes = [256, 16], strides = [1, 1]} : vector<256x128xbf16> to vector<256x16xbf16>
    %slice3A_136 = vector.extract_strided_slice %convert_element_type3A_81 {offsets = [0, 32], sizes = [256, 16], strides = [1, 1]} : vector<256x128xbf16> to vector<256x16xbf16>
    %concatenate3A_137 = tpu.concatenate %slice3A_127, %slice3A_128, %slice3A_129, %slice3A_130, %slice3A_131, %slice3A_132, %slice3A_133, %slice3A_134, %slice3A_135, %slice3A_136 in 0 : vector<256x16xbf16>, vector<256x16xbf16>, vector<256x16xbf16>, vector<256x16xbf16>, vector<256x16xbf16>, vector<256x16xbf16>, vector<256x16xbf16>, vector<256x16xbf16>, vector<256x16xbf16>, vector<256x16xbf16> -> vector<2560x16xbf16>
    %slice3A_138 = vector.extract_strided_slice %convert_element_type3A_54 {offsets = [0, 48], sizes = [256, 16], strides = [1, 1]} : vector<256x128xbf16> to vector<256x16xbf16>
    %slice3A_139 = vector.extract_strided_slice %convert_element_type3A_57 {offsets = [0, 48], sizes = [256, 16], strides = [1, 1]} : vector<256x128xbf16> to vector<256x16xbf16>
    %slice3A_140 = vector.extract_strided_slice %convert_element_type3A_60 {offsets = [0, 48], sizes = [256, 16], strides = [1, 1]} : vector<256x128xbf16> to vector<256x16xbf16>
    %slice3A_141 = vector.extract_strided_slice %convert_element_type3A_63 {offsets = [0, 48], sizes = [256, 16], strides = [1, 1]} : vector<256x128xbf16> to vector<256x16xbf16>
    %slice3A_142 = vector.extract_strided_slice %convert_element_type3A_66 {offsets = [0, 48], sizes = [256, 16], strides = [1, 1]} : vector<256x128xbf16> to vector<256x16xbf16>
    %slice3A_143 = vector.extract_strided_slice %convert_element_type3A_69 {offsets = [0, 48], sizes = [256, 16], strides = [1, 1]} : vector<256x128xbf16> to vector<256x16xbf16>
    %slice3A_144 = vector.extract_strided_slice %convert_element_type3A_72 {offsets = [0, 48], sizes = [256, 16], strides = [1, 1]} : vector<256x128xbf16> to vector<256x16xbf16>
    %slice3A_145 = vector.extract_strided_slice %convert_element_type3A_75 {offsets = [0, 48], sizes = [256, 16], strides = [1, 1]} : vector<256x128xbf16> to vector<256x16xbf16>
    %slice3A_146 = vector.extract_strided_slice %convert_element_type3A_78 {offsets = [0, 48], sizes = [256, 16], strides = [1, 1]} : vector<256x128xbf16> to vector<256x16xbf16>
    %slice3A_147 = vector.extract_strided_slice %convert_element_type3A_81 {offsets = [0, 48], sizes = [256, 16], strides = [1, 1]} : vector<256x128xbf16> to vector<256x16xbf16>
    %concatenate3A_148 = tpu.concatenate %slice3A_138, %slice3A_139, %slice3A_140, %slice3A_141, %slice3A_142, %slice3A_143, %slice3A_144, %slice3A_145, %slice3A_146, %slice3A_147 in 0 : vector<256x16xbf16>, vector<256x16xbf16>, vector<256x16xbf16>, vector<256x16xbf16>, vector<256x16xbf16>, vector<256x16xbf16>, vector<256x16xbf16>, vector<256x16xbf16>, vector<256x16xbf16>, vector<256x16xbf16> -> vector<2560x16xbf16>
    %dot_general3A_149 = arith.constant dense<0.000000e+00> : vector<256x2560xf32>
    %dot_general3A_150 = tpu.matmul %slice3A_101, %concatenate3A_115, %dot_general3A_149 {dimension_numbers = #tpu.dot_dimension_numbers<[1], [1], [0], [0], [0, 0, 1, 0], [], []>, transpose_lhs_hint = false} : vector<256x16xbf16>, vector<2560x16xbf16>, vector<256x2560xf32> -> vector<256x2560xf32>
    %dot_general3A_151 = arith.constant dense<0.000000e+00> : vector<256x2560xf32>
    %dot_general3A_152 = tpu.matmul %slice3A_102, %concatenate3A_126, %dot_general3A_151 {dimension_numbers = #tpu.dot_dimension_numbers<[1], [1], [0], [0], [0, 0, 1, 0], [], []>, transpose_lhs_hint = false} : vector<256x16xbf16>, vector<2560x16xbf16>, vector<256x2560xf32> -> vector<256x2560xf32>
    %dot_general3A_153 = arith.constant dense<0.000000e+00> : vector<256x2560xf32>
    %dot_general3A_154 = tpu.matmul %slice3A_103, %concatenate3A_137, %dot_general3A_153 {dimension_numbers = #tpu.dot_dimension_numbers<[1], [1], [0], [0], [0, 0, 1, 0], [], []>, transpose_lhs_hint = false} : vector<256x16xbf16>, vector<2560x16xbf16>, vector<256x2560xf32> -> vector<256x2560xf32>
    %dot_general3A_155 = arith.constant dense<0.000000e+00> : vector<256x2560xf32>
    %dot_general3A_156 = tpu.matmul %slice3A_104, %concatenate3A_148, %dot_general3A_155 {dimension_numbers = #tpu.dot_dimension_numbers<[1], [1], [0], [0], [0, 0, 1, 0], [], []>, transpose_lhs_hint = false} : vector<256x16xbf16>, vector<2560x16xbf16>, vector<256x2560xf32> -> vector<256x2560xf32>
    %convert_element_type3A_157 = arith.truncf %dot_general3A_150 : vector<256x2560xf32> to vector<256x2560xbf16>
    %exp23A = math.exp2 %convert_element_type3A_157 : vector<256x2560xbf16>
    %convert_element_type3A_158 = arith.truncf %dot_general3A_152 : vector<256x2560xf32> to vector<256x2560xbf16>
    %exp23A_159 = math.exp2 %convert_element_type3A_158 : vector<256x2560xbf16>
    %convert_element_type3A_160 = arith.truncf %dot_general3A_154 : vector<256x2560xf32> to vector<256x2560xbf16>
    %exp23A_161 = math.exp2 %convert_element_type3A_160 : vector<256x2560xbf16>
    %convert_element_type3A_162 = arith.truncf %dot_general3A_156 : vector<256x2560xf32> to vector<256x2560xbf16>
    %exp23A_163 = math.exp2 %convert_element_type3A_162 : vector<256x2560xbf16>
    %slice3A_164 = vector.extract_strided_slice %exp23A {offsets = [0, 0], sizes = [256, 256], strides = [1, 1]} : vector<256x2560xbf16> to vector<256x256xbf16>
    %dot_general3A_165 = arith.constant dense<0.000000e+00> : vector<256x65xf32>
    %dot_general3A_166 = tpu.matmul %slice3A_164, %concatenate3A, %dot_general3A_165 {dimension_numbers = #tpu.dot_dimension_numbers<[1], [0], [0], [1], [0, 0, 1, 1], [], []>, transpose_lhs_hint = false} : vector<256x256xbf16>, vector<256x65xbf16>, vector<256x65xf32> -> vector<256x65xf32>
    %slice3A_167 = vector.extract_strided_slice %exp23A_159 {offsets = [0, 0], sizes = [256, 256], strides = [1, 1]} : vector<256x2560xbf16> to vector<256x256xbf16>
    %dot_general3A_168 = arith.constant dense<0.000000e+00> : vector<256x65xf32>
    %dot_general3A_169 = tpu.matmul %slice3A_167, %concatenate3A, %dot_general3A_168 {dimension_numbers = #tpu.dot_dimension_numbers<[1], [0], [0], [1], [0, 0, 1, 1], [], []>, transpose_lhs_hint = false} : vector<256x256xbf16>, vector<256x65xbf16>, vector<256x65xf32> -> vector<256x65xf32>
    %slice3A_170 = vector.extract_strided_slice %exp23A_161 {offsets = [0, 0], sizes = [256, 256], strides = [1, 1]} : vector<256x2560xbf16> to vector<256x256xbf16>
    %dot_general3A_171 = arith.constant dense<0.000000e+00> : vector<256x65xf32>
    %dot_general3A_172 = tpu.matmul %slice3A_170, %concatenate3A, %dot_general3A_171 {dimension_numbers = #tpu.dot_dimension_numbers<[1], [0], [0], [1], [0, 0, 1, 1], [], []>, transpose_lhs_hint = false} : vector<256x256xbf16>, vector<256x65xbf16>, vector<256x65xf32> -> vector<256x65xf32>
    %slice3A_173 = vector.extract_strided_slice %exp23A_163 {offsets = [0, 0], sizes = [256, 256], strides = [1, 1]} : vector<256x2560xbf16> to vector<256x256xbf16>
    %dot_general3A_174 = arith.constant dense<0.000000e+00> : vector<256x65xf32>
    %dot_general3A_175 = tpu.matmul %slice3A_173, %concatenate3A, %dot_general3A_174 {dimension_numbers = #tpu.dot_dimension_numbers<[1], [0], [0], [1], [0, 0, 1, 1], [], []>, transpose_lhs_hint = false} : vector<256x256xbf16>, vector<256x65xbf16>, vector<256x65xf32> -> vector<256x65xf32>
    %slice3A_176 = vector.extract_strided_slice %exp23A {offsets = [0, 256], sizes = [256, 256], strides = [1, 1]} : vector<256x2560xbf16> to vector<256x256xbf16>
    %dot_general3A_177 = arith.constant dense<0.000000e+00> : vector<256x65xf32>
    %dot_general3A_178 = tpu.matmul %slice3A_176, %concatenate3A_84, %dot_general3A_177 {dimension_numbers = #tpu.dot_dimension_numbers<[1], [0], [0], [1], [0, 0, 1, 1], [], []>, transpose_lhs_hint = false} : vector<256x256xbf16>, vector<256x65xbf16>, vector<256x65xf32> -> vector<256x65xf32>
    %slice3A_179 = vector.extract_strided_slice %exp23A_159 {offsets = [0, 256], sizes = [256, 256], strides = [1, 1]} : vector<256x2560xbf16> to vector<256x256xbf16>
    %dot_general3A_180 = arith.constant dense<0.000000e+00> : vector<256x65xf32>
    %dot_general3A_181 = tpu.matmul %slice3A_179, %concatenate3A_84, %dot_general3A_180 {dimension_numbers = #tpu.dot_dimension_numbers<[1], [0], [0], [1], [0, 0, 1, 1], [], []>, transpose_lhs_hint = false} : vector<256x256xbf16>, vector<256x65xbf16>, vector<256x65xf32> -> vector<256x65xf32>
    %slice3A_182 = vector.extract_strided_slice %exp23A_161 {offsets = [0, 256], sizes = [256, 256], strides = [1, 1]} : vector<256x2560xbf16> to vector<256x256xbf16>
    %dot_general3A_183 = arith.constant dense<0.000000e+00> : vector<256x65xf32>
    %dot_general3A_184 = tpu.matmul %slice3A_182, %concatenate3A_84, %dot_general3A_183 {dimension_numbers = #tpu.dot_dimension_numbers<[1], [0], [0], [1], [0, 0, 1, 1], [], []>, transpose_lhs_hint = false} : vector<256x256xbf16>, vector<256x65xbf16>, vector<256x65xf32> -> vector<256x65xf32>
    %slice3A_185 = vector.extract_strided_slice %exp23A_163 {offsets = [0, 256], sizes = [256, 256], strides = [1, 1]} : vector<256x2560xbf16> to vector<256x256xbf16>
    %dot_general3A_186 = arith.constant dense<0.000000e+00> : vector<256x65xf32>
    %dot_general3A_187 = tpu.matmul %slice3A_185, %concatenate3A_84, %dot_general3A_186 {dimension_numbers = #tpu.dot_dimension_numbers<[1], [0], [0], [1], [0, 0, 1, 1], [], []>, transpose_lhs_hint = false} : vector<256x256xbf16>, vector<256x65xbf16>, vector<256x65xf32> -> vector<256x65xf32>
    %slice3A_188 = vector.extract_strided_slice %exp23A {offsets = [0, 512], sizes = [256, 256], strides = [1, 1]} : vector<256x2560xbf16> to vector<256x256xbf16>
    %dot_general3A_189 = arith.constant dense<0.000000e+00> : vector<256x65xf32>
    %dot_general3A_190 = tpu.matmul %slice3A_188, %concatenate3A_86, %dot_general3A_189 {dimension_numbers = #tpu.dot_dimension_numbers<[1], [0], [0], [1], [0, 0, 1, 1], [], []>, transpose_lhs_hint = false} : vector<256x256xbf16>, vector<256x65xbf16>, vector<256x65xf32> -> vector<256x65xf32>
    %slice3A_191 = vector.extract_strided_slice %exp23A_159 {offsets = [0, 512], sizes = [256, 256], strides = [1, 1]} : vector<256x2560xbf16> to vector<256x256xbf16>
    %dot_general3A_192 = arith.constant dense<0.000000e+00> : vector<256x65xf32>
    %dot_general3A_193 = tpu.matmul %slice3A_191, %concatenate3A_86, %dot_general3A_192 {dimension_numbers = #tpu.dot_dimension_numbers<[1], [0], [0], [1], [0, 0, 1, 1], [], []>, transpose_lhs_hint = false} : vector<256x256xbf16>, vector<256x65xbf16>, vector<256x65xf32> -> vector<256x65xf32>
    %slice3A_194 = vector.extract_strided_slice %exp23A_161 {offsets = [0, 512], sizes = [256, 256], strides = [1, 1]} : vector<256x2560xbf16> to vector<256x256xbf16>
    %dot_general3A_195 = arith.constant dense<0.000000e+00> : vector<256x65xf32>
    %dot_general3A_196 = tpu.matmul %slice3A_194, %concatenate3A_86, %dot_general3A_195 {dimension_numbers = #tpu.dot_dimension_numbers<[1], [0], [0], [1], [0, 0, 1, 1], [], []>, transpose_lhs_hint = false} : vector<256x256xbf16>, vector<256x65xbf16>, vector<256x65xf32> -> vector<256x65xf32>
    %slice3A_197 = vector.extract_strided_slice %exp23A_163 {offsets = [0, 512], sizes = [256, 256], strides = [1, 1]} : vector<256x2560xbf16> to vector<256x256xbf16>
    %dot_general3A_198 = arith.constant dense<0.000000e+00> : vector<256x65xf32>
    %dot_general3A_199 = tpu.matmul %slice3A_197, %concatenate3A_86, %dot_general3A_198 {dimension_numbers = #tpu.dot_dimension_numbers<[1], [0], [0], [1], [0, 0, 1, 1], [], []>, transpose_lhs_hint = false} : vector<256x256xbf16>, vector<256x65xbf16>, vector<256x65xf32> -> vector<256x65xf32>
    %slice3A_200 = vector.extract_strided_slice %exp23A {offsets = [0, 768], sizes = [256, 256], strides = [1, 1]} : vector<256x2560xbf16> to vector<256x256xbf16>
    %dot_general3A_201 = arith.constant dense<0.000000e+00> : vector<256x65xf32>
    %dot_general3A_202 = tpu.matmul %slice3A_200, %concatenate3A_88, %dot_general3A_201 {dimension_numbers = #tpu.dot_dimension_numbers<[1], [0], [0], [1], [0, 0, 1, 1], [], []>, transpose_lhs_hint = false} : vector<256x256xbf16>, vector<256x65xbf16>, vector<256x65xf32> -> vector<256x65xf32>
    %slice3A_203 = vector.extract_strided_slice %exp23A_159 {offsets = [0, 768], sizes = [256, 256], strides = [1, 1]} : vector<256x2560xbf16> to vector<256x256xbf16>
    %dot_general3A_204 = arith.constant dense<0.000000e+00> : vector<256x65xf32>
    %dot_general3A_205 = tpu.matmul %slice3A_203, %concatenate3A_88, %dot_general3A_204 {dimension_numbers = #tpu.dot_dimension_numbers<[1], [0], [0], [1], [0, 0, 1, 1], [], []>, transpose_lhs_hint = false} : vector<256x256xbf16>, vector<256x65xbf16>, vector<256x65xf32> -> vector<256x65xf32>
    %slice3A_206 = vector.extract_strided_slice %exp23A_161 {offsets = [0, 768], sizes = [256, 256], strides = [1, 1]} : vector<256x2560xbf16> to vector<256x256xbf16>
    %dot_general3A_207 = arith.constant dense<0.000000e+00> : vector<256x65xf32>
    %dot_general3A_208 = tpu.matmul %slice3A_206, %concatenate3A_88, %dot_general3A_207 {dimension_numbers = #tpu.dot_dimension_numbers<[1], [0], [0], [1], [0, 0, 1, 1], [], []>, transpose_lhs_hint = false} : vector<256x256xbf16>, vector<256x65xbf16>, vector<256x65xf32> -> vector<256x65xf32>
    %slice3A_209 = vector.extract_strided_slice %exp23A_163 {offsets = [0, 768], sizes = [256, 256], strides = [1, 1]} : vector<256x2560xbf16> to vector<256x256xbf16>
    %dot_general3A_210 = arith.constant dense<0.000000e+00> : vector<256x65xf32>
    %dot_general3A_211 = tpu.matmul %slice3A_209, %concatenate3A_88, %dot_general3A_210 {dimension_numbers = #tpu.dot_dimension_numbers<[1], [0], [0], [1], [0, 0, 1, 1], [], []>, transpose_lhs_hint = false} : vector<256x256xbf16>, vector<256x65xbf16>, vector<256x65xf32> -> vector<256x65xf32>
    %slice3A_212 = vector.extract_strided_slice %exp23A {offsets = [0, 1024], sizes = [256, 256], strides = [1, 1]} : vector<256x2560xbf16> to vector<256x256xbf16>
    %dot_general3A_213 = arith.constant dense<0.000000e+00> : vector<256x65xf32>
    %dot_general3A_214 = tpu.matmul %slice3A_212, %concatenate3A_90, %dot_general3A_213 {dimension_numbers = #tpu.dot_dimension_numbers<[1], [0], [0], [1], [0, 0, 1, 1], [], []>, transpose_lhs_hint = false} : vector<256x256xbf16>, vector<256x65xbf16>, vector<256x65xf32> -> vector<256x65xf32>
    %slice3A_215 = vector.extract_strided_slice %exp23A_159 {offsets = [0, 1024], sizes = [256, 256], strides = [1, 1]} : vector<256x2560xbf16> to vector<256x256xbf16>
    %dot_general3A_216 = arith.constant dense<0.000000e+00> : vector<256x65xf32>
    %dot_general3A_217 = tpu.matmul %slice3A_215, %concatenate3A_90, %dot_general3A_216 {dimension_numbers = #tpu.dot_dimension_numbers<[1], [0], [0], [1], [0, 0, 1, 1], [], []>, transpose_lhs_hint = false} : vector<256x256xbf16>, vector<256x65xbf16>, vector<256x65xf32> -> vector<256x65xf32>
    %slice3A_218 = vector.extract_strided_slice %exp23A_161 {offsets = [0, 1024], sizes = [256, 256], strides = [1, 1]} : vector<256x2560xbf16> to vector<256x256xbf16>
    %dot_general3A_219 = arith.constant dense<0.000000e+00> : vector<256x65xf32>
    %dot_general3A_220 = tpu.matmul %slice3A_218, %concatenate3A_90, %dot_general3A_219 {dimension_numbers = #tpu.dot_dimension_numbers<[1], [0], [0], [1], [0, 0, 1, 1], [], []>, transpose_lhs_hint = false} : vector<256x256xbf16>, vector<256x65xbf16>, vector<256x65xf32> -> vector<256x65xf32>
    %slice3A_221 = vector.extract_strided_slice %exp23A_163 {offsets = [0, 1024], sizes = [256, 256], strides = [1, 1]} : vector<256x2560xbf16> to vector<256x256xbf16>
    %dot_general3A_222 = arith.constant dense<0.000000e+00> : vector<256x65xf32>
    %dot_general3A_223 = tpu.matmul %slice3A_221, %concatenate3A_90, %dot_general3A_222 {dimension_numbers = #tpu.dot_dimension_numbers<[1], [0], [0], [1], [0, 0, 1, 1], [], []>, transpose_lhs_hint = false} : vector<256x256xbf16>, vector<256x65xbf16>, vector<256x65xf32> -> vector<256x65xf32>
    %slice3A_224 = vector.extract_strided_slice %exp23A {offsets = [0, 1280], sizes = [256, 256], strides = [1, 1]} : vector<256x2560xbf16> to vector<256x256xbf16>
    %dot_general3A_225 = arith.constant dense<0.000000e+00> : vector<256x65xf32>
    %dot_general3A_226 = tpu.matmul %slice3A_224, %concatenate3A_92, %dot_general3A_225 {dimension_numbers = #tpu.dot_dimension_numbers<[1], [0], [0], [1], [0, 0, 1, 1], [], []>, transpose_lhs_hint = false} : vector<256x256xbf16>, vector<256x65xbf16>, vector<256x65xf32> -> vector<256x65xf32>
    %slice3A_227 = vector.extract_strided_slice %exp23A_159 {offsets = [0, 1280], sizes = [256, 256], strides = [1, 1]} : vector<256x2560xbf16> to vector<256x256xbf16>
    %dot_general3A_228 = arith.constant dense<0.000000e+00> : vector<256x65xf32>
    %dot_general3A_229 = tpu.matmul %slice3A_227, %concatenate3A_92, %dot_general3A_228 {dimension_numbers = #tpu.dot_dimension_numbers<[1], [0], [0], [1], [0, 0, 1, 1], [], []>, transpose_lhs_hint = false} : vector<256x256xbf16>, vector<256x65xbf16>, vector<256x65xf32> -> vector<256x65xf32>
    %slice3A_230 = vector.extract_strided_slice %exp23A_161 {offsets = [0, 1280], sizes = [256, 256], strides = [1, 1]} : vector<256x2560xbf16> to vector<256x256xbf16>
    %dot_general3A_231 = arith.constant dense<0.000000e+00> : vector<256x65xf32>
    %dot_general3A_232 = tpu.matmul %slice3A_230, %concatenate3A_92, %dot_general3A_231 {dimension_numbers = #tpu.dot_dimension_numbers<[1], [0], [0], [1], [0, 0, 1, 1], [], []>, transpose_lhs_hint = false} : vector<256x256xbf16>, vector<256x65xbf16>, vector<256x65xf32> -> vector<256x65xf32>
    %slice3A_233 = vector.extract_strided_slice %exp23A_163 {offsets = [0, 1280], sizes = [256, 256], strides = [1, 1]} : vector<256x2560xbf16> to vector<256x256xbf16>
    %dot_general3A_234 = arith.constant dense<0.000000e+00> : vector<256x65xf32>
    %dot_general3A_235 = tpu.matmul %slice3A_233, %concatenate3A_92, %dot_general3A_234 {dimension_numbers = #tpu.dot_dimension_numbers<[1], [0], [0], [1], [0, 0, 1, 1], [], []>, transpose_lhs_hint = false} : vector<256x256xbf16>, vector<256x65xbf16>, vector<256x65xf32> -> vector<256x65xf32>
    %slice3A_236 = vector.extract_strided_slice %exp23A {offsets = [0, 1536], sizes = [256, 256], strides = [1, 1]} : vector<256x2560xbf16> to vector<256x256xbf16>
    %dot_general3A_237 = arith.constant dense<0.000000e+00> : vector<256x65xf32>
    %dot_general3A_238 = tpu.matmul %slice3A_236, %concatenate3A_94, %dot_general3A_237 {dimension_numbers = #tpu.dot_dimension_numbers<[1], [0], [0], [1], [0, 0, 1, 1], [], []>, transpose_lhs_hint = false} : vector<256x256xbf16>, vector<256x65xbf16>, vector<256x65xf32> -> vector<256x65xf32>
    %slice3A_239 = vector.extract_strided_slice %exp23A_159 {offsets = [0, 1536], sizes = [256, 256], strides = [1, 1]} : vector<256x2560xbf16> to vector<256x256xbf16>
    %dot_general3A_240 = arith.constant dense<0.000000e+00> : vector<256x65xf32>
    %dot_general3A_241 = tpu.matmul %slice3A_239, %concatenate3A_94, %dot_general3A_240 {dimension_numbers = #tpu.dot_dimension_numbers<[1], [0], [0], [1], [0, 0, 1, 1], [], []>, transpose_lhs_hint = false} : vector<256x256xbf16>, vector<256x65xbf16>, vector<256x65xf32> -> vector<256x65xf32>
    %slice3A_242 = vector.extract_strided_slice %exp23A_161 {offsets = [0, 1536], sizes = [256, 256], strides = [1, 1]} : vector<256x2560xbf16> to vector<256x256xbf16>
    %dot_general3A_243 = arith.constant dense<0.000000e+00> : vector<256x65xf32>
    %dot_general3A_244 = tpu.matmul %slice3A_242, %concatenate3A_94, %dot_general3A_243 {dimension_numbers = #tpu.dot_dimension_numbers<[1], [0], [0], [1], [0, 0, 1, 1], [], []>, transpose_lhs_hint = false} : vector<256x256xbf16>, vector<256x65xbf16>, vector<256x65xf32> -> vector<256x65xf32>
    %slice3A_245 = vector.extract_strided_slice %exp23A_163 {offsets = [0, 1536], sizes = [256, 256], strides = [1, 1]} : vector<256x2560xbf16> to vector<256x256xbf16>
    %dot_general3A_246 = arith.constant dense<0.000000e+00> : vector<256x65xf32>
    %dot_general3A_247 = tpu.matmul %slice3A_245, %concatenate3A_94, %dot_general3A_246 {dimension_numbers = #tpu.dot_dimension_numbers<[1], [0], [0], [1], [0, 0, 1, 1], [], []>, transpose_lhs_hint = false} : vector<256x256xbf16>, vector<256x65xbf16>, vector<256x65xf32> -> vector<256x65xf32>
    %slice3A_248 = vector.extract_strided_slice %exp23A {offsets = [0, 1792], sizes = [256, 256], strides = [1, 1]} : vector<256x2560xbf16> to vector<256x256xbf16>
    %dot_general3A_249 = arith.constant dense<0.000000e+00> : vector<256x65xf32>
    %dot_general3A_250 = tpu.matmul %slice3A_248, %concatenate3A_96, %dot_general3A_249 {dimension_numbers = #tpu.dot_dimension_numbers<[1], [0], [0], [1], [0, 0, 1, 1], [], []>, transpose_lhs_hint = false} : vector<256x256xbf16>, vector<256x65xbf16>, vector<256x65xf32> -> vector<256x65xf32>
    %slice3A_251 = vector.extract_strided_slice %exp23A_159 {offsets = [0, 1792], sizes = [256, 256], strides = [1, 1]} : vector<256x2560xbf16> to vector<256x256xbf16>
    %dot_general3A_252 = arith.constant dense<0.000000e+00> : vector<256x65xf32>
    %dot_general3A_253 = tpu.matmul %slice3A_251, %concatenate3A_96, %dot_general3A_252 {dimension_numbers = #tpu.dot_dimension_numbers<[1], [0], [0], [1], [0, 0, 1, 1], [], []>, transpose_lhs_hint = false} : vector<256x256xbf16>, vector<256x65xbf16>, vector<256x65xf32> -> vector<256x65xf32>
    %slice3A_254 = vector.extract_strided_slice %exp23A_161 {offsets = [0, 1792], sizes = [256, 256], strides = [1, 1]} : vector<256x2560xbf16> to vector<256x256xbf16>
    %dot_general3A_255 = arith.constant dense<0.000000e+00> : vector<256x65xf32>
    %dot_general3A_256 = tpu.matmul %slice3A_254, %concatenate3A_96, %dot_general3A_255 {dimension_numbers = #tpu.dot_dimension_numbers<[1], [0], [0], [1], [0, 0, 1, 1], [], []>, transpose_lhs_hint = false} : vector<256x256xbf16>, vector<256x65xbf16>, vector<256x65xf32> -> vector<256x65xf32>
    %slice3A_257 = vector.extract_strided_slice %exp23A_163 {offsets = [0, 1792], sizes = [256, 256], strides = [1, 1]} : vector<256x2560xbf16> to vector<256x256xbf16>
    %dot_general3A_258 = arith.constant dense<0.000000e+00> : vector<256x65xf32>
    %dot_general3A_259 = tpu.matmul %slice3A_257, %concatenate3A_96, %dot_general3A_258 {dimension_numbers = #tpu.dot_dimension_numbers<[1], [0], [0], [1], [0, 0, 1, 1], [], []>, transpose_lhs_hint = false} : vector<256x256xbf16>, vector<256x65xbf16>, vector<256x65xf32> -> vector<256x65xf32>
    %slice3A_260 = vector.extract_strided_slice %exp23A {offsets = [0, 2048], sizes = [256, 256], strides = [1, 1]} : vector<256x2560xbf16> to vector<256x256xbf16>
    %dot_general3A_261 = arith.constant dense<0.000000e+00> : vector<256x65xf32>
    %dot_general3A_262 = tpu.matmul %slice3A_260, %concatenate3A_98, %dot_general3A_261 {dimension_numbers = #tpu.dot_dimension_numbers<[1], [0], [0], [1], [0, 0, 1, 1], [], []>, transpose_lhs_hint = false} : vector<256x256xbf16>, vector<256x65xbf16>, vector<256x65xf32> -> vector<256x65xf32>
    %slice3A_263 = vector.extract_strided_slice %exp23A_159 {offsets = [0, 2048], sizes = [256, 256], strides = [1, 1]} : vector<256x2560xbf16> to vector<256x256xbf16>
    %dot_general3A_264 = arith.constant dense<0.000000e+00> : vector<256x65xf32>
    %dot_general3A_265 = tpu.matmul %slice3A_263, %concatenate3A_98, %dot_general3A_264 {dimension_numbers = #tpu.dot_dimension_numbers<[1], [0], [0], [1], [0, 0, 1, 1], [], []>, transpose_lhs_hint = false} : vector<256x256xbf16>, vector<256x65xbf16>, vector<256x65xf32> -> vector<256x65xf32>
    %slice3A_266 = vector.extract_strided_slice %exp23A_161 {offsets = [0, 2048], sizes = [256, 256], strides = [1, 1]} : vector<256x2560xbf16> to vector<256x256xbf16>
    %dot_general3A_267 = arith.constant dense<0.000000e+00> : vector<256x65xf32>
    %dot_general3A_268 = tpu.matmul %slice3A_266, %concatenate3A_98, %dot_general3A_267 {dimension_numbers = #tpu.dot_dimension_numbers<[1], [0], [0], [1], [0, 0, 1, 1], [], []>, transpose_lhs_hint = false} : vector<256x256xbf16>, vector<256x65xbf16>, vector<256x65xf32> -> vector<256x65xf32>
    %slice3A_269 = vector.extract_strided_slice %exp23A_163 {offsets = [0, 2048], sizes = [256, 256], strides = [1, 1]} : vector<256x2560xbf16> to vector<256x256xbf16>
    %dot_general3A_270 = arith.constant dense<0.000000e+00> : vector<256x65xf32>
    %dot_general3A_271 = tpu.matmul %slice3A_269, %concatenate3A_98, %dot_general3A_270 {dimension_numbers = #tpu.dot_dimension_numbers<[1], [0], [0], [1], [0, 0, 1, 1], [], []>, transpose_lhs_hint = false} : vector<256x256xbf16>, vector<256x65xbf16>, vector<256x65xf32> -> vector<256x65xf32>
    %slice3A_272 = vector.extract_strided_slice %exp23A {offsets = [0, 2304], sizes = [256, 256], strides = [1, 1]} : vector<256x2560xbf16> to vector<256x256xbf16>
    %dot_general3A_273 = arith.constant dense<0.000000e+00> : vector<256x65xf32>
    %dot_general3A_274 = tpu.matmul %slice3A_272, %concatenate3A_100, %dot_general3A_273 {dimension_numbers = #tpu.dot_dimension_numbers<[1], [0], [0], [1], [0, 0, 1, 1], [], []>, transpose_lhs_hint = false} : vector<256x256xbf16>, vector<256x65xbf16>, vector<256x65xf32> -> vector<256x65xf32>
    %slice3A_275 = vector.extract_strided_slice %exp23A_159 {offsets = [0, 2304], sizes = [256, 256], strides = [1, 1]} : vector<256x2560xbf16> to vector<256x256xbf16>
    %dot_general3A_276 = arith.constant dense<0.000000e+00> : vector<256x65xf32>
    %dot_general3A_277 = tpu.matmul %slice3A_275, %concatenate3A_100, %dot_general3A_276 {dimension_numbers = #tpu.dot_dimension_numbers<[1], [0], [0], [1], [0, 0, 1, 1], [], []>, transpose_lhs_hint = false} : vector<256x256xbf16>, vector<256x65xbf16>, vector<256x65xf32> -> vector<256x65xf32>
    %slice3A_278 = vector.extract_strided_slice %exp23A_161 {offsets = [0, 2304], sizes = [256, 256], strides = [1, 1]} : vector<256x2560xbf16> to vector<256x256xbf16>
    %dot_general3A_279 = arith.constant dense<0.000000e+00> : vector<256x65xf32>
    %dot_general3A_280 = tpu.matmul %slice3A_278, %concatenate3A_100, %dot_general3A_279 {dimension_numbers = #tpu.dot_dimension_numbers<[1], [0], [0], [1], [0, 0, 1, 1], [], []>, transpose_lhs_hint = false} : vector<256x256xbf16>, vector<256x65xbf16>, vector<256x65xf32> -> vector<256x65xf32>
    %slice3A_281 = vector.extract_strided_slice %exp23A_163 {offsets = [0, 2304], sizes = [256, 256], strides = [1, 1]} : vector<256x2560xbf16> to vector<256x256xbf16>
    %dot_general3A_282 = arith.constant dense<0.000000e+00> : vector<256x65xf32>
    %dot_general3A_283 = tpu.matmul %slice3A_281, %concatenate3A_100, %dot_general3A_282 {dimension_numbers = #tpu.dot_dimension_numbers<[1], [0], [0], [1], [0, 0, 1, 1], [], []>, transpose_lhs_hint = false} : vector<256x256xbf16>, vector<256x65xbf16>, vector<256x65xf32> -> vector<256x65xf32>
    %slice3A_284 = vector.extract_strided_slice %dot_general3A_166 {offsets = [0, 0], sizes = [256, 16], strides = [1, 1]} : vector<256x65xf32> to vector<256x16xf32>
    %slice3A_285 = vector.extract_strided_slice %dot_general3A_166 {offsets = [0, 64], sizes = [256, 1], strides = [1, 1]} : vector<256x65xf32> to vector<256x1xf32>
    %div3A = arith.constant 1.000000e+00 : f32
    %div3A_286 = vector.broadcast %div3A : f32 to vector<256x1xf32>
    %div3A_287 = arith.divf %div3A_286, %slice3A_285 : vector<256x1xf32>
    %mul3A = vector.broadcast %div3A_287 : vector<256x1xf32> to vector<256x16xf32>
    %mul3A_288 = arith.mulf %slice3A_284, %mul3A : vector<256x16xf32>
    %slice3A_289 = vector.extract_strided_slice %dot_general3A_169 {offsets = [0, 16], sizes = [256, 16], strides = [1, 1]} : vector<256x65xf32> to vector<256x16xf32>
    %slice3A_290 = vector.extract_strided_slice %dot_general3A_169 {offsets = [0, 64], sizes = [256, 1], strides = [1, 1]} : vector<256x65xf32> to vector<256x1xf32>
    %div3A_291 = arith.constant 1.000000e+00 : f32
    %div3A_292 = vector.broadcast %div3A_291 : f32 to vector<256x1xf32>
    %div3A_293 = arith.divf %div3A_292, %slice3A_290 : vector<256x1xf32>
    %mul3A_294 = vector.broadcast %div3A_293 : vector<256x1xf32> to vector<256x16xf32>
    %mul3A_295 = arith.mulf %slice3A_289, %mul3A_294 : vector<256x16xf32>
    %slice3A_296 = vector.extract_strided_slice %dot_general3A_172 {offsets = [0, 32], sizes = [256, 16], strides = [1, 1]} : vector<256x65xf32> to vector<256x16xf32>
    %slice3A_297 = vector.extract_strided_slice %dot_general3A_172 {offsets = [0, 64], sizes = [256, 1], strides = [1, 1]} : vector<256x65xf32> to vector<256x1xf32>
    %div3A_298 = arith.constant 1.000000e+00 : f32
    %div3A_299 = vector.broadcast %div3A_298 : f32 to vector<256x1xf32>
    %div3A_300 = arith.divf %div3A_299, %slice3A_297 : vector<256x1xf32>
    %mul3A_301 = vector.broadcast %div3A_300 : vector<256x1xf32> to vector<256x16xf32>
    %mul3A_302 = arith.mulf %slice3A_296, %mul3A_301 : vector<256x16xf32>
    %slice3A_303 = vector.extract_strided_slice %dot_general3A_175 {offsets = [0, 48], sizes = [256, 16], strides = [1, 1]} : vector<256x65xf32> to vector<256x16xf32>
    %slice3A_304 = vector.extract_strided_slice %dot_general3A_175 {offsets = [0, 64], sizes = [256, 1], strides = [1, 1]} : vector<256x65xf32> to vector<256x1xf32>
    %div3A_305 = arith.constant 1.000000e+00 : f32
    %div3A_306 = vector.broadcast %div3A_305 : f32 to vector<256x1xf32>
    %div3A_307 = arith.divf %div3A_306, %slice3A_304 : vector<256x1xf32>
    %mul3A_308 = vector.broadcast %div3A_307 : vector<256x1xf32> to vector<256x16xf32>
    %mul3A_309 = arith.mulf %slice3A_303, %mul3A_308 : vector<256x16xf32>
    %concatenate3A_310 = tpu.concatenate %mul3A_288, %mul3A_295, %mul3A_302, %mul3A_309 in 1 : vector<256x16xf32>, vector<256x16xf32>, vector<256x16xf32>, vector<256x16xf32> -> vector<256x64xf32>
    %slice3A_311 = vector.extract_strided_slice %dot_general3A_178 {offsets = [0, 0], sizes = [256, 16], strides = [1, 1]} : vector<256x65xf32> to vector<256x16xf32>
    %slice3A_312 = vector.extract_strided_slice %dot_general3A_178 {offsets = [0, 64], sizes = [256, 1], strides = [1, 1]} : vector<256x65xf32> to vector<256x1xf32>
    %div3A_313 = arith.constant 1.000000e+00 : f32
    %div3A_314 = vector.broadcast %div3A_313 : f32 to vector<256x1xf32>
    %div3A_315 = arith.divf %div3A_314, %slice3A_312 : vector<256x1xf32>
    %mul3A_316 = vector.broadcast %div3A_315 : vector<256x1xf32> to vector<256x16xf32>
    %mul3A_317 = arith.mulf %slice3A_311, %mul3A_316 : vector<256x16xf32>
    %slice3A_318 = vector.extract_strided_slice %dot_general3A_181 {offsets = [0, 16], sizes = [256, 16], strides = [1, 1]} : vector<256x65xf32> to vector<256x16xf32>
    %slice3A_319 = vector.extract_strided_slice %dot_general3A_181 {offsets = [0, 64], sizes = [256, 1], strides = [1, 1]} : vector<256x65xf32> to vector<256x1xf32>
    %div3A_320 = arith.constant 1.000000e+00 : f32
    %div3A_321 = vector.broadcast %div3A_320 : f32 to vector<256x1xf32>
    %div3A_322 = arith.divf %div3A_321, %slice3A_319 : vector<256x1xf32>
    %mul3A_323 = vector.broadcast %div3A_322 : vector<256x1xf32> to vector<256x16xf32>
    %mul3A_324 = arith.mulf %slice3A_318, %mul3A_323 : vector<256x16xf32>
    %slice3A_325 = vector.extract_strided_slice %dot_general3A_184 {offsets = [0, 32], sizes = [256, 16], strides = [1, 1]} : vector<256x65xf32> to vector<256x16xf32>
    %slice3A_326 = vector.extract_strided_slice %dot_general3A_184 {offsets = [0, 64], sizes = [256, 1], strides = [1, 1]} : vector<256x65xf32> to vector<256x1xf32>
    %div3A_327 = arith.constant 1.000000e+00 : f32
    %div3A_328 = vector.broadcast %div3A_327 : f32 to vector<256x1xf32>
    %div3A_329 = arith.divf %div3A_328, %slice3A_326 : vector<256x1xf32>
    %mul3A_330 = vector.broadcast %div3A_329 : vector<256x1xf32> to vector<256x16xf32>
    %mul3A_331 = arith.mulf %slice3A_325, %mul3A_330 : vector<256x16xf32>
    %slice3A_332 = vector.extract_strided_slice %dot_general3A_187 {offsets = [0, 48], sizes = [256, 16], strides = [1, 1]} : vector<256x65xf32> to vector<256x16xf32>
    %slice3A_333 = vector.extract_strided_slice %dot_general3A_187 {offsets = [0, 64], sizes = [256, 1], strides = [1, 1]} : vector<256x65xf32> to vector<256x1xf32>
    %div3A_334 = arith.constant 1.000000e+00 : f32
    %div3A_335 = vector.broadcast %div3A_334 : f32 to vector<256x1xf32>
    %div3A_336 = arith.divf %div3A_335, %slice3A_333 : vector<256x1xf32>
    %mul3A_337 = vector.broadcast %div3A_336 : vector<256x1xf32> to vector<256x16xf32>
    %mul3A_338 = arith.mulf %slice3A_332, %mul3A_337 : vector<256x16xf32>
    %concatenate3A_339 = tpu.concatenate %mul3A_317, %mul3A_324, %mul3A_331, %mul3A_338 in 1 : vector<256x16xf32>, vector<256x16xf32>, vector<256x16xf32>, vector<256x16xf32> -> vector<256x64xf32>
    %slice3A_340 = vector.extract_strided_slice %dot_general3A_190 {offsets = [0, 0], sizes = [256, 16], strides = [1, 1]} : vector<256x65xf32> to vector<256x16xf32>
    %slice3A_341 = vector.extract_strided_slice %dot_general3A_190 {offsets = [0, 64], sizes = [256, 1], strides = [1, 1]} : vector<256x65xf32> to vector<256x1xf32>
    %div3A_342 = arith.constant 1.000000e+00 : f32
    %div3A_343 = vector.broadcast %div3A_342 : f32 to vector<256x1xf32>
    %div3A_344 = arith.divf %div3A_343, %slice3A_341 : vector<256x1xf32>
    %mul3A_345 = vector.broadcast %div3A_344 : vector<256x1xf32> to vector<256x16xf32>
    %mul3A_346 = arith.mulf %slice3A_340, %mul3A_345 : vector<256x16xf32>
    %slice3A_347 = vector.extract_strided_slice %dot_general3A_193 {offsets = [0, 16], sizes = [256, 16], strides = [1, 1]} : vector<256x65xf32> to vector<256x16xf32>
    %slice3A_348 = vector.extract_strided_slice %dot_general3A_193 {offsets = [0, 64], sizes = [256, 1], strides = [1, 1]} : vector<256x65xf32> to vector<256x1xf32>
    %div3A_349 = arith.constant 1.000000e+00 : f32
    %div3A_350 = vector.broadcast %div3A_349 : f32 to vector<256x1xf32>
    %div3A_351 = arith.divf %div3A_350, %slice3A_348 : vector<256x1xf32>
    %mul3A_352 = vector.broadcast %div3A_351 : vector<256x1xf32> to vector<256x16xf32>
    %mul3A_353 = arith.mulf %slice3A_347, %mul3A_352 : vector<256x16xf32>
    %slice3A_354 = vector.extract_strided_slice %dot_general3A_196 {offsets = [0, 32], sizes = [256, 16], strides = [1, 1]} : vector<256x65xf32> to vector<256x16xf32>
    %slice3A_355 = vector.extract_strided_slice %dot_general3A_196 {offsets = [0, 64], sizes = [256, 1], strides = [1, 1]} : vector<256x65xf32> to vector<256x1xf32>
    %div3A_356 = arith.constant 1.000000e+00 : f32
    %div3A_357 = vector.broadcast %div3A_356 : f32 to vector<256x1xf32>
    %div3A_358 = arith.divf %div3A_357, %slice3A_355 : vector<256x1xf32>
    %mul3A_359 = vector.broadcast %div3A_358 : vector<256x1xf32> to vector<256x16xf32>
    %mul3A_360 = arith.mulf %slice3A_354, %mul3A_359 : vector<256x16xf32>
    %slice3A_361 = vector.extract_strided_slice %dot_general3A_199 {offsets = [0, 48], sizes = [256, 16], strides = [1, 1]} : vector<256x65xf32> to vector<256x16xf32>
    %slice3A_362 = vector.extract_strided_slice %dot_general3A_199 {offsets = [0, 64], sizes = [256, 1], strides = [1, 1]} : vector<256x65xf32> to vector<256x1xf32>
    %div3A_363 = arith.constant 1.000000e+00 : f32
    %div3A_364 = vector.broadcast %div3A_363 : f32 to vector<256x1xf32>
    %div3A_365 = arith.divf %div3A_364, %slice3A_362 : vector<256x1xf32>
    %mul3A_366 = vector.broadcast %div3A_365 : vector<256x1xf32> to vector<256x16xf32>
    %mul3A_367 = arith.mulf %slice3A_361, %mul3A_366 : vector<256x16xf32>
    %concatenate3A_368 = tpu.concatenate %mul3A_346, %mul3A_353, %mul3A_360, %mul3A_367 in 1 : vector<256x16xf32>, vector<256x16xf32>, vector<256x16xf32>, vector<256x16xf32> -> vector<256x64xf32>
    %slice3A_369 = vector.extract_strided_slice %dot_general3A_202 {offsets = [0, 0], sizes = [256, 16], strides = [1, 1]} : vector<256x65xf32> to vector<256x16xf32>
    %slice3A_370 = vector.extract_strided_slice %dot_general3A_202 {offsets = [0, 64], sizes = [256, 1], strides = [1, 1]} : vector<256x65xf32> to vector<256x1xf32>
    %div3A_371 = arith.constant 1.000000e+00 : f32
    %div3A_372 = vector.broadcast %div3A_371 : f32 to vector<256x1xf32>
    %div3A_373 = arith.divf %div3A_372, %slice3A_370 : vector<256x1xf32>
    %mul3A_374 = vector.broadcast %div3A_373 : vector<256x1xf32> to vector<256x16xf32>
    %mul3A_375 = arith.mulf %slice3A_369, %mul3A_374 : vector<256x16xf32>
    %slice3A_376 = vector.extract_strided_slice %dot_general3A_205 {offsets = [0, 16], sizes = [256, 16], strides = [1, 1]} : vector<256x65xf32> to vector<256x16xf32>
    %slice3A_377 = vector.extract_strided_slice %dot_general3A_205 {offsets = [0, 64], sizes = [256, 1], strides = [1, 1]} : vector<256x65xf32> to vector<256x1xf32>
    %div3A_378 = arith.constant 1.000000e+00 : f32
    %div3A_379 = vector.broadcast %div3A_378 : f32 to vector<256x1xf32>
    %div3A_380 = arith.divf %div3A_379, %slice3A_377 : vector<256x1xf32>
    %mul3A_381 = vector.broadcast %div3A_380 : vector<256x1xf32> to vector<256x16xf32>
    %mul3A_382 = arith.mulf %slice3A_376, %mul3A_381 : vector<256x16xf32>
    %slice3A_383 = vector.extract_strided_slice %dot_general3A_208 {offsets = [0, 32], sizes = [256, 16], strides = [1, 1]} : vector<256x65xf32> to vector<256x16xf32>
    %slice3A_384 = vector.extract_strided_slice %dot_general3A_208 {offsets = [0, 64], sizes = [256, 1], strides = [1, 1]} : vector<256x65xf32> to vector<256x1xf32>
    %div3A_385 = arith.constant 1.000000e+00 : f32
    %div3A_386 = vector.broadcast %div3A_385 : f32 to vector<256x1xf32>
    %div3A_387 = arith.divf %div3A_386, %slice3A_384 : vector<256x1xf32>
    %mul3A_388 = vector.broadcast %div3A_387 : vector<256x1xf32> to vector<256x16xf32>
    %mul3A_389 = arith.mulf %slice3A_383, %mul3A_388 : vector<256x16xf32>
    %slice3A_390 = vector.extract_strided_slice %dot_general3A_211 {offsets = [0, 48], sizes = [256, 16], strides = [1, 1]} : vector<256x65xf32> to vector<256x16xf32>
    %slice3A_391 = vector.extract_strided_slice %dot_general3A_211 {offsets = [0, 64], sizes = [256, 1], strides = [1, 1]} : vector<256x65xf32> to vector<256x1xf32>
    %div3A_392 = arith.constant 1.000000e+00 : f32
    %div3A_393 = vector.broadcast %div3A_392 : f32 to vector<256x1xf32>
    %div3A_394 = arith.divf %div3A_393, %slice3A_391 : vector<256x1xf32>
    %mul3A_395 = vector.broadcast %div3A_394 : vector<256x1xf32> to vector<256x16xf32>
    %mul3A_396 = arith.mulf %slice3A_390, %mul3A_395 : vector<256x16xf32>
    %concatenate3A_397 = tpu.concatenate %mul3A_375, %mul3A_382, %mul3A_389, %mul3A_396 in 1 : vector<256x16xf32>, vector<256x16xf32>, vector<256x16xf32>, vector<256x16xf32> -> vector<256x64xf32>
    %slice3A_398 = vector.extract_strided_slice %dot_general3A_214 {offsets = [0, 0], sizes = [256, 16], strides = [1, 1]} : vector<256x65xf32> to vector<256x16xf32>
    %slice3A_399 = vector.extract_strided_slice %dot_general3A_214 {offsets = [0, 64], sizes = [256, 1], strides = [1, 1]} : vector<256x65xf32> to vector<256x1xf32>
    %div3A_400 = arith.constant 1.000000e+00 : f32
    %div3A_401 = vector.broadcast %div3A_400 : f32 to vector<256x1xf32>
    %div3A_402 = arith.divf %div3A_401, %slice3A_399 : vector<256x1xf32>
    %mul3A_403 = vector.broadcast %div3A_402 : vector<256x1xf32> to vector<256x16xf32>
    %mul3A_404 = arith.mulf %slice3A_398, %mul3A_403 : vector<256x16xf32>
    %slice3A_405 = vector.extract_strided_slice %dot_general3A_217 {offsets = [0, 16], sizes = [256, 16], strides = [1, 1]} : vector<256x65xf32> to vector<256x16xf32>
    %slice3A_406 = vector.extract_strided_slice %dot_general3A_217 {offsets = [0, 64], sizes = [256, 1], strides = [1, 1]} : vector<256x65xf32> to vector<256x1xf32>
    %div3A_407 = arith.constant 1.000000e+00 : f32
    %div3A_408 = vector.broadcast %div3A_407 : f32 to vector<256x1xf32>
    %div3A_409 = arith.divf %div3A_408, %slice3A_406 : vector<256x1xf32>
    %mul3A_410 = vector.broadcast %div3A_409 : vector<256x1xf32> to vector<256x16xf32>
    %mul3A_411 = arith.mulf %slice3A_405, %mul3A_410 : vector<256x16xf32>
    %slice3A_412 = vector.extract_strided_slice %dot_general3A_220 {offsets = [0, 32], sizes = [256, 16], strides = [1, 1]} : vector<256x65xf32> to vector<256x16xf32>
    %slice3A_413 = vector.extract_strided_slice %dot_general3A_220 {offsets = [0, 64], sizes = [256, 1], strides = [1, 1]} : vector<256x65xf32> to vector<256x1xf32>
    %div3A_414 = arith.constant 1.000000e+00 : f32
    %div3A_415 = vector.broadcast %div3A_414 : f32 to vector<256x1xf32>
    %div3A_416 = arith.divf %div3A_415, %slice3A_413 : vector<256x1xf32>
    %mul3A_417 = vector.broadcast %div3A_416 : vector<256x1xf32> to vector<256x16xf32>
    %mul3A_418 = arith.mulf %slice3A_412, %mul3A_417 : vector<256x16xf32>
    %slice3A_419 = vector.extract_strided_slice %dot_general3A_223 {offsets = [0, 48], sizes = [256, 16], strides = [1, 1]} : vector<256x65xf32> to vector<256x16xf32>
    %slice3A_420 = vector.extract_strided_slice %dot_general3A_223 {offsets = [0, 64], sizes = [256, 1], strides = [1, 1]} : vector<256x65xf32> to vector<256x1xf32>
    %div3A_421 = arith.constant 1.000000e+00 : f32
    %div3A_422 = vector.broadcast %div3A_421 : f32 to vector<256x1xf32>
    %div3A_423 = arith.divf %div3A_422, %slice3A_420 : vector<256x1xf32>
    %mul3A_424 = vector.broadcast %div3A_423 : vector<256x1xf32> to vector<256x16xf32>
    %mul3A_425 = arith.mulf %slice3A_419, %mul3A_424 : vector<256x16xf32>
    %concatenate3A_426 = tpu.concatenate %mul3A_404, %mul3A_411, %mul3A_418, %mul3A_425 in 1 : vector<256x16xf32>, vector<256x16xf32>, vector<256x16xf32>, vector<256x16xf32> -> vector<256x64xf32>
    %slice3A_427 = vector.extract_strided_slice %dot_general3A_226 {offsets = [0, 0], sizes = [256, 16], strides = [1, 1]} : vector<256x65xf32> to vector<256x16xf32>
    %slice3A_428 = vector.extract_strided_slice %dot_general3A_226 {offsets = [0, 64], sizes = [256, 1], strides = [1, 1]} : vector<256x65xf32> to vector<256x1xf32>
    %div3A_429 = arith.constant 1.000000e+00 : f32
    %div3A_430 = vector.broadcast %div3A_429 : f32 to vector<256x1xf32>
    %div3A_431 = arith.divf %div3A_430, %slice3A_428 : vector<256x1xf32>
    %mul3A_432 = vector.broadcast %div3A_431 : vector<256x1xf32> to vector<256x16xf32>
    %mul3A_433 = arith.mulf %slice3A_427, %mul3A_432 : vector<256x16xf32>
    %slice3A_434 = vector.extract_strided_slice %dot_general3A_229 {offsets = [0, 16], sizes = [256, 16], strides = [1, 1]} : vector<256x65xf32> to vector<256x16xf32>
    %slice3A_435 = vector.extract_strided_slice %dot_general3A_229 {offsets = [0, 64], sizes = [256, 1], strides = [1, 1]} : vector<256x65xf32> to vector<256x1xf32>
    %div3A_436 = arith.constant 1.000000e+00 : f32
    %div3A_437 = vector.broadcast %div3A_436 : f32 to vector<256x1xf32>
    %div3A_438 = arith.divf %div3A_437, %slice3A_435 : vector<256x1xf32>
    %mul3A_439 = vector.broadcast %div3A_438 : vector<256x1xf32> to vector<256x16xf32>
    %mul3A_440 = arith.mulf %slice3A_434, %mul3A_439 : vector<256x16xf32>
    %slice3A_441 = vector.extract_strided_slice %dot_general3A_232 {offsets = [0, 32], sizes = [256, 16], strides = [1, 1]} : vector<256x65xf32> to vector<256x16xf32>
    %slice3A_442 = vector.extract_strided_slice %dot_general3A_232 {offsets = [0, 64], sizes = [256, 1], strides = [1, 1]} : vector<256x65xf32> to vector<256x1xf32>
    %div3A_443 = arith.constant 1.000000e+00 : f32
    %div3A_444 = vector.broadcast %div3A_443 : f32 to vector<256x1xf32>
    %div3A_445 = arith.divf %div3A_444, %slice3A_442 : vector<256x1xf32>
    %mul3A_446 = vector.broadcast %div3A_445 : vector<256x1xf32> to vector<256x16xf32>
    %mul3A_447 = arith.mulf %slice3A_441, %mul3A_446 : vector<256x16xf32>
    %slice3A_448 = vector.extract_strided_slice %dot_general3A_235 {offsets = [0, 48], sizes = [256, 16], strides = [1, 1]} : vector<256x65xf32> to vector<256x16xf32>
    %slice3A_449 = vector.extract_strided_slice %dot_general3A_235 {offsets = [0, 64], sizes = [256, 1], strides = [1, 1]} : vector<256x65xf32> to vector<256x1xf32>
    %div3A_450 = arith.constant 1.000000e+00 : f32
    %div3A_451 = vector.broadcast %div3A_450 : f32 to vector<256x1xf32>
    %div3A_452 = arith.divf %div3A_451, %slice3A_449 : vector<256x1xf32>
    %mul3A_453 = vector.broadcast %div3A_452 : vector<256x1xf32> to vector<256x16xf32>
    %mul3A_454 = arith.mulf %slice3A_448, %mul3A_453 : vector<256x16xf32>
    %concatenate3A_455 = tpu.concatenate %mul3A_433, %mul3A_440, %mul3A_447, %mul3A_454 in 1 : vector<256x16xf32>, vector<256x16xf32>, vector<256x16xf32>, vector<256x16xf32> -> vector<256x64xf32>
    %slice3A_456 = vector.extract_strided_slice %dot_general3A_238 {offsets = [0, 0], sizes = [256, 16], strides = [1, 1]} : vector<256x65xf32> to vector<256x16xf32>
    %slice3A_457 = vector.extract_strided_slice %dot_general3A_238 {offsets = [0, 64], sizes = [256, 1], strides = [1, 1]} : vector<256x65xf32> to vector<256x1xf32>
    %div3A_458 = arith.constant 1.000000e+00 : f32
    %div3A_459 = vector.broadcast %div3A_458 : f32 to vector<256x1xf32>
    %div3A_460 = arith.divf %div3A_459, %slice3A_457 : vector<256x1xf32>
    %mul3A_461 = vector.broadcast %div3A_460 : vector<256x1xf32> to vector<256x16xf32>
    %mul3A_462 = arith.mulf %slice3A_456, %mul3A_461 : vector<256x16xf32>
    %slice3A_463 = vector.extract_strided_slice %dot_general3A_241 {offsets = [0, 16], sizes = [256, 16], strides = [1, 1]} : vector<256x65xf32> to vector<256x16xf32>
    %slice3A_464 = vector.extract_strided_slice %dot_general3A_241 {offsets = [0, 64], sizes = [256, 1], strides = [1, 1]} : vector<256x65xf32> to vector<256x1xf32>
    %div3A_465 = arith.constant 1.000000e+00 : f32
    %div3A_466 = vector.broadcast %div3A_465 : f32 to vector<256x1xf32>
    %div3A_467 = arith.divf %div3A_466, %slice3A_464 : vector<256x1xf32>
    %mul3A_468 = vector.broadcast %div3A_467 : vector<256x1xf32> to vector<256x16xf32>
    %mul3A_469 = arith.mulf %slice3A_463, %mul3A_468 : vector<256x16xf32>
    %slice3A_470 = vector.extract_strided_slice %dot_general3A_244 {offsets = [0, 32], sizes = [256, 16], strides = [1, 1]} : vector<256x65xf32> to vector<256x16xf32>
    %slice3A_471 = vector.extract_strided_slice %dot_general3A_244 {offsets = [0, 64], sizes = [256, 1], strides = [1, 1]} : vector<256x65xf32> to vector<256x1xf32>
    %div3A_472 = arith.constant 1.000000e+00 : f32
    %div3A_473 = vector.broadcast %div3A_472 : f32 to vector<256x1xf32>
    %div3A_474 = arith.divf %div3A_473, %slice3A_471 : vector<256x1xf32>
    %mul3A_475 = vector.broadcast %div3A_474 : vector<256x1xf32> to vector<256x16xf32>
    %mul3A_476 = arith.mulf %slice3A_470, %mul3A_475 : vector<256x16xf32>
    %slice3A_477 = vector.extract_strided_slice %dot_general3A_247 {offsets = [0, 48], sizes = [256, 16], strides = [1, 1]} : vector<256x65xf32> to vector<256x16xf32>
    %slice3A_478 = vector.extract_strided_slice %dot_general3A_247 {offsets = [0, 64], sizes = [256, 1], strides = [1, 1]} : vector<256x65xf32> to vector<256x1xf32>
    %div3A_479 = arith.constant 1.000000e+00 : f32
    %div3A_480 = vector.broadcast %div3A_479 : f32 to vector<256x1xf32>
    %div3A_481 = arith.divf %div3A_480, %slice3A_478 : vector<256x1xf32>
    %mul3A_482 = vector.broadcast %div3A_481 : vector<256x1xf32> to vector<256x16xf32>
    %mul3A_483 = arith.mulf %slice3A_477, %mul3A_482 : vector<256x16xf32>
    %concatenate3A_484 = tpu.concatenate %mul3A_462, %mul3A_469, %mul3A_476, %mul3A_483 in 1 : vector<256x16xf32>, vector<256x16xf32>, vector<256x16xf32>, vector<256x16xf32> -> vector<256x64xf32>
    %slice3A_485 = vector.extract_strided_slice %dot_general3A_250 {offsets = [0, 0], sizes = [256, 16], strides = [1, 1]} : vector<256x65xf32> to vector<256x16xf32>
    %slice3A_486 = vector.extract_strided_slice %dot_general3A_250 {offsets = [0, 64], sizes = [256, 1], strides = [1, 1]} : vector<256x65xf32> to vector<256x1xf32>
    %div3A_487 = arith.constant 1.000000e+00 : f32
    %div3A_488 = vector.broadcast %div3A_487 : f32 to vector<256x1xf32>
    %div3A_489 = arith.divf %div3A_488, %slice3A_486 : vector<256x1xf32>
    %mul3A_490 = vector.broadcast %div3A_489 : vector<256x1xf32> to vector<256x16xf32>
    %mul3A_491 = arith.mulf %slice3A_485, %mul3A_490 : vector<256x16xf32>
    %slice3A_492 = vector.extract_strided_slice %dot_general3A_253 {offsets = [0, 16], sizes = [256, 16], strides = [1, 1]} : vector<256x65xf32> to vector<256x16xf32>
    %slice3A_493 = vector.extract_strided_slice %dot_general3A_253 {offsets = [0, 64], sizes = [256, 1], strides = [1, 1]} : vector<256x65xf32> to vector<256x1xf32>
    %div3A_494 = arith.constant 1.000000e+00 : f32
    %div3A_495 = vector.broadcast %div3A_494 : f32 to vector<256x1xf32>
    %div3A_496 = arith.divf %div3A_495, %slice3A_493 : vector<256x1xf32>
    %mul3A_497 = vector.broadcast %div3A_496 : vector<256x1xf32> to vector<256x16xf32>
    %mul3A_498 = arith.mulf %slice3A_492, %mul3A_497 : vector<256x16xf32>
    %slice3A_499 = vector.extract_strided_slice %dot_general3A_256 {offsets = [0, 32], sizes = [256, 16], strides = [1, 1]} : vector<256x65xf32> to vector<256x16xf32>
    %slice3A_500 = vector.extract_strided_slice %dot_general3A_256 {offsets = [0, 64], sizes = [256, 1], strides = [1, 1]} : vector<256x65xf32> to vector<256x1xf32>
    %div3A_501 = arith.constant 1.000000e+00 : f32
    %div3A_502 = vector.broadcast %div3A_501 : f32 to vector<256x1xf32>
    %div3A_503 = arith.divf %div3A_502, %slice3A_500 : vector<256x1xf32>
    %mul3A_504 = vector.broadcast %div3A_503 : vector<256x1xf32> to vector<256x16xf32>
    %mul3A_505 = arith.mulf %slice3A_499, %mul3A_504 : vector<256x16xf32>
    %slice3A_506 = vector.extract_strided_slice %dot_general3A_259 {offsets = [0, 48], sizes = [256, 16], strides = [1, 1]} : vector<256x65xf32> to vector<256x16xf32>
    %slice3A_507 = vector.extract_strided_slice %dot_general3A_259 {offsets = [0, 64], sizes = [256, 1], strides = [1, 1]} : vector<256x65xf32> to vector<256x1xf32>
    %div3A_508 = arith.constant 1.000000e+00 : f32
    %div3A_509 = vector.broadcast %div3A_508 : f32 to vector<256x1xf32>
    %div3A_510 = arith.divf %div3A_509, %slice3A_507 : vector<256x1xf32>
    %mul3A_511 = vector.broadcast %div3A_510 : vector<256x1xf32> to vector<256x16xf32>
    %mul3A_512 = arith.mulf %slice3A_506, %mul3A_511 : vector<256x16xf32>
    %concatenate3A_513 = tpu.concatenate %mul3A_491, %mul3A_498, %mul3A_505, %mul3A_512 in 1 : vector<256x16xf32>, vector<256x16xf32>, vector<256x16xf32>, vector<256x16xf32> -> vector<256x64xf32>
    %slice3A_514 = vector.extract_strided_slice %dot_general3A_262 {offsets = [0, 0], sizes = [256, 16], strides = [1, 1]} : vector<256x65xf32> to vector<256x16xf32>
    %slice3A_515 = vector.extract_strided_slice %dot_general3A_262 {offsets = [0, 64], sizes = [256, 1], strides = [1, 1]} : vector<256x65xf32> to vector<256x1xf32>
    %div3A_516 = arith.constant 1.000000e+00 : f32
    %div3A_517 = vector.broadcast %div3A_516 : f32 to vector<256x1xf32>
    %div3A_518 = arith.divf %div3A_517, %slice3A_515 : vector<256x1xf32>
    %mul3A_519 = vector.broadcast %div3A_518 : vector<256x1xf32> to vector<256x16xf32>
    %mul3A_520 = arith.mulf %slice3A_514, %mul3A_519 : vector<256x16xf32>
    %slice3A_521 = vector.extract_strided_slice %dot_general3A_265 {offsets = [0, 16], sizes = [256, 16], strides = [1, 1]} : vector<256x65xf32> to vector<256x16xf32>
    %slice3A_522 = vector.extract_strided_slice %dot_general3A_265 {offsets = [0, 64], sizes = [256, 1], strides = [1, 1]} : vector<256x65xf32> to vector<256x1xf32>
    %div3A_523 = arith.constant 1.000000e+00 : f32
    %div3A_524 = vector.broadcast %div3A_523 : f32 to vector<256x1xf32>
    %div3A_525 = arith.divf %div3A_524, %slice3A_522 : vector<256x1xf32>
    %mul3A_526 = vector.broadcast %div3A_525 : vector<256x1xf32> to vector<256x16xf32>
    %mul3A_527 = arith.mulf %slice3A_521, %mul3A_526 : vector<256x16xf32>
    %slice3A_528 = vector.extract_strided_slice %dot_general3A_268 {offsets = [0, 32], sizes = [256, 16], strides = [1, 1]} : vector<256x65xf32> to vector<256x16xf32>
    %slice3A_529 = vector.extract_strided_slice %dot_general3A_268 {offsets = [0, 64], sizes = [256, 1], strides = [1, 1]} : vector<256x65xf32> to vector<256x1xf32>
    %div3A_530 = arith.constant 1.000000e+00 : f32
    %div3A_531 = vector.broadcast %div3A_530 : f32 to vector<256x1xf32>
    %div3A_532 = arith.divf %div3A_531, %slice3A_529 : vector<256x1xf32>
    %mul3A_533 = vector.broadcast %div3A_532 : vector<256x1xf32> to vector<256x16xf32>
    %mul3A_534 = arith.mulf %slice3A_528, %mul3A_533 : vector<256x16xf32>
    %slice3A_535 = vector.extract_strided_slice %dot_general3A_271 {offsets = [0, 48], sizes = [256, 16], strides = [1, 1]} : vector<256x65xf32> to vector<256x16xf32>
    %slice3A_536 = vector.extract_strided_slice %dot_general3A_271 {offsets = [0, 64], sizes = [256, 1], strides = [1, 1]} : vector<256x65xf32> to vector<256x1xf32>
    %div3A_537 = arith.constant 1.000000e+00 : f32
    %div3A_538 = vector.broadcast %div3A_537 : f32 to vector<256x1xf32>
    %div3A_539 = arith.divf %div3A_538, %slice3A_536 : vector<256x1xf32>
    %mul3A_540 = vector.broadcast %div3A_539 : vector<256x1xf32> to vector<256x16xf32>
    %mul3A_541 = arith.mulf %slice3A_535, %mul3A_540 : vector<256x16xf32>
    %concatenate3A_542 = tpu.concatenate %mul3A_520, %mul3A_527, %mul3A_534, %mul3A_541 in 1 : vector<256x16xf32>, vector<256x16xf32>, vector<256x16xf32>, vector<256x16xf32> -> vector<256x64xf32>
    %slice3A_543 = vector.extract_strided_slice %dot_general3A_274 {offsets = [0, 0], sizes = [256, 16], strides = [1, 1]} : vector<256x65xf32> to vector<256x16xf32>
    %slice3A_544 = vector.extract_strided_slice %dot_general3A_274 {offsets = [0, 64], sizes = [256, 1], strides = [1, 1]} : vector<256x65xf32> to vector<256x1xf32>
    %div3A_545 = arith.constant 1.000000e+00 : f32
    %div3A_546 = vector.broadcast %div3A_545 : f32 to vector<256x1xf32>
    %div3A_547 = arith.divf %div3A_546, %slice3A_544 : vector<256x1xf32>
    %mul3A_548 = vector.broadcast %div3A_547 : vector<256x1xf32> to vector<256x16xf32>
    %mul3A_549 = arith.mulf %slice3A_543, %mul3A_548 : vector<256x16xf32>
    %slice3A_550 = vector.extract_strided_slice %dot_general3A_277 {offsets = [0, 16], sizes = [256, 16], strides = [1, 1]} : vector<256x65xf32> to vector<256x16xf32>
    %slice3A_551 = vector.extract_strided_slice %dot_general3A_277 {offsets = [0, 64], sizes = [256, 1], strides = [1, 1]} : vector<256x65xf32> to vector<256x1xf32>
    %div3A_552 = arith.constant 1.000000e+00 : f32
    %div3A_553 = vector.broadcast %div3A_552 : f32 to vector<256x1xf32>
    %div3A_554 = arith.divf %div3A_553, %slice3A_551 : vector<256x1xf32>
    %mul3A_555 = vector.broadcast %div3A_554 : vector<256x1xf32> to vector<256x16xf32>
    %mul3A_556 = arith.mulf %slice3A_550, %mul3A_555 : vector<256x16xf32>
    %slice3A_557 = vector.extract_strided_slice %dot_general3A_280 {offsets = [0, 32], sizes = [256, 16], strides = [1, 1]} : vector<256x65xf32> to vector<256x16xf32>
    %slice3A_558 = vector.extract_strided_slice %dot_general3A_280 {offsets = [0, 64], sizes = [256, 1], strides = [1, 1]} : vector<256x65xf32> to vector<256x1xf32>
    %div3A_559 = arith.constant 1.000000e+00 : f32
    %div3A_560 = vector.broadcast %div3A_559 : f32 to vector<256x1xf32>
    %div3A_561 = arith.divf %div3A_560, %slice3A_558 : vector<256x1xf32>
    %mul3A_562 = vector.broadcast %div3A_561 : vector<256x1xf32> to vector<256x16xf32>
    %mul3A_563 = arith.mulf %slice3A_557, %mul3A_562 : vector<256x16xf32>
    %slice3A_564 = vector.extract_strided_slice %dot_general3A_283 {offsets = [0, 48], sizes = [256, 16], strides = [1, 1]} : vector<256x65xf32> to vector<256x16xf32>
    %slice3A_565 = vector.extract_strided_slice %dot_general3A_283 {offsets = [0, 64], sizes = [256, 1], strides = [1, 1]} : vector<256x65xf32> to vector<256x1xf32>
    %div3A_566 = arith.constant 1.000000e+00 : f32
    %div3A_567 = vector.broadcast %div3A_566 : f32 to vector<256x1xf32>
    %div3A_568 = arith.divf %div3A_567, %slice3A_565 : vector<256x1xf32>
    %mul3A_569 = vector.broadcast %div3A_568 : vector<256x1xf32> to vector<256x16xf32>
    %mul3A_570 = arith.mulf %slice3A_564, %mul3A_569 : vector<256x16xf32>
    %concatenate3A_571 = tpu.concatenate %mul3A_549, %mul3A_556, %mul3A_563, %mul3A_570 in 1 : vector<256x16xf32>, vector<256x16xf32>, vector<256x16xf32>, vector<256x16xf32> -> vector<256x64xf32>
    %convert_element_type3A_572 = arith.truncf %concatenate3A_310 : vector<256x64xf32> to vector<256x64xbf16>
    %dot_general3A_573 = arith.constant dense<0.000000e+00> : vector<256x64xf32>
    %dot_general3A_574 = tpu.matmul %convert_element_type3A_572, %get3A_16, %dot_general3A_573 {dimension_numbers = #tpu.dot_dimension_numbers<[1], [0], [0], [1], [0, 0, 1, 1], [], []>, transpose_lhs_hint = false} : vector<256x64xbf16>, vector<64x64xbf16>, vector<256x64xf32> -> vector<256x64xf32>
    %add3A_575 = arith.addf %get3A_4, %dot_general3A_574 : vector<256x64xf32>
    %convert_element_type3A_576 = arith.truncf %concatenate3A_339 : vector<256x64xf32> to vector<256x64xbf16>
    %dot_general3A_577 = arith.constant dense<0.000000e+00> : vector<256x64xf32>
    %dot_general3A_578 = tpu.matmul %convert_element_type3A_576, %get3A_16, %dot_general3A_577 {dimension_numbers = #tpu.dot_dimension_numbers<[1], [0], [0], [1], [0, 0, 1, 1], [], []>, transpose_lhs_hint = false} : vector<256x64xbf16>, vector<64x64xbf16>, vector<256x64xf32> -> vector<256x64xf32>
    %add3A_579 = arith.addf %get3A_4, %dot_general3A_578 : vector<256x64xf32>
    %convert_element_type3A_580 = arith.truncf %concatenate3A_368 : vector<256x64xf32> to vector<256x64xbf16>
    %dot_general3A_581 = arith.constant dense<0.000000e+00> : vector<256x64xf32>
    %dot_general3A_582 = tpu.matmul %convert_element_type3A_580, %get3A_16, %dot_general3A_581 {dimension_numbers = #tpu.dot_dimension_numbers<[1], [0], [0], [1], [0, 0, 1, 1], [], []>, transpose_lhs_hint = false} : vector<256x64xbf16>, vector<64x64xbf16>, vector<256x64xf32> -> vector<256x64xf32>
    %add3A_583 = arith.addf %get3A_4, %dot_general3A_582 : vector<256x64xf32>
    %convert_element_type3A_584 = arith.truncf %concatenate3A_397 : vector<256x64xf32> to vector<256x64xbf16>
    %dot_general3A_585 = arith.constant dense<0.000000e+00> : vector<256x64xf32>
    %dot_general3A_586 = tpu.matmul %convert_element_type3A_584, %get3A_16, %dot_general3A_585 {dimension_numbers = #tpu.dot_dimension_numbers<[1], [0], [0], [1], [0, 0, 1, 1], [], []>, transpose_lhs_hint = false} : vector<256x64xbf16>, vector<64x64xbf16>, vector<256x64xf32> -> vector<256x64xf32>
    %add3A_587 = arith.addf %get3A_4, %dot_general3A_586 : vector<256x64xf32>
    %convert_element_type3A_588 = arith.truncf %concatenate3A_426 : vector<256x64xf32> to vector<256x64xbf16>
    %dot_general3A_589 = arith.constant dense<0.000000e+00> : vector<256x64xf32>
    %dot_general3A_590 = tpu.matmul %convert_element_type3A_588, %get3A_16, %dot_general3A_589 {dimension_numbers = #tpu.dot_dimension_numbers<[1], [0], [0], [1], [0, 0, 1, 1], [], []>, transpose_lhs_hint = false} : vector<256x64xbf16>, vector<64x64xbf16>, vector<256x64xf32> -> vector<256x64xf32>
    %add3A_591 = arith.addf %get3A_4, %dot_general3A_590 : vector<256x64xf32>
    %convert_element_type3A_592 = arith.truncf %concatenate3A_455 : vector<256x64xf32> to vector<256x64xbf16>
    %dot_general3A_593 = arith.constant dense<0.000000e+00> : vector<256x64xf32>
    %dot_general3A_594 = tpu.matmul %convert_element_type3A_592, %get3A_16, %dot_general3A_593 {dimension_numbers = #tpu.dot_dimension_numbers<[1], [0], [0], [1], [0, 0, 1, 1], [], []>, transpose_lhs_hint = false} : vector<256x64xbf16>, vector<64x64xbf16>, vector<256x64xf32> -> vector<256x64xf32>
    %add3A_595 = arith.addf %get3A_4, %dot_general3A_594 : vector<256x64xf32>
    %convert_element_type3A_596 = arith.truncf %concatenate3A_484 : vector<256x64xf32> to vector<256x64xbf16>
    %dot_general3A_597 = arith.constant dense<0.000000e+00> : vector<256x64xf32>
    %dot_general3A_598 = tpu.matmul %convert_element_type3A_596, %get3A_16, %dot_general3A_597 {dimension_numbers = #tpu.dot_dimension_numbers<[1], [0], [0], [1], [0, 0, 1, 1], [], []>, transpose_lhs_hint = false} : vector<256x64xbf16>, vector<64x64xbf16>, vector<256x64xf32> -> vector<256x64xf32>
    %add3A_599 = arith.addf %get3A_4, %dot_general3A_598 : vector<256x64xf32>
    %convert_element_type3A_600 = arith.truncf %concatenate3A_513 : vector<256x64xf32> to vector<256x64xbf16>
    %dot_general3A_601 = arith.constant dense<0.000000e+00> : vector<256x64xf32>
    %dot_general3A_602 = tpu.matmul %convert_element_type3A_600, %get3A_16, %dot_general3A_601 {dimension_numbers = #tpu.dot_dimension_numbers<[1], [0], [0], [1], [0, 0, 1, 1], [], []>, transpose_lhs_hint = false} : vector<256x64xbf16>, vector<64x64xbf16>, vector<256x64xf32> -> vector<256x64xf32>
    %add3A_603 = arith.addf %get3A_4, %dot_general3A_602 : vector<256x64xf32>
    %convert_element_type3A_604 = arith.truncf %concatenate3A_542 : vector<256x64xf32> to vector<256x64xbf16>
    %dot_general3A_605 = arith.constant dense<0.000000e+00> : vector<256x64xf32>
    %dot_general3A_606 = tpu.matmul %convert_element_type3A_604, %get3A_16, %dot_general3A_605 {dimension_numbers = #tpu.dot_dimension_numbers<[1], [0], [0], [1], [0, 0, 1, 1], [], []>, transpose_lhs_hint = false} : vector<256x64xbf16>, vector<64x64xbf16>, vector<256x64xf32> -> vector<256x64xf32>
    %add3A_607 = arith.addf %get3A_4, %dot_general3A_606 : vector<256x64xf32>
    %convert_element_type3A_608 = arith.truncf %concatenate3A_571 : vector<256x64xf32> to vector<256x64xbf16>
    %dot_general3A_609 = arith.constant dense<0.000000e+00> : vector<256x64xf32>
    %dot_general3A_610 = tpu.matmul %convert_element_type3A_608, %get3A_16, %dot_general3A_609 {dimension_numbers = #tpu.dot_dimension_numbers<[1], [0], [0], [1], [0, 0, 1, 1], [], []>, transpose_lhs_hint = false} : vector<256x64xbf16>, vector<64x64xbf16>, vector<256x64xf32> -> vector<256x64xf32>
    %add3A_611 = arith.addf %get3A_4, %dot_general3A_610 : vector<256x64xf32>
    %convert_element_type3A_612 = arith.truncf %add3A_575 : vector<256x64xf32> to vector<256x64xbf16>
    %dot_general3A_613 = arith.constant dense<0.000000e+00> : vector<256x128xf32>
    %dot_general3A_614 = tpu.matmul %convert_element_type3A_612, %get3A_19, %dot_general3A_613 {dimension_numbers = #tpu.dot_dimension_numbers<[1], [0], [0], [1], [0, 0, 1, 1], [], []>, transpose_lhs_hint = false} : vector<256x64xbf16>, vector<64x128xbf16>, vector<256x128xf32> -> vector<256x128xf32>
    %add3A_615 = vector.broadcast %get3A_28 : vector<1x128xf32> to vector<256x128xf32>
    %add3A_616 = arith.addf %dot_general3A_614, %add3A_615 : vector<256x128xf32>
    %max3A = arith.constant 0.000000e+00 : f32
    %max3A_617 = vector.broadcast %max3A : f32 to vector<256x128xf32>
    %max3A_618 = arith.maximumf %add3A_616, %max3A_617 : vector<256x128xf32>
    %convert_element_type3A_619 = arith.truncf %add3A_579 : vector<256x64xf32> to vector<256x64xbf16>
    %dot_general3A_620 = arith.constant dense<0.000000e+00> : vector<256x128xf32>
    %dot_general3A_621 = tpu.matmul %convert_element_type3A_619, %get3A_19, %dot_general3A_620 {dimension_numbers = #tpu.dot_dimension_numbers<[1], [0], [0], [1], [0, 0, 1, 1], [], []>, transpose_lhs_hint = false} : vector<256x64xbf16>, vector<64x128xbf16>, vector<256x128xf32> -> vector<256x128xf32>
    %add3A_622 = vector.broadcast %get3A_28 : vector<1x128xf32> to vector<256x128xf32>
    %add3A_623 = arith.addf %dot_general3A_621, %add3A_622 : vector<256x128xf32>
    %max3A_624 = arith.constant 0.000000e+00 : f32
    %max3A_625 = vector.broadcast %max3A_624 : f32 to vector<256x128xf32>
    %max3A_626 = arith.maximumf %add3A_623, %max3A_625 : vector<256x128xf32>
    %convert_element_type3A_627 = arith.truncf %add3A_583 : vector<256x64xf32> to vector<256x64xbf16>
    %dot_general3A_628 = arith.constant dense<0.000000e+00> : vector<256x128xf32>
    %dot_general3A_629 = tpu.matmul %convert_element_type3A_627, %get3A_19, %dot_general3A_628 {dimension_numbers = #tpu.dot_dimension_numbers<[1], [0], [0], [1], [0, 0, 1, 1], [], []>, transpose_lhs_hint = false} : vector<256x64xbf16>, vector<64x128xbf16>, vector<256x128xf32> -> vector<256x128xf32>
    %add3A_630 = vector.broadcast %get3A_28 : vector<1x128xf32> to vector<256x128xf32>
    %add3A_631 = arith.addf %dot_general3A_629, %add3A_630 : vector<256x128xf32>
    %max3A_632 = arith.constant 0.000000e+00 : f32
    %max3A_633 = vector.broadcast %max3A_632 : f32 to vector<256x128xf32>
    %max3A_634 = arith.maximumf %add3A_631, %max3A_633 : vector<256x128xf32>
    %convert_element_type3A_635 = arith.truncf %add3A_587 : vector<256x64xf32> to vector<256x64xbf16>
    %dot_general3A_636 = arith.constant dense<0.000000e+00> : vector<256x128xf32>
    %dot_general3A_637 = tpu.matmul %convert_element_type3A_635, %get3A_19, %dot_general3A_636 {dimension_numbers = #tpu.dot_dimension_numbers<[1], [0], [0], [1], [0, 0, 1, 1], [], []>, transpose_lhs_hint = false} : vector<256x64xbf16>, vector<64x128xbf16>, vector<256x128xf32> -> vector<256x128xf32>
    %add3A_638 = vector.broadcast %get3A_28 : vector<1x128xf32> to vector<256x128xf32>
    %add3A_639 = arith.addf %dot_general3A_637, %add3A_638 : vector<256x128xf32>
    %max3A_640 = arith.constant 0.000000e+00 : f32
    %max3A_641 = vector.broadcast %max3A_640 : f32 to vector<256x128xf32>
    %max3A_642 = arith.maximumf %add3A_639, %max3A_641 : vector<256x128xf32>
    %convert_element_type3A_643 = arith.truncf %add3A_591 : vector<256x64xf32> to vector<256x64xbf16>
    %dot_general3A_644 = arith.constant dense<0.000000e+00> : vector<256x128xf32>
    %dot_general3A_645 = tpu.matmul %convert_element_type3A_643, %get3A_19, %dot_general3A_644 {dimension_numbers = #tpu.dot_dimension_numbers<[1], [0], [0], [1], [0, 0, 1, 1], [], []>, transpose_lhs_hint = false} : vector<256x64xbf16>, vector<64x128xbf16>, vector<256x128xf32> -> vector<256x128xf32>
    %add3A_646 = vector.broadcast %get3A_28 : vector<1x128xf32> to vector<256x128xf32>
    %add3A_647 = arith.addf %dot_general3A_645, %add3A_646 : vector<256x128xf32>
    %max3A_648 = arith.constant 0.000000e+00 : f32
    %max3A_649 = vector.broadcast %max3A_648 : f32 to vector<256x128xf32>
    %max3A_650 = arith.maximumf %add3A_647, %max3A_649 : vector<256x128xf32>
    %convert_element_type3A_651 = arith.truncf %add3A_595 : vector<256x64xf32> to vector<256x64xbf16>
    %dot_general3A_652 = arith.constant dense<0.000000e+00> : vector<256x128xf32>
    %dot_general3A_653 = tpu.matmul %convert_element_type3A_651, %get3A_19, %dot_general3A_652 {dimension_numbers = #tpu.dot_dimension_numbers<[1], [0], [0], [1], [0, 0, 1, 1], [], []>, transpose_lhs_hint = false} : vector<256x64xbf16>, vector<64x128xbf16>, vector<256x128xf32> -> vector<256x128xf32>
    %add3A_654 = vector.broadcast %get3A_28 : vector<1x128xf32> to vector<256x128xf32>
    %add3A_655 = arith.addf %dot_general3A_653, %add3A_654 : vector<256x128xf32>
    %max3A_656 = arith.constant 0.000000e+00 : f32
    %max3A_657 = vector.broadcast %max3A_656 : f32 to vector<256x128xf32>
    %max3A_658 = arith.maximumf %add3A_655, %max3A_657 : vector<256x128xf32>
    %convert_element_type3A_659 = arith.truncf %add3A_599 : vector<256x64xf32> to vector<256x64xbf16>
    %dot_general3A_660 = arith.constant dense<0.000000e+00> : vector<256x128xf32>
    %dot_general3A_661 = tpu.matmul %convert_element_type3A_659, %get3A_19, %dot_general3A_660 {dimension_numbers = #tpu.dot_dimension_numbers<[1], [0], [0], [1], [0, 0, 1, 1], [], []>, transpose_lhs_hint = false} : vector<256x64xbf16>, vector<64x128xbf16>, vector<256x128xf32> -> vector<256x128xf32>
    %add3A_662 = vector.broadcast %get3A_28 : vector<1x128xf32> to vector<256x128xf32>
    %add3A_663 = arith.addf %dot_general3A_661, %add3A_662 : vector<256x128xf32>
    %max3A_664 = arith.constant 0.000000e+00 : f32
    %max3A_665 = vector.broadcast %max3A_664 : f32 to vector<256x128xf32>
    %max3A_666 = arith.maximumf %add3A_663, %max3A_665 : vector<256x128xf32>
    %convert_element_type3A_667 = arith.truncf %add3A_603 : vector<256x64xf32> to vector<256x64xbf16>
    %dot_general3A_668 = arith.constant dense<0.000000e+00> : vector<256x128xf32>
    %dot_general3A_669 = tpu.matmul %convert_element_type3A_667, %get3A_19, %dot_general3A_668 {dimension_numbers = #tpu.dot_dimension_numbers<[1], [0], [0], [1], [0, 0, 1, 1], [], []>, transpose_lhs_hint = false} : vector<256x64xbf16>, vector<64x128xbf16>, vector<256x128xf32> -> vector<256x128xf32>
    %add3A_670 = vector.broadcast %get3A_28 : vector<1x128xf32> to vector<256x128xf32>
    %add3A_671 = arith.addf %dot_general3A_669, %add3A_670 : vector<256x128xf32>
    %max3A_672 = arith.constant 0.000000e+00 : f32
    %max3A_673 = vector.broadcast %max3A_672 : f32 to vector<256x128xf32>
    %max3A_674 = arith.maximumf %add3A_671, %max3A_673 : vector<256x128xf32>
    %convert_element_type3A_675 = arith.truncf %add3A_607 : vector<256x64xf32> to vector<256x64xbf16>
    %dot_general3A_676 = arith.constant dense<0.000000e+00> : vector<256x128xf32>
    %dot_general3A_677 = tpu.matmul %convert_element_type3A_675, %get3A_19, %dot_general3A_676 {dimension_numbers = #tpu.dot_dimension_numbers<[1], [0], [0], [1], [0, 0, 1, 1], [], []>, transpose_lhs_hint = false} : vector<256x64xbf16>, vector<64x128xbf16>, vector<256x128xf32> -> vector<256x128xf32>
    %add3A_678 = vector.broadcast %get3A_28 : vector<1x128xf32> to vector<256x128xf32>
    %add3A_679 = arith.addf %dot_general3A_677, %add3A_678 : vector<256x128xf32>
    %max3A_680 = arith.constant 0.000000e+00 : f32
    %max3A_681 = vector.broadcast %max3A_680 : f32 to vector<256x128xf32>
    %max3A_682 = arith.maximumf %add3A_679, %max3A_681 : vector<256x128xf32>
    %convert_element_type3A_683 = arith.truncf %add3A_611 : vector<256x64xf32> to vector<256x64xbf16>
    %dot_general3A_684 = arith.constant dense<0.000000e+00> : vector<256x128xf32>
    %dot_general3A_685 = tpu.matmul %convert_element_type3A_683, %get3A_19, %dot_general3A_684 {dimension_numbers = #tpu.dot_dimension_numbers<[1], [0], [0], [1], [0, 0, 1, 1], [], []>, transpose_lhs_hint = false} : vector<256x64xbf16>, vector<64x128xbf16>, vector<256x128xf32> -> vector<256x128xf32>
    %add3A_686 = vector.broadcast %get3A_28 : vector<1x128xf32> to vector<256x128xf32>
    %add3A_687 = arith.addf %dot_general3A_685, %add3A_686 : vector<256x128xf32>
    %max3A_688 = arith.constant 0.000000e+00 : f32
    %max3A_689 = vector.broadcast %max3A_688 : f32 to vector<256x128xf32>
    %max3A_690 = arith.maximumf %add3A_687, %max3A_689 : vector<256x128xf32>
    %convert_element_type3A_691 = arith.truncf %max3A_618 : vector<256x128xf32> to vector<256x128xbf16>
    %dot_general3A_692 = arith.constant dense<0.000000e+00> : vector<256x64xf32>
    %dot_general3A_693 = tpu.matmul %convert_element_type3A_691, %get3A_22, %dot_general3A_692 {dimension_numbers = #tpu.dot_dimension_numbers<[1], [0], [0], [1], [0, 0, 1, 1], [], []>, transpose_lhs_hint = false} : vector<256x128xbf16>, vector<128x64xbf16>, vector<256x64xf32> -> vector<256x64xf32>
    %add3A_694 = arith.addf %add3A_575, %dot_general3A_693 : vector<256x64xf32>
    %add3A_695 = vector.broadcast %get3A_31 : vector<1x64xf32> to vector<256x64xf32>
    %add3A_696 = arith.addf %add3A_694, %add3A_695 : vector<256x64xf32>
    %convert_element_type3A_697 = arith.truncf %max3A_626 : vector<256x128xf32> to vector<256x128xbf16>
    %dot_general3A_698 = arith.constant dense<0.000000e+00> : vector<256x64xf32>
    %dot_general3A_699 = tpu.matmul %convert_element_type3A_697, %get3A_22, %dot_general3A_698 {dimension_numbers = #tpu.dot_dimension_numbers<[1], [0], [0], [1], [0, 0, 1, 1], [], []>, transpose_lhs_hint = false} : vector<256x128xbf16>, vector<128x64xbf16>, vector<256x64xf32> -> vector<256x64xf32>
    %add3A_700 = arith.addf %add3A_579, %dot_general3A_699 : vector<256x64xf32>
    %add3A_701 = vector.broadcast %get3A_31 : vector<1x64xf32> to vector<256x64xf32>
    %add3A_702 = arith.addf %add3A_700, %add3A_701 : vector<256x64xf32>
    %convert_element_type3A_703 = arith.truncf %max3A_634 : vector<256x128xf32> to vector<256x128xbf16>
    %dot_general3A_704 = arith.constant dense<0.000000e+00> : vector<256x64xf32>
    %dot_general3A_705 = tpu.matmul %convert_element_type3A_703, %get3A_22, %dot_general3A_704 {dimension_numbers = #tpu.dot_dimension_numbers<[1], [0], [0], [1], [0, 0, 1, 1], [], []>, transpose_lhs_hint = false} : vector<256x128xbf16>, vector<128x64xbf16>, vector<256x64xf32> -> vector<256x64xf32>
    %add3A_706 = arith.addf %add3A_583, %dot_general3A_705 : vector<256x64xf32>
    %add3A_707 = vector.broadcast %get3A_31 : vector<1x64xf32> to vector<256x64xf32>
    %add3A_708 = arith.addf %add3A_706, %add3A_707 : vector<256x64xf32>
    %convert_element_type3A_709 = arith.truncf %max3A_642 : vector<256x128xf32> to vector<256x128xbf16>
    %dot_general3A_710 = arith.constant dense<0.000000e+00> : vector<256x64xf32>
    %dot_general3A_711 = tpu.matmul %convert_element_type3A_709, %get3A_22, %dot_general3A_710 {dimension_numbers = #tpu.dot_dimension_numbers<[1], [0], [0], [1], [0, 0, 1, 1], [], []>, transpose_lhs_hint = false} : vector<256x128xbf16>, vector<128x64xbf16>, vector<256x64xf32> -> vector<256x64xf32>
    %add3A_712 = arith.addf %add3A_587, %dot_general3A_711 : vector<256x64xf32>
    %add3A_713 = vector.broadcast %get3A_31 : vector<1x64xf32> to vector<256x64xf32>
    %add3A_714 = arith.addf %add3A_712, %add3A_713 : vector<256x64xf32>
    %convert_element_type3A_715 = arith.truncf %max3A_650 : vector<256x128xf32> to vector<256x128xbf16>
    %dot_general3A_716 = arith.constant dense<0.000000e+00> : vector<256x64xf32>
    %dot_general3A_717 = tpu.matmul %convert_element_type3A_715, %get3A_22, %dot_general3A_716 {dimension_numbers = #tpu.dot_dimension_numbers<[1], [0], [0], [1], [0, 0, 1, 1], [], []>, transpose_lhs_hint = false} : vector<256x128xbf16>, vector<128x64xbf16>, vector<256x64xf32> -> vector<256x64xf32>
    %add3A_718 = arith.addf %add3A_591, %dot_general3A_717 : vector<256x64xf32>
    %add3A_719 = vector.broadcast %get3A_31 : vector<1x64xf32> to vector<256x64xf32>
    %add3A_720 = arith.addf %add3A_718, %add3A_719 : vector<256x64xf32>
    %convert_element_type3A_721 = arith.truncf %max3A_658 : vector<256x128xf32> to vector<256x128xbf16>
    %dot_general3A_722 = arith.constant dense<0.000000e+00> : vector<256x64xf32>
    %dot_general3A_723 = tpu.matmul %convert_element_type3A_721, %get3A_22, %dot_general3A_722 {dimension_numbers = #tpu.dot_dimension_numbers<[1], [0], [0], [1], [0, 0, 1, 1], [], []>, transpose_lhs_hint = false} : vector<256x128xbf16>, vector<128x64xbf16>, vector<256x64xf32> -> vector<256x64xf32>
    %add3A_724 = arith.addf %add3A_595, %dot_general3A_723 : vector<256x64xf32>
    %add3A_725 = vector.broadcast %get3A_31 : vector<1x64xf32> to vector<256x64xf32>
    %add3A_726 = arith.addf %add3A_724, %add3A_725 : vector<256x64xf32>
    %convert_element_type3A_727 = arith.truncf %max3A_666 : vector<256x128xf32> to vector<256x128xbf16>
    %dot_general3A_728 = arith.constant dense<0.000000e+00> : vector<256x64xf32>
    %dot_general3A_729 = tpu.matmul %convert_element_type3A_727, %get3A_22, %dot_general3A_728 {dimension_numbers = #tpu.dot_dimension_numbers<[1], [0], [0], [1], [0, 0, 1, 1], [], []>, transpose_lhs_hint = false} : vector<256x128xbf16>, vector<128x64xbf16>, vector<256x64xf32> -> vector<256x64xf32>
    %add3A_730 = arith.addf %add3A_599, %dot_general3A_729 : vector<256x64xf32>
    %add3A_731 = vector.broadcast %get3A_31 : vector<1x64xf32> to vector<256x64xf32>
    %add3A_732 = arith.addf %add3A_730, %add3A_731 : vector<256x64xf32>
    %convert_element_type3A_733 = arith.truncf %max3A_674 : vector<256x128xf32> to vector<256x128xbf16>
    %dot_general3A_734 = arith.constant dense<0.000000e+00> : vector<256x64xf32>
    %dot_general3A_735 = tpu.matmul %convert_element_type3A_733, %get3A_22, %dot_general3A_734 {dimension_numbers = #tpu.dot_dimension_numbers<[1], [0], [0], [1], [0, 0, 1, 1], [], []>, transpose_lhs_hint = false} : vector<256x128xbf16>, vector<128x64xbf16>, vector<256x64xf32> -> vector<256x64xf32>
    %add3A_736 = arith.addf %add3A_603, %dot_general3A_735 : vector<256x64xf32>
    %add3A_737 = vector.broadcast %get3A_31 : vector<1x64xf32> to vector<256x64xf32>
    %add3A_738 = arith.addf %add3A_736, %add3A_737 : vector<256x64xf32>
    %convert_element_type3A_739 = arith.truncf %max3A_682 : vector<256x128xf32> to vector<256x128xbf16>
    %dot_general3A_740 = arith.constant dense<0.000000e+00> : vector<256x64xf32>
    %dot_general3A_741 = tpu.matmul %convert_element_type3A_739, %get3A_22, %dot_general3A_740 {dimension_numbers = #tpu.dot_dimension_numbers<[1], [0], [0], [1], [0, 0, 1, 1], [], []>, transpose_lhs_hint = false} : vector<256x128xbf16>, vector<128x64xbf16>, vector<256x64xf32> -> vector<256x64xf32>
    %add3A_742 = arith.addf %add3A_607, %dot_general3A_741 : vector<256x64xf32>
    %add3A_743 = vector.broadcast %get3A_31 : vector<1x64xf32> to vector<256x64xf32>
    %add3A_744 = arith.addf %add3A_742, %add3A_743 : vector<256x64xf32>
    %convert_element_type3A_745 = arith.truncf %max3A_690 : vector<256x128xf32> to vector<256x128xbf16>
    %dot_general3A_746 = arith.constant dense<0.000000e+00> : vector<256x64xf32>
    %dot_general3A_747 = tpu.matmul %convert_element_type3A_745, %get3A_22, %dot_general3A_746 {dimension_numbers = #tpu.dot_dimension_numbers<[1], [0], [0], [1], [0, 0, 1, 1], [], []>, transpose_lhs_hint = false} : vector<256x128xbf16>, vector<128x64xbf16>, vector<256x64xf32> -> vector<256x64xf32>
    %add3A_748 = arith.addf %add3A_611, %dot_general3A_747 : vector<256x64xf32>
    %add3A_749 = vector.broadcast %get3A_31 : vector<1x64xf32> to vector<256x64xf32>
    %add3A_750 = arith.addf %add3A_748, %add3A_749 : vector<256x64xf32>
    %convert_element_type3A_751 = arith.truncf %add3A_696 : vector<256x64xf32> to vector<256x64xbf16>
    %convert_element_type3A_752 = arith.truncf %add3A_702 : vector<256x64xf32> to vector<256x64xbf16>
    %convert_element_type3A_753 = arith.truncf %add3A_708 : vector<256x64xf32> to vector<256x64xbf16>
    %convert_element_type3A_754 = arith.truncf %add3A_714 : vector<256x64xf32> to vector<256x64xbf16>
    %convert_element_type3A_755 = arith.truncf %add3A_720 : vector<256x64xf32> to vector<256x64xbf16>
    %convert_element_type3A_756 = arith.truncf %add3A_726 : vector<256x64xf32> to vector<256x64xbf16>
    %convert_element_type3A_757 = arith.truncf %add3A_732 : vector<256x64xf32> to vector<256x64xbf16>
    %convert_element_type3A_758 = arith.truncf %add3A_738 : vector<256x64xf32> to vector<256x64xbf16>
    %convert_element_type3A_759 = arith.truncf %add3A_744 : vector<256x64xf32> to vector<256x64xbf16>
    %convert_element_type3A_760 = arith.truncf %add3A_750 : vector<256x64xf32> to vector<256x64xbf16>
    %concatenate3A_761 = tpu.concatenate %convert_element_type3A_751, %convert_element_type3A_752, %convert_element_type3A_753, %convert_element_type3A_754, %convert_element_type3A_755, %convert_element_type3A_756, %convert_element_type3A_757, %convert_element_type3A_758, %convert_element_type3A_759, %convert_element_type3A_760 in 1 : vector<256x64xbf16>, vector<256x64xbf16>, vector<256x64xbf16>, vector<256x64xbf16>, vector<256x64xbf16>, vector<256x64xbf16>, vector<256x64xbf16>, vector<256x64xbf16>, vector<256x64xbf16>, vector<256x64xbf16> -> vector<256x640xbf16>
    %dot_general3A_762 = arith.constant dense<0.000000e+00> : vector<256x60xf32>
    %dot_general3A_763 = tpu.matmul %concatenate3A_761, %get3A_25, %dot_general3A_762 {dimension_numbers = #tpu.dot_dimension_numbers<[1], [0], [0], [1], [0, 0, 1, 1], [], []>, transpose_lhs_hint = false} : vector<256x640xbf16>, vector<640x60xbf16>, vector<256x60xf32> -> vector<256x60xf32>
    %add3A_764 = vector.broadcast %get3A_34 : vector<1x60xf32> to vector<256x60xf32>
    %add3A_765 = arith.addf %dot_general3A_763, %add3A_764 : vector<256x60xf32>
    %swap3A = arith.constant 0 : index
    %swap3A_766 = arith.constant 0 : index
    %swap3A_767 = arith.constant 0 : index
    %swap3A_768 = vector.load %arg15[%swap3A, %swap3A_766, %swap3A_767] : memref<4x256x60xf32, #tpu.memory_space<vmem>>, vector<1x256x60xf32>
    %swap3A_769 = vector.shape_cast %swap3A_768 : vector<1x256x60xf32> to vector<256x60xf32>
    %swap3A_770 = vector.shape_cast %add3A_765 : vector<256x60xf32> to vector<1x256x60xf32>
    tpu.vector_store %arg15[%swap3A, %swap3A_766, %swap3A_767], %swap3A_770 {strides = array<i32>} : memref<4x256x60xf32, #tpu.memory_space<vmem>>, vector<1x256x60xf32>,
    %get3A_771 = arith.constant 0 : index
    %get3A_772 = arith.constant 0 : index
    %get3A_773 = arith.constant 0 : index
    %get3A_774 = vector.load %arg2[%get3A_771, %get3A_772, %get3A_773] : memref<4x256x60xf32, #tpu.memory_space<vmem>>, vector<1x256x60xf32>
    %get3A_775 = vector.shape_cast %get3A_774 : vector<1x256x60xf32> to vector<256x60xf32>
    %sub3A = arith.subf %add3A_765, %get3A_775 : vector<256x60xf32>
    %abs3A = math.absf %sub3A : vector<256x60xf32>
    %reduce_sum3A = vector.shape_cast %abs3A : vector<256x60xf32> to vector<1x256x60xf32>
    %reduce_sum3A_776 = arith.constant dense<0.000000e+00> : vector<1xf32>
    %reduce_sum3A_777 = vector.multi_reduction <add>, %reduce_sum3A, %reduce_sum3A_776 [1, 2] : vector<1x256x60xf32> to vector<1xf32>
    %reduce_sum3A_778 = vector.shape_cast %reduce_sum3A_777 : vector<1xf32> to vector<1x1x1xf32>
    %reduce_sum3A_779 = vector.extract %reduce_sum3A_778[0, 0, 0] : f32 from vector<1x1x1xf32>
    %add3A_780 = arith.constant 0.000000e+00 : f32
    %add3A_781 = arith.addf %add3A_780, %reduce_sum3A_779 : f32
    %get3A_782 = arith.constant 1 : index
    %get3A_783 = arith.constant 0 : index
    %get3A_784 = arith.constant 0 : index
    %get3A_785 = vector.load %arg1[%get3A_782, %get3A_783, %get3A_784] : memref<4x256x60xf32, #tpu.memory_space<vmem>>, vector<1x256x60xf32>
    %get3A_786 = vector.shape_cast %get3A_785 : vector<1x256x60xf32> to vector<256x60xf32>
    %convert_element_type3A_787 = arith.truncf %get3A_786 : vector<256x60xf32> to vector<256x60xbf16>
    %dot_general3A_788 = arith.constant dense<0.000000e+00> : vector<256x640xf32>
    %dot_general3A_789 = tpu.matmul %convert_element_type3A_787, %get3A_13, %dot_general3A_788 {dimension_numbers = #tpu.dot_dimension_numbers<[1], [0], [0], [1], [0, 0, 1, 1], [], []>, transpose_lhs_hint = false} : vector<256x60xbf16>, vector<60x640xbf16>, vector<256x640xf32> -> vector<256x640xf32>
    %add3A_790 = arith.addf %dot_general3A_789, %get3A_1 : vector<256x640xf32>
    %convert_element_type3A_791 = arith.truncf %add3A_790 : vector<256x640xf32> to vector<256x640xbf16>
    %slice3A_792 = vector.extract_strided_slice %convert_element_type3A_791 {offsets = [0, 0], sizes = [256, 64], strides = [1, 1]} : vector<256x640xbf16> to vector<256x64xbf16>
    %slice3A_793 = vector.extract_strided_slice %convert_element_type3A_791 {offsets = [0, 64], sizes = [256, 64], strides = [1, 1]} : vector<256x640xbf16> to vector<256x64xbf16>
    %slice3A_794 = vector.extract_strided_slice %convert_element_type3A_791 {offsets = [0, 128], sizes = [256, 64], strides = [1, 1]} : vector<256x640xbf16> to vector<256x64xbf16>
    %slice3A_795 = vector.extract_strided_slice %convert_element_type3A_791 {offsets = [0, 192], sizes = [256, 64], strides = [1, 1]} : vector<256x640xbf16> to vector<256x64xbf16>
    %slice3A_796 = vector.extract_strided_slice %convert_element_type3A_791 {offsets = [0, 256], sizes = [256, 64], strides = [1, 1]} : vector<256x640xbf16> to vector<256x64xbf16>
    %slice3A_797 = vector.extract_strided_slice %convert_element_type3A_791 {offsets = [0, 320], sizes = [256, 64], strides = [1, 1]} : vector<256x640xbf16> to vector<256x64xbf16>
    %slice3A_798 = vector.extract_strided_slice %convert_element_type3A_791 {offsets = [0, 384], sizes = [256, 64], strides = [1, 1]} : vector<256x640xbf16> to vector<256x64xbf16>
    %slice3A_799 = vector.extract_strided_slice %convert_element_type3A_791 {offsets = [0, 448], sizes = [256, 64], strides = [1, 1]} : vector<256x640xbf16> to vector<256x64xbf16>
    %slice3A_800 = vector.extract_strided_slice %convert_element_type3A_791 {offsets = [0, 512], sizes = [256, 64], strides = [1, 1]} : vector<256x640xbf16> to vector<256x64xbf16>
    %slice3A_801 = vector.extract_strided_slice %convert_element_type3A_791 {offsets = [0, 576], sizes = [256, 64], strides = [1, 1]} : vector<256x640xbf16> to vector<256x64xbf16>
    %dot_general3A_802 = arith.constant dense<0.000000e+00> : vector<256x128xf32>
    %dot_general3A_803 = tpu.matmul %slice3A_792, %get3A_10, %dot_general3A_802 {dimension_numbers = #tpu.dot_dimension_numbers<[1], [0], [0], [1], [0, 0, 1, 1], [], []>, transpose_lhs_hint = false} : vector<256x64xbf16>, vector<64x128xbf16>, vector<256x128xf32> -> vector<256x128xf32>
    %convert_element_type3A_804 = arith.truncf %dot_general3A_803 : vector<256x128xf32> to vector<256x128xbf16>
    %dot_general3A_805 = arith.constant dense<0.000000e+00> : vector<256x128xf32>
    %dot_general3A_806 = tpu.matmul %slice3A_793, %get3A_10, %dot_general3A_805 {dimension_numbers = #tpu.dot_dimension_numbers<[1], [0], [0], [1], [0, 0, 1, 1], [], []>, transpose_lhs_hint = false} : vector<256x64xbf16>, vector<64x128xbf16>, vector<256x128xf32> -> vector<256x128xf32>
    %convert_element_type3A_807 = arith.truncf %dot_general3A_806 : vector<256x128xf32> to vector<256x128xbf16>
    %dot_general3A_808 = arith.constant dense<0.000000e+00> : vector<256x128xf32>
    %dot_general3A_809 = tpu.matmul %slice3A_794, %get3A_10, %dot_general3A_808 {dimension_numbers = #tpu.dot_dimension_numbers<[1], [0], [0], [1], [0, 0, 1, 1], [], []>, transpose_lhs_hint = false} : vector<256x64xbf16>, vector<64x128xbf16>, vector<256x128xf32> -> vector<256x128xf32>
    %convert_element_type3A_810 = arith.truncf %dot_general3A_809 : vector<256x128xf32> to vector<256x128xbf16>
    %dot_general3A_811 = arith.constant dense<0.000000e+00> : vector<256x128xf32>
    %dot_general3A_812 = tpu.matmul %slice3A_795, %get3A_10, %dot_general3A_811 {dimension_numbers = #tpu.dot_dimension_numbers<[1], [0], [0], [1], [0, 0, 1, 1], [], []>, transpose_lhs_hint = false} : vector<256x64xbf16>, vector<64x128xbf16>, vector<256x128xf32> -> vector<256x128xf32>
    %convert_element_type3A_813 = arith.truncf %dot_general3A_812 : vector<256x128xf32> to vector<256x128xbf16>
    %dot_general3A_814 = arith.constant dense<0.000000e+00> : vector<256x128xf32>
    %dot_general3A_815 = tpu.matmul %slice3A_796, %get3A_10, %dot_general3A_814 {dimension_numbers = #tpu.dot_dimension_numbers<[1], [0], [0], [1], [0, 0, 1, 1], [], []>, transpose_lhs_hint = false} : vector<256x64xbf16>, vector<64x128xbf16>, vector<256x128xf32> -> vector<256x128xf32>
    %convert_element_type3A_816 = arith.truncf %dot_general3A_815 : vector<256x128xf32> to vector<256x128xbf16>
    %dot_general3A_817 = arith.constant dense<0.000000e+00> : vector<256x128xf32>
    %dot_general3A_818 = tpu.matmul %slice3A_797, %get3A_10, %dot_general3A_817 {dimension_numbers = #tpu.dot_dimension_numbers<[1], [0], [0], [1], [0, 0, 1, 1], [], []>, transpose_lhs_hint = false} : vector<256x64xbf16>, vector<64x128xbf16>, vector<256x128xf32> -> vector<256x128xf32>
    %convert_element_type3A_819 = arith.truncf %dot_general3A_818 : vector<256x128xf32> to vector<256x128xbf16>
    %dot_general3A_820 = arith.constant dense<0.000000e+00> : vector<256x128xf32>
    %dot_general3A_821 = tpu.matmul %slice3A_798, %get3A_10, %dot_general3A_820 {dimension_numbers = #tpu.dot_dimension_numbers<[1], [0], [0], [1], [0, 0, 1, 1], [], []>, transpose_lhs_hint = false} : vector<256x64xbf16>, vector<64x128xbf16>, vector<256x128xf32> -> vector<256x128xf32>
    %convert_element_type3A_822 = arith.truncf %dot_general3A_821 : vector<256x128xf32> to vector<256x128xbf16>
    %dot_general3A_823 = arith.constant dense<0.000000e+00> : vector<256x128xf32>
    %dot_general3A_824 = tpu.matmul %slice3A_799, %get3A_10, %dot_general3A_823 {dimension_numbers = #tpu.dot_dimension_numbers<[1], [0], [0], [1], [0, 0, 1, 1], [], []>, transpose_lhs_hint = false} : vector<256x64xbf16>, vector<64x128xbf16>, vector<256x128xf32> -> vector<256x128xf32>
    %convert_element_type3A_825 = arith.truncf %dot_general3A_824 : vector<256x128xf32> to vector<256x128xbf16>
    %dot_general3A_826 = arith.constant dense<0.000000e+00> : vector<256x128xf32>
    %dot_general3A_827 = tpu.matmul %slice3A_800, %get3A_10, %dot_general3A_826 {dimension_numbers = #tpu.dot_dimension_numbers<[1], [0], [0], [1], [0, 0, 1, 1], [], []>, transpose_lhs_hint = false} : vector<256x64xbf16>, vector<64x128xbf16>, vector<256x128xf32> -> vector<256x128xf32>
    %convert_element_type3A_828 = arith.truncf %dot_general3A_827 : vector<256x128xf32> to vector<256x128xbf16>
    %dot_general3A_829 = arith.constant dense<0.000000e+00> : vector<256x128xf32>
    %dot_general3A_830 = tpu.matmul %slice3A_801, %get3A_10, %dot_general3A_829 {dimension_numbers = #tpu.dot_dimension_numbers<[1], [0], [0], [1], [0, 0, 1, 1], [], []>, transpose_lhs_hint = false} : vector<256x64xbf16>, vector<64x128xbf16>, vector<256x128xf32> -> vector<256x128xf32>
    %convert_element_type3A_831 = arith.truncf %dot_general3A_830 : vector<256x128xf32> to vector<256x128xbf16>
    %slice3A_832 = vector.extract_strided_slice %convert_element_type3A_804 {offsets = [0, 64], sizes = [256, 64], strides = [1, 1]} : vector<256x128xbf16> to vector<256x64xbf16>
    %concatenate3A_833 = tpu.concatenate %slice3A_832, %broadcast_in_dim3A_35 in 1 : vector<256x64xbf16>, vector<256x1xbf16> -> vector<256x65xbf16>
    %slice3A_834 = vector.extract_strided_slice %convert_element_type3A_807 {offsets = [0, 64], sizes = [256, 64], strides = [1, 1]} : vector<256x128xbf16> to vector<256x64xbf16>
    %concatenate3A_835 = tpu.concatenate %slice3A_834, %broadcast_in_dim3A_35 in 1 : vector<256x64xbf16>, vector<256x1xbf16> -> vector<256x65xbf16>
    %slice3A_836 = vector.extract_strided_slice %convert_element_type3A_810 {offsets = [0, 64], sizes = [256, 64], strides = [1, 1]} : vector<256x128xbf16> to vector<256x64xbf16>
    %concatenate3A_837 = tpu.concatenate %slice3A_836, %broadcast_in_dim3A_35 in 1 : vector<256x64xbf16>, vector<256x1xbf16> -> vector<256x65xbf16>
    %slice3A_838 = vector.extract_strided_slice %convert_element_type3A_813 {offsets = [0, 64], sizes = [256, 64], strides = [1, 1]} : vector<256x128xbf16> to vector<256x64xbf16>
    %concatenate3A_839 = tpu.concatenate %slice3A_838, %broadcast_in_dim3A_35 in 1 : vector<256x64xbf16>, vector<256x1xbf16> -> vector<256x65xbf16>
    %slice3A_840 = vector.extract_strided_slice %convert_element_type3A_816 {offsets = [0, 64], sizes = [256, 64], strides = [1, 1]} : vector<256x128xbf16> to vector<256x64xbf16>
    %concatenate3A_841 = tpu.concatenate %slice3A_840, %broadcast_in_dim3A_35 in 1 : vector<256x64xbf16>, vector<256x1xbf16> -> vector<256x65xbf16>
    %slice3A_842 = vector.extract_strided_slice %convert_element_type3A_819 {offsets = [0, 64], sizes = [256, 64], strides = [1, 1]} : vector<256x128xbf16> to vector<256x64xbf16>
    %concatenate3A_843 = tpu.concatenate %slice3A_842, %broadcast_in_dim3A_35 in 1 : vector<256x64xbf16>, vector<256x1xbf16> -> vector<256x65xbf16>
    %slice3A_844 = vector.extract_strided_slice %convert_element_type3A_822 {offsets = [0, 64], sizes = [256, 64], strides = [1, 1]} : vector<256x128xbf16> to vector<256x64xbf16>
    %concatenate3A_845 = tpu.concatenate %slice3A_844, %broadcast_in_dim3A_35 in 1 : vector<256x64xbf16>, vector<256x1xbf16> -> vector<256x65xbf16>
    %slice3A_846 = vector.extract_strided_slice %convert_element_type3A_825 {offsets = [0, 64], sizes = [256, 64], strides = [1, 1]} : vector<256x128xbf16> to vector<256x64xbf16>
    %concatenate3A_847 = tpu.concatenate %slice3A_846, %broadcast_in_dim3A_35 in 1 : vector<256x64xbf16>, vector<256x1xbf16> -> vector<256x65xbf16>
    %slice3A_848 = vector.extract_strided_slice %convert_element_type3A_828 {offsets = [0, 64], sizes = [256, 64], strides = [1, 1]} : vector<256x128xbf16> to vector<256x64xbf16>
    %concatenate3A_849 = tpu.concatenate %slice3A_848, %broadcast_in_dim3A_35 in 1 : vector<256x64xbf16>, vector<256x1xbf16> -> vector<256x65xbf16>
    %slice3A_850 = vector.extract_strided_slice %convert_element_type3A_831 {offsets = [0, 64], sizes = [256, 64], strides = [1, 1]} : vector<256x128xbf16> to vector<256x64xbf16>
    %concatenate3A_851 = tpu.concatenate %slice3A_850, %broadcast_in_dim3A_35 in 1 : vector<256x64xbf16>, vector<256x1xbf16> -> vector<256x65xbf16>
    %slice3A_852 = vector.extract_strided_slice %get3A_7 {offsets = [0, 0], sizes = [256, 16], strides = [1, 1]} : vector<256x64xbf16> to vector<256x16xbf16>
    %slice3A_853 = vector.extract_strided_slice %get3A_7 {offsets = [0, 16], sizes = [256, 16], strides = [1, 1]} : vector<256x64xbf16> to vector<256x16xbf16>
    %slice3A_854 = vector.extract_strided_slice %get3A_7 {offsets = [0, 32], sizes = [256, 16], strides = [1, 1]} : vector<256x64xbf16> to vector<256x16xbf16>
    %slice3A_855 = vector.extract_strided_slice %get3A_7 {offsets = [0, 48], sizes = [256, 16], strides = [1, 1]} : vector<256x64xbf16> to vector<256x16xbf16>
    %slice3A_856 = vector.extract_strided_slice %convert_element_type3A_804 {offsets = [0, 0], sizes = [256, 16], strides = [1, 1]} : vector<256x128xbf16> to vector<256x16xbf16>
    %slice3A_857 = vector.extract_strided_slice %convert_element_type3A_807 {offsets = [0, 0], sizes = [256, 16], strides = [1, 1]} : vector<256x128xbf16> to vector<256x16xbf16>
    %slice3A_858 = vector.extract_strided_slice %convert_element_type3A_810 {offsets = [0, 0], sizes = [256, 16], strides = [1, 1]} : vector<256x128xbf16> to vector<256x16xbf16>
    %slice3A_859 = vector.extract_strided_slice %convert_element_type3A_813 {offsets = [0, 0], sizes = [256, 16], strides = [1, 1]} : vector<256x128xbf16> to vector<256x16xbf16>
    %slice3A_860 = vector.extract_strided_slice %convert_element_type3A_816 {offsets = [0, 0], sizes = [256, 16], strides = [1, 1]} : vector<256x128xbf16> to vector<256x16xbf16>
    %slice3A_861 = vector.extract_strided_slice %convert_element_type3A_819 {offsets = [0, 0], sizes = [256, 16], strides = [1, 1]} : vector<256x128xbf16> to vector<256x16xbf16>
    %slice3A_862 = vector.extract_strided_slice %convert_element_type3A_822 {offsets = [0, 0], sizes = [256, 16], strides = [1, 1]} : vector<256x128xbf16> to vector<256x16xbf16>
    %slice3A_863 = vector.extract_strided_slice %convert_element_type3A_825 {offsets = [0, 0], sizes = [256, 16], strides = [1, 1]} : vector<256x128xbf16> to vector<256x16xbf16>
    %slice3A_864 = vector.extract_strided_slice %convert_element_type3A_828 {offsets = [0, 0], sizes = [256, 16], strides = [1, 1]} : vector<256x128xbf16> to vector<256x16xbf16>
    %slice3A_865 = vector.extract_strided_slice %convert_element_type3A_831 {offsets = [0, 0], sizes = [256, 16], strides = [1, 1]} : vector<256x128xbf16> to vector<256x16xbf16>
    %concatenate3A_866 = tpu.concatenate %slice3A_856, %slice3A_857, %slice3A_858, %slice3A_859, %slice3A_860, %slice3A_861, %slice3A_862, %slice3A_863, %slice3A_864, %slice3A_865 in 0 : vector<256x16xbf16>, vector<256x16xbf16>, vector<256x16xbf16>, vector<256x16xbf16>, vector<256x16xbf16>, vector<256x16xbf16>, vector<256x16xbf16>, vector<256x16xbf16>, vector<256x16xbf16>, vector<256x16xbf16> -> vector<2560x16xbf16>
    %slice3A_867 = vector.extract_strided_slice %convert_element_type3A_804 {offsets = [0, 16], sizes = [256, 16], strides = [1, 1]} : vector<256x128xbf16> to vector<256x16xbf16>
    %slice3A_868 = vector.extract_strided_slice %convert_element_type3A_807 {offsets = [0, 16], sizes = [256, 16], strides = [1, 1]} : vector<256x128xbf16> to vector<256x16xbf16>
    %slice3A_869 = vector.extract_strided_slice %convert_element_type3A_810 {offsets = [0, 16], sizes = [256, 16], strides = [1, 1]} : vector<256x128xbf16> to vector<256x16xbf16>
    %slice3A_870 = vector.extract_strided_slice %convert_element_type3A_813 {offsets = [0, 16], sizes = [256, 16], strides = [1, 1]} : vector<256x128xbf16> to vector<256x16xbf16>
    %slice3A_871 = vector.extract_strided_slice %convert_element_type3A_816 {offsets = [0, 16], sizes = [256, 16], strides = [1, 1]} : vector<256x128xbf16> to vector<256x16xbf16>
    %slice3A_872 = vector.extract_strided_slice %convert_element_type3A_819 {offsets = [0, 16], sizes = [256, 16], strides = [1, 1]} : vector<256x128xbf16> to vector<256x16xbf16>
    %slice3A_873 = vector.extract_strided_slice %convert_element_type3A_822 {offsets = [0, 16], sizes = [256, 16], strides = [1, 1]} : vector<256x128xbf16> to vector<256x16xbf16>
    %slice3A_874 = vector.extract_strided_slice %convert_element_type3A_825 {offsets = [0, 16], sizes = [256, 16], strides = [1, 1]} : vector<256x128xbf16> to vector<256x16xbf16>
    %slice3A_875 = vector.extract_strided_slice %convert_element_type3A_828 {offsets = [0, 16], sizes = [256, 16], strides = [1, 1]} : vector<256x128xbf16> to vector<256x16xbf16>
    %slice3A_876 = vector.extract_strided_slice %convert_element_type3A_831 {offsets = [0, 16], sizes = [256, 16], strides = [1, 1]} : vector<256x128xbf16> to vector<256x16xbf16>
    %concatenate3A_877 = tpu.concatenate %slice3A_867, %slice3A_868, %slice3A_869, %slice3A_870, %slice3A_871, %slice3A_872, %slice3A_873, %slice3A_874, %slice3A_875, %slice3A_876 in 0 : vector<256x16xbf16>, vector<256x16xbf16>, vector<256x16xbf16>, vector<256x16xbf16>, vector<256x16xbf16>, vector<256x16xbf16>, vector<256x16xbf16>, vector<256x16xbf16>, vector<256x16xbf16>, vector<256x16xbf16> -> vector<2560x16xbf16>
    %slice3A_878 = vector.extract_strided_slice %convert_element_type3A_804 {offsets = [0, 32], sizes = [256, 16], strides = [1, 1]} : vector<256x128xbf16> to vector<256x16xbf16>
    %slice3A_879 = vector.extract_strided_slice %convert_element_type3A_807 {offsets = [0, 32], sizes = [256, 16], strides = [1, 1]} : vector<256x128xbf16> to vector<256x16xbf16>
    %slice3A_880 = vector.extract_strided_slice %convert_element_type3A_810 {offsets = [0, 32], sizes = [256, 16], strides = [1, 1]} : vector<256x128xbf16> to vector<256x16xbf16>
    %slice3A_881 = vector.extract_strided_slice %convert_element_type3A_813 {offsets = [0, 32], sizes = [256, 16], strides = [1, 1]} : vector<256x128xbf16> to vector<256x16xbf16>
    %slice3A_882 = vector.extract_strided_slice %convert_element_type3A_816 {offsets = [0, 32], sizes = [256, 16], strides = [1, 1]} : vector<256x128xbf16> to vector<256x16xbf16>
    %slice3A_883 = vector.extract_strided_slice %convert_element_type3A_819 {offsets = [0, 32], sizes = [256, 16], strides = [1, 1]} : vector<256x128xbf16> to vector<256x16xbf16>
    %slice3A_884 = vector.extract_strided_slice %convert_element_type3A_822 {offsets = [0, 32], sizes = [256, 16], strides = [1, 1]} : vector<256x128xbf16> to vector<256x16xbf16>
    %slice3A_885 = vector.extract_strided_slice %convert_element_type3A_825 {offsets = [0, 32], sizes = [256, 16], strides = [1, 1]} : vector<256x128xbf16> to vector<256x16xbf16>
    %slice3A_886 = vector.extract_strided_slice %convert_element_type3A_828 {offsets = [0, 32], sizes = [256, 16], strides = [1, 1]} : vector<256x128xbf16> to vector<256x16xbf16>
    %slice3A_887 = vector.extract_strided_slice %convert_element_type3A_831 {offsets = [0, 32], sizes = [256, 16], strides = [1, 1]} : vector<256x128xbf16> to vector<256x16xbf16>
    %concatenate3A_888 = tpu.concatenate %slice3A_878, %slice3A_879, %slice3A_880, %slice3A_881, %slice3A_882, %slice3A_883, %slice3A_884, %slice3A_885, %slice3A_886, %slice3A_887 in 0 : vector<256x16xbf16>, vector<256x16xbf16>, vector<256x16xbf16>, vector<256x16xbf16>, vector<256x16xbf16>, vector<256x16xbf16>, vector<256x16xbf16>, vector<256x16xbf16>, vector<256x16xbf16>, vector<256x16xbf16> -> vector<2560x16xbf16>
    %slice3A_889 = vector.extract_strided_slice %convert_element_type3A_804 {offsets = [0, 48], sizes = [256, 16], strides = [1, 1]} : vector<256x128xbf16> to vector<256x16xbf16>
    %slice3A_890 = vector.extract_strided_slice %convert_element_type3A_807 {offsets = [0, 48], sizes = [256, 16], strides = [1, 1]} : vector<256x128xbf16> to vector<256x16xbf16>
    %slice3A_891 = vector.extract_strided_slice %convert_element_type3A_810 {offsets = [0, 48], sizes = [256, 16], strides = [1, 1]} : vector<256x128xbf16> to vector<256x16xbf16>
    %slice3A_892 = vector.extract_strided_slice %convert_element_type3A_813 {offsets = [0, 48], sizes = [256, 16], strides = [1, 1]} : vector<256x128xbf16> to vector<256x16xbf16>
    %slice3A_893 = vector.extract_strided_slice %convert_element_type3A_816 {offsets = [0, 48], sizes = [256, 16], strides = [1, 1]} : vector<256x128xbf16> to vector<256x16xbf16>
    %slice3A_894 = vector.extract_strided_slice %convert_element_type3A_819 {offsets = [0, 48], sizes = [256, 16], strides = [1, 1]} : vector<256x128xbf16> to vector<256x16xbf16>
    %slice3A_895 = vector.extract_strided_slice %convert_element_type3A_822 {offsets = [0, 48], sizes = [256, 16], strides = [1, 1]} : vector<256x128xbf16> to vector<256x16xbf16>
    %slice3A_896 = vector.extract_strided_slice %convert_element_type3A_825 {offsets = [0, 48], sizes = [256, 16], strides = [1, 1]} : vector<256x128xbf16> to vector<256x16xbf16>
    %slice3A_897 = vector.extract_strided_slice %convert_element_type3A_828 {offsets = [0, 48], sizes = [256, 16], strides = [1, 1]} : vector<256x128xbf16> to vector<256x16xbf16>
    %slice3A_898 = vector.extract_strided_slice %convert_element_type3A_831 {offsets = [0, 48], sizes = [256, 16], strides = [1, 1]} : vector<256x128xbf16> to vector<256x16xbf16>
    %concatenate3A_899 = tpu.concatenate %slice3A_889, %slice3A_890, %slice3A_891, %slice3A_892, %slice3A_893, %slice3A_894, %slice3A_895, %slice3A_896, %slice3A_897, %slice3A_898 in 0 : vector<256x16xbf16>, vector<256x16xbf16>, vector<256x16xbf16>, vector<256x16xbf16>, vector<256x16xbf16>, vector<256x16xbf16>, vector<256x16xbf16>, vector<256x16xbf16>, vector<256x16xbf16>, vector<256x16xbf16> -> vector<2560x16xbf16>
    %dot_general3A_900 = arith.constant dense<0.000000e+00> : vector<256x2560xf32>
    %dot_general3A_901 = tpu.matmul %slice3A_852, %concatenate3A_866, %dot_general3A_900 {dimension_numbers = #tpu.dot_dimension_numbers<[1], [1], [0], [0], [0, 0, 1, 0], [], []>, transpose_lhs_hint = false} : vector<256x16xbf16>, vector<2560x16xbf16>, vector<256x2560xf32> -> vector<256x2560xf32>
    %dot_general3A_902 = arith.constant dense<0.000000e+00> : vector<256x2560xf32>
    %dot_general3A_903 = tpu.matmul %slice3A_853, %concatenate3A_877, %dot_general3A_902 {dimension_numbers = #tpu.dot_dimension_numbers<[1], [1], [0], [0], [0, 0, 1, 0], [], []>, transpose_lhs_hint = false} : vector<256x16xbf16>, vector<2560x16xbf16>, vector<256x2560xf32> -> vector<256x2560xf32>
    %dot_general3A_904 = arith.constant dense<0.000000e+00> : vector<256x2560xf32>
    %dot_general3A_905 = tpu.matmul %slice3A_854, %concatenate3A_888, %dot_general3A_904 {dimension_numbers = #tpu.dot_dimension_numbers<[1], [1], [0], [0], [0, 0, 1, 0], [], []>, transpose_lhs_hint = false} : vector<256x16xbf16>, vector<2560x16xbf16>, vector<256x2560xf32> -> vector<256x2560xf32>
    %dot_general3A_906 = arith.constant dense<0.000000e+00> : vector<256x2560xf32>
    %dot_general3A_907 = tpu.matmul %slice3A_855, %concatenate3A_899, %dot_general3A_906 {dimension_numbers = #tpu.dot_dimension_numbers<[1], [1], [0], [0], [0, 0, 1, 0], [], []>, transpose_lhs_hint = false} : vector<256x16xbf16>, vector<2560x16xbf16>, vector<256x2560xf32> -> vector<256x2560xf32>
    %convert_element_type3A_908 = arith.truncf %dot_general3A_901 : vector<256x2560xf32> to vector<256x2560xbf16>
    %exp23A_909 = math.exp2 %convert_element_type3A_908 : vector<256x2560xbf16>
    %convert_element_type3A_910 = arith.truncf %dot_general3A_903 : vector<256x2560xf32> to vector<256x2560xbf16>
    %exp23A_911 = math.exp2 %convert_element_type3A_910 : vector<256x2560xbf16>
    %convert_element_type3A_912 = arith.truncf %dot_general3A_905 : vector<256x2560xf32> to vector<256x2560xbf16>
    %exp23A_913 = math.exp2 %convert_element_type3A_912 : vector<256x2560xbf16>
    %convert_element_type3A_914 = arith.truncf %dot_general3A_907 : vector<256x2560xf32> to vector<256x2560xbf16>
    %exp23A_915 = math.exp2 %convert_element_type3A_914 : vector<256x2560xbf16>
    %slice3A_916 = vector.extract_strided_slice %exp23A_909 {offsets = [0, 0], sizes = [256, 256], strides = [1, 1]} : vector<256x2560xbf16> to vector<256x256xbf16>
    %dot_general3A_917 = arith.constant dense<0.000000e+00> : vector<256x65xf32>
    %dot_general3A_918 = tpu.matmul %slice3A_916, %concatenate3A_833, %dot_general3A_917 {dimension_numbers = #tpu.dot_dimension_numbers<[1], [0], [0], [1], [0, 0, 1, 1], [], []>, transpose_lhs_hint = false} : vector<256x256xbf16>, vector<256x65xbf16>, vector<256x65xf32> -> vector<256x65xf32>
    %slice3A_919 = vector.extract_strided_slice %exp23A_911 {offsets = [0, 0], sizes = [256, 256], strides = [1, 1]} : vector<256x2560xbf16> to vector<256x256xbf16>
    %dot_general3A_920 = arith.constant dense<0.000000e+00> : vector<256x65xf32>
    %dot_general3A_921 = tpu.matmul %slice3A_919, %concatenate3A_833, %dot_general3A_920 {dimension_numbers = #tpu.dot_dimension_numbers<[1], [0], [0], [1], [0, 0, 1, 1], [], []>, transpose_lhs_hint = false} : vector<256x256xbf16>, vector<256x65xbf16>, vector<256x65xf32> -> vector<256x65xf32>
    %slice3A_922 = vector.extract_strided_slice %exp23A_913 {offsets = [0, 0], sizes = [256, 256], strides = [1, 1]} : vector<256x2560xbf16> to vector<256x256xbf16>
    %dot_general3A_923 = arith.constant dense<0.000000e+00> : vector<256x65xf32>
    %dot_general3A_924 = tpu.matmul %slice3A_922, %concatenate3A_833, %dot_general3A_923 {dimension_numbers = #tpu.dot_dimension_numbers<[1], [0], [0], [1], [0, 0, 1, 1], [], []>, transpose_lhs_hint = false} : vector<256x256xbf16>, vector<256x65xbf16>, vector<256x65xf32> -> vector<256x65xf32>
    %slice3A_925 = vector.extract_strided_slice %exp23A_915 {offsets = [0, 0], sizes = [256, 256], strides = [1, 1]} : vector<256x2560xbf16> to vector<256x256xbf16>
    %dot_general3A_926 = arith.constant dense<0.000000e+00> : vector<256x65xf32>
    %dot_general3A_927 = tpu.matmul %slice3A_925, %concatenate3A_833, %dot_general3A_926 {dimension_numbers = #tpu.dot_dimension_numbers<[1], [0], [0], [1], [0, 0, 1, 1], [], []>, transpose_lhs_hint = false} : vector<256x256xbf16>, vector<256x65xbf16>, vector<256x65xf32> -> vector<256x65xf32>
    %slice3A_928 = vector.extract_strided_slice %exp23A_909 {offsets = [0, 256], sizes = [256, 256], strides = [1, 1]} : vector<256x2560xbf16> to vector<256x256xbf16>
    %dot_general3A_929 = arith.constant dense<0.000000e+00> : vector<256x65xf32>
    %dot_general3A_930 = tpu.matmul %slice3A_928, %concatenate3A_835, %dot_general3A_929 {dimension_numbers = #tpu.dot_dimension_numbers<[1], [0], [0], [1], [0, 0, 1, 1], [], []>, transpose_lhs_hint = false} : vector<256x256xbf16>, vector<256x65xbf16>, vector<256x65xf32> -> vector<256x65xf32>
    %slice3A_931 = vector.extract_strided_slice %exp23A_911 {offsets = [0, 256], sizes = [256, 256], strides = [1, 1]} : vector<256x2560xbf16> to vector<256x256xbf16>
    %dot_general3A_932 = arith.constant dense<0.000000e+00> : vector<256x65xf32>
    %dot_general3A_933 = tpu.matmul %slice3A_931, %concatenate3A_835, %dot_general3A_932 {dimension_numbers = #tpu.dot_dimension_numbers<[1], [0], [0], [1], [0, 0, 1, 1], [], []>, transpose_lhs_hint = false} : vector<256x256xbf16>, vector<256x65xbf16>, vector<256x65xf32> -> vector<256x65xf32>
    %slice3A_934 = vector.extract_strided_slice %exp23A_913 {offsets = [0, 256], sizes = [256, 256], strides = [1, 1]} : vector<256x2560xbf16> to vector<256x256xbf16>
    %dot_general3A_935 = arith.constant dense<0.000000e+00> : vector<256x65xf32>
    %dot_general3A_936 = tpu.matmul %slice3A_934, %concatenate3A_835, %dot_general3A_935 {dimension_numbers = #tpu.dot_dimension_numbers<[1], [0], [0], [1], [0, 0, 1, 1], [], []>, transpose_lhs_hint = false} : vector<256x256xbf16>, vector<256x65xbf16>, vector<256x65xf32> -> vector<256x65xf32>
    %slice3A_937 = vector.extract_strided_slice %exp23A_915 {offsets = [0, 256], sizes = [256, 256], strides = [1, 1]} : vector<256x2560xbf16> to vector<256x256xbf16>
    %dot_general3A_938 = arith.constant dense<0.000000e+00> : vector<256x65xf32>
    %dot_general3A_939 = tpu.matmul %slice3A_937, %concatenate3A_835, %dot_general3A_938 {dimension_numbers = #tpu.dot_dimension_numbers<[1], [0], [0], [1], [0, 0, 1, 1], [], []>, transpose_lhs_hint = false} : vector<256x256xbf16>, vector<256x65xbf16>, vector<256x65xf32> -> vector<256x65xf32>
    %slice3A_940 = vector.extract_strided_slice %exp23A_909 {offsets = [0, 512], sizes = [256, 256], strides = [1, 1]} : vector<256x2560xbf16> to vector<256x256xbf16>
    %dot_general3A_941 = arith.constant dense<0.000000e+00> : vector<256x65xf32>
    %dot_general3A_942 = tpu.matmul %slice3A_940, %concatenate3A_837, %dot_general3A_941 {dimension_numbers = #tpu.dot_dimension_numbers<[1], [0], [0], [1], [0, 0, 1, 1], [], []>, transpose_lhs_hint = false} : vector<256x256xbf16>, vector<256x65xbf16>, vector<256x65xf32> -> vector<256x65xf32>
    %slice3A_943 = vector.extract_strided_slice %exp23A_911 {offsets = [0, 512], sizes = [256, 256], strides = [1, 1]} : vector<256x2560xbf16> to vector<256x256xbf16>
    %dot_general3A_944 = arith.constant dense<0.000000e+00> : vector<256x65xf32>
    %dot_general3A_945 = tpu.matmul %slice3A_943, %concatenate3A_837, %dot_general3A_944 {dimension_numbers = #tpu.dot_dimension_numbers<[1], [0], [0], [1], [0, 0, 1, 1], [], []>, transpose_lhs_hint = false} : vector<256x256xbf16>, vector<256x65xbf16>, vector<256x65xf32> -> vector<256x65xf32>
    %slice3A_946 = vector.extract_strided_slice %exp23A_913 {offsets = [0, 512], sizes = [256, 256], strides = [1, 1]} : vector<256x2560xbf16> to vector<256x256xbf16>
    %dot_general3A_947 = arith.constant dense<0.000000e+00> : vector<256x65xf32>
    %dot_general3A_948 = tpu.matmul %slice3A_946, %concatenate3A_837, %dot_general3A_947 {dimension_numbers = #tpu.dot_dimension_numbers<[1], [0], [0], [1], [0, 0, 1, 1], [], []>, transpose_lhs_hint = false} : vector<256x256xbf16>, vector<256x65xbf16>, vector<256x65xf32> -> vector<256x65xf32>
    %slice3A_949 = vector.extract_strided_slice %exp23A_915 {offsets = [0, 512], sizes = [256, 256], strides = [1, 1]} : vector<256x2560xbf16> to vector<256x256xbf16>
    %dot_general3A_950 = arith.constant dense<0.000000e+00> : vector<256x65xf32>
    %dot_general3A_951 = tpu.matmul %slice3A_949, %concatenate3A_837, %dot_general3A_950 {dimension_numbers = #tpu.dot_dimension_numbers<[1], [0], [0], [1], [0, 0, 1, 1], [], []>, transpose_lhs_hint = false} : vector<256x256xbf16>, vector<256x65xbf16>, vector<256x65xf32> -> vector<256x65xf32>
    %slice3A_952 = vector.extract_strided_slice %exp23A_909 {offsets = [0, 768], sizes = [256, 256], strides = [1, 1]} : vector<256x2560xbf16> to vector<256x256xbf16>
    %dot_general3A_953 = arith.constant dense<0.000000e+00> : vector<256x65xf32>
    %dot_general3A_954 = tpu.matmul %slice3A_952, %concatenate3A_839, %dot_general3A_953 {dimension_numbers = #tpu.dot_dimension_numbers<[1], [0], [0], [1], [0, 0, 1, 1], [], []>, transpose_lhs_hint = false} : vector<256x256xbf16>, vector<256x65xbf16>, vector<256x65xf32> -> vector<256x65xf32>
    %slice3A_955 = vector.extract_strided_slice %exp23A_911 {offsets = [0, 768], sizes = [256, 256], strides = [1, 1]} : vector<256x2560xbf16> to vector<256x256xbf16>
    %dot_general3A_956 = arith.constant dense<0.000000e+00> : vector<256x65xf32>
    %dot_general3A_957 = tpu.matmul %slice3A_955, %concatenate3A_839, %dot_general3A_956 {dimension_numbers = #tpu.dot_dimension_numbers<[1], [0], [0], [1], [0, 0, 1, 1], [], []>, transpose_lhs_hint = false} : vector<256x256xbf16>, vector<256x65xbf16>, vector<256x65xf32> -> vector<256x65xf32>
    %slice3A_958 = vector.extract_strided_slice %exp23A_913 {offsets = [0, 768], sizes = [256, 256], strides = [1, 1]} : vector<256x2560xbf16> to vector<256x256xbf16>
    %dot_general3A_959 = arith.constant dense<0.000000e+00> : vector<256x65xf32>
    %dot_general3A_960 = tpu.matmul %slice3A_958, %concatenate3A_839, %dot_general3A_959 {dimension_numbers = #tpu.dot_dimension_numbers<[1], [0], [0], [1], [0, 0, 1, 1], [], []>, transpose_lhs_hint = false} : vector<256x256xbf16>, vector<256x65xbf16>, vector<256x65xf32> -> vector<256x65xf32>
    %slice3A_961 = vector.extract_strided_slice %exp23A_915 {offsets = [0, 768], sizes = [256, 256], strides = [1, 1]} : vector<256x2560xbf16> to vector<256x256xbf16>
    %dot_general3A_962 = arith.constant dense<0.000000e+00> : vector<256x65xf32>
    %dot_general3A_963 = tpu.matmul %slice3A_961, %concatenate3A_839, %dot_general3A_962 {dimension_numbers = #tpu.dot_dimension_numbers<[1], [0], [0], [1], [0, 0, 1, 1], [], []>, transpose_lhs_hint = false} : vector<256x256xbf16>, vector<256x65xbf16>, vector<256x65xf32> -> vector<256x65xf32>
    %slice3A_964 = vector.extract_strided_slice %exp23A_909 {offsets = [0, 1024], sizes = [256, 256], strides = [1, 1]} : vector<256x2560xbf16> to vector<256x256xbf16>
    %dot_general3A_965 = arith.constant dense<0.000000e+00> : vector<256x65xf32>
    %dot_general3A_966 = tpu.matmul %slice3A_964, %concatenate3A_841, %dot_general3A_965 {dimension_numbers = #tpu.dot_dimension_numbers<[1], [0], [0], [1], [0, 0, 1, 1], [], []>, transpose_lhs_hint = false} : vector<256x256xbf16>, vector<256x65xbf16>, vector<256x65xf32> -> vector<256x65xf32>
    %slice3A_967 = vector.extract_strided_slice %exp23A_911 {offsets = [0, 1024], sizes = [256, 256], strides = [1, 1]} : vector<256x2560xbf16> to vector<256x256xbf16>
    %dot_general3A_968 = arith.constant dense<0.000000e+00> : vector<256x65xf32>
    %dot_general3A_969 = tpu.matmul %slice3A_967, %concatenate3A_841, %dot_general3A_968 {dimension_numbers = #tpu.dot_dimension_numbers<[1], [0], [0], [1], [0, 0, 1, 1], [], []>, transpose_lhs_hint = false} : vector<256x256xbf16>, vector<256x65xbf16>, vector<256x65xf32> -> vector<256x65xf32>
    %slice3A_970 = vector.extract_strided_slice %exp23A_913 {offsets = [0, 1024], sizes = [256, 256], strides = [1, 1]} : vector<256x2560xbf16> to vector<256x256xbf16>
    %dot_general3A_971 = arith.constant dense<0.000000e+00> : vector<256x65xf32>
    %dot_general3A_972 = tpu.matmul %slice3A_970, %concatenate3A_841, %dot_general3A_971 {dimension_numbers = #tpu.dot_dimension_numbers<[1], [0], [0], [1], [0, 0, 1, 1], [], []>, transpose_lhs_hint = false} : vector<256x256xbf16>, vector<256x65xbf16>, vector<256x65xf32> -> vector<256x65xf32>
    %slice3A_973 = vector.extract_strided_slice %exp23A_915 {offsets = [0, 1024], sizes = [256, 256], strides = [1, 1]} : vector<256x2560xbf16> to vector<256x256xbf16>
    %dot_general3A_974 = arith.constant dense<0.000000e+00> : vector<256x65xf32>
    %dot_general3A_975 = tpu.matmul %slice3A_973, %concatenate3A_841, %dot_general3A_974 {dimension_numbers = #tpu.dot_dimension_numbers<[1], [0], [0], [1], [0, 0, 1, 1], [], []>, transpose_lhs_hint = false} : vector<256x256xbf16>, vector<256x65xbf16>, vector<256x65xf32> -> vector<256x65xf32>
    %slice3A_976 = vector.extract_strided_slice %exp23A_909 {offsets = [0, 1280], sizes = [256, 256], strides = [1, 1]} : vector<256x2560xbf16> to vector<256x256xbf16>
    %dot_general3A_977 = arith.constant dense<0.000000e+00> : vector<256x65xf32>
    %dot_general3A_978 = tpu.matmul %slice3A_976, %concatenate3A_843, %dot_general3A_977 {dimension_numbers = #tpu.dot_dimension_numbers<[1], [0], [0], [1], [0, 0, 1, 1], [], []>, transpose_lhs_hint = false} : vector<256x256xbf16>, vector<256x65xbf16>, vector<256x65xf32> -> vector<256x65xf32>
    %slice3A_979 = vector.extract_strided_slice %exp23A_911 {offsets = [0, 1280], sizes = [256, 256], strides = [1, 1]} : vector<256x2560xbf16> to vector<256x256xbf16>
    %dot_general3A_980 = arith.constant dense<0.000000e+00> : vector<256x65xf32>
    %dot_general3A_981 = tpu.matmul %slice3A_979, %concatenate3A_843, %dot_general3A_980 {dimension_numbers = #tpu.dot_dimension_numbers<[1], [0], [0], [1], [0, 0, 1, 1], [], []>, transpose_lhs_hint = false} : vector<256x256xbf16>, vector<256x65xbf16>, vector<256x65xf32> -> vector<256x65xf32>
    %slice3A_982 = vector.extract_strided_slice %exp23A_913 {offsets = [0, 1280], sizes = [256, 256], strides = [1, 1]} : vector<256x2560xbf16> to vector<256x256xbf16>
    %dot_general3A_983 = arith.constant dense<0.000000e+00> : vector<256x65xf32>
    %dot_general3A_984 = tpu.matmul %slice3A_982, %concatenate3A_843, %dot_general3A_983 {dimension_numbers = #tpu.dot_dimension_numbers<[1], [0], [0], [1], [0, 0, 1, 1], [], []>, transpose_lhs_hint = false} : vector<256x256xbf16>, vector<256x65xbf16>, vector<256x65xf32> -> vector<256x65xf32>
    %slice3A_985 = vector.extract_strided_slice %exp23A_915 {offsets = [0, 1280], sizes = [256, 256], strides = [1, 1]} : vector<256x2560xbf16> to vector<256x256xbf16>
    %dot_general3A_986 = arith.constant dense<0.000000e+00> : vector<256x65xf32>
    %dot_general3A_987 = tpu.matmul %slice3A_985, %concatenate3A_843, %dot_general3A_986 {dimension_numbers = #tpu.dot_dimension_numbers<[1], [0], [0], [1], [0, 0, 1, 1], [], []>, transpose_lhs_hint = false} : vector<256x256xbf16>, vector<256x65xbf16>, vector<256x65xf32> -> vector<256x65xf32>
    %slice3A_988 = vector.extract_strided_slice %exp23A_909 {offsets = [0, 1536], sizes = [256, 256], strides = [1, 1]} : vector<256x2560xbf16> to vector<256x256xbf16>
    %dot_general3A_989 = arith.constant dense<0.000000e+00> : vector<256x65xf32>
    %dot_general3A_990 = tpu.matmul %slice3A_988, %concatenate3A_845, %dot_general3A_989 {dimension_numbers = #tpu.dot_dimension_numbers<[1], [0], [0], [1], [0, 0, 1, 1], [], []>, transpose_lhs_hint = false} : vector<256x256xbf16>, vector<256x65xbf16>, vector<256x65xf32> -> vector<256x65xf32>
    %slice3A_991 = vector.extract_strided_slice %exp23A_911 {offsets = [0, 1536], sizes = [256, 256], strides = [1, 1]} : vector<256x2560xbf16> to vector<256x256xbf16>
    %dot_general3A_992 = arith.constant dense<0.000000e+00> : vector<256x65xf32>
    %dot_general3A_993 = tpu.matmul %slice3A_991, %concatenate3A_845, %dot_general3A_992 {dimension_numbers = #tpu.dot_dimension_numbers<[1], [0], [0], [1], [0, 0, 1, 1], [], []>, transpose_lhs_hint = false} : vector<256x256xbf16>, vector<256x65xbf16>, vector<256x65xf32> -> vector<256x65xf32>
    %slice3A_994 = vector.extract_strided_slice %exp23A_913 {offsets = [0, 1536], sizes = [256, 256], strides = [1, 1]} : vector<256x2560xbf16> to vector<256x256xbf16>
    %dot_general3A_995 = arith.constant dense<0.000000e+00> : vector<256x65xf32>
    %dot_general3A_996 = tpu.matmul %slice3A_994, %concatenate3A_845, %dot_general3A_995 {dimension_numbers = #tpu.dot_dimension_numbers<[1], [0], [0], [1], [0, 0, 1, 1], [], []>, transpose_lhs_hint = false} : vector<256x256xbf16>, vector<256x65xbf16>, vector<256x65xf32> -> vector<256x65xf32>
    %slice3A_997 = vector.extract_strided_slice %exp23A_915 {offsets = [0, 1536], sizes = [256, 256], strides = [1, 1]} : vector<256x2560xbf16> to vector<256x256xbf16>
    %dot_general3A_998 = arith.constant dense<0.000000e+00> : vector<256x65xf32>
    %dot_general3A_999 = tpu.matmul %slice3A_997, %concatenate3A_845, %dot_general3A_998 {dimension_numbers = #tpu.dot_dimension_numbers<[1], [0], [0], [1], [0, 0, 1, 1], [], []>, transpose_lhs_hint = false} : vector<256x256xbf16>, vector<256x65xbf16>, vector<256x65xf32> -> vector<256x65xf32>
    %slice3A_1000 = vector.extract_strided_slice %exp23A_909 {offsets = [0, 1792], sizes = [256, 256], strides = [1, 1]} : vector<256x2560xbf16> to vector<256x256xbf16>
    %dot_general3A_1001 = arith.constant dense<0.000000e+00> : vector<256x65xf32>
    %dot_general3A_1002 = tpu.matmul %slice3A_1000, %concatenate3A_847, %dot_general3A_1001 {dimension_numbers = #tpu.dot_dimension_numbers<[1], [0], [0], [1], [0, 0, 1, 1], [], []>, transpose_lhs_hint = false} : vector<256x256xbf16>, vector<256x65xbf16>, vector<256x65xf32> -> vector<256x65xf32>
    %slice3A_1003 = vector.extract_strided_slice %exp23A_911 {offsets = [0, 1792], sizes = [256, 256], strides = [1, 1]} : vector<256x2560xbf16> to vector<256x256xbf16>
    %dot_general3A_1004 = arith.constant dense<0.000000e+00> : vector<256x65xf32>
    %dot_general3A_1005 = tpu.matmul %slice3A_1003, %concatenate3A_847, %dot_general3A_1004 {dimension_numbers = #tpu.dot_dimension_numbers<[1], [0], [0], [1], [0, 0, 1, 1], [], []>, transpose_lhs_hint = false} : vector<256x256xbf16>, vector<256x65xbf16>, vector<256x65xf32> -> vector<256x65xf32>
    %slice3A_1006 = vector.extract_strided_slice %exp23A_913 {offsets = [0, 1792], sizes = [256, 256], strides = [1, 1]} : vector<256x2560xbf16> to vector<256x256xbf16>
    %dot_general3A_1007 = arith.constant dense<0.000000e+00> : vector<256x65xf32>
    %dot_general3A_1008 = tpu.matmul %slice3A_1006, %concatenate3A_847, %dot_general3A_1007 {dimension_numbers = #tpu.dot_dimension_numbers<[1], [0], [0], [1], [0, 0, 1, 1], [], []>, transpose_lhs_hint = false} : vector<256x256xbf16>, vector<256x65xbf16>, vector<256x65xf32> -> vector<256x65xf32>
    %slice3A_1009 = vector.extract_strided_slice %exp23A_915 {offsets = [0, 1792], sizes = [256, 256], strides = [1, 1]} : vector<256x2560xbf16> to vector<256x256xbf16>
    %dot_general3A_1010 = arith.constant dense<0.000000e+00> : vector<256x65xf32>
    %dot_general3A_1011 = tpu.matmul %slice3A_1009, %concatenate3A_847, %dot_general3A_1010 {dimension_numbers = #tpu.dot_dimension_numbers<[1], [0], [0], [1], [0, 0, 1, 1], [], []>, transpose_lhs_hint = false} : vector<256x256xbf16>, vector<256x65xbf16>, vector<256x65xf32> -> vector<256x65xf32>
    %slice3A_1012 = vector.extract_strided_slice %exp23A_909 {offsets = [0, 2048], sizes = [256, 256], strides = [1, 1]} : vector<256x2560xbf16> to vector<256x256xbf16>
    %dot_general3A_1013 = arith.constant dense<0.000000e+00> : vector<256x65xf32>
    %dot_general3A_1014 = tpu.matmul %slice3A_1012, %concatenate3A_849, %dot_general3A_1013 {dimension_numbers = #tpu.dot_dimension_numbers<[1], [0], [0], [1], [0, 0, 1, 1], [], []>, transpose_lhs_hint = false} : vector<256x256xbf16>, vector<256x65xbf16>, vector<256x65xf32> -> vector<256x65xf32>
    %slice3A_1015 = vector.extract_strided_slice %exp23A_911 {offsets = [0, 2048], sizes = [256, 256], strides = [1, 1]} : vector<256x2560xbf16> to vector<256x256xbf16>
    %dot_general3A_1016 = arith.constant dense<0.000000e+00> : vector<256x65xf32>
    %dot_general3A_1017 = tpu.matmul %slice3A_1015, %concatenate3A_849, %dot_general3A_1016 {dimension_numbers = #tpu.dot_dimension_numbers<[1], [0], [0], [1], [0, 0, 1, 1], [], []>, transpose_lhs_hint = false} : vector<256x256xbf16>, vector<256x65xbf16>, vector<256x65xf32> -> vector<256x65xf32>
    %slice3A_1018 = vector.extract_strided_slice %exp23A_913 {offsets = [0, 2048], sizes = [256, 256], strides = [1, 1]} : vector<256x2560xbf16> to vector<256x256xbf16>
    %dot_general3A_1019 = arith.constant dense<0.000000e+00> : vector<256x65xf32>
    %dot_general3A_1020 = tpu.matmul %slice3A_1018, %concatenate3A_849, %dot_general3A_1019 {dimension_numbers = #tpu.dot_dimension_numbers<[1], [0], [0], [1], [0, 0, 1, 1], [], []>, transpose_lhs_hint = false} : vector<256x256xbf16>, vector<256x65xbf16>, vector<256x65xf32> -> vector<256x65xf32>
    %slice3A_1021 = vector.extract_strided_slice %exp23A_915 {offsets = [0, 2048], sizes = [256, 256], strides = [1, 1]} : vector<256x2560xbf16> to vector<256x256xbf16>
    %dot_general3A_1022 = arith.constant dense<0.000000e+00> : vector<256x65xf32>
    %dot_general3A_1023 = tpu.matmul %slice3A_1021, %concatenate3A_849, %dot_general3A_1022 {dimension_numbers = #tpu.dot_dimension_numbers<[1], [0], [0], [1], [0, 0, 1, 1], [], []>, transpose_lhs_hint = false} : vector<256x256xbf16>, vector<256x65xbf16>, vector<256x65xf32> -> vector<256x65xf32>
    %slice3A_1024 = vector.extract_strided_slice %exp23A_909 {offsets = [0, 2304], sizes = [256, 256], strides = [1, 1]} : vector<256x2560xbf16> to vector<256x256xbf16>
    %dot_general3A_1025 = arith.constant dense<0.000000e+00> : vector<256x65xf32>
    %dot_general3A_1026 = tpu.matmul %slice3A_1024, %concatenate3A_851, %dot_general3A_1025 {dimension_numbers = #tpu.dot_dimension_numbers<[1], [0], [0], [1], [0, 0, 1, 1], [], []>, transpose_lhs_hint = false} : vector<256x256xbf16>, vector<256x65xbf16>, vector<256x65xf32> -> vector<256x65xf32>
    %slice3A_1027 = vector.extract_strided_slice %exp23A_911 {offsets = [0, 2304], sizes = [256, 256], strides = [1, 1]} : vector<256x2560xbf16> to vector<256x256xbf16>
    %dot_general3A_1028 = arith.constant dense<0.000000e+00> : vector<256x65xf32>
    %dot_general3A_1029 = tpu.matmul %slice3A_1027, %concatenate3A_851, %dot_general3A_1028 {dimension_numbers = #tpu.dot_dimension_numbers<[1], [0], [0], [1], [0, 0, 1, 1], [], []>, transpose_lhs_hint = false} : vector<256x256xbf16>, vector<256x65xbf16>, vector<256x65xf32> -> vector<256x65xf32>
    %slice3A_1030 = vector.extract_strided_slice %exp23A_913 {offsets = [0, 2304], sizes = [256, 256], strides = [1, 1]} : vector<256x2560xbf16> to vector<256x256xbf16>
    %dot_general3A_1031 = arith.constant dense<0.000000e+00> : vector<256x65xf32>
    %dot_general3A_1032 = tpu.matmul %slice3A_1030, %concatenate3A_851, %dot_general3A_1031 {dimension_numbers = #tpu.dot_dimension_numbers<[1], [0], [0], [1], [0, 0, 1, 1], [], []>, transpose_lhs_hint = false} : vector<256x256xbf16>, vector<256x65xbf16>, vector<256x65xf32> -> vector<256x65xf32>
    %slice3A_1033 = vector.extract_strided_slice %exp23A_915 {offsets = [0, 2304], sizes = [256, 256], strides = [1, 1]} : vector<256x2560xbf16> to vector<256x256xbf16>
    %dot_general3A_1034 = arith.constant dense<0.000000e+00> : vector<256x65xf32>
    %dot_general3A_1035 = tpu.matmul %slice3A_1033, %concatenate3A_851, %dot_general3A_1034 {dimension_numbers = #tpu.dot_dimension_numbers<[1], [0], [0], [1], [0, 0, 1, 1], [], []>, transpose_lhs_hint = false} : vector<256x256xbf16>, vector<256x65xbf16>, vector<256x65xf32> -> vector<256x65xf32>
    %slice3A_1036 = vector.extract_strided_slice %dot_general3A_918 {offsets = [0, 0], sizes = [256, 16], strides = [1, 1]} : vector<256x65xf32> to vector<256x16xf32>
    %slice3A_1037 = vector.extract_strided_slice %dot_general3A_918 {offsets = [0, 64], sizes = [256, 1], strides = [1, 1]} : vector<256x65xf32> to vector<256x1xf32>
    %div3A_1038 = arith.constant 1.000000e+00 : f32
    %div3A_1039 = vector.broadcast %div3A_1038 : f32 to vector<256x1xf32>
    %div3A_1040 = arith.divf %div3A_1039, %slice3A_1037 : vector<256x1xf32>
    %mul3A_1041 = vector.broadcast %div3A_1040 : vector<256x1xf32> to vector<256x16xf32>
    %mul3A_1042 = arith.mulf %slice3A_1036, %mul3A_1041 : vector<256x16xf32>
    %slice3A_1043 = vector.extract_strided_slice %dot_general3A_921 {offsets = [0, 16], sizes = [256, 16], strides = [1, 1]} : vector<256x65xf32> to vector<256x16xf32>
    %slice3A_1044 = vector.extract_strided_slice %dot_general3A_921 {offsets = [0, 64], sizes = [256, 1], strides = [1, 1]} : vector<256x65xf32> to vector<256x1xf32>
    %div3A_1045 = arith.constant 1.000000e+00 : f32
    %div3A_1046 = vector.broadcast %div3A_1045 : f32 to vector<256x1xf32>
    %div3A_1047 = arith.divf %div3A_1046, %slice3A_1044 : vector<256x1xf32>
    %mul3A_1048 = vector.broadcast %div3A_1047 : vector<256x1xf32> to vector<256x16xf32>
    %mul3A_1049 = arith.mulf %slice3A_1043, %mul3A_1048 : vector<256x16xf32>
    %slice3A_1050 = vector.extract_strided_slice %dot_general3A_924 {offsets = [0, 32], sizes = [256, 16], strides = [1, 1]} : vector<256x65xf32> to vector<256x16xf32>
    %slice3A_1051 = vector.extract_strided_slice %dot_general3A_924 {offsets = [0, 64], sizes = [256, 1], strides = [1, 1]} : vector<256x65xf32> to vector<256x1xf32>
    %div3A_1052 = arith.constant 1.000000e+00 : f32
    %div3A_1053 = vector.broadcast %div3A_1052 : f32 to vector<256x1xf32>
    %div3A_1054 = arith.divf %div3A_1053, %slice3A_1051 : vector<256x1xf32>
    %mul3A_1055 = vector.broadcast %div3A_1054 : vector<256x1xf32> to vector<256x16xf32>
    %mul3A_1056 = arith.mulf %slice3A_1050, %mul3A_1055 : vector<256x16xf32>
    %slice3A_1057 = vector.extract_strided_slice %dot_general3A_927 {offsets = [0, 48], sizes = [256, 16], strides = [1, 1]} : vector<256x65xf32> to vector<256x16xf32>
    %slice3A_1058 = vector.extract_strided_slice %dot_general3A_927 {offsets = [0, 64], sizes = [256, 1], strides = [1, 1]} : vector<256x65xf32> to vector<256x1xf32>
    %div3A_1059 = arith.constant 1.000000e+00 : f32
    %div3A_1060 = vector.broadcast %div3A_1059 : f32 to vector<256x1xf32>
    %div3A_1061 = arith.divf %div3A_1060, %slice3A_1058 : vector<256x1xf32>
    %mul3A_1062 = vector.broadcast %div3A_1061 : vector<256x1xf32> to vector<256x16xf32>
    %mul3A_1063 = arith.mulf %slice3A_1057, %mul3A_1062 : vector<256x16xf32>
    %concatenate3A_1064 = tpu.concatenate %mul3A_1042, %mul3A_1049, %mul3A_1056, %mul3A_1063 in 1 : vector<256x16xf32>, vector<256x16xf32>, vector<256x16xf32>, vector<256x16xf32> -> vector<256x64xf32>
    %slice3A_1065 = vector.extract_strided_slice %dot_general3A_930 {offsets = [0, 0], sizes = [256, 16], strides = [1, 1]} : vector<256x65xf32> to vector<256x16xf32>
    %slice3A_1066 = vector.extract_strided_slice %dot_general3A_930 {offsets = [0, 64], sizes = [256, 1], strides = [1, 1]} : vector<256x65xf32> to vector<256x1xf32>
    %div3A_1067 = arith.constant 1.000000e+00 : f32
    %div3A_1068 = vector.broadcast %div3A_1067 : f32 to vector<256x1xf32>
    %div3A_1069 = arith.divf %div3A_1068, %slice3A_1066 : vector<256x1xf32>
    %mul3A_1070 = vector.broadcast %div3A_1069 : vector<256x1xf32> to vector<256x16xf32>
    %mul3A_1071 = arith.mulf %slice3A_1065, %mul3A_1070 : vector<256x16xf32>
    %slice3A_1072 = vector.extract_strided_slice %dot_general3A_933 {offsets = [0, 16], sizes = [256, 16], strides = [1, 1]} : vector<256x65xf32> to vector<256x16xf32>
    %slice3A_1073 = vector.extract_strided_slice %dot_general3A_933 {offsets = [0, 64], sizes = [256, 1], strides = [1, 1]} : vector<256x65xf32> to vector<256x1xf32>
    %div3A_1074 = arith.constant 1.000000e+00 : f32
    %div3A_1075 = vector.broadcast %div3A_1074 : f32 to vector<256x1xf32>
    %div3A_1076 = arith.divf %div3A_1075, %slice3A_1073 : vector<256x1xf32>
    %mul3A_1077 = vector.broadcast %div3A_1076 : vector<256x1xf32> to vector<256x16xf32>
    %mul3A_1078 = arith.mulf %slice3A_1072, %mul3A_1077 : vector<256x16xf32>
    %slice3A_1079 = vector.extract_strided_slice %dot_general3A_936 {offsets = [0, 32], sizes = [256, 16], strides = [1, 1]} : vector<256x65xf32> to vector<256x16xf32>
    %slice3A_1080 = vector.extract_strided_slice %dot_general3A_936 {offsets = [0, 64], sizes = [256, 1], strides = [1, 1]} : vector<256x65xf32> to vector<256x1xf32>
    %div3A_1081 = arith.constant 1.000000e+00 : f32
    %div3A_1082 = vector.broadcast %div3A_1081 : f32 to vector<256x1xf32>
    %div3A_1083 = arith.divf %div3A_1082, %slice3A_1080 : vector<256x1xf32>
    %mul3A_1084 = vector.broadcast %div3A_1083 : vector<256x1xf32> to vector<256x16xf32>
    %mul3A_1085 = arith.mulf %slice3A_1079, %mul3A_1084 : vector<256x16xf32>
    %slice3A_1086 = vector.extract_strided_slice %dot_general3A_939 {offsets = [0, 48], sizes = [256, 16], strides = [1, 1]} : vector<256x65xf32> to vector<256x16xf32>
    %slice3A_1087 = vector.extract_strided_slice %dot_general3A_939 {offsets = [0, 64], sizes = [256, 1], strides = [1, 1]} : vector<256x65xf32> to vector<256x1xf32>
    %div3A_1088 = arith.constant 1.000000e+00 : f32
    %div3A_1089 = vector.broadcast %div3A_1088 : f32 to vector<256x1xf32>
    %div3A_1090 = arith.divf %div3A_1089, %slice3A_1087 : vector<256x1xf32>
    %mul3A_1091 = vector.broadcast %div3A_1090 : vector<256x1xf32> to vector<256x16xf32>
    %mul3A_1092 = arith.mulf %slice3A_1086, %mul3A_1091 : vector<256x16xf32>
    %concatenate3A_1093 = tpu.concatenate %mul3A_1071, %mul3A_1078, %mul3A_1085, %mul3A_1092 in 1 : vector<256x16xf32>, vector<256x16xf32>, vector<256x16xf32>, vector<256x16xf32> -> vector<256x64xf32>
    %slice3A_1094 = vector.extract_strided_slice %dot_general3A_942 {offsets = [0, 0], sizes = [256, 16], strides = [1, 1]} : vector<256x65xf32> to vector<256x16xf32>
    %slice3A_1095 = vector.extract_strided_slice %dot_general3A_942 {offsets = [0, 64], sizes = [256, 1], strides = [1, 1]} : vector<256x65xf32> to vector<256x1xf32>
    %div3A_1096 = arith.constant 1.000000e+00 : f32
    %div3A_1097 = vector.broadcast %div3A_1096 : f32 to vector<256x1xf32>
    %div3A_1098 = arith.divf %div3A_1097, %slice3A_1095 : vector<256x1xf32>
    %mul3A_1099 = vector.broadcast %div3A_1098 : vector<256x1xf32> to vector<256x16xf32>
    %mul3A_1100 = arith.mulf %slice3A_1094, %mul3A_1099 : vector<256x16xf32>
    %slice3A_1101 = vector.extract_strided_slice %dot_general3A_945 {offsets = [0, 16], sizes = [256, 16], strides = [1, 1]} : vector<256x65xf32> to vector<256x16xf32>
    %slice3A_1102 = vector.extract_strided_slice %dot_general3A_945 {offsets = [0, 64], sizes = [256, 1], strides = [1, 1]} : vector<256x65xf32> to vector<256x1xf32>
    %div3A_1103 = arith.constant 1.000000e+00 : f32
    %div3A_1104 = vector.broadcast %div3A_1103 : f32 to vector<256x1xf32>
    %div3A_1105 = arith.divf %div3A_1104, %slice3A_1102 : vector<256x1xf32>
    %mul3A_1106 = vector.broadcast %div3A_1105 : vector<256x1xf32> to vector<256x16xf32>
    %mul3A_1107 = arith.mulf %slice3A_1101, %mul3A_1106 : vector<256x16xf32>
    %slice3A_1108 = vector.extract_strided_slice %dot_general3A_948 {offsets = [0, 32], sizes = [256, 16], strides = [1, 1]} : vector<256x65xf32> to vector<256x16xf32>
    %slice3A_1109 = vector.extract_strided_slice %dot_general3A_948 {offsets = [0, 64], sizes = [256, 1], strides = [1, 1]} : vector<256x65xf32> to vector<256x1xf32>
    %div3A_1110 = arith.constant 1.000000e+00 : f32
    %div3A_1111 = vector.broadcast %div3A_1110 : f32 to vector<256x1xf32>
    %div3A_1112 = arith.divf %div3A_1111, %slice3A_1109 : vector<256x1xf32>
    %mul3A_1113 = vector.broadcast %div3A_1112 : vector<256x1xf32> to vector<256x16xf32>
    %mul3A_1114 = arith.mulf %slice3A_1108, %mul3A_1113 : vector<256x16xf32>
    %slice3A_1115 = vector.extract_strided_slice %dot_general3A_951 {offsets = [0, 48], sizes = [256, 16], strides = [1, 1]} : vector<256x65xf32> to vector<256x16xf32>
    %slice3A_1116 = vector.extract_strided_slice %dot_general3A_951 {offsets = [0, 64], sizes = [256, 1], strides = [1, 1]} : vector<256x65xf32> to vector<256x1xf32>
    %div3A_1117 = arith.constant 1.000000e+00 : f32
    %div3A_1118 = vector.broadcast %div3A_1117 : f32 to vector<256x1xf32>
    %div3A_1119 = arith.divf %div3A_1118, %slice3A_1116 : vector<256x1xf32>
    %mul3A_1120 = vector.broadcast %div3A_1119 : vector<256x1xf32> to vector<256x16xf32>
    %mul3A_1121 = arith.mulf %slice3A_1115, %mul3A_1120 : vector<256x16xf32>
    %concatenate3A_1122 = tpu.concatenate %mul3A_1100, %mul3A_1107, %mul3A_1114, %mul3A_1121 in 1 : vector<256x16xf32>, vector<256x16xf32>, vector<256x16xf32>, vector<256x16xf32> -> vector<256x64xf32>
    %slice3A_1123 = vector.extract_strided_slice %dot_general3A_954 {offsets = [0, 0], sizes = [256, 16], strides = [1, 1]} : vector<256x65xf32> to vector<256x16xf32>
    %slice3A_1124 = vector.extract_strided_slice %dot_general3A_954 {offsets = [0, 64], sizes = [256, 1], strides = [1, 1]} : vector<256x65xf32> to vector<256x1xf32>
    %div3A_1125 = arith.constant 1.000000e+00 : f32
    %div3A_1126 = vector.broadcast %div3A_1125 : f32 to vector<256x1xf32>
    %div3A_1127 = arith.divf %div3A_1126, %slice3A_1124 : vector<256x1xf32>
    %mul3A_1128 = vector.broadcast %div3A_1127 : vector<256x1xf32> to vector<256x16xf32>
    %mul3A_1129 = arith.mulf %slice3A_1123, %mul3A_1128 : vector<256x16xf32>
    %slice3A_1130 = vector.extract_strided_slice %dot_general3A_957 {offsets = [0, 16], sizes = [256, 16], strides = [1, 1]} : vector<256x65xf32> to vector<256x16xf32>
    %slice3A_1131 = vector.extract_strided_slice %dot_general3A_957 {offsets = [0, 64], sizes = [256, 1], strides = [1, 1]} : vector<256x65xf32> to vector<256x1xf32>
    %div3A_1132 = arith.constant 1.000000e+00 : f32
    %div3A_1133 = vector.broadcast %div3A_1132 : f32 to vector<256x1xf32>
    %div3A_1134 = arith.divf %div3A_1133, %slice3A_1131 : vector<256x1xf32>
    %mul3A_1135 = vector.broadcast %div3A_1134 : vector<256x1xf32> to vector<256x16xf32>
    %mul3A_1136 = arith.mulf %slice3A_1130, %mul3A_1135 : vector<256x16xf32>
    %slice3A_1137 = vector.extract_strided_slice %dot_general3A_960 {offsets = [0, 32], sizes = [256, 16], strides = [1, 1]} : vector<256x65xf32> to vector<256x16xf32>
    %slice3A_1138 = vector.extract_strided_slice %dot_general3A_960 {offsets = [0, 64], sizes = [256, 1], strides = [1, 1]} : vector<256x65xf32> to vector<256x1xf32>
    %div3A_1139 = arith.constant 1.000000e+00 : f32
    %div3A_1140 = vector.broadcast %div3A_1139 : f32 to vector<256x1xf32>
    %div3A_1141 = arith.divf %div3A_1140, %slice3A_1138 : vector<256x1xf32>
    %mul3A_1142 = vector.broadcast %div3A_1141 : vector<256x1xf32> to vector<256x16xf32>
    %mul3A_1143 = arith.mulf %slice3A_1137, %mul3A_1142 : vector<256x16xf32>
    %slice3A_1144 = vector.extract_strided_slice %dot_general3A_963 {offsets = [0, 48], sizes = [256, 16], strides = [1, 1]} : vector<256x65xf32> to vector<256x16xf32>
    %slice3A_1145 = vector.extract_strided_slice %dot_general3A_963 {offsets = [0, 64], sizes = [256, 1], strides = [1, 1]} : vector<256x65xf32> to vector<256x1xf32>
    %div3A_1146 = arith.constant 1.000000e+00 : f32
    %div3A_1147 = vector.broadcast %div3A_1146 : f32 to vector<256x1xf32>
    %div3A_1148 = arith.divf %div3A_1147, %slice3A_1145 : vector<256x1xf32>
    %mul3A_1149 = vector.broadcast %div3A_1148 : vector<256x1xf32> to vector<256x16xf32>
    %mul3A_1150 = arith.mulf %slice3A_1144, %mul3A_1149 : vector<256x16xf32>
    %concatenate3A_1151 = tpu.concatenate %mul3A_1129, %mul3A_1136, %mul3A_1143, %mul3A_1150 in 1 : vector<256x16xf32>, vector<256x16xf32>, vector<256x16xf32>, vector<256x16xf32> -> vector<256x64xf32>
    %slice3A_1152 = vector.extract_strided_slice %dot_general3A_966 {offsets = [0, 0], sizes = [256, 16], strides = [1, 1]} : vector<256x65xf32> to vector<256x16xf32>
    %slice3A_1153 = vector.extract_strided_slice %dot_general3A_966 {offsets = [0, 64], sizes = [256, 1], strides = [1, 1]} : vector<256x65xf32> to vector<256x1xf32>
    %div3A_1154 = arith.constant 1.000000e+00 : f32
    %div3A_1155 = vector.broadcast %div3A_1154 : f32 to vector<256x1xf32>
    %div3A_1156 = arith.divf %div3A_1155, %slice3A_1153 : vector<256x1xf32>
    %mul3A_1157 = vector.broadcast %div3A_1156 : vector<256x1xf32> to vector<256x16xf32>
    %mul3A_1158 = arith.mulf %slice3A_1152, %mul3A_1157 : vector<256x16xf32>
    %slice3A_1159 = vector.extract_strided_slice %dot_general3A_969 {offsets = [0, 16], sizes = [256, 16], strides = [1, 1]} : vector<256x65xf32> to vector<256x16xf32>
    %slice3A_1160 = vector.extract_strided_slice %dot_general3A_969 {offsets = [0, 64], sizes = [256, 1], strides = [1, 1]} : vector<256x65xf32> to vector<256x1xf32>
    %div3A_1161 = arith.constant 1.000000e+00 : f32
    %div3A_1162 = vector.broadcast %div3A_1161 : f32 to vector<256x1xf32>
    %div3A_1163 = arith.divf %div3A_1162, %slice3A_1160 : vector<256x1xf32>
    %mul3A_1164 = vector.broadcast %div3A_1163 : vector<256x1xf32> to vector<256x16xf32>
    %mul3A_1165 = arith.mulf %slice3A_1159, %mul3A_1164 : vector<256x16xf32>
    %slice3A_1166 = vector.extract_strided_slice %dot_general3A_972 {offsets = [0, 32], sizes = [256, 16], strides = [1, 1]} : vector<256x65xf32> to vector<256x16xf32>
    %slice3A_1167 = vector.extract_strided_slice %dot_general3A_972 {offsets = [0, 64], sizes = [256, 1], strides = [1, 1]} : vector<256x65xf32> to vector<256x1xf32>
    %div3A_1168 = arith.constant 1.000000e+00 : f32
    %div3A_1169 = vector.broadcast %div3A_1168 : f32 to vector<256x1xf32>
    %div3A_1170 = arith.divf %div3A_1169, %slice3A_1167 : vector<256x1xf32>
    %mul3A_1171 = vector.broadcast %div3A_1170 : vector<256x1xf32> to vector<256x16xf32>
    %mul3A_1172 = arith.mulf %slice3A_1166, %mul3A_1171 : vector<256x16xf32>
    %slice3A_1173 = vector.extract_strided_slice %dot_general3A_975 {offsets = [0, 48], sizes = [256, 16], strides = [1, 1]} : vector<256x65xf32> to vector<256x16xf32>
    %slice3A_1174 = vector.extract_strided_slice %dot_general3A_975 {offsets = [0, 64], sizes = [256, 1], strides = [1, 1]} : vector<256x65xf32> to vector<256x1xf32>
    %div3A_1175 = arith.constant 1.000000e+00 : f32
    %div3A_1176 = vector.broadcast %div3A_1175 : f32 to vector<256x1xf32>
    %div3A_1177 = arith.divf %div3A_1176, %slice3A_1174 : vector<256x1xf32>
    %mul3A_1178 = vector.broadcast %div3A_1177 : vector<256x1xf32> to vector<256x16xf32>
    %mul3A_1179 = arith.mulf %slice3A_1173, %mul3A_1178 : vector<256x16xf32>
    %concatenate3A_1180 = tpu.concatenate %mul3A_1158, %mul3A_1165, %mul3A_1172, %mul3A_1179 in 1 : vector<256x16xf32>, vector<256x16xf32>, vector<256x16xf32>, vector<256x16xf32> -> vector<256x64xf32>
    %slice3A_1181 = vector.extract_strided_slice %dot_general3A_978 {offsets = [0, 0], sizes = [256, 16], strides = [1, 1]} : vector<256x65xf32> to vector<256x16xf32>
    %slice3A_1182 = vector.extract_strided_slice %dot_general3A_978 {offsets = [0, 64], sizes = [256, 1], strides = [1, 1]} : vector<256x65xf32> to vector<256x1xf32>
    %div3A_1183 = arith.constant 1.000000e+00 : f32
    %div3A_1184 = vector.broadcast %div3A_1183 : f32 to vector<256x1xf32>
    %div3A_1185 = arith.divf %div3A_1184, %slice3A_1182 : vector<256x1xf32>
    %mul3A_1186 = vector.broadcast %div3A_1185 : vector<256x1xf32> to vector<256x16xf32>
    %mul3A_1187 = arith.mulf %slice3A_1181, %mul3A_1186 : vector<256x16xf32>
    %slice3A_1188 = vector.extract_strided_slice %dot_general3A_981 {offsets = [0, 16], sizes = [256, 16], strides = [1, 1]} : vector<256x65xf32> to vector<256x16xf32>
    %slice3A_1189 = vector.extract_strided_slice %dot_general3A_981 {offsets = [0, 64], sizes = [256, 1], strides = [1, 1]} : vector<256x65xf32> to vector<256x1xf32>
    %div3A_1190 = arith.constant 1.000000e+00 : f32
    %div3A_1191 = vector.broadcast %div3A_1190 : f32 to vector<256x1xf32>
    %div3A_1192 = arith.divf %div3A_1191, %slice3A_1189 : vector<256x1xf32>
    %mul3A_1193 = vector.broadcast %div3A_1192 : vector<256x1xf32> to vector<256x16xf32>
    %mul3A_1194 = arith.mulf %slice3A_1188, %mul3A_1193 : vector<256x16xf32>
    %slice3A_1195 = vector.extract_strided_slice %dot_general3A_984 {offsets = [0, 32], sizes = [256, 16], strides = [1, 1]} : vector<256x65xf32> to vector<256x16xf32>
    %slice3A_1196 = vector.extract_strided_slice %dot_general3A_984 {offsets = [0, 64], sizes = [256, 1], strides = [1, 1]} : vector<256x65xf32> to vector<256x1xf32>
    %div3A_1197 = arith.constant 1.000000e+00 : f32
    %div3A_1198 = vector.broadcast %div3A_1197 : f32 to vector<256x1xf32>
    %div3A_1199 = arith.divf %div3A_1198, %slice3A_1196 : vector<256x1xf32>
    %mul3A_1200 = vector.broadcast %div3A_1199 : vector<256x1xf32> to vector<256x16xf32>
    %mul3A_1201 = arith.mulf %slice3A_1195, %mul3A_1200 : vector<256x16xf32>
    %slice3A_1202 = vector.extract_strided_slice %dot_general3A_987 {offsets = [0, 48], sizes = [256, 16], strides = [1, 1]} : vector<256x65xf32> to vector<256x16xf32>
    %slice3A_1203 = vector.extract_strided_slice %dot_general3A_987 {offsets = [0, 64], sizes = [256, 1], strides = [1, 1]} : vector<256x65xf32> to vector<256x1xf32>
    %div3A_1204 = arith.constant 1.000000e+00 : f32
    %div3A_1205 = vector.broadcast %div3A_1204 : f32 to vector<256x1xf32>
    %div3A_1206 = arith.divf %div3A_1205, %slice3A_1203 : vector<256x1xf32>
    %mul3A_1207 = vector.broadcast %div3A_1206 : vector<256x1xf32> to vector<256x16xf32>
    %mul3A_1208 = arith.mulf %slice3A_1202, %mul3A_1207 : vector<256x16xf32>
    %concatenate3A_1209 = tpu.concatenate %mul3A_1187, %mul3A_1194, %mul3A_1201, %mul3A_1208 in 1 : vector<256x16xf32>, vector<256x16xf32>, vector<256x16xf32>, vector<256x16xf32> -> vector<256x64xf32>
    %slice3A_1210 = vector.extract_strided_slice %dot_general3A_990 {offsets = [0, 0], sizes = [256, 16], strides = [1, 1]} : vector<256x65xf32> to vector<256x16xf32>
    %slice3A_1211 = vector.extract_strided_slice %dot_general3A_990 {offsets = [0, 64], sizes = [256, 1], strides = [1, 1]} : vector<256x65xf32> to vector<256x1xf32>
    %div3A_1212 = arith.constant 1.000000e+00 : f32
    %div3A_1213 = vector.broadcast %div3A_1212 : f32 to vector<256x1xf32>
    %div3A_1214 = arith.divf %div3A_1213, %slice3A_1211 : vector<256x1xf32>
    %mul3A_1215 = vector.broadcast %div3A_1214 : vector<256x1xf32> to vector<256x16xf32>
    %mul3A_1216 = arith.mulf %slice3A_1210, %mul3A_1215 : vector<256x16xf32>
    %slice3A_1217 = vector.extract_strided_slice %dot_general3A_993 {offsets = [0, 16], sizes = [256, 16], strides = [1, 1]} : vector<256x65xf32> to vector<256x16xf32>
    %slice3A_1218 = vector.extract_strided_slice %dot_general3A_993 {offsets = [0, 64], sizes = [256, 1], strides = [1, 1]} : vector<256x65xf32> to vector<256x1xf32>
    %div3A_1219 = arith.constant 1.000000e+00 : f32
    %div3A_1220 = vector.broadcast %div3A_1219 : f32 to vector<256x1xf32>
    %div3A_1221 = arith.divf %div3A_1220, %slice3A_1218 : vector<256x1xf32>
    %mul3A_1222 = vector.broadcast %div3A_1221 : vector<256x1xf32> to vector<256x16xf32>
    %mul3A_1223 = arith.mulf %slice3A_1217, %mul3A_1222 : vector<256x16xf32>
    %slice3A_1224 = vector.extract_strided_slice %dot_general3A_996 {offsets = [0, 32], sizes = [256, 16], strides = [1, 1]} : vector<256x65xf32> to vector<256x16xf32>
    %slice3A_1225 = vector.extract_strided_slice %dot_general3A_996 {offsets = [0, 64], sizes = [256, 1], strides = [1, 1]} : vector<256x65xf32> to vector<256x1xf32>
    %div3A_1226 = arith.constant 1.000000e+00 : f32
    %div3A_1227 = vector.broadcast %div3A_1226 : f32 to vector<256x1xf32>
    %div3A_1228 = arith.divf %div3A_1227, %slice3A_1225 : vector<256x1xf32>
    %mul3A_1229 = vector.broadcast %div3A_1228 : vector<256x1xf32> to vector<256x16xf32>
    %mul3A_1230 = arith.mulf %slice3A_1224, %mul3A_1229 : vector<256x16xf32>
    %slice3A_1231 = vector.extract_strided_slice %dot_general3A_999 {offsets = [0, 48], sizes = [256, 16], strides = [1, 1]} : vector<256x65xf32> to vector<256x16xf32>
    %slice3A_1232 = vector.extract_strided_slice %dot_general3A_999 {offsets = [0, 64], sizes = [256, 1], strides = [1, 1]} : vector<256x65xf32> to vector<256x1xf32>
    %div3A_1233 = arith.constant 1.000000e+00 : f32
    %div3A_1234 = vector.broadcast %div3A_1233 : f32 to vector<256x1xf32>
    %div3A_1235 = arith.divf %div3A_1234, %slice3A_1232 : vector<256x1xf32>
    %mul3A_1236 = vector.broadcast %div3A_1235 : vector<256x1xf32> to vector<256x16xf32>
    %mul3A_1237 = arith.mulf %slice3A_1231, %mul3A_1236 : vector<256x16xf32>
    %concatenate3A_1238 = tpu.concatenate %mul3A_1216, %mul3A_1223, %mul3A_1230, %mul3A_1237 in 1 : vector<256x16xf32>, vector<256x16xf32>, vector<256x16xf32>, vector<256x16xf32> -> vector<256x64xf32>
    %slice3A_1239 = vector.extract_strided_slice %dot_general3A_1002 {offsets = [0, 0], sizes = [256, 16], strides = [1, 1]} : vector<256x65xf32> to vector<256x16xf32>
    %slice3A_1240 = vector.extract_strided_slice %dot_general3A_1002 {offsets = [0, 64], sizes = [256, 1], strides = [1, 1]} : vector<256x65xf32> to vector<256x1xf32>
    %div3A_1241 = arith.constant 1.000000e+00 : f32
    %div3A_1242 = vector.broadcast %div3A_1241 : f32 to vector<256x1xf32>
    %div3A_1243 = arith.divf %div3A_1242, %slice3A_1240 : vector<256x1xf32>
    %mul3A_1244 = vector.broadcast %div3A_1243 : vector<256x1xf32> to vector<256x16xf32>
    %mul3A_1245 = arith.mulf %slice3A_1239, %mul3A_1244 : vector<256x16xf32>
    %slice3A_1246 = vector.extract_strided_slice %dot_general3A_1005 {offsets = [0, 16], sizes = [256, 16], strides = [1, 1]} : vector<256x65xf32> to vector<256x16xf32>
    %slice3A_1247 = vector.extract_strided_slice %dot_general3A_1005 {offsets = [0, 64], sizes = [256, 1], strides = [1, 1]} : vector<256x65xf32> to vector<256x1xf32>
    %div3A_1248 = arith.constant 1.000000e+00 : f32
    %div3A_1249 = vector.broadcast %div3A_1248 : f32 to vector<256x1xf32>
    %div3A_1250 = arith.divf %div3A_1249, %slice3A_1247 : vector<256x1xf32>
    %mul3A_1251 = vector.broadcast %div3A_1250 : vector<256x1xf32> to vector<256x16xf32>
    %mul3A_1252 = arith.mulf %slice3A_1246, %mul3A_1251 : vector<256x16xf32>
    %slice3A_1253 = vector.extract_strided_slice %dot_general3A_1008 {offsets = [0, 32], sizes = [256, 16], strides = [1, 1]} : vector<256x65xf32> to vector<256x16xf32>
    %slice3A_1254 = vector.extract_strided_slice %dot_general3A_1008 {offsets = [0, 64], sizes = [256, 1], strides = [1, 1]} : vector<256x65xf32> to vector<256x1xf32>
    %div3A_1255 = arith.constant 1.000000e+00 : f32
    %div3A_1256 = vector.broadcast %div3A_1255 : f32 to vector<256x1xf32>
    %div3A_1257 = arith.divf %div3A_1256, %slice3A_1254 : vector<256x1xf32>
    %mul3A_1258 = vector.broadcast %div3A_1257 : vector<256x1xf32> to vector<256x16xf32>
    %mul3A_1259 = arith.mulf %slice3A_1253, %mul3A_1258 : vector<256x16xf32>
    %slice3A_1260 = vector.extract_strided_slice %dot_general3A_1011 {offsets = [0, 48], sizes = [256, 16], strides = [1, 1]} : vector<256x65xf32> to vector<256x16xf32>
    %slice3A_1261 = vector.extract_strided_slice %dot_general3A_1011 {offsets = [0, 64], sizes = [256, 1], strides = [1, 1]} : vector<256x65xf32> to vector<256x1xf32>
    %div3A_1262 = arith.constant 1.000000e+00 : f32
    %div3A_1263 = vector.broadcast %div3A_1262 : f32 to vector<256x1xf32>
    %div3A_1264 = arith.divf %div3A_1263, %slice3A_1261 : vector<256x1xf32>
    %mul3A_1265 = vector.broadcast %div3A_1264 : vector<256x1xf32> to vector<256x16xf32>
    %mul3A_1266 = arith.mulf %slice3A_1260, %mul3A_1265 : vector<256x16xf32>
    %concatenate3A_1267 = tpu.concatenate %mul3A_1245, %mul3A_1252, %mul3A_1259, %mul3A_1266 in 1 : vector<256x16xf32>, vector<256x16xf32>, vector<256x16xf32>, vector<256x16xf32> -> vector<256x64xf32>
    %slice3A_1268 = vector.extract_strided_slice %dot_general3A_1014 {offsets = [0, 0], sizes = [256, 16], strides = [1, 1]} : vector<256x65xf32> to vector<256x16xf32>
    %slice3A_1269 = vector.extract_strided_slice %dot_general3A_1014 {offsets = [0, 64], sizes = [256, 1], strides = [1, 1]} : vector<256x65xf32> to vector<256x1xf32>
    %div3A_1270 = arith.constant 1.000000e+00 : f32
    %div3A_1271 = vector.broadcast %div3A_1270 : f32 to vector<256x1xf32>
    %div3A_1272 = arith.divf %div3A_1271, %slice3A_1269 : vector<256x1xf32>
    %mul3A_1273 = vector.broadcast %div3A_1272 : vector<256x1xf32> to vector<256x16xf32>
    %mul3A_1274 = arith.mulf %slice3A_1268, %mul3A_1273 : vector<256x16xf32>
    %slice3A_1275 = vector.extract_strided_slice %dot_general3A_1017 {offsets = [0, 16], sizes = [256, 16], strides = [1, 1]} : vector<256x65xf32> to vector<256x16xf32>
    %slice3A_1276 = vector.extract_strided_slice %dot_general3A_1017 {offsets = [0, 64], sizes = [256, 1], strides = [1, 1]} : vector<256x65xf32> to vector<256x1xf32>
    %div3A_1277 = arith.constant 1.000000e+00 : f32
    %div3A_1278 = vector.broadcast %div3A_1277 : f32 to vector<256x1xf32>
    %div3A_1279 = arith.divf %div3A_1278, %slice3A_1276 : vector<256x1xf32>
    %mul3A_1280 = vector.broadcast %div3A_1279 : vector<256x1xf32> to vector<256x16xf32>
    %mul3A_1281 = arith.mulf %slice3A_1275, %mul3A_1280 : vector<256x16xf32>
    %slice3A_1282 = vector.extract_strided_slice %dot_general3A_1020 {offsets = [0, 32], sizes = [256, 16], strides = [1, 1]} : vector<256x65xf32> to vector<256x16xf32>
    %slice3A_1283 = vector.extract_strided_slice %dot_general3A_1020 {offsets = [0, 64], sizes = [256, 1], strides = [1, 1]} : vector<256x65xf32> to vector<256x1xf32>
    %div3A_1284 = arith.constant 1.000000e+00 : f32
    %div3A_1285 = vector.broadcast %div3A_1284 : f32 to vector<256x1xf32>
    %div3A_1286 = arith.divf %div3A_1285, %slice3A_1283 : vector<256x1xf32>
    %mul3A_1287 = vector.broadcast %div3A_1286 : vector<256x1xf32> to vector<256x16xf32>
    %mul3A_1288 = arith.mulf %slice3A_1282, %mul3A_1287 : vector<256x16xf32>
    %slice3A_1289 = vector.extract_strided_slice %dot_general3A_1023 {offsets = [0, 48], sizes = [256, 16], strides = [1, 1]} : vector<256x65xf32> to vector<256x16xf32>
    %slice3A_1290 = vector.extract_strided_slice %dot_general3A_1023 {offsets = [0, 64], sizes = [256, 1], strides = [1, 1]} : vector<256x65xf32> to vector<256x1xf32>
    %div3A_1291 = arith.constant 1.000000e+00 : f32
    %div3A_1292 = vector.broadcast %div3A_1291 : f32 to vector<256x1xf32>
    %div3A_1293 = arith.divf %div3A_1292, %slice3A_1290 : vector<256x1xf32>
    %mul3A_1294 = vector.broadcast %div3A_1293 : vector<256x1xf32> to vector<256x16xf32>
    %mul3A_1295 = arith.mulf %slice3A_1289, %mul3A_1294 : vector<256x16xf32>
    %concatenate3A_1296 = tpu.concatenate %mul3A_1274, %mul3A_1281, %mul3A_1288, %mul3A_1295 in 1 : vector<256x16xf32>, vector<256x16xf32>, vector<256x16xf32>, vector<256x16xf32> -> vector<256x64xf32>
    %slice3A_1297 = vector.extract_strided_slice %dot_general3A_1026 {offsets = [0, 0], sizes = [256, 16], strides = [1, 1]} : vector<256x65xf32> to vector<256x16xf32>
    %slice3A_1298 = vector.extract_strided_slice %dot_general3A_1026 {offsets = [0, 64], sizes = [256, 1], strides = [1, 1]} : vector<256x65xf32> to vector<256x1xf32>
    %div3A_1299 = arith.constant 1.000000e+00 : f32
    %div3A_1300 = vector.broadcast %div3A_1299 : f32 to vector<256x1xf32>
    %div3A_1301 = arith.divf %div3A_1300, %slice3A_1298 : vector<256x1xf32>
    %mul3A_1302 = vector.broadcast %div3A_1301 : vector<256x1xf32> to vector<256x16xf32>
    %mul3A_1303 = arith.mulf %slice3A_1297, %mul3A_1302 : vector<256x16xf32>
    %slice3A_1304 = vector.extract_strided_slice %dot_general3A_1029 {offsets = [0, 16], sizes = [256, 16], strides = [1, 1]} : vector<256x65xf32> to vector<256x16xf32>
    %slice3A_1305 = vector.extract_strided_slice %dot_general3A_1029 {offsets = [0, 64], sizes = [256, 1], strides = [1, 1]} : vector<256x65xf32> to vector<256x1xf32>
    %div3A_1306 = arith.constant 1.000000e+00 : f32
    %div3A_1307 = vector.broadcast %div3A_1306 : f32 to vector<256x1xf32>
    %div3A_1308 = arith.divf %div3A_1307, %slice3A_1305 : vector<256x1xf32>
    %mul3A_1309 = vector.broadcast %div3A_1308 : vector<256x1xf32> to vector<256x16xf32>
    %mul3A_1310 = arith.mulf %slice3A_1304, %mul3A_1309 : vector<256x16xf32>
    %slice3A_1311 = vector.extract_strided_slice %dot_general3A_1032 {offsets = [0, 32], sizes = [256, 16], strides = [1, 1]} : vector<256x65xf32> to vector<256x16xf32>
    %slice3A_1312 = vector.extract_strided_slice %dot_general3A_1032 {offsets = [0, 64], sizes = [256, 1], strides = [1, 1]} : vector<256x65xf32> to vector<256x1xf32>
    %div3A_1313 = arith.constant 1.000000e+00 : f32
    %div3A_1314 = vector.broadcast %div3A_1313 : f32 to vector<256x1xf32>
    %div3A_1315 = arith.divf %div3A_1314, %slice3A_1312 : vector<256x1xf32>
    %mul3A_1316 = vector.broadcast %div3A_1315 : vector<256x1xf32> to vector<256x16xf32>
    %mul3A_1317 = arith.mulf %slice3A_1311, %mul3A_1316 : vector<256x16xf32>
    %slice3A_1318 = vector.extract_strided_slice %dot_general3A_1035 {offsets = [0, 48], sizes = [256, 16], strides = [1, 1]} : vector<256x65xf32> to vector<256x16xf32>
    %slice3A_1319 = vector.extract_strided_slice %dot_general3A_1035 {offsets = [0, 64], sizes = [256, 1], strides = [1, 1]} : vector<256x65xf32> to vector<256x1xf32>
    %div3A_1320 = arith.constant 1.000000e+00 : f32
    %div3A_1321 = vector.broadcast %div3A_1320 : f32 to vector<256x1xf32>
    %div3A_1322 = arith.divf %div3A_1321, %slice3A_1319 : vector<256x1xf32>
    %mul3A_1323 = vector.broadcast %div3A_1322 : vector<256x1xf32> to vector<256x16xf32>
    %mul3A_1324 = arith.mulf %slice3A_1318, %mul3A_1323 : vector<256x16xf32>
    %concatenate3A_1325 = tpu.concatenate %mul3A_1303, %mul3A_1310, %mul3A_1317, %mul3A_1324 in 1 : vector<256x16xf32>, vector<256x16xf32>, vector<256x16xf32>, vector<256x16xf32> -> vector<256x64xf32>
    %convert_element_type3A_1326 = arith.truncf %concatenate3A_1064 : vector<256x64xf32> to vector<256x64xbf16>
    %dot_general3A_1327 = arith.constant dense<0.000000e+00> : vector<256x64xf32>
    %dot_general3A_1328 = tpu.matmul %convert_element_type3A_1326, %get3A_16, %dot_general3A_1327 {dimension_numbers = #tpu.dot_dimension_numbers<[1], [0], [0], [1], [0, 0, 1, 1], [], []>, transpose_lhs_hint = false} : vector<256x64xbf16>, vector<64x64xbf16>, vector<256x64xf32> -> vector<256x64xf32>
    %add3A_1329 = arith.addf %get3A_4, %dot_general3A_1328 : vector<256x64xf32>
    %convert_element_type3A_1330 = arith.truncf %concatenate3A_1093 : vector<256x64xf32> to vector<256x64xbf16>
    %dot_general3A_1331 = arith.constant dense<0.000000e+00> : vector<256x64xf32>
    %dot_general3A_1332 = tpu.matmul %convert_element_type3A_1330, %get3A_16, %dot_general3A_1331 {dimension_numbers = #tpu.dot_dimension_numbers<[1], [0], [0], [1], [0, 0, 1, 1], [], []>, transpose_lhs_hint = false} : vector<256x64xbf16>, vector<64x64xbf16>, vector<256x64xf32> -> vector<256x64xf32>
    %add3A_1333 = arith.addf %get3A_4, %dot_general3A_1332 : vector<256x64xf32>
    %convert_element_type3A_1334 = arith.truncf %concatenate3A_1122 : vector<256x64xf32> to vector<256x64xbf16>
    %dot_general3A_1335 = arith.constant dense<0.000000e+00> : vector<256x64xf32>
    %dot_general3A_1336 = tpu.matmul %convert_element_type3A_1334, %get3A_16, %dot_general3A_1335 {dimension_numbers = #tpu.dot_dimension_numbers<[1], [0], [0], [1], [0, 0, 1, 1], [], []>, transpose_lhs_hint = false} : vector<256x64xbf16>, vector<64x64xbf16>, vector<256x64xf32> -> vector<256x64xf32>
    %add3A_1337 = arith.addf %get3A_4, %dot_general3A_1336 : vector<256x64xf32>
    %convert_element_type3A_1338 = arith.truncf %concatenate3A_1151 : vector<256x64xf32> to vector<256x64xbf16>
    %dot_general3A_1339 = arith.constant dense<0.000000e+00> : vector<256x64xf32>
    %dot_general3A_1340 = tpu.matmul %convert_element_type3A_1338, %get3A_16, %dot_general3A_1339 {dimension_numbers = #tpu.dot_dimension_numbers<[1], [0], [0], [1], [0, 0, 1, 1], [], []>, transpose_lhs_hint = false} : vector<256x64xbf16>, vector<64x64xbf16>, vector<256x64xf32> -> vector<256x64xf32>
    %add3A_1341 = arith.addf %get3A_4, %dot_general3A_1340 : vector<256x64xf32>
    %convert_element_type3A_1342 = arith.truncf %concatenate3A_1180 : vector<256x64xf32> to vector<256x64xbf16>
    %dot_general3A_1343 = arith.constant dense<0.000000e+00> : vector<256x64xf32>
    %dot_general3A_1344 = tpu.matmul %convert_element_type3A_1342, %get3A_16, %dot_general3A_1343 {dimension_numbers = #tpu.dot_dimension_numbers<[1], [0], [0], [1], [0, 0, 1, 1], [], []>, transpose_lhs_hint = false} : vector<256x64xbf16>, vector<64x64xbf16>, vector<256x64xf32> -> vector<256x64xf32>
    %add3A_1345 = arith.addf %get3A_4, %dot_general3A_1344 : vector<256x64xf32>
    %convert_element_type3A_1346 = arith.truncf %concatenate3A_1209 : vector<256x64xf32> to vector<256x64xbf16>
    %dot_general3A_1347 = arith.constant dense<0.000000e+00> : vector<256x64xf32>
    %dot_general3A_1348 = tpu.matmul %convert_element_type3A_1346, %get3A_16, %dot_general3A_1347 {dimension_numbers = #tpu.dot_dimension_numbers<[1], [0], [0], [1], [0, 0, 1, 1], [], []>, transpose_lhs_hint = false} : vector<256x64xbf16>, vector<64x64xbf16>, vector<256x64xf32> -> vector<256x64xf32>
    %add3A_1349 = arith.addf %get3A_4, %dot_general3A_1348 : vector<256x64xf32>
    %convert_element_type3A_1350 = arith.truncf %concatenate3A_1238 : vector<256x64xf32> to vector<256x64xbf16>
    %dot_general3A_1351 = arith.constant dense<0.000000e+00> : vector<256x64xf32>
    %dot_general3A_1352 = tpu.matmul %convert_element_type3A_1350, %get3A_16, %dot_general3A_1351 {dimension_numbers = #tpu.dot_dimension_numbers<[1], [0], [0], [1], [0, 0, 1, 1], [], []>, transpose_lhs_hint = false} : vector<256x64xbf16>, vector<64x64xbf16>, vector<256x64xf32> -> vector<256x64xf32>
    %add3A_1353 = arith.addf %get3A_4, %dot_general3A_1352 : vector<256x64xf32>
    %convert_element_type3A_1354 = arith.truncf %concatenate3A_1267 : vector<256x64xf32> to vector<256x64xbf16>
    %dot_general3A_1355 = arith.constant dense<0.000000e+00> : vector<256x64xf32>
    %dot_general3A_1356 = tpu.matmul %convert_element_type3A_1354, %get3A_16, %dot_general3A_1355 {dimension_numbers = #tpu.dot_dimension_numbers<[1], [0], [0], [1], [0, 0, 1, 1], [], []>, transpose_lhs_hint = false} : vector<256x64xbf16>, vector<64x64xbf16>, vector<256x64xf32> -> vector<256x64xf32>
    %add3A_1357 = arith.addf %get3A_4, %dot_general3A_1356 : vector<256x64xf32>
    %convert_element_type3A_1358 = arith.truncf %concatenate3A_1296 : vector<256x64xf32> to vector<256x64xbf16>
    %dot_general3A_1359 = arith.constant dense<0.000000e+00> : vector<256x64xf32>
    %dot_general3A_1360 = tpu.matmul %convert_element_type3A_1358, %get3A_16, %dot_general3A_1359 {dimension_numbers = #tpu.dot_dimension_numbers<[1], [0], [0], [1], [0, 0, 1, 1], [], []>, transpose_lhs_hint = false} : vector<256x64xbf16>, vector<64x64xbf16>, vector<256x64xf32> -> vector<256x64xf32>
    %add3A_1361 = arith.addf %get3A_4, %dot_general3A_1360 : vector<256x64xf32>
    %convert_element_type3A_1362 = arith.truncf %concatenate3A_1325 : vector<256x64xf32> to vector<256x64xbf16>
    %dot_general3A_1363 = arith.constant dense<0.000000e+00> : vector<256x64xf32>
    %dot_general3A_1364 = tpu.matmul %convert_element_type3A_1362, %get3A_16, %dot_general3A_1363 {dimension_numbers = #tpu.dot_dimension_numbers<[1], [0], [0], [1], [0, 0, 1, 1], [], []>, transpose_lhs_hint = false} : vector<256x64xbf16>, vector<64x64xbf16>, vector<256x64xf32> -> vector<256x64xf32>
    %add3A_1365 = arith.addf %get3A_4, %dot_general3A_1364 : vector<256x64xf32>
    %convert_element_type3A_1366 = arith.truncf %add3A_1329 : vector<256x64xf32> to vector<256x64xbf16>
    %dot_general3A_1367 = arith.constant dense<0.000000e+00> : vector<256x128xf32>
    %dot_general3A_1368 = tpu.matmul %convert_element_type3A_1366, %get3A_19, %dot_general3A_1367 {dimension_numbers = #tpu.dot_dimension_numbers<[1], [0], [0], [1], [0, 0, 1, 1], [], []>, transpose_lhs_hint = false} : vector<256x64xbf16>, vector<64x128xbf16>, vector<256x128xf32> -> vector<256x128xf32>
    %add3A_1369 = vector.broadcast %get3A_28 : vector<1x128xf32> to vector<256x128xf32>
    %add3A_1370 = arith.addf %dot_general3A_1368, %add3A_1369 : vector<256x128xf32>
    %max3A_1371 = arith.constant 0.000000e+00 : f32
    %max3A_1372 = vector.broadcast %max3A_1371 : f32 to vector<256x128xf32>
    %max3A_1373 = arith.maximumf %add3A_1370, %max3A_1372 : vector<256x128xf32>
    %convert_element_type3A_1374 = arith.truncf %add3A_1333 : vector<256x64xf32> to vector<256x64xbf16>
    %dot_general3A_1375 = arith.constant dense<0.000000e+00> : vector<256x128xf32>
    %dot_general3A_1376 = tpu.matmul %convert_element_type3A_1374, %get3A_19, %dot_general3A_1375 {dimension_numbers = #tpu.dot_dimension_numbers<[1], [0], [0], [1], [0, 0, 1, 1], [], []>, transpose_lhs_hint = false} : vector<256x64xbf16>, vector<64x128xbf16>, vector<256x128xf32> -> vector<256x128xf32>
    %add3A_1377 = vector.broadcast %get3A_28 : vector<1x128xf32> to vector<256x128xf32>
    %add3A_1378 = arith.addf %dot_general3A_1376, %add3A_1377 : vector<256x128xf32>
    %max3A_1379 = arith.constant 0.000000e+00 : f32
    %max3A_1380 = vector.broadcast %max3A_1379 : f32 to vector<256x128xf32>
    %max3A_1381 = arith.maximumf %add3A_1378, %max3A_1380 : vector<256x128xf32>
    %convert_element_type3A_1382 = arith.truncf %add3A_1337 : vector<256x64xf32> to vector<256x64xbf16>
    %dot_general3A_1383 = arith.constant dense<0.000000e+00> : vector<256x128xf32>
    %dot_general3A_1384 = tpu.matmul %convert_element_type3A_1382, %get3A_19, %dot_general3A_1383 {dimension_numbers = #tpu.dot_dimension_numbers<[1], [0], [0], [1], [0, 0, 1, 1], [], []>, transpose_lhs_hint = false} : vector<256x64xbf16>, vector<64x128xbf16>, vector<256x128xf32> -> vector<256x128xf32>
    %add3A_1385 = vector.broadcast %get3A_28 : vector<1x128xf32> to vector<256x128xf32>
    %add3A_1386 = arith.addf %dot_general3A_1384, %add3A_1385 : vector<256x128xf32>
    %max3A_1387 = arith.constant 0.000000e+00 : f32
    %max3A_1388 = vector.broadcast %max3A_1387 : f32 to vector<256x128xf32>
    %max3A_1389 = arith.maximumf %add3A_1386, %max3A_1388 : vector<256x128xf32>
    %convert_element_type3A_1390 = arith.truncf %add3A_1341 : vector<256x64xf32> to vector<256x64xbf16>
    %dot_general3A_1391 = arith.constant dense<0.000000e+00> : vector<256x128xf32>
    %dot_general3A_1392 = tpu.matmul %convert_element_type3A_1390, %get3A_19, %dot_general3A_1391 {dimension_numbers = #tpu.dot_dimension_numbers<[1], [0], [0], [1], [0, 0, 1, 1], [], []>, transpose_lhs_hint = false} : vector<256x64xbf16>, vector<64x128xbf16>, vector<256x128xf32> -> vector<256x128xf32>
    %add3A_1393 = vector.broadcast %get3A_28 : vector<1x128xf32> to vector<256x128xf32>
    %add3A_1394 = arith.addf %dot_general3A_1392, %add3A_1393 : vector<256x128xf32>
    %max3A_1395 = arith.constant 0.000000e+00 : f32
    %max3A_1396 = vector.broadcast %max3A_1395 : f32 to vector<256x128xf32>
    %max3A_1397 = arith.maximumf %add3A_1394, %max3A_1396 : vector<256x128xf32>
    %convert_element_type3A_1398 = arith.truncf %add3A_1345 : vector<256x64xf32> to vector<256x64xbf16>
    %dot_general3A_1399 = arith.constant dense<0.000000e+00> : vector<256x128xf32>
    %dot_general3A_1400 = tpu.matmul %convert_element_type3A_1398, %get3A_19, %dot_general3A_1399 {dimension_numbers = #tpu.dot_dimension_numbers<[1], [0], [0], [1], [0, 0, 1, 1], [], []>, transpose_lhs_hint = false} : vector<256x64xbf16>, vector<64x128xbf16>, vector<256x128xf32> -> vector<256x128xf32>
    %add3A_1401 = vector.broadcast %get3A_28 : vector<1x128xf32> to vector<256x128xf32>
    %add3A_1402 = arith.addf %dot_general3A_1400, %add3A_1401 : vector<256x128xf32>
    %max3A_1403 = arith.constant 0.000000e+00 : f32
    %max3A_1404 = vector.broadcast %max3A_1403 : f32 to vector<256x128xf32>
    %max3A_1405 = arith.maximumf %add3A_1402, %max3A_1404 : vector<256x128xf32>
    %convert_element_type3A_1406 = arith.truncf %add3A_1349 : vector<256x64xf32> to vector<256x64xbf16>
    %dot_general3A_1407 = arith.constant dense<0.000000e+00> : vector<256x128xf32>
    %dot_general3A_1408 = tpu.matmul %convert_element_type3A_1406, %get3A_19, %dot_general3A_1407 {dimension_numbers = #tpu.dot_dimension_numbers<[1], [0], [0], [1], [0, 0, 1, 1], [], []>, transpose_lhs_hint = false} : vector<256x64xbf16>, vector<64x128xbf16>, vector<256x128xf32> -> vector<256x128xf32>
    %add3A_1409 = vector.broadcast %get3A_28 : vector<1x128xf32> to vector<256x128xf32>
    %add3A_1410 = arith.addf %dot_general3A_1408, %add3A_1409 : vector<256x128xf32>
    %max3A_1411 = arith.constant 0.000000e+00 : f32
    %max3A_1412 = vector.broadcast %max3A_1411 : f32 to vector<256x128xf32>
    %max3A_1413 = arith.maximumf %add3A_1410, %max3A_1412 : vector<256x128xf32>
    %convert_element_type3A_1414 = arith.truncf %add3A_1353 : vector<256x64xf32> to vector<256x64xbf16>
    %dot_general3A_1415 = arith.constant dense<0.000000e+00> : vector<256x128xf32>
    %dot_general3A_1416 = tpu.matmul %convert_element_type3A_1414, %get3A_19, %dot_general3A_1415 {dimension_numbers = #tpu.dot_dimension_numbers<[1], [0], [0], [1], [0, 0, 1, 1], [], []>, transpose_lhs_hint = false} : vector<256x64xbf16>, vector<64x128xbf16>, vector<256x128xf32> -> vector<256x128xf32>
    %add3A_1417 = vector.broadcast %get3A_28 : vector<1x128xf32> to vector<256x128xf32>
    %add3A_1418 = arith.addf %dot_general3A_1416, %add3A_1417 : vector<256x128xf32>
    %max3A_1419 = arith.constant 0.000000e+00 : f32
    %max3A_1420 = vector.broadcast %max3A_1419 : f32 to vector<256x128xf32>
    %max3A_1421 = arith.maximumf %add3A_1418, %max3A_1420 : vector<256x128xf32>
    %convert_element_type3A_1422 = arith.truncf %add3A_1357 : vector<256x64xf32> to vector<256x64xbf16>
    %dot_general3A_1423 = arith.constant dense<0.000000e+00> : vector<256x128xf32>
    %dot_general3A_1424 = tpu.matmul %convert_element_type3A_1422, %get3A_19, %dot_general3A_1423 {dimension_numbers = #tpu.dot_dimension_numbers<[1], [0], [0], [1], [0, 0, 1, 1], [], []>, transpose_lhs_hint = false} : vector<256x64xbf16>, vector<64x128xbf16>, vector<256x128xf32> -> vector<256x128xf32>
    %add3A_1425 = vector.broadcast %get3A_28 : vector<1x128xf32> to vector<256x128xf32>
    %add3A_1426 = arith.addf %dot_general3A_1424, %add3A_1425 : vector<256x128xf32>
    %max3A_1427 = arith.constant 0.000000e+00 : f32
    %max3A_1428 = vector.broadcast %max3A_1427 : f32 to vector<256x128xf32>
    %max3A_1429 = arith.maximumf %add3A_1426, %max3A_1428 : vector<256x128xf32>
    %convert_element_type3A_1430 = arith.truncf %add3A_1361 : vector<256x64xf32> to vector<256x64xbf16>
    %dot_general3A_1431 = arith.constant dense<0.000000e+00> : vector<256x128xf32>
    %dot_general3A_1432 = tpu.matmul %convert_element_type3A_1430, %get3A_19, %dot_general3A_1431 {dimension_numbers = #tpu.dot_dimension_numbers<[1], [0], [0], [1], [0, 0, 1, 1], [], []>, transpose_lhs_hint = false} : vector<256x64xbf16>, vector<64x128xbf16>, vector<256x128xf32> -> vector<256x128xf32>
    %add3A_1433 = vector.broadcast %get3A_28 : vector<1x128xf32> to vector<256x128xf32>
    %add3A_1434 = arith.addf %dot_general3A_1432, %add3A_1433 : vector<256x128xf32>
    %max3A_1435 = arith.constant 0.000000e+00 : f32
    %max3A_1436 = vector.broadcast %max3A_1435 : f32 to vector<256x128xf32>
    %max3A_1437 = arith.maximumf %add3A_1434, %max3A_1436 : vector<256x128xf32>
    %convert_element_type3A_1438 = arith.truncf %add3A_1365 : vector<256x64xf32> to vector<256x64xbf16>
    %dot_general3A_1439 = arith.constant dense<0.000000e+00> : vector<256x128xf32>
    %dot_general3A_1440 = tpu.matmul %convert_element_type3A_1438, %get3A_19, %dot_general3A_1439 {dimension_numbers = #tpu.dot_dimension_numbers<[1], [0], [0], [1], [0, 0, 1, 1], [], []>, transpose_lhs_hint = false} : vector<256x64xbf16>, vector<64x128xbf16>, vector<256x128xf32> -> vector<256x128xf32>
    %add3A_1441 = vector.broadcast %get3A_28 : vector<1x128xf32> to vector<256x128xf32>
    %add3A_1442 = arith.addf %dot_general3A_1440, %add3A_1441 : vector<256x128xf32>
    %max3A_1443 = arith.constant 0.000000e+00 : f32
    %max3A_1444 = vector.broadcast %max3A_1443 : f32 to vector<256x128xf32>
    %max3A_1445 = arith.maximumf %add3A_1442, %max3A_1444 : vector<256x128xf32>
    %convert_element_type3A_1446 = arith.truncf %max3A_1373 : vector<256x128xf32> to vector<256x128xbf16>
    %dot_general3A_1447 = arith.constant dense<0.000000e+00> : vector<256x64xf32>
    %dot_general3A_1448 = tpu.matmul %convert_element_type3A_1446, %get3A_22, %dot_general3A_1447 {dimension_numbers = #tpu.dot_dimension_numbers<[1], [0], [0], [1], [0, 0, 1, 1], [], []>, transpose_lhs_hint = false} : vector<256x128xbf16>, vector<128x64xbf16>, vector<256x64xf32> -> vector<256x64xf32>
    %add3A_1449 = arith.addf %add3A_1329, %dot_general3A_1448 : vector<256x64xf32>
    %add3A_1450 = vector.broadcast %get3A_31 : vector<1x64xf32> to vector<256x64xf32>
    %add3A_1451 = arith.addf %add3A_1449, %add3A_1450 : vector<256x64xf32>
    %convert_element_type3A_1452 = arith.truncf %max3A_1381 : vector<256x128xf32> to vector<256x128xbf16>
    %dot_general3A_1453 = arith.constant dense<0.000000e+00> : vector<256x64xf32>
    %dot_general3A_1454 = tpu.matmul %convert_element_type3A_1452, %get3A_22, %dot_general3A_1453 {dimension_numbers = #tpu.dot_dimension_numbers<[1], [0], [0], [1], [0, 0, 1, 1], [], []>, transpose_lhs_hint = false} : vector<256x128xbf16>, vector<128x64xbf16>, vector<256x64xf32> -> vector<256x64xf32>
    %add3A_1455 = arith.addf %add3A_1333, %dot_general3A_1454 : vector<256x64xf32>
    %add3A_1456 = vector.broadcast %get3A_31 : vector<1x64xf32> to vector<256x64xf32>
    %add3A_1457 = arith.addf %add3A_1455, %add3A_1456 : vector<256x64xf32>
    %convert_element_type3A_1458 = arith.truncf %max3A_1389 : vector<256x128xf32> to vector<256x128xbf16>
    %dot_general3A_1459 = arith.constant dense<0.000000e+00> : vector<256x64xf32>
    %dot_general3A_1460 = tpu.matmul %convert_element_type3A_1458, %get3A_22, %dot_general3A_1459 {dimension_numbers = #tpu.dot_dimension_numbers<[1], [0], [0], [1], [0, 0, 1, 1], [], []>, transpose_lhs_hint = false} : vector<256x128xbf16>, vector<128x64xbf16>, vector<256x64xf32> -> vector<256x64xf32>
    %add3A_1461 = arith.addf %add3A_1337, %dot_general3A_1460 : vector<256x64xf32>
    %add3A_1462 = vector.broadcast %get3A_31 : vector<1x64xf32> to vector<256x64xf32>
    %add3A_1463 = arith.addf %add3A_1461, %add3A_1462 : vector<256x64xf32>
    %convert_element_type3A_1464 = arith.truncf %max3A_1397 : vector<256x128xf32> to vector<256x128xbf16>
    %dot_general3A_1465 = arith.constant dense<0.000000e+00> : vector<256x64xf32>
    %dot_general3A_1466 = tpu.matmul %convert_element_type3A_1464, %get3A_22, %dot_general3A_1465 {dimension_numbers = #tpu.dot_dimension_numbers<[1], [0], [0], [1], [0, 0, 1, 1], [], []>, transpose_lhs_hint = false} : vector<256x128xbf16>, vector<128x64xbf16>, vector<256x64xf32> -> vector<256x64xf32>
    %add3A_1467 = arith.addf %add3A_1341, %dot_general3A_1466 : vector<256x64xf32>
    %add3A_1468 = vector.broadcast %get3A_31 : vector<1x64xf32> to vector<256x64xf32>
    %add3A_1469 = arith.addf %add3A_1467, %add3A_1468 : vector<256x64xf32>
    %convert_element_type3A_1470 = arith.truncf %max3A_1405 : vector<256x128xf32> to vector<256x128xbf16>
    %dot_general3A_1471 = arith.constant dense<0.000000e+00> : vector<256x64xf32>
    %dot_general3A_1472 = tpu.matmul %convert_element_type3A_1470, %get3A_22, %dot_general3A_1471 {dimension_numbers = #tpu.dot_dimension_numbers<[1], [0], [0], [1], [0, 0, 1, 1], [], []>, transpose_lhs_hint = false} : vector<256x128xbf16>, vector<128x64xbf16>, vector<256x64xf32> -> vector<256x64xf32>
    %add3A_1473 = arith.addf %add3A_1345, %dot_general3A_1472 : vector<256x64xf32>
    %add3A_1474 = vector.broadcast %get3A_31 : vector<1x64xf32> to vector<256x64xf32>
    %add3A_1475 = arith.addf %add3A_1473, %add3A_1474 : vector<256x64xf32>
    %convert_element_type3A_1476 = arith.truncf %max3A_1413 : vector<256x128xf32> to vector<256x128xbf16>
    %dot_general3A_1477 = arith.constant dense<0.000000e+00> : vector<256x64xf32>
    %dot_general3A_1478 = tpu.matmul %convert_element_type3A_1476, %get3A_22, %dot_general3A_1477 {dimension_numbers = #tpu.dot_dimension_numbers<[1], [0], [0], [1], [0, 0, 1, 1], [], []>, transpose_lhs_hint = false} : vector<256x128xbf16>, vector<128x64xbf16>, vector<256x64xf32> -> vector<256x64xf32>
    %add3A_1479 = arith.addf %add3A_1349, %dot_general3A_1478 : vector<256x64xf32>
    %add3A_1480 = vector.broadcast %get3A_31 : vector<1x64xf32> to vector<256x64xf32>
    %add3A_1481 = arith.addf %add3A_1479, %add3A_1480 : vector<256x64xf32>
    %convert_element_type3A_1482 = arith.truncf %max3A_1421 : vector<256x128xf32> to vector<256x128xbf16>
    %dot_general3A_1483 = arith.constant dense<0.000000e+00> : vector<256x64xf32>
    %dot_general3A_1484 = tpu.matmul %convert_element_type3A_1482, %get3A_22, %dot_general3A_1483 {dimension_numbers = #tpu.dot_dimension_numbers<[1], [0], [0], [1], [0, 0, 1, 1], [], []>, transpose_lhs_hint = false} : vector<256x128xbf16>, vector<128x64xbf16>, vector<256x64xf32> -> vector<256x64xf32>
    %add3A_1485 = arith.addf %add3A_1353, %dot_general3A_1484 : vector<256x64xf32>
    %add3A_1486 = vector.broadcast %get3A_31 : vector<1x64xf32> to vector<256x64xf32>
    %add3A_1487 = arith.addf %add3A_1485, %add3A_1486 : vector<256x64xf32>
    %convert_element_type3A_1488 = arith.truncf %max3A_1429 : vector<256x128xf32> to vector<256x128xbf16>
    %dot_general3A_1489 = arith.constant dense<0.000000e+00> : vector<256x64xf32>
    %dot_general3A_1490 = tpu.matmul %convert_element_type3A_1488, %get3A_22, %dot_general3A_1489 {dimension_numbers = #tpu.dot_dimension_numbers<[1], [0], [0], [1], [0, 0, 1, 1], [], []>, transpose_lhs_hint = false} : vector<256x128xbf16>, vector<128x64xbf16>, vector<256x64xf32> -> vector<256x64xf32>
    %add3A_1491 = arith.addf %add3A_1357, %dot_general3A_1490 : vector<256x64xf32>
    %add3A_1492 = vector.broadcast %get3A_31 : vector<1x64xf32> to vector<256x64xf32>
    %add3A_1493 = arith.addf %add3A_1491, %add3A_1492 : vector<256x64xf32>
    %convert_element_type3A_1494 = arith.truncf %max3A_1437 : vector<256x128xf32> to vector<256x128xbf16>
    %dot_general3A_1495 = arith.constant dense<0.000000e+00> : vector<256x64xf32>
    %dot_general3A_1496 = tpu.matmul %convert_element_type3A_1494, %get3A_22, %dot_general3A_1495 {dimension_numbers = #tpu.dot_dimension_numbers<[1], [0], [0], [1], [0, 0, 1, 1], [], []>, transpose_lhs_hint = false} : vector<256x128xbf16>, vector<128x64xbf16>, vector<256x64xf32> -> vector<256x64xf32>
    %add3A_1497 = arith.addf %add3A_1361, %dot_general3A_1496 : vector<256x64xf32>
    %add3A_1498 = vector.broadcast %get3A_31 : vector<1x64xf32> to vector<256x64xf32>
    %add3A_1499 = arith.addf %add3A_1497, %add3A_1498 : vector<256x64xf32>
    %convert_element_type3A_1500 = arith.truncf %max3A_1445 : vector<256x128xf32> to vector<256x128xbf16>
    %dot_general3A_1501 = arith.constant dense<0.000000e+00> : vector<256x64xf32>
    %dot_general3A_1502 = tpu.matmul %convert_element_type3A_1500, %get3A_22, %dot_general3A_1501 {dimension_numbers = #tpu.dot_dimension_numbers<[1], [0], [0], [1], [0, 0, 1, 1], [], []>, transpose_lhs_hint = false} : vector<256x128xbf16>, vector<128x64xbf16>, vector<256x64xf32> -> vector<256x64xf32>
    %add3A_1503 = arith.addf %add3A_1365, %dot_general3A_1502 : vector<256x64xf32>
    %add3A_1504 = vector.broadcast %get3A_31 : vector<1x64xf32> to vector<256x64xf32>
    %add3A_1505 = arith.addf %add3A_1503, %add3A_1504 : vector<256x64xf32>
    %convert_element_type3A_1506 = arith.truncf %add3A_1451 : vector<256x64xf32> to vector<256x64xbf16>
    %convert_element_type3A_1507 = arith.truncf %add3A_1457 : vector<256x64xf32> to vector<256x64xbf16>
    %convert_element_type3A_1508 = arith.truncf %add3A_1463 : vector<256x64xf32> to vector<256x64xbf16>
    %convert_element_type3A_1509 = arith.truncf %add3A_1469 : vector<256x64xf32> to vector<256x64xbf16>
    %convert_element_type3A_1510 = arith.truncf %add3A_1475 : vector<256x64xf32> to vector<256x64xbf16>
    %convert_element_type3A_1511 = arith.truncf %add3A_1481 : vector<256x64xf32> to vector<256x64xbf16>
    %convert_element_type3A_1512 = arith.truncf %add3A_1487 : vector<256x64xf32> to vector<256x64xbf16>
    %convert_element_type3A_1513 = arith.truncf %add3A_1493 : vector<256x64xf32> to vector<256x64xbf16>
    %convert_element_type3A_1514 = arith.truncf %add3A_1499 : vector<256x64xf32> to vector<256x64xbf16>
    %convert_element_type3A_1515 = arith.truncf %add3A_1505 : vector<256x64xf32> to vector<256x64xbf16>
    %concatenate3A_1516 = tpu.concatenate %convert_element_type3A_1506, %convert_element_type3A_1507, %convert_element_type3A_1508, %convert_element_type3A_1509, %convert_element_type3A_1510, %convert_element_type3A_1511, %convert_element_type3A_1512, %convert_element_type3A_1513, %convert_element_type3A_1514, %convert_element_type3A_1515 in 1 : vector<256x64xbf16>, vector<256x64xbf16>, vector<256x64xbf16>, vector<256x64xbf16>, vector<256x64xbf16>, vector<256x64xbf16>, vector<256x64xbf16>, vector<256x64xbf16>, vector<256x64xbf16>, vector<256x64xbf16> -> vector<256x640xbf16>
    %dot_general3A_1517 = arith.constant dense<0.000000e+00> : vector<256x60xf32>
    %dot_general3A_1518 = tpu.matmul %concatenate3A_1516, %get3A_25, %dot_general3A_1517 {dimension_numbers = #tpu.dot_dimension_numbers<[1], [0], [0], [1], [0, 0, 1, 1], [], []>, transpose_lhs_hint = false} : vector<256x640xbf16>, vector<640x60xbf16>, vector<256x60xf32> -> vector<256x60xf32>
    %add3A_1519 = vector.broadcast %get3A_34 : vector<1x60xf32> to vector<256x60xf32>
    %add3A_1520 = arith.addf %dot_general3A_1518, %add3A_1519 : vector<256x60xf32>
    %swap3A_1521 = arith.constant 1 : index
    %swap3A_1522 = arith.constant 0 : index
    %swap3A_1523 = arith.constant 0 : index
    %swap3A_1524 = vector.load %arg15[%swap3A_1521, %swap3A_1522, %swap3A_1523] : memref<4x256x60xf32, #tpu.memory_space<vmem>>, vector<1x256x60xf32>
    %swap3A_1525 = vector.shape_cast %swap3A_1524 : vector<1x256x60xf32> to vector<256x60xf32>
    %swap3A_1526 = vector.shape_cast %add3A_1520 : vector<256x60xf32> to vector<1x256x60xf32>
    tpu.vector_store %arg15[%swap3A_1521, %swap3A_1522, %swap3A_1523], %swap3A_1526 {strides = array<i32>} : memref<4x256x60xf32, #tpu.memory_space<vmem>>, vector<1x256x60xf32>,
    %get3A_1527 = arith.constant 1 : index
    %get3A_1528 = arith.constant 0 : index
    %get3A_1529 = arith.constant 0 : index
    %get3A_1530 = vector.load %arg2[%get3A_1527, %get3A_1528, %get3A_1529] : memref<4x256x60xf32, #tpu.memory_space<vmem>>, vector<1x256x60xf32>
    %get3A_1531 = vector.shape_cast %get3A_1530 : vector<1x256x60xf32> to vector<256x60xf32>
    %sub3A_1532 = arith.subf %add3A_1520, %get3A_1531 : vector<256x60xf32>
    %abs3A_1533 = math.absf %sub3A_1532 : vector<256x60xf32>
    %reduce_sum3A_1534 = vector.shape_cast %abs3A_1533 : vector<256x60xf32> to vector<1x256x60xf32>
    %reduce_sum3A_1535 = arith.constant dense<0.000000e+00> : vector<1xf32>
    %reduce_sum3A_1536 = vector.multi_reduction <add>, %reduce_sum3A_1534, %reduce_sum3A_1535 [1, 2] : vector<1x256x60xf32> to vector<1xf32>
    %reduce_sum3A_1537 = vector.shape_cast %reduce_sum3A_1536 : vector<1xf32> to vector<1x1x1xf32>
    %reduce_sum3A_1538 = vector.extract %reduce_sum3A_1537[0, 0, 0] : f32 from vector<1x1x1xf32>
    %add3A_1539 = arith.addf %add3A_781, %reduce_sum3A_1538 : f32
    %get3A_1540 = arith.constant 2 : index
    %get3A_1541 = arith.constant 0 : index
    %get3A_1542 = arith.constant 0 : index
    %get3A_1543 = vector.load %arg1[%get3A_1540, %get3A_1541, %get3A_1542] : memref<4x256x60xf32, #tpu.memory_space<vmem>>, vector<1x256x60xf32>
    %get3A_1544 = vector.shape_cast %get3A_1543 : vector<1x256x60xf32> to vector<256x60xf32>
    %convert_element_type3A_1545 = arith.truncf %get3A_1544 : vector<256x60xf32> to vector<256x60xbf16>
    %dot_general3A_1546 = arith.constant dense<0.000000e+00> : vector<256x640xf32>
    %dot_general3A_1547 = tpu.matmul %convert_element_type3A_1545, %get3A_13, %dot_general3A_1546 {dimension_numbers = #tpu.dot_dimension_numbers<[1], [0], [0], [1], [0, 0, 1, 1], [], []>, transpose_lhs_hint = false} : vector<256x60xbf16>, vector<60x640xbf16>, vector<256x640xf32> -> vector<256x640xf32>
    %add3A_1548 = arith.addf %dot_general3A_1547, %get3A_1 : vector<256x640xf32>
    %convert_element_type3A_1549 = arith.truncf %add3A_1548 : vector<256x640xf32> to vector<256x640xbf16>
    %slice3A_1550 = vector.extract_strided_slice %convert_element_type3A_1549 {offsets = [0, 0], sizes = [256, 64], strides = [1, 1]} : vector<256x640xbf16> to vector<256x64xbf16>
    %slice3A_1551 = vector.extract_strided_slice %convert_element_type3A_1549 {offsets = [0, 64], sizes = [256, 64], strides = [1, 1]} : vector<256x640xbf16> to vector<256x64xbf16>
    %slice3A_1552 = vector.extract_strided_slice %convert_element_type3A_1549 {offsets = [0, 128], sizes = [256, 64], strides = [1, 1]} : vector<256x640xbf16> to vector<256x64xbf16>
    %slice3A_1553 = vector.extract_strided_slice %convert_element_type3A_1549 {offsets = [0, 192], sizes = [256, 64], strides = [1, 1]} : vector<256x640xbf16> to vector<256x64xbf16>
    %slice3A_1554 = vector.extract_strided_slice %convert_element_type3A_1549 {offsets = [0, 256], sizes = [256, 64], strides = [1, 1]} : vector<256x640xbf16> to vector<256x64xbf16>
    %slice3A_1555 = vector.extract_strided_slice %convert_element_type3A_1549 {offsets = [0, 320], sizes = [256, 64], strides = [1, 1]} : vector<256x640xbf16> to vector<256x64xbf16>
    %slice3A_1556 = vector.extract_strided_slice %convert_element_type3A_1549 {offsets = [0, 384], sizes = [256, 64], strides = [1, 1]} : vector<256x640xbf16> to vector<256x64xbf16>
    %slice3A_1557 = vector.extract_strided_slice %convert_element_type3A_1549 {offsets = [0, 448], sizes = [256, 64], strides = [1, 1]} : vector<256x640xbf16> to vector<256x64xbf16>
    %slice3A_1558 = vector.extract_strided_slice %convert_element_type3A_1549 {offsets = [0, 512], sizes = [256, 64], strides = [1, 1]} : vector<256x640xbf16> to vector<256x64xbf16>
    %slice3A_1559 = vector.extract_strided_slice %convert_element_type3A_1549 {offsets = [0, 576], sizes = [256, 64], strides = [1, 1]} : vector<256x640xbf16> to vector<256x64xbf16>
    %dot_general3A_1560 = arith.constant dense<0.000000e+00> : vector<256x128xf32>
    %dot_general3A_1561 = tpu.matmul %slice3A_1550, %get3A_10, %dot_general3A_1560 {dimension_numbers = #tpu.dot_dimension_numbers<[1], [0], [0], [1], [0, 0, 1, 1], [], []>, transpose_lhs_hint = false} : vector<256x64xbf16>, vector<64x128xbf16>, vector<256x128xf32> -> vector<256x128xf32>
    %convert_element_type3A_1562 = arith.truncf %dot_general3A_1561 : vector<256x128xf32> to vector<256x128xbf16>
    %dot_general3A_1563 = arith.constant dense<0.000000e+00> : vector<256x128xf32>
    %dot_general3A_1564 = tpu.matmul %slice3A_1551, %get3A_10, %dot_general3A_1563 {dimension_numbers = #tpu.dot_dimension_numbers<[1], [0], [0], [1], [0, 0, 1, 1], [], []>, transpose_lhs_hint = false} : vector<256x64xbf16>, vector<64x128xbf16>, vector<256x128xf32> -> vector<256x128xf32>
    %convert_element_type3A_1565 = arith.truncf %dot_general3A_1564 : vector<256x128xf32> to vector<256x128xbf16>
    %dot_general3A_1566 = arith.constant dense<0.000000e+00> : vector<256x128xf32>
    %dot_general3A_1567 = tpu.matmul %slice3A_1552, %get3A_10, %dot_general3A_1566 {dimension_numbers = #tpu.dot_dimension_numbers<[1], [0], [0], [1], [0, 0, 1, 1], [], []>, transpose_lhs_hint = false} : vector<256x64xbf16>, vector<64x128xbf16>, vector<256x128xf32> -> vector<256x128xf32>
    %convert_element_type3A_1568 = arith.truncf %dot_general3A_1567 : vector<256x128xf32> to vector<256x128xbf16>
    %dot_general3A_1569 = arith.constant dense<0.000000e+00> : vector<256x128xf32>
    %dot_general3A_1570 = tpu.matmul %slice3A_1553, %get3A_10, %dot_general3A_1569 {dimension_numbers = #tpu.dot_dimension_numbers<[1], [0], [0], [1], [0, 0, 1, 1], [], []>, transpose_lhs_hint = false} : vector<256x64xbf16>, vector<64x128xbf16>, vector<256x128xf32> -> vector<256x128xf32>
    %convert_element_type3A_1571 = arith.truncf %dot_general3A_1570 : vector<256x128xf32> to vector<256x128xbf16>
    %dot_general3A_1572 = arith.constant dense<0.000000e+00> : vector<256x128xf32>
    %dot_general3A_1573 = tpu.matmul %slice3A_1554, %get3A_10, %dot_general3A_1572 {dimension_numbers = #tpu.dot_dimension_numbers<[1], [0], [0], [1], [0, 0, 1, 1], [], []>, transpose_lhs_hint = false} : vector<256x64xbf16>, vector<64x128xbf16>, vector<256x128xf32> -> vector<256x128xf32>
    %convert_element_type3A_1574 = arith.truncf %dot_general3A_1573 : vector<256x128xf32> to vector<256x128xbf16>
    %dot_general3A_1575 = arith.constant dense<0.000000e+00> : vector<256x128xf32>
    %dot_general3A_1576 = tpu.matmul %slice3A_1555, %get3A_10, %dot_general3A_1575 {dimension_numbers = #tpu.dot_dimension_numbers<[1], [0], [0], [1], [0, 0, 1, 1], [], []>, transpose_lhs_hint = false} : vector<256x64xbf16>, vector<64x128xbf16>, vector<256x128xf32> -> vector<256x128xf32>
    %convert_element_type3A_1577 = arith.truncf %dot_general3A_1576 : vector<256x128xf32> to vector<256x128xbf16>
    %dot_general3A_1578 = arith.constant dense<0.000000e+00> : vector<256x128xf32>
    %dot_general3A_1579 = tpu.matmul %slice3A_1556, %get3A_10, %dot_general3A_1578 {dimension_numbers = #tpu.dot_dimension_numbers<[1], [0], [0], [1], [0, 0, 1, 1], [], []>, transpose_lhs_hint = false} : vector<256x64xbf16>, vector<64x128xbf16>, vector<256x128xf32> -> vector<256x128xf32>
    %convert_element_type3A_1580 = arith.truncf %dot_general3A_1579 : vector<256x128xf32> to vector<256x128xbf16>
    %dot_general3A_1581 = arith.constant dense<0.000000e+00> : vector<256x128xf32>
    %dot_general3A_1582 = tpu.matmul %slice3A_1557, %get3A_10, %dot_general3A_1581 {dimension_numbers = #tpu.dot_dimension_numbers<[1], [0], [0], [1], [0, 0, 1, 1], [], []>, transpose_lhs_hint = false} : vector<256x64xbf16>, vector<64x128xbf16>, vector<256x128xf32> -> vector<256x128xf32>
    %convert_element_type3A_1583 = arith.truncf %dot_general3A_1582 : vector<256x128xf32> to vector<256x128xbf16>
    %dot_general3A_1584 = arith.constant dense<0.000000e+00> : vector<256x128xf32>
    %dot_general3A_1585 = tpu.matmul %slice3A_1558, %get3A_10, %dot_general3A_1584 {dimension_numbers = #tpu.dot_dimension_numbers<[1], [0], [0], [1], [0, 0, 1, 1], [], []>, transpose_lhs_hint = false} : vector<256x64xbf16>, vector<64x128xbf16>, vector<256x128xf32> -> vector<256x128xf32>
    %convert_element_type3A_1586 = arith.truncf %dot_general3A_1585 : vector<256x128xf32> to vector<256x128xbf16>
    %dot_general3A_1587 = arith.constant dense<0.000000e+00> : vector<256x128xf32>
    %dot_general3A_1588 = tpu.matmul %slice3A_1559, %get3A_10, %dot_general3A_1587 {dimension_numbers = #tpu.dot_dimension_numbers<[1], [0], [0], [1], [0, 0, 1, 1], [], []>, transpose_lhs_hint = false} : vector<256x64xbf16>, vector<64x128xbf16>, vector<256x128xf32> -> vector<256x128xf32>
    %convert_element_type3A_1589 = arith.truncf %dot_general3A_1588 : vector<256x128xf32> to vector<256x128xbf16>
    %slice3A_1590 = vector.extract_strided_slice %convert_element_type3A_1562 {offsets = [0, 64], sizes = [256, 64], strides = [1, 1]} : vector<256x128xbf16> to vector<256x64xbf16>
    %concatenate3A_1591 = tpu.concatenate %slice3A_1590, %broadcast_in_dim3A_35 in 1 : vector<256x64xbf16>, vector<256x1xbf16> -> vector<256x65xbf16>
    %slice3A_1592 = vector.extract_strided_slice %convert_element_type3A_1565 {offsets = [0, 64], sizes = [256, 64], strides = [1, 1]} : vector<256x128xbf16> to vector<256x64xbf16>
    %concatenate3A_1593 = tpu.concatenate %slice3A_1592, %broadcast_in_dim3A_35 in 1 : vector<256x64xbf16>, vector<256x1xbf16> -> vector<256x65xbf16>
    %slice3A_1594 = vector.extract_strided_slice %convert_element_type3A_1568 {offsets = [0, 64], sizes = [256, 64], strides = [1, 1]} : vector<256x128xbf16> to vector<256x64xbf16>
    %concatenate3A_1595 = tpu.concatenate %slice3A_1594, %broadcast_in_dim3A_35 in 1 : vector<256x64xbf16>, vector<256x1xbf16> -> vector<256x65xbf16>
    %slice3A_1596 = vector.extract_strided_slice %convert_element_type3A_1571 {offsets = [0, 64], sizes = [256, 64], strides = [1, 1]} : vector<256x128xbf16> to vector<256x64xbf16>
    %concatenate3A_1597 = tpu.concatenate %slice3A_1596, %broadcast_in_dim3A_35 in 1 : vector<256x64xbf16>, vector<256x1xbf16> -> vector<256x65xbf16>
    %slice3A_1598 = vector.extract_strided_slice %convert_element_type3A_1574 {offsets = [0, 64], sizes = [256, 64], strides = [1, 1]} : vector<256x128xbf16> to vector<256x64xbf16>
    %concatenate3A_1599 = tpu.concatenate %slice3A_1598, %broadcast_in_dim3A_35 in 1 : vector<256x64xbf16>, vector<256x1xbf16> -> vector<256x65xbf16>
    %slice3A_1600 = vector.extract_strided_slice %convert_element_type3A_1577 {offsets = [0, 64], sizes = [256, 64], strides = [1, 1]} : vector<256x128xbf16> to vector<256x64xbf16>
    %concatenate3A_1601 = tpu.concatenate %slice3A_1600, %broadcast_in_dim3A_35 in 1 : vector<256x64xbf16>, vector<256x1xbf16> -> vector<256x65xbf16>
    %slice3A_1602 = vector.extract_strided_slice %convert_element_type3A_1580 {offsets = [0, 64], sizes = [256, 64], strides = [1, 1]} : vector<256x128xbf16> to vector<256x64xbf16>
    %concatenate3A_1603 = tpu.concatenate %slice3A_1602, %broadcast_in_dim3A_35 in 1 : vector<256x64xbf16>, vector<256x1xbf16> -> vector<256x65xbf16>
    %slice3A_1604 = vector.extract_strided_slice %convert_element_type3A_1583 {offsets = [0, 64], sizes = [256, 64], strides = [1, 1]} : vector<256x128xbf16> to vector<256x64xbf16>
    %concatenate3A_1605 = tpu.concatenate %slice3A_1604, %broadcast_in_dim3A_35 in 1 : vector<256x64xbf16>, vector<256x1xbf16> -> vector<256x65xbf16>
    %slice3A_1606 = vector.extract_strided_slice %convert_element_type3A_1586 {offsets = [0, 64], sizes = [256, 64], strides = [1, 1]} : vector<256x128xbf16> to vector<256x64xbf16>
    %concatenate3A_1607 = tpu.concatenate %slice3A_1606, %broadcast_in_dim3A_35 in 1 : vector<256x64xbf16>, vector<256x1xbf16> -> vector<256x65xbf16>
    %slice3A_1608 = vector.extract_strided_slice %convert_element_type3A_1589 {offsets = [0, 64], sizes = [256, 64], strides = [1, 1]} : vector<256x128xbf16> to vector<256x64xbf16>
    %concatenate3A_1609 = tpu.concatenate %slice3A_1608, %broadcast_in_dim3A_35 in 1 : vector<256x64xbf16>, vector<256x1xbf16> -> vector<256x65xbf16>
    %slice3A_1610 = vector.extract_strided_slice %get3A_7 {offsets = [0, 0], sizes = [256, 16], strides = [1, 1]} : vector<256x64xbf16> to vector<256x16xbf16>
    %slice3A_1611 = vector.extract_strided_slice %get3A_7 {offsets = [0, 16], sizes = [256, 16], strides = [1, 1]} : vector<256x64xbf16> to vector<256x16xbf16>
    %slice3A_1612 = vector.extract_strided_slice %get3A_7 {offsets = [0, 32], sizes = [256, 16], strides = [1, 1]} : vector<256x64xbf16> to vector<256x16xbf16>
    %slice3A_1613 = vector.extract_strided_slice %get3A_7 {offsets = [0, 48], sizes = [256, 16], strides = [1, 1]} : vector<256x64xbf16> to vector<256x16xbf16>
    %slice3A_1614 = vector.extract_strided_slice %convert_element_type3A_1562 {offsets = [0, 0], sizes = [256, 16], strides = [1, 1]} : vector<256x128xbf16> to vector<256x16xbf16>
    %slice3A_1615 = vector.extract_strided_slice %convert_element_type3A_1565 {offsets = [0, 0], sizes = [256, 16], strides = [1, 1]} : vector<256x128xbf16> to vector<256x16xbf16>
    %slice3A_1616 = vector.extract_strided_slice %convert_element_type3A_1568 {offsets = [0, 0], sizes = [256, 16], strides = [1, 1]} : vector<256x128xbf16> to vector<256x16xbf16>
    %slice3A_1617 = vector.extract_strided_slice %convert_element_type3A_1571 {offsets = [0, 0], sizes = [256, 16], strides = [1, 1]} : vector<256x128xbf16> to vector<256x16xbf16>
    %slice3A_1618 = vector.extract_strided_slice %convert_element_type3A_1574 {offsets = [0, 0], sizes = [256, 16], strides = [1, 1]} : vector<256x128xbf16> to vector<256x16xbf16>
    %slice3A_1619 = vector.extract_strided_slice %convert_element_type3A_1577 {offsets = [0, 0], sizes = [256, 16], strides = [1, 1]} : vector<256x128xbf16> to vector<256x16xbf16>
    %slice3A_1620 = vector.extract_strided_slice %convert_element_type3A_1580 {offsets = [0, 0], sizes = [256, 16], strides = [1, 1]} : vector<256x128xbf16> to vector<256x16xbf16>
    %slice3A_1621 = vector.extract_strided_slice %convert_element_type3A_1583 {offsets = [0, 0], sizes = [256, 16], strides = [1, 1]} : vector<256x128xbf16> to vector<256x16xbf16>
    %slice3A_1622 = vector.extract_strided_slice %convert_element_type3A_1586 {offsets = [0, 0], sizes = [256, 16], strides = [1, 1]} : vector<256x128xbf16> to vector<256x16xbf16>
    %slice3A_1623 = vector.extract_strided_slice %convert_element_type3A_1589 {offsets = [0, 0], sizes = [256, 16], strides = [1, 1]} : vector<256x128xbf16> to vector<256x16xbf16>
    %concatenate3A_1624 = tpu.concatenate %slice3A_1614, %slice3A_1615, %slice3A_1616, %slice3A_1617, %slice3A_1618, %slice3A_1619, %slice3A_1620, %slice3A_1621, %slice3A_1622, %slice3A_1623 in 0 : vector<256x16xbf16>, vector<256x16xbf16>, vector<256x16xbf16>, vector<256x16xbf16>, vector<256x16xbf16>, vector<256x16xbf16>, vector<256x16xbf16>, vector<256x16xbf16>, vector<256x16xbf16>, vector<256x16xbf16> -> vector<2560x16xbf16>
    %slice3A_1625 = vector.extract_strided_slice %convert_element_type3A_1562 {offsets = [0, 16], sizes = [256, 16], strides = [1, 1]} : vector<256x128xbf16> to vector<256x16xbf16>
    %slice3A_1626 = vector.extract_strided_slice %convert_element_type3A_1565 {offsets = [0, 16], sizes = [256, 16], strides = [1, 1]} : vector<256x128xbf16> to vector<256x16xbf16>
    %slice3A_1627 = vector.extract_strided_slice %convert_element_type3A_1568 {offsets = [0, 16], sizes = [256, 16], strides = [1, 1]} : vector<256x128xbf16> to vector<256x16xbf16>
    %slice3A_1628 = vector.extract_strided_slice %convert_element_type3A_1571 {offsets = [0, 16], sizes = [256, 16], strides = [1, 1]} : vector<256x128xbf16> to vector<256x16xbf16>
    %slice3A_1629 = vector.extract_strided_slice %convert_element_type3A_1574 {offsets = [0, 16], sizes = [256, 16], strides = [1, 1]} : vector<256x128xbf16> to vector<256x16xbf16>
    %slice3A_1630 = vector.extract_strided_slice %convert_element_type3A_1577 {offsets = [0, 16], sizes = [256, 16], strides = [1, 1]} : vector<256x128xbf16> to vector<256x16xbf16>
    %slice3A_1631 = vector.extract_strided_slice %convert_element_type3A_1580 {offsets = [0, 16], sizes = [256, 16], strides = [1, 1]} : vector<256x128xbf16> to vector<256x16xbf16>
    %slice3A_1632 = vector.extract_strided_slice %convert_element_type3A_1583 {offsets = [0, 16], sizes = [256, 16], strides = [1, 1]} : vector<256x128xbf16> to vector<256x16xbf16>
    %slice3A_1633 = vector.extract_strided_slice %convert_element_type3A_1586 {offsets = [0, 16], sizes = [256, 16], strides = [1, 1]} : vector<256x128xbf16> to vector<256x16xbf16>
    %slice3A_1634 = vector.extract_strided_slice %convert_element_type3A_1589 {offsets = [0, 16], sizes = [256, 16], strides = [1, 1]} : vector<256x128xbf16> to vector<256x16xbf16>
    %concatenate3A_1635 = tpu.concatenate %slice3A_1625, %slice3A_1626, %slice3A_1627, %slice3A_1628, %slice3A_1629, %slice3A_1630, %slice3A_1631, %slice3A_1632, %slice3A_1633, %slice3A_1634 in 0 : vector<256x16xbf16>, vector<256x16xbf16>, vector<256x16xbf16>, vector<256x16xbf16>, vector<256x16xbf16>, vector<256x16xbf16>, vector<256x16xbf16>, vector<256x16xbf16>, vector<256x16xbf16>, vector<256x16xbf16> -> vector<2560x16xbf16>
    %slice3A_1636 = vector.extract_strided_slice %convert_element_type3A_1562 {offsets = [0, 32], sizes = [256, 16], strides = [1, 1]} : vector<256x128xbf16> to vector<256x16xbf16>
    %slice3A_1637 = vector.extract_strided_slice %convert_element_type3A_1565 {offsets = [0, 32], sizes = [256, 16], strides = [1, 1]} : vector<256x128xbf16> to vector<256x16xbf16>
    %slice3A_1638 = vector.extract_strided_slice %convert_element_type3A_1568 {offsets = [0, 32], sizes = [256, 16], strides = [1, 1]} : vector<256x128xbf16> to vector<256x16xbf16>
    %slice3A_1639 = vector.extract_strided_slice %convert_element_type3A_1571 {offsets = [0, 32], sizes = [256, 16], strides = [1, 1]} : vector<256x128xbf16> to vector<256x16xbf16>
    %slice3A_1640 = vector.extract_strided_slice %convert_element_type3A_1574 {offsets = [0, 32], sizes = [256, 16], strides = [1, 1]} : vector<256x128xbf16> to vector<256x16xbf16>
    %slice3A_1641 = vector.extract_strided_slice %convert_element_type3A_1577 {offsets = [0, 32], sizes = [256, 16], strides = [1, 1]} : vector<256x128xbf16> to vector<256x16xbf16>
    %slice3A_1642 = vector.extract_strided_slice %convert_element_type3A_1580 {offsets = [0, 32], sizes = [256, 16], strides = [1, 1]} : vector<256x128xbf16> to vector<256x16xbf16>
    %slice3A_1643 = vector.extract_strided_slice %convert_element_type3A_1583 {offsets = [0, 32], sizes = [256, 16], strides = [1, 1]} : vector<256x128xbf16> to vector<256x16xbf16>
    %slice3A_1644 = vector.extract_strided_slice %convert_element_type3A_1586 {offsets = [0, 32], sizes = [256, 16], strides = [1, 1]} : vector<256x128xbf16> to vector<256x16xbf16>
    %slice3A_1645 = vector.extract_strided_slice %convert_element_type3A_1589 {offsets = [0, 32], sizes = [256, 16], strides = [1, 1]} : vector<256x128xbf16> to vector<256x16xbf16>
    %concatenate3A_1646 = tpu.concatenate %slice3A_1636, %slice3A_1637, %slice3A_1638, %slice3A_1639, %slice3A_1640, %slice3A_1641, %slice3A_1642, %slice3A_1643, %slice3A_1644, %slice3A_1645 in 0 : vector<256x16xbf16>, vector<256x16xbf16>, vector<256x16xbf16>, vector<256x16xbf16>, vector<256x16xbf16>, vector<256x16xbf16>, vector<256x16xbf16>, vector<256x16xbf16>, vector<256x16xbf16>, vector<256x16xbf16> -> vector<2560x16xbf16>
    %slice3A_1647 = vector.extract_strided_slice %convert_element_type3A_1562 {offsets = [0, 48], sizes = [256, 16], strides = [1, 1]} : vector<256x128xbf16> to vector<256x16xbf16>
    %slice3A_1648 = vector.extract_strided_slice %convert_element_type3A_1565 {offsets = [0, 48], sizes = [256, 16], strides = [1, 1]} : vector<256x128xbf16> to vector<256x16xbf16>
    %slice3A_1649 = vector.extract_strided_slice %convert_element_type3A_1568 {offsets = [0, 48], sizes = [256, 16], strides = [1, 1]} : vector<256x128xbf16> to vector<256x16xbf16>
    %slice3A_1650 = vector.extract_strided_slice %convert_element_type3A_1571 {offsets = [0, 48], sizes = [256, 16], strides = [1, 1]} : vector<256x128xbf16> to vector<256x16xbf16>
    %slice3A_1651 = vector.extract_strided_slice %convert_element_type3A_1574 {offsets = [0, 48], sizes = [256, 16], strides = [1, 1]} : vector<256x128xbf16> to vector<256x16xbf16>
    %slice3A_1652 = vector.extract_strided_slice %convert_element_type3A_1577 {offsets = [0, 48], sizes = [256, 16], strides = [1, 1]} : vector<256x128xbf16> to vector<256x16xbf16>
    %slice3A_1653 = vector.extract_strided_slice %convert_element_type3A_1580 {offsets = [0, 48], sizes = [256, 16], strides = [1, 1]} : vector<256x128xbf16> to vector<256x16xbf16>
    %slice3A_1654 = vector.extract_strided_slice %convert_element_type3A_1583 {offsets = [0, 48], sizes = [256, 16], strides = [1, 1]} : vector<256x128xbf16> to vector<256x16xbf16>
    %slice3A_1655 = vector.extract_strided_slice %convert_element_type3A_1586 {offsets = [0, 48], sizes = [256, 16], strides = [1, 1]} : vector<256x128xbf16> to vector<256x16xbf16>
    %slice3A_1656 = vector.extract_strided_slice %convert_element_type3A_1589 {offsets = [0, 48], sizes = [256, 16], strides = [1, 1]} : vector<256x128xbf16> to vector<256x16xbf16>
    %concatenate3A_1657 = tpu.concatenate %slice3A_1647, %slice3A_1648, %slice3A_1649, %slice3A_1650, %slice3A_1651, %slice3A_1652, %slice3A_1653, %slice3A_1654, %slice3A_1655, %slice3A_1656 in 0 : vector<256x16xbf16>, vector<256x16xbf16>, vector<256x16xbf16>, vector<256x16xbf16>, vector<256x16xbf16>, vector<256x16xbf16>, vector<256x16xbf16>, vector<256x16xbf16>, vector<256x16xbf16>, vector<256x16xbf16> -> vector<2560x16xbf16>
    %dot_general3A_1658 = arith.constant dense<0.000000e+00> : vector<256x2560xf32>
    %dot_general3A_1659 = tpu.matmul %slice3A_1610, %concatenate3A_1624, %dot_general3A_1658 {dimension_numbers = #tpu.dot_dimension_numbers<[1], [1], [0], [0], [0, 0, 1, 0], [], []>, transpose_lhs_hint = false} : vector<256x16xbf16>, vector<2560x16xbf16>, vector<256x2560xf32> -> vector<256x2560xf32>
    %dot_general3A_1660 = arith.constant dense<0.000000e+00> : vector<256x2560xf32>
    %dot_general3A_1661 = tpu.matmul %slice3A_1611, %concatenate3A_1635, %dot_general3A_1660 {dimension_numbers = #tpu.dot_dimension_numbers<[1], [1], [0], [0], [0, 0, 1, 0], [], []>, transpose_lhs_hint = false} : vector<256x16xbf16>, vector<2560x16xbf16>, vector<256x2560xf32> -> vector<256x2560xf32>
    %dot_general3A_1662 = arith.constant dense<0.000000e+00> : vector<256x2560xf32>
    %dot_general3A_1663 = tpu.matmul %slice3A_1612, %concatenate3A_1646, %dot_general3A_1662 {dimension_numbers = #tpu.dot_dimension_numbers<[1], [1], [0], [0], [0, 0, 1, 0], [], []>, transpose_lhs_hint = false} : vector<256x16xbf16>, vector<2560x16xbf16>, vector<256x2560xf32> -> vector<256x2560xf32>
    %dot_general3A_1664 = arith.constant dense<0.000000e+00> : vector<256x2560xf32>
    %dot_general3A_1665 = tpu.matmul %slice3A_1613, %concatenate3A_1657, %dot_general3A_1664 {dimension_numbers = #tpu.dot_dimension_numbers<[1], [1], [0], [0], [0, 0, 1, 0], [], []>, transpose_lhs_hint = false} : vector<256x16xbf16>, vector<2560x16xbf16>, vector<256x2560xf32> -> vector<256x2560xf32>
    %convert_element_type3A_1666 = arith.truncf %dot_general3A_1659 : vector<256x2560xf32> to vector<256x2560xbf16>
    %exp23A_1667 = math.exp2 %convert_element_type3A_1666 : vector<256x2560xbf16>
    %convert_element_type3A_1668 = arith.truncf %dot_general3A_1661 : vector<256x2560xf32> to vector<256x2560xbf16>
    %exp23A_1669 = math.exp2 %convert_element_type3A_1668 : vector<256x2560xbf16>
    %convert_element_type3A_1670 = arith.truncf %dot_general3A_1663 : vector<256x2560xf32> to vector<256x2560xbf16>
    %exp23A_1671 = math.exp2 %convert_element_type3A_1670 : vector<256x2560xbf16>
    %convert_element_type3A_1672 = arith.truncf %dot_general3A_1665 : vector<256x2560xf32> to vector<256x2560xbf16>
    %exp23A_1673 = math.exp2 %convert_element_type3A_1672 : vector<256x2560xbf16>
    %slice3A_1674 = vector.extract_strided_slice %exp23A_1667 {offsets = [0, 0], sizes = [256, 256], strides = [1, 1]} : vector<256x2560xbf16> to vector<256x256xbf16>
    %dot_general3A_1675 = arith.constant dense<0.000000e+00> : vector<256x65xf32>
    %dot_general3A_1676 = tpu.matmul %slice3A_1674, %concatenate3A_1591, %dot_general3A_1675 {dimension_numbers = #tpu.dot_dimension_numbers<[1], [0], [0], [1], [0, 0, 1, 1], [], []>, transpose_lhs_hint = false} : vector<256x256xbf16>, vector<256x65xbf16>, vector<256x65xf32> -> vector<256x65xf32>
    %slice3A_1677 = vector.extract_strided_slice %exp23A_1669 {offsets = [0, 0], sizes = [256, 256], strides = [1, 1]} : vector<256x2560xbf16> to vector<256x256xbf16>
    %dot_general3A_1678 = arith.constant dense<0.000000e+00> : vector<256x65xf32>
    %dot_general3A_1679 = tpu.matmul %slice3A_1677, %concatenate3A_1591, %dot_general3A_1678 {dimension_numbers = #tpu.dot_dimension_numbers<[1], [0], [0], [1], [0, 0, 1, 1], [], []>, transpose_lhs_hint = false} : vector<256x256xbf16>, vector<256x65xbf16>, vector<256x65xf32> -> vector<256x65xf32>
    %slice3A_1680 = vector.extract_strided_slice %exp23A_1671 {offsets = [0, 0], sizes = [256, 256], strides = [1, 1]} : vector<256x2560xbf16> to vector<256x256xbf16>
    %dot_general3A_1681 = arith.constant dense<0.000000e+00> : vector<256x65xf32>
    %dot_general3A_1682 = tpu.matmul %slice3A_1680, %concatenate3A_1591, %dot_general3A_1681 {dimension_numbers = #tpu.dot_dimension_numbers<[1], [0], [0], [1], [0, 0, 1, 1], [], []>, transpose_lhs_hint = false} : vector<256x256xbf16>, vector<256x65xbf16>, vector<256x65xf32> -> vector<256x65xf32>
    %slice3A_1683 = vector.extract_strided_slice %exp23A_1673 {offsets = [0, 0], sizes = [256, 256], strides = [1, 1]} : vector<256x2560xbf16> to vector<256x256xbf16>
    %dot_general3A_1684 = arith.constant dense<0.000000e+00> : vector<256x65xf32>
    %dot_general3A_1685 = tpu.matmul %slice3A_1683, %concatenate3A_1591, %dot_general3A_1684 {dimension_numbers = #tpu.dot_dimension_numbers<[1], [0], [0], [1], [0, 0, 1, 1], [], []>, transpose_lhs_hint = false} : vector<256x256xbf16>, vector<256x65xbf16>, vector<256x65xf32> -> vector<256x65xf32>
    %slice3A_1686 = vector.extract_strided_slice %exp23A_1667 {offsets = [0, 256], sizes = [256, 256], strides = [1, 1]} : vector<256x2560xbf16> to vector<256x256xbf16>
    %dot_general3A_1687 = arith.constant dense<0.000000e+00> : vector<256x65xf32>
    %dot_general3A_1688 = tpu.matmul %slice3A_1686, %concatenate3A_1593, %dot_general3A_1687 {dimension_numbers = #tpu.dot_dimension_numbers<[1], [0], [0], [1], [0, 0, 1, 1], [], []>, transpose_lhs_hint = false} : vector<256x256xbf16>, vector<256x65xbf16>, vector<256x65xf32> -> vector<256x65xf32>
    %slice3A_1689 = vector.extract_strided_slice %exp23A_1669 {offsets = [0, 256], sizes = [256, 256], strides = [1, 1]} : vector<256x2560xbf16> to vector<256x256xbf16>
    %dot_general3A_1690 = arith.constant dense<0.000000e+00> : vector<256x65xf32>
    %dot_general3A_1691 = tpu.matmul %slice3A_1689, %concatenate3A_1593, %dot_general3A_1690 {dimension_numbers = #tpu.dot_dimension_numbers<[1], [0], [0], [1], [0, 0, 1, 1], [], []>, transpose_lhs_hint = false} : vector<256x256xbf16>, vector<256x65xbf16>, vector<256x65xf32> -> vector<256x65xf32>
    %slice3A_1692 = vector.extract_strided_slice %exp23A_1671 {offsets = [0, 256], sizes = [256, 256], strides = [1, 1]} : vector<256x2560xbf16> to vector<256x256xbf16>
    %dot_general3A_1693 = arith.constant dense<0.000000e+00> : vector<256x65xf32>
    %dot_general3A_1694 = tpu.matmul %slice3A_1692, %concatenate3A_1593, %dot_general3A_1693 {dimension_numbers = #tpu.dot_dimension_numbers<[1], [0], [0], [1], [0, 0, 1, 1], [], []>, transpose_lhs_hint = false} : vector<256x256xbf16>, vector<256x65xbf16>, vector<256x65xf32> -> vector<256x65xf32>
    %slice3A_1695 = vector.extract_strided_slice %exp23A_1673 {offsets = [0, 256], sizes = [256, 256], strides = [1, 1]} : vector<256x2560xbf16> to vector<256x256xbf16>
    %dot_general3A_1696 = arith.constant dense<0.000000e+00> : vector<256x65xf32>
    %dot_general3A_1697 = tpu.matmul %slice3A_1695, %concatenate3A_1593, %dot_general3A_1696 {dimension_numbers = #tpu.dot_dimension_numbers<[1], [0], [0], [1], [0, 0, 1, 1], [], []>, transpose_lhs_hint = false} : vector<256x256xbf16>, vector<256x65xbf16>, vector<256x65xf32> -> vector<256x65xf32>
    %slice3A_1698 = vector.extract_strided_slice %exp23A_1667 {offsets = [0, 512], sizes = [256, 256], strides = [1, 1]} : vector<256x2560xbf16> to vector<256x256xbf16>
    %dot_general3A_1699 = arith.constant dense<0.000000e+00> : vector<256x65xf32>
    %dot_general3A_1700 = tpu.matmul %slice3A_1698, %concatenate3A_1595, %dot_general3A_1699 {dimension_numbers = #tpu.dot_dimension_numbers<[1], [0], [0], [1], [0, 0, 1, 1], [], []>, transpose_lhs_hint = false} : vector<256x256xbf16>, vector<256x65xbf16>, vector<256x65xf32> -> vector<256x65xf32>
    %slice3A_1701 = vector.extract_strided_slice %exp23A_1669 {offsets = [0, 512], sizes = [256, 256], strides = [1, 1]} : vector<256x2560xbf16> to vector<256x256xbf16>
    %dot_general3A_1702 = arith.constant dense<0.000000e+00> : vector<256x65xf32>
    %dot_general3A_1703 = tpu.matmul %slice3A_1701, %concatenate3A_1595, %dot_general3A_1702 {dimension_numbers = #tpu.dot_dimension_numbers<[1], [0], [0], [1], [0, 0, 1, 1], [], []>, transpose_lhs_hint = false} : vector<256x256xbf16>, vector<256x65xbf16>, vector<256x65xf32> -> vector<256x65xf32>
    %slice3A_1704 = vector.extract_strided_slice %exp23A_1671 {offsets = [0, 512], sizes = [256, 256], strides = [1, 1]} : vector<256x2560xbf16> to vector<256x256xbf16>
    %dot_general3A_1705 = arith.constant dense<0.000000e+00> : vector<256x65xf32>
    %dot_general3A_1706 = tpu.matmul %slice3A_1704, %concatenate3A_1595, %dot_general3A_1705 {dimension_numbers = #tpu.dot_dimension_numbers<[1], [0], [0], [1], [0, 0, 1, 1], [], []>, transpose_lhs_hint = false} : vector<256x256xbf16>, vector<256x65xbf16>, vector<256x65xf32> -> vector<256x65xf32>
    %slice3A_1707 = vector.extract_strided_slice %exp23A_1673 {offsets = [0, 512], sizes = [256, 256], strides = [1, 1]} : vector<256x2560xbf16> to vector<256x256xbf16>
    %dot_general3A_1708 = arith.constant dense<0.000000e+00> : vector<256x65xf32>
    %dot_general3A_1709 = tpu.matmul %slice3A_1707, %concatenate3A_1595, %dot_general3A_1708 {dimension_numbers = #tpu.dot_dimension_numbers<[1], [0], [0], [1], [0, 0, 1, 1], [], []>, transpose_lhs_hint = false} : vector<256x256xbf16>, vector<256x65xbf16>, vector<256x65xf32> -> vector<256x65xf32>
    %slice3A_1710 = vector.extract_strided_slice %exp23A_1667 {offsets = [0, 768], sizes = [256, 256], strides = [1, 1]} : vector<256x2560xbf16> to vector<256x256xbf16>
    %dot_general3A_1711 = arith.constant dense<0.000000e+00> : vector<256x65xf32>
    %dot_general3A_1712 = tpu.matmul %slice3A_1710, %concatenate3A_1597, %dot_general3A_1711 {dimension_numbers = #tpu.dot_dimension_numbers<[1], [0], [0], [1], [0, 0, 1, 1], [], []>, transpose_lhs_hint = false} : vector<256x256xbf16>, vector<256x65xbf16>, vector<256x65xf32> -> vector<256x65xf32>
    %slice3A_1713 = vector.extract_strided_slice %exp23A_1669 {offsets = [0, 768], sizes = [256, 256], strides = [1, 1]} : vector<256x2560xbf16> to vector<256x256xbf16>
    %dot_general3A_1714 = arith.constant dense<0.000000e+00> : vector<256x65xf32>
    %dot_general3A_1715 = tpu.matmul %slice3A_1713, %concatenate3A_1597, %dot_general3A_1714 {dimension_numbers = #tpu.dot_dimension_numbers<[1], [0], [0], [1], [0, 0, 1, 1], [], []>, transpose_lhs_hint = false} : vector<256x256xbf16>, vector<256x65xbf16>, vector<256x65xf32> -> vector<256x65xf32>
    %slice3A_1716 = vector.extract_strided_slice %exp23A_1671 {offsets = [0, 768], sizes = [256, 256], strides = [1, 1]} : vector<256x2560xbf16> to vector<256x256xbf16>
    %dot_general3A_1717 = arith.constant dense<0.000000e+00> : vector<256x65xf32>
    %dot_general3A_1718 = tpu.matmul %slice3A_1716, %concatenate3A_1597, %dot_general3A_1717 {dimension_numbers = #tpu.dot_dimension_numbers<[1], [0], [0], [1], [0, 0, 1, 1], [], []>, transpose_lhs_hint = false} : vector<256x256xbf16>, vector<256x65xbf16>, vector<256x65xf32> -> vector<256x65xf32>
    %slice3A_1719 = vector.extract_strided_slice %exp23A_1673 {offsets = [0, 768], sizes = [256, 256], strides = [1, 1]} : vector<256x2560xbf16> to vector<256x256xbf16>
    %dot_general3A_1720 = arith.constant dense<0.000000e+00> : vector<256x65xf32>
    %dot_general3A_1721 = tpu.matmul %slice3A_1719, %concatenate3A_1597, %dot_general3A_1720 {dimension_numbers = #tpu.dot_dimension_numbers<[1], [0], [0], [1], [0, 0, 1, 1], [], []>, transpose_lhs_hint = false} : vector<256x256xbf16>, vector<256x65xbf16>, vector<256x65xf32> -> vector<256x65xf32>
    %slice3A_1722 = vector.extract_strided_slice %exp23A_1667 {offsets = [0, 1024], sizes = [256, 256], strides = [1, 1]} : vector<256x2560xbf16> to vector<256x256xbf16>
    %dot_general3A_1723 = arith.constant dense<0.000000e+00> : vector<256x65xf32>
    %dot_general3A_1724 = tpu.matmul %slice3A_1722, %concatenate3A_1599, %dot_general3A_1723 {dimension_numbers = #tpu.dot_dimension_numbers<[1], [0], [0], [1], [0, 0, 1, 1], [], []>, transpose_lhs_hint = false} : vector<256x256xbf16>, vector<256x65xbf16>, vector<256x65xf32> -> vector<256x65xf32>
    %slice3A_1725 = vector.extract_strided_slice %exp23A_1669 {offsets = [0, 1024], sizes = [256, 256], strides = [1, 1]} : vector<256x2560xbf16> to vector<256x256xbf16>
    %dot_general3A_1726 = arith.constant dense<0.000000e+00> : vector<256x65xf32>
    %dot_general3A_1727 = tpu.matmul %slice3A_1725, %concatenate3A_1599, %dot_general3A_1726 {dimension_numbers = #tpu.dot_dimension_numbers<[1], [0], [0], [1], [0, 0, 1, 1], [], []>, transpose_lhs_hint = false} : vector<256x256xbf16>, vector<256x65xbf16>, vector<256x65xf32> -> vector<256x65xf32>
    %slice3A_1728 = vector.extract_strided_slice %exp23A_1671 {offsets = [0, 1024], sizes = [256, 256], strides = [1, 1]} : vector<256x2560xbf16> to vector<256x256xbf16>
    %dot_general3A_1729 = arith.constant dense<0.000000e+00> : vector<256x65xf32>
    %dot_general3A_1730 = tpu.matmul %slice3A_1728, %concatenate3A_1599, %dot_general3A_1729 {dimension_numbers = #tpu.dot_dimension_numbers<[1], [0], [0], [1], [0, 0, 1, 1], [], []>, transpose_lhs_hint = false} : vector<256x256xbf16>, vector<256x65xbf16>, vector<256x65xf32> -> vector<256x65xf32>
    %slice3A_1731 = vector.extract_strided_slice %exp23A_1673 {offsets = [0, 1024], sizes = [256, 256], strides = [1, 1]} : vector<256x2560xbf16> to vector<256x256xbf16>
    %dot_general3A_1732 = arith.constant dense<0.000000e+00> : vector<256x65xf32>
    %dot_general3A_1733 = tpu.matmul %slice3A_1731, %concatenate3A_1599, %dot_general3A_1732 {dimension_numbers = #tpu.dot_dimension_numbers<[1], [0], [0], [1], [0, 0, 1, 1], [], []>, transpose_lhs_hint = false} : vector<256x256xbf16>, vector<256x65xbf16>, vector<256x65xf32> -> vector<256x65xf32>
    %slice3A_1734 = vector.extract_strided_slice %exp23A_1667 {offsets = [0, 1280], sizes = [256, 256], strides = [1, 1]} : vector<256x2560xbf16> to vector<256x256xbf16>
    %dot_general3A_1735 = arith.constant dense<0.000000e+00> : vector<256x65xf32>
    %dot_general3A_1736 = tpu.matmul %slice3A_1734, %concatenate3A_1601, %dot_general3A_1735 {dimension_numbers = #tpu.dot_dimension_numbers<[1], [0], [0], [1], [0, 0, 1, 1], [], []>, transpose_lhs_hint = false} : vector<256x256xbf16>, vector<256x65xbf16>, vector<256x65xf32> -> vector<256x65xf32>
    %slice3A_1737 = vector.extract_strided_slice %exp23A_1669 {offsets = [0, 1280], sizes = [256, 256], strides = [1, 1]} : vector<256x2560xbf16> to vector<256x256xbf16>
    %dot_general3A_1738 = arith.constant dense<0.000000e+00> : vector<256x65xf32>
    %dot_general3A_1739 = tpu.matmul %slice3A_1737, %concatenate3A_1601, %dot_general3A_1738 {dimension_numbers = #tpu.dot_dimension_numbers<[1], [0], [0], [1], [0, 0, 1, 1], [], []>, transpose_lhs_hint = false} : vector<256x256xbf16>, vector<256x65xbf16>, vector<256x65xf32> -> vector<256x65xf32>
    %slice3A_1740 = vector.extract_strided_slice %exp23A_1671 {offsets = [0, 1280], sizes = [256, 256], strides = [1, 1]} : vector<256x2560xbf16> to vector<256x256xbf16>
    %dot_general3A_1741 = arith.constant dense<0.000000e+00> : vector<256x65xf32>
    %dot_general3A_1742 = tpu.matmul %slice3A_1740, %concatenate3A_1601, %dot_general3A_1741 {dimension_numbers = #tpu.dot_dimension_numbers<[1], [0], [0], [1], [0, 0, 1, 1], [], []>, transpose_lhs_hint = false} : vector<256x256xbf16>, vector<256x65xbf16>, vector<256x65xf32> -> vector<256x65xf32>
    %slice3A_1743 = vector.extract_strided_slice %exp23A_1673 {offsets = [0, 1280], sizes = [256, 256], strides = [1, 1]} : vector<256x2560xbf16> to vector<256x256xbf16>
    %dot_general3A_1744 = arith.constant dense<0.000000e+00> : vector<256x65xf32>
    %dot_general3A_1745 = tpu.matmul %slice3A_1743, %concatenate3A_1601, %dot_general3A_1744 {dimension_numbers = #tpu.dot_dimension_numbers<[1], [0], [0], [1], [0, 0, 1, 1], [], []>, transpose_lhs_hint = false} : vector<256x256xbf16>, vector<256x65xbf16>, vector<256x65xf32> -> vector<256x65xf32>
    %slice3A_1746 = vector.extract_strided_slice %exp23A_1667 {offsets = [0, 1536], sizes = [256, 256], strides = [1, 1]} : vector<256x2560xbf16> to vector<256x256xbf16>
    %dot_general3A_1747 = arith.constant dense<0.000000e+00> : vector<256x65xf32>
    %dot_general3A_1748 = tpu.matmul %slice3A_1746, %concatenate3A_1603, %dot_general3A_1747 {dimension_numbers = #tpu.dot_dimension_numbers<[1], [0], [0], [1], [0, 0, 1, 1], [], []>, transpose_lhs_hint = false} : vector<256x256xbf16>, vector<256x65xbf16>, vector<256x65xf32> -> vector<256x65xf32>
    %slice3A_1749 = vector.extract_strided_slice %exp23A_1669 {offsets = [0, 1536], sizes = [256, 256], strides = [1, 1]} : vector<256x2560xbf16> to vector<256x256xbf16>
    %dot_general3A_1750 = arith.constant dense<0.000000e+00> : vector<256x65xf32>
    %dot_general3A_1751 = tpu.matmul %slice3A_1749, %concatenate3A_1603, %dot_general3A_1750 {dimension_numbers = #tpu.dot_dimension_numbers<[1], [0], [0], [1], [0, 0, 1, 1], [], []>, transpose_lhs_hint = false} : vector<256x256xbf16>, vector<256x65xbf16>, vector<256x65xf32> -> vector<256x65xf32>
    %slice3A_1752 = vector.extract_strided_slice %exp23A_1671 {offsets = [0, 1536], sizes = [256, 256], strides = [1, 1]} : vector<256x2560xbf16> to vector<256x256xbf16>
    %dot_general3A_1753 = arith.constant dense<0.000000e+00> : vector<256x65xf32>
    %dot_general3A_1754 = tpu.matmul %slice3A_1752, %concatenate3A_1603, %dot_general3A_1753 {dimension_numbers = #tpu.dot_dimension_numbers<[1], [0], [0], [1], [0, 0, 1, 1], [], []>, transpose_lhs_hint = false} : vector<256x256xbf16>, vector<256x65xbf16>, vector<256x65xf32> -> vector<256x65xf32>
    %slice3A_1755 = vector.extract_strided_slice %exp23A_1673 {offsets = [0, 1536], sizes = [256, 256], strides = [1, 1]} : vector<256x2560xbf16> to vector<256x256xbf16>
    %dot_general3A_1756 = arith.constant dense<0.000000e+00> : vector<256x65xf32>
    %dot_general3A_1757 = tpu.matmul %slice3A_1755, %concatenate3A_1603, %dot_general3A_1756 {dimension_numbers = #tpu.dot_dimension_numbers<[1], [0], [0], [1], [0, 0, 1, 1], [], []>, transpose_lhs_hint = false} : vector<256x256xbf16>, vector<256x65xbf16>, vector<256x65xf32> -> vector<256x65xf32>
    %slice3A_1758 = vector.extract_strided_slice %exp23A_1667 {offsets = [0, 1792], sizes = [256, 256], strides = [1, 1]} : vector<256x2560xbf16> to vector<256x256xbf16>
    %dot_general3A_1759 = arith.constant dense<0.000000e+00> : vector<256x65xf32>
    %dot_general3A_1760 = tpu.matmul %slice3A_1758, %concatenate3A_1605, %dot_general3A_1759 {dimension_numbers = #tpu.dot_dimension_numbers<[1], [0], [0], [1], [0, 0, 1, 1], [], []>, transpose_lhs_hint = false} : vector<256x256xbf16>, vector<256x65xbf16>, vector<256x65xf32> -> vector<256x65xf32>
    %slice3A_1761 = vector.extract_strided_slice %exp23A_1669 {offsets = [0, 1792], sizes = [256, 256], strides = [1, 1]} : vector<256x2560xbf16> to vector<256x256xbf16>
    %dot_general3A_1762 = arith.constant dense<0.000000e+00> : vector<256x65xf32>
    %dot_general3A_1763 = tpu.matmul %slice3A_1761, %concatenate3A_1605, %dot_general3A_1762 {dimension_numbers = #tpu.dot_dimension_numbers<[1], [0], [0], [1], [0, 0, 1, 1], [], []>, transpose_lhs_hint = false} : vector<256x256xbf16>, vector<256x65xbf16>, vector<256x65xf32> -> vector<256x65xf32>
    %slice3A_1764 = vector.extract_strided_slice %exp23A_1671 {offsets = [0, 1792], sizes = [256, 256], strides = [1, 1]} : vector<256x2560xbf16> to vector<256x256xbf16>
    %dot_general3A_1765 = arith.constant dense<0.000000e+00> : vector<256x65xf32>
    %dot_general3A_1766 = tpu.matmul %slice3A_1764, %concatenate3A_1605, %dot_general3A_1765 {dimension_numbers = #tpu.dot_dimension_numbers<[1], [0], [0], [1], [0, 0, 1, 1], [], []>, transpose_lhs_hint = false} : vector<256x256xbf16>, vector<256x65xbf16>, vector<256x65xf32> -> vector<256x65xf32>
    %slice3A_1767 = vector.extract_strided_slice %exp23A_1673 {offsets = [0, 1792], sizes = [256, 256], strides = [1, 1]} : vector<256x2560xbf16> to vector<256x256xbf16>
    %dot_general3A_1768 = arith.constant dense<0.000000e+00> : vector<256x65xf32>
    %dot_general3A_1769 = tpu.matmul %slice3A_1767, %concatenate3A_1605, %dot_general3A_1768 {dimension_numbers = #tpu.dot_dimension_numbers<[1], [0], [0], [1], [0, 0, 1, 1], [], []>, transpose_lhs_hint = false} : vector<256x256xbf16>, vector<256x65xbf16>, vector<256x65xf32> -> vector<256x65xf32>
    %slice3A_1770 = vector.extract_strided_slice %exp23A_1667 {offsets = [0, 2048], sizes = [256, 256], strides = [1, 1]} : vector<256x2560xbf16> to vector<256x256xbf16>
    %dot_general3A_1771 = arith.constant dense<0.000000e+00> : vector<256x65xf32>
    %dot_general3A_1772 = tpu.matmul %slice3A_1770, %concatenate3A_1607, %dot_general3A_1771 {dimension_numbers = #tpu.dot_dimension_numbers<[1], [0], [0], [1], [0, 0, 1, 1], [], []>, transpose_lhs_hint = false} : vector<256x256xbf16>, vector<256x65xbf16>, vector<256x65xf32> -> vector<256x65xf32>
    %slice3A_1773 = vector.extract_strided_slice %exp23A_1669 {offsets = [0, 2048], sizes = [256, 256], strides = [1, 1]} : vector<256x2560xbf16> to vector<256x256xbf16>
    %dot_general3A_1774 = arith.constant dense<0.000000e+00> : vector<256x65xf32>
    %dot_general3A_1775 = tpu.matmul %slice3A_1773, %concatenate3A_1607, %dot_general3A_1774 {dimension_numbers = #tpu.dot_dimension_numbers<[1], [0], [0], [1], [0, 0, 1, 1], [], []>, transpose_lhs_hint = false} : vector<256x256xbf16>, vector<256x65xbf16>, vector<256x65xf32> -> vector<256x65xf32>
    %slice3A_1776 = vector.extract_strided_slice %exp23A_1671 {offsets = [0, 2048], sizes = [256, 256], strides = [1, 1]} : vector<256x2560xbf16> to vector<256x256xbf16>
    %dot_general3A_1777 = arith.constant dense<0.000000e+00> : vector<256x65xf32>
    %dot_general3A_1778 = tpu.matmul %slice3A_1776, %concatenate3A_1607, %dot_general3A_1777 {dimension_numbers = #tpu.dot_dimension_numbers<[1], [0], [0], [1], [0, 0, 1, 1], [], []>, transpose_lhs_hint = false} : vector<256x256xbf16>, vector<256x65xbf16>, vector<256x65xf32> -> vector<256x65xf32>
    %slice3A_1779 = vector.extract_strided_slice %exp23A_1673 {offsets = [0, 2048], sizes = [256, 256], strides = [1, 1]} : vector<256x2560xbf16> to vector<256x256xbf16>
    %dot_general3A_1780 = arith.constant dense<0.000000e+00> : vector<256x65xf32>
    %dot_general3A_1781 = tpu.matmul %slice3A_1779, %concatenate3A_1607, %dot_general3A_1780 {dimension_numbers = #tpu.dot_dimension_numbers<[1], [0], [0], [1], [0, 0, 1, 1], [], []>, transpose_lhs_hint = false} : vector<256x256xbf16>, vector<256x65xbf16>, vector<256x65xf32> -> vector<256x65xf32>
    %slice3A_1782 = vector.extract_strided_slice %exp23A_1667 {offsets = [0, 2304], sizes = [256, 256], strides = [1, 1]} : vector<256x2560xbf16> to vector<256x256xbf16>
    %dot_general3A_1783 = arith.constant dense<0.000000e+00> : vector<256x65xf32>
    %dot_general3A_1784 = tpu.matmul %slice3A_1782, %concatenate3A_1609, %dot_general3A_1783 {dimension_numbers = #tpu.dot_dimension_numbers<[1], [0], [0], [1], [0, 0, 1, 1], [], []>, transpose_lhs_hint = false} : vector<256x256xbf16>, vector<256x65xbf16>, vector<256x65xf32> -> vector<256x65xf32>
    %slice3A_1785 = vector.extract_strided_slice %exp23A_1669 {offsets = [0, 2304], sizes = [256, 256], strides = [1, 1]} : vector<256x2560xbf16> to vector<256x256xbf16>
    %dot_general3A_1786 = arith.constant dense<0.000000e+00> : vector<256x65xf32>
    %dot_general3A_1787 = tpu.matmul %slice3A_1785, %concatenate3A_1609, %dot_general3A_1786 {dimension_numbers = #tpu.dot_dimension_numbers<[1], [0], [0], [1], [0, 0, 1, 1], [], []>, transpose_lhs_hint = false} : vector<256x256xbf16>, vector<256x65xbf16>, vector<256x65xf32> -> vector<256x65xf32>
    %slice3A_1788 = vector.extract_strided_slice %exp23A_1671 {offsets = [0, 2304], sizes = [256, 256], strides = [1, 1]} : vector<256x2560xbf16> to vector<256x256xbf16>
    %dot_general3A_1789 = arith.constant dense<0.000000e+00> : vector<256x65xf32>
    %dot_general3A_1790 = tpu.matmul %slice3A_1788, %concatenate3A_1609, %dot_general3A_1789 {dimension_numbers = #tpu.dot_dimension_numbers<[1], [0], [0], [1], [0, 0, 1, 1], [], []>, transpose_lhs_hint = false} : vector<256x256xbf16>, vector<256x65xbf16>, vector<256x65xf32> -> vector<256x65xf32>
    %slice3A_1791 = vector.extract_strided_slice %exp23A_1673 {offsets = [0, 2304], sizes = [256, 256], strides = [1, 1]} : vector<256x2560xbf16> to vector<256x256xbf16>
    %dot_general3A_1792 = arith.constant dense<0.000000e+00> : vector<256x65xf32>
    %dot_general3A_1793 = tpu.matmul %slice3A_1791, %concatenate3A_1609, %dot_general3A_1792 {dimension_numbers = #tpu.dot_dimension_numbers<[1], [0], [0], [1], [0, 0, 1, 1], [], []>, transpose_lhs_hint = false} : vector<256x256xbf16>, vector<256x65xbf16>, vector<256x65xf32> -> vector<256x65xf32>
    %slice3A_1794 = vector.extract_strided_slice %dot_general3A_1676 {offsets = [0, 0], sizes = [256, 16], strides = [1, 1]} : vector<256x65xf32> to vector<256x16xf32>
    %slice3A_1795 = vector.extract_strided_slice %dot_general3A_1676 {offsets = [0, 64], sizes = [256, 1], strides = [1, 1]} : vector<256x65xf32> to vector<256x1xf32>
    %div3A_1796 = arith.constant 1.000000e+00 : f32
    %div3A_1797 = vector.broadcast %div3A_1796 : f32 to vector<256x1xf32>
    %div3A_1798 = arith.divf %div3A_1797, %slice3A_1795 : vector<256x1xf32>
    %mul3A_1799 = vector.broadcast %div3A_1798 : vector<256x1xf32> to vector<256x16xf32>
    %mul3A_1800 = arith.mulf %slice3A_1794, %mul3A_1799 : vector<256x16xf32>
    %slice3A_1801 = vector.extract_strided_slice %dot_general3A_1679 {offsets = [0, 16], sizes = [256, 16], strides = [1, 1]} : vector<256x65xf32> to vector<256x16xf32>
    %slice3A_1802 = vector.extract_strided_slice %dot_general3A_1679 {offsets = [0, 64], sizes = [256, 1], strides = [1, 1]} : vector<256x65xf32> to vector<256x1xf32>
    %div3A_1803 = arith.constant 1.000000e+00 : f32
    %div3A_1804 = vector.broadcast %div3A_1803 : f32 to vector<256x1xf32>
    %div3A_1805 = arith.divf %div3A_1804, %slice3A_1802 : vector<256x1xf32>
    %mul3A_1806 = vector.broadcast %div3A_1805 : vector<256x1xf32> to vector<256x16xf32>
    %mul3A_1807 = arith.mulf %slice3A_1801, %mul3A_1806 : vector<256x16xf32>
    %slice3A_1808 = vector.extract_strided_slice %dot_general3A_1682 {offsets = [0, 32], sizes = [256, 16], strides = [1, 1]} : vector<256x65xf32> to vector<256x16xf32>
    %slice3A_1809 = vector.extract_strided_slice %dot_general3A_1682 {offsets = [0, 64], sizes = [256, 1], strides = [1, 1]} : vector<256x65xf32> to vector<256x1xf32>
    %div3A_1810 = arith.constant 1.000000e+00 : f32
    %div3A_1811 = vector.broadcast %div3A_1810 : f32 to vector<256x1xf32>
    %div3A_1812 = arith.divf %div3A_1811, %slice3A_1809 : vector<256x1xf32>
    %mul3A_1813 = vector.broadcast %div3A_1812 : vector<256x1xf32> to vector<256x16xf32>
    %mul3A_1814 = arith.mulf %slice3A_1808, %mul3A_1813 : vector<256x16xf32>
    %slice3A_1815 = vector.extract_strided_slice %dot_general3A_1685 {offsets = [0, 48], sizes = [256, 16], strides = [1, 1]} : vector<256x65xf32> to vector<256x16xf32>
    %slice3A_1816 = vector.extract_strided_slice %dot_general3A_1685 {offsets = [0, 64], sizes = [256, 1], strides = [1, 1]} : vector<256x65xf32> to vector<256x1xf32>
    %div3A_1817 = arith.constant 1.000000e+00 : f32
    %div3A_1818 = vector.broadcast %div3A_1817 : f32 to vector<256x1xf32>
    %div3A_1819 = arith.divf %div3A_1818, %slice3A_1816 : vector<256x1xf32>
    %mul3A_1820 = vector.broadcast %div3A_1819 : vector<256x1xf32> to vector<256x16xf32>
    %mul3A_1821 = arith.mulf %slice3A_1815, %mul3A_1820 : vector<256x16xf32>
    %concatenate3A_1822 = tpu.concatenate %mul3A_1800, %mul3A_1807, %mul3A_1814, %mul3A_1821 in 1 : vector<256x16xf32>, vector<256x16xf32>, vector<256x16xf32>, vector<256x16xf32> -> vector<256x64xf32>
    %slice3A_1823 = vector.extract_strided_slice %dot_general3A_1688 {offsets = [0, 0], sizes = [256, 16], strides = [1, 1]} : vector<256x65xf32> to vector<256x16xf32>
    %slice3A_1824 = vector.extract_strided_slice %dot_general3A_1688 {offsets = [0, 64], sizes = [256, 1], strides = [1, 1]} : vector<256x65xf32> to vector<256x1xf32>
    %div3A_1825 = arith.constant 1.000000e+00 : f32
    %div3A_1826 = vector.broadcast %div3A_1825 : f32 to vector<256x1xf32>
    %div3A_1827 = arith.divf %div3A_1826, %slice3A_1824 : vector<256x1xf32>
    %mul3A_1828 = vector.broadcast %div3A_1827 : vector<256x1xf32> to vector<256x16xf32>
    %mul3A_1829 = arith.mulf %slice3A_1823, %mul3A_1828 : vector<256x16xf32>
    %slice3A_1830 = vector.extract_strided_slice %dot_general3A_1691 {offsets = [0, 16], sizes = [256, 16], strides = [1, 1]} : vector<256x65xf32> to vector<256x16xf32>
    %slice3A_1831 = vector.extract_strided_slice %dot_general3A_1691 {offsets = [0, 64], sizes = [256, 1], strides = [1, 1]} : vector<256x65xf32> to vector<256x1xf32>
    %div3A_1832 = arith.constant 1.000000e+00 : f32
    %div3A_1833 = vector.broadcast %div3A_1832 : f32 to vector<256x1xf32>
    %div3A_1834 = arith.divf %div3A_1833, %slice3A_1831 : vector<256x1xf32>
    %mul3A_1835 = vector.broadcast %div3A_1834 : vector<256x1xf32> to vector<256x16xf32>
    %mul3A_1836 = arith.mulf %slice3A_1830, %mul3A_1835 : vector<256x16xf32>
    %slice3A_1837 = vector.extract_strided_slice %dot_general3A_1694 {offsets = [0, 32], sizes = [256, 16], strides = [1, 1]} : vector<256x65xf32> to vector<256x16xf32>
    %slice3A_1838 = vector.extract_strided_slice %dot_general3A_1694 {offsets = [0, 64], sizes = [256, 1], strides = [1, 1]} : vector<256x65xf32> to vector<256x1xf32>
    %div3A_1839 = arith.constant 1.000000e+00 : f32
    %div3A_1840 = vector.broadcast %div3A_1839 : f32 to vector<256x1xf32>
    %div3A_1841 = arith.divf %div3A_1840, %slice3A_1838 : vector<256x1xf32>
    %mul3A_1842 = vector.broadcast %div3A_1841 : vector<256x1xf32> to vector<256x16xf32>
    %mul3A_1843 = arith.mulf %slice3A_1837, %mul3A_1842 : vector<256x16xf32>
    %slice3A_1844 = vector.extract_strided_slice %dot_general3A_1697 {offsets = [0, 48], sizes = [256, 16], strides = [1, 1]} : vector<256x65xf32> to vector<256x16xf32>
    %slice3A_1845 = vector.extract_strided_slice %dot_general3A_1697 {offsets = [0, 64], sizes = [256, 1], strides = [1, 1]} : vector<256x65xf32> to vector<256x1xf32>
    %div3A_1846 = arith.constant 1.000000e+00 : f32
    %div3A_1847 = vector.broadcast %div3A_1846 : f32 to vector<256x1xf32>
    %div3A_1848 = arith.divf %div3A_1847, %slice3A_1845 : vector<256x1xf32>
    %mul3A_1849 = vector.broadcast %div3A_1848 : vector<256x1xf32> to vector<256x16xf32>
    %mul3A_1850 = arith.mulf %slice3A_1844, %mul3A_1849 : vector<256x16xf32>
    %concatenate3A_1851 = tpu.concatenate %mul3A_1829, %mul3A_1836, %mul3A_1843, %mul3A_1850 in 1 : vector<256x16xf32>, vector<256x16xf32>, vector<256x16xf32>, vector<256x16xf32> -> vector<256x64xf32>
    %slice3A_1852 = vector.extract_strided_slice %dot_general3A_1700 {offsets = [0, 0], sizes = [256, 16], strides = [1, 1]} : vector<256x65xf32> to vector<256x16xf32>
    %slice3A_1853 = vector.extract_strided_slice %dot_general3A_1700 {offsets = [0, 64], sizes = [256, 1], strides = [1, 1]} : vector<256x65xf32> to vector<256x1xf32>
    %div3A_1854 = arith.constant 1.000000e+00 : f32
    %div3A_1855 = vector.broadcast %div3A_1854 : f32 to vector<256x1xf32>
    %div3A_1856 = arith.divf %div3A_1855, %slice3A_1853 : vector<256x1xf32>
    %mul3A_1857 = vector.broadcast %div3A_1856 : vector<256x1xf32> to vector<256x16xf32>
    %mul3A_1858 = arith.mulf %slice3A_1852, %mul3A_1857 : vector<256x16xf32>
    %slice3A_1859 = vector.extract_strided_slice %dot_general3A_1703 {offsets = [0, 16], sizes = [256, 16], strides = [1, 1]} : vector<256x65xf32> to vector<256x16xf32>
    %slice3A_1860 = vector.extract_strided_slice %dot_general3A_1703 {offsets = [0, 64], sizes = [256, 1], strides = [1, 1]} : vector<256x65xf32> to vector<256x1xf32>
    %div3A_1861 = arith.constant 1.000000e+00 : f32
    %div3A_1862 = vector.broadcast %div3A_1861 : f32 to vector<256x1xf32>
    %div3A_1863 = arith.divf %div3A_1862, %slice3A_1860 : vector<256x1xf32>
    %mul3A_1864 = vector.broadcast %div3A_1863 : vector<256x1xf32> to vector<256x16xf32>
    %mul3A_1865 = arith.mulf %slice3A_1859, %mul3A_1864 : vector<256x16xf32>
    %slice3A_1866 = vector.extract_strided_slice %dot_general3A_1706 {offsets = [0, 32], sizes = [256, 16], strides = [1, 1]} : vector<256x65xf32> to vector<256x16xf32>
    %slice3A_1867 = vector.extract_strided_slice %dot_general3A_1706 {offsets = [0, 64], sizes = [256, 1], strides = [1, 1]} : vector<256x65xf32> to vector<256x1xf32>
    %div3A_1868 = arith.constant 1.000000e+00 : f32
    %div3A_1869 = vector.broadcast %div3A_1868 : f32 to vector<256x1xf32>
    %div3A_1870 = arith.divf %div3A_1869, %slice3A_1867 : vector<256x1xf32>
    %mul3A_1871 = vector.broadcast %div3A_1870 : vector<256x1xf32> to vector<256x16xf32>
    %mul3A_1872 = arith.mulf %slice3A_1866, %mul3A_1871 : vector<256x16xf32>
    %slice3A_1873 = vector.extract_strided_slice %dot_general3A_1709 {offsets = [0, 48], sizes = [256, 16], strides = [1, 1]} : vector<256x65xf32> to vector<256x16xf32>
    %slice3A_1874 = vector.extract_strided_slice %dot_general3A_1709 {offsets = [0, 64], sizes = [256, 1], strides = [1, 1]} : vector<256x65xf32> to vector<256x1xf32>
    %div3A_1875 = arith.constant 1.000000e+00 : f32
    %div3A_1876 = vector.broadcast %div3A_1875 : f32 to vector<256x1xf32>
    %div3A_1877 = arith.divf %div3A_1876, %slice3A_1874 : vector<256x1xf32>
    %mul3A_1878 = vector.broadcast %div3A_1877 : vector<256x1xf32> to vector<256x16xf32>
    %mul3A_1879 = arith.mulf %slice3A_1873, %mul3A_1878 : vector<256x16xf32>
    %concatenate3A_1880 = tpu.concatenate %mul3A_1858, %mul3A_1865, %mul3A_1872, %mul3A_1879 in 1 : vector<256x16xf32>, vector<256x16xf32>, vector<256x16xf32>, vector<256x16xf32> -> vector<256x64xf32>
    %slice3A_1881 = vector.extract_strided_slice %dot_general3A_1712 {offsets = [0, 0], sizes = [256, 16], strides = [1, 1]} : vector<256x65xf32> to vector<256x16xf32>
    %slice3A_1882 = vector.extract_strided_slice %dot_general3A_1712 {offsets = [0, 64], sizes = [256, 1], strides = [1, 1]} : vector<256x65xf32> to vector<256x1xf32>
    %div3A_1883 = arith.constant 1.000000e+00 : f32
    %div3A_1884 = vector.broadcast %div3A_1883 : f32 to vector<256x1xf32>
    %div3A_1885 = arith.divf %div3A_1884, %slice3A_1882 : vector<256x1xf32>
    %mul3A_1886 = vector.broadcast %div3A_1885 : vector<256x1xf32> to vector<256x16xf32>
    %mul3A_1887 = arith.mulf %slice3A_1881, %mul3A_1886 : vector<256x16xf32>
    %slice3A_1888 = vector.extract_strided_slice %dot_general3A_1715 {offsets = [0, 16], sizes = [256, 16], strides = [1, 1]} : vector<256x65xf32> to vector<256x16xf32>
    %slice3A_1889 = vector.extract_strided_slice %dot_general3A_1715 {offsets = [0, 64], sizes = [256, 1], strides = [1, 1]} : vector<256x65xf32> to vector<256x1xf32>
    %div3A_1890 = arith.constant 1.000000e+00 : f32
    %div3A_1891 = vector.broadcast %div3A_1890 : f32 to vector<256x1xf32>
    %div3A_1892 = arith.divf %div3A_1891, %slice3A_1889 : vector<256x1xf32>
    %mul3A_1893 = vector.broadcast %div3A_1892 : vector<256x1xf32> to vector<256x16xf32>
    %mul3A_1894 = arith.mulf %slice3A_1888, %mul3A_1893 : vector<256x16xf32>
    %slice3A_1895 = vector.extract_strided_slice %dot_general3A_1718 {offsets = [0, 32], sizes = [256, 16], strides = [1, 1]} : vector<256x65xf32> to vector<256x16xf32>
    %slice3A_1896 = vector.extract_strided_slice %dot_general3A_1718 {offsets = [0, 64], sizes = [256, 1], strides = [1, 1]} : vector<256x65xf32> to vector<256x1xf32>
    %div3A_1897 = arith.constant 1.000000e+00 : f32
    %div3A_1898 = vector.broadcast %div3A_1897 : f32 to vector<256x1xf32>
    %div3A_1899 = arith.divf %div3A_1898, %slice3A_1896 : vector<256x1xf32>
    %mul3A_1900 = vector.broadcast %div3A_1899 : vector<256x1xf32> to vector<256x16xf32>
    %mul3A_1901 = arith.mulf %slice3A_1895, %mul3A_1900 : vector<256x16xf32>
    %slice3A_1902 = vector.extract_strided_slice %dot_general3A_1721 {offsets = [0, 48], sizes = [256, 16], strides = [1, 1]} : vector<256x65xf32> to vector<256x16xf32>
    %slice3A_1903 = vector.extract_strided_slice %dot_general3A_1721 {offsets = [0, 64], sizes = [256, 1], strides = [1, 1]} : vector<256x65xf32> to vector<256x1xf32>
    %div3A_1904 = arith.constant 1.000000e+00 : f32
    %div3A_1905 = vector.broadcast %div3A_1904 : f32 to vector<256x1xf32>
    %div3A_1906 = arith.divf %div3A_1905, %slice3A_1903 : vector<256x1xf32>
    %mul3A_1907 = vector.broadcast %div3A_1906 : vector<256x1xf32> to vector<256x16xf32>
    %mul3A_1908 = arith.mulf %slice3A_1902, %mul3A_1907 : vector<256x16xf32>
    %concatenate3A_1909 = tpu.concatenate %mul3A_1887, %mul3A_1894, %mul3A_1901, %mul3A_1908 in 1 : vector<256x16xf32>, vector<256x16xf32>, vector<256x16xf32>, vector<256x16xf32> -> vector<256x64xf32>
    %slice3A_1910 = vector.extract_strided_slice %dot_general3A_1724 {offsets = [0, 0], sizes = [256, 16], strides = [1, 1]} : vector<256x65xf32> to vector<256x16xf32>
    %slice3A_1911 = vector.extract_strided_slice %dot_general3A_1724 {offsets = [0, 64], sizes = [256, 1], strides = [1, 1]} : vector<256x65xf32> to vector<256x1xf32>
    %div3A_1912 = arith.constant 1.000000e+00 : f32
    %div3A_1913 = vector.broadcast %div3A_1912 : f32 to vector<256x1xf32>
    %div3A_1914 = arith.divf %div3A_1913, %slice3A_1911 : vector<256x1xf32>
    %mul3A_1915 = vector.broadcast %div3A_1914 : vector<256x1xf32> to vector<256x16xf32>
    %mul3A_1916 = arith.mulf %slice3A_1910, %mul3A_1915 : vector<256x16xf32>
    %slice3A_1917 = vector.extract_strided_slice %dot_general3A_1727 {offsets = [0, 16], sizes = [256, 16], strides = [1, 1]} : vector<256x65xf32> to vector<256x16xf32>
    %slice3A_1918 = vector.extract_strided_slice %dot_general3A_1727 {offsets = [0, 64], sizes = [256, 1], strides = [1, 1]} : vector<256x65xf32> to vector<256x1xf32>
    %div3A_1919 = arith.constant 1.000000e+00 : f32
    %div3A_1920 = vector.broadcast %div3A_1919 : f32 to vector<256x1xf32>
    %div3A_1921 = arith.divf %div3A_1920, %slice3A_1918 : vector<256x1xf32>
    %mul3A_1922 = vector.broadcast %div3A_1921 : vector<256x1xf32> to vector<256x16xf32>
    %mul3A_1923 = arith.mulf %slice3A_1917, %mul3A_1922 : vector<256x16xf32>
    %slice3A_1924 = vector.extract_strided_slice %dot_general3A_1730 {offsets = [0, 32], sizes = [256, 16], strides = [1, 1]} : vector<256x65xf32> to vector<256x16xf32>
    %slice3A_1925 = vector.extract_strided_slice %dot_general3A_1730 {offsets = [0, 64], sizes = [256, 1], strides = [1, 1]} : vector<256x65xf32> to vector<256x1xf32>
    %div3A_1926 = arith.constant 1.000000e+00 : f32
    %div3A_1927 = vector.broadcast %div3A_1926 : f32 to vector<256x1xf32>
    %div3A_1928 = arith.divf %div3A_1927, %slice3A_1925 : vector<256x1xf32>
    %mul3A_1929 = vector.broadcast %div3A_1928 : vector<256x1xf32> to vector<256x16xf32>
    %mul3A_1930 = arith.mulf %slice3A_1924, %mul3A_1929 : vector<256x16xf32>
    %slice3A_1931 = vector.extract_strided_slice %dot_general3A_1733 {offsets = [0, 48], sizes = [256, 16], strides = [1, 1]} : vector<256x65xf32> to vector<256x16xf32>
    %slice3A_1932 = vector.extract_strided_slice %dot_general3A_1733 {offsets = [0, 64], sizes = [256, 1], strides = [1, 1]} : vector<256x65xf32> to vector<256x1xf32>
    %div3A_1933 = arith.constant 1.000000e+00 : f32
    %div3A_1934 = vector.broadcast %div3A_1933 : f32 to vector<256x1xf32>
    %div3A_1935 = arith.divf %div3A_1934, %slice3A_1932 : vector<256x1xf32>
    %mul3A_1936 = vector.broadcast %div3A_1935 : vector<256x1xf32> to vector<256x16xf32>
    %mul3A_1937 = arith.mulf %slice3A_1931, %mul3A_1936 : vector<256x16xf32>
    %concatenate3A_1938 = tpu.concatenate %mul3A_1916, %mul3A_1923, %mul3A_1930, %mul3A_1937 in 1 : vector<256x16xf32>, vector<256x16xf32>, vector<256x16xf32>, vector<256x16xf32> -> vector<256x64xf32>
    %slice3A_1939 = vector.extract_strided_slice %dot_general3A_1736 {offsets = [0, 0], sizes = [256, 16], strides = [1, 1]} : vector<256x65xf32> to vector<256x16xf32>
    %slice3A_1940 = vector.extract_strided_slice %dot_general3A_1736 {offsets = [0, 64], sizes = [256, 1], strides = [1, 1]} : vector<256x65xf32> to vector<256x1xf32>
    %div3A_1941 = arith.constant 1.000000e+00 : f32
    %div3A_1942 = vector.broadcast %div3A_1941 : f32 to vector<256x1xf32>
    %div3A_1943 = arith.divf %div3A_1942, %slice3A_1940 : vector<256x1xf32>
    %mul3A_1944 = vector.broadcast %div3A_1943 : vector<256x1xf32> to vector<256x16xf32>
    %mul3A_1945 = arith.mulf %slice3A_1939, %mul3A_1944 : vector<256x16xf32>
    %slice3A_1946 = vector.extract_strided_slice %dot_general3A_1739 {offsets = [0, 16], sizes = [256, 16], strides = [1, 1]} : vector<256x65xf32> to vector<256x16xf32>
    %slice3A_1947 = vector.extract_strided_slice %dot_general3A_1739 {offsets = [0, 64], sizes = [256, 1], strides = [1, 1]} : vector<256x65xf32> to vector<256x1xf32>
    %div3A_1948 = arith.constant 1.000000e+00 : f32
    %div3A_1949 = vector.broadcast %div3A_1948 : f32 to vector<256x1xf32>
    %div3A_1950 = arith.divf %div3A_1949, %slice3A_1947 : vector<256x1xf32>
    %mul3A_1951 = vector.broadcast %div3A_1950 : vector<256x1xf32> to vector<256x16xf32>
    %mul3A_1952 = arith.mulf %slice3A_1946, %mul3A_1951 : vector<256x16xf32>
    %slice3A_1953 = vector.extract_strided_slice %dot_general3A_1742 {offsets = [0, 32], sizes = [256, 16], strides = [1, 1]} : vector<256x65xf32> to vector<256x16xf32>
    %slice3A_1954 = vector.extract_strided_slice %dot_general3A_1742 {offsets = [0, 64], sizes = [256, 1], strides = [1, 1]} : vector<256x65xf32> to vector<256x1xf32>
    %div3A_1955 = arith.constant 1.000000e+00 : f32
    %div3A_1956 = vector.broadcast %div3A_1955 : f32 to vector<256x1xf32>
    %div3A_1957 = arith.divf %div3A_1956, %slice3A_1954 : vector<256x1xf32>
    %mul3A_1958 = vector.broadcast %div3A_1957 : vector<256x1xf32> to vector<256x16xf32>
    %mul3A_1959 = arith.mulf %slice3A_1953, %mul3A_1958 : vector<256x16xf32>
    %slice3A_1960 = vector.extract_strided_slice %dot_general3A_1745 {offsets = [0, 48], sizes = [256, 16], strides = [1, 1]} : vector<256x65xf32> to vector<256x16xf32>
    %slice3A_1961 = vector.extract_strided_slice %dot_general3A_1745 {offsets = [0, 64], sizes = [256, 1], strides = [1, 1]} : vector<256x65xf32> to vector<256x1xf32>
    %div3A_1962 = arith.constant 1.000000e+00 : f32
    %div3A_1963 = vector.broadcast %div3A_1962 : f32 to vector<256x1xf32>
    %div3A_1964 = arith.divf %div3A_1963, %slice3A_1961 : vector<256x1xf32>
    %mul3A_1965 = vector.broadcast %div3A_1964 : vector<256x1xf32> to vector<256x16xf32>
    %mul3A_1966 = arith.mulf %slice3A_1960, %mul3A_1965 : vector<256x16xf32>
    %concatenate3A_1967 = tpu.concatenate %mul3A_1945, %mul3A_1952, %mul3A_1959, %mul3A_1966 in 1 : vector<256x16xf32>, vector<256x16xf32>, vector<256x16xf32>, vector<256x16xf32> -> vector<256x64xf32>
    %slice3A_1968 = vector.extract_strided_slice %dot_general3A_1748 {offsets = [0, 0], sizes = [256, 16], strides = [1, 1]} : vector<256x65xf32> to vector<256x16xf32>
    %slice3A_1969 = vector.extract_strided_slice %dot_general3A_1748 {offsets = [0, 64], sizes = [256, 1], strides = [1, 1]} : vector<256x65xf32> to vector<256x1xf32>
    %div3A_1970 = arith.constant 1.000000e+00 : f32
    %div3A_1971 = vector.broadcast %div3A_1970 : f32 to vector<256x1xf32>
    %div3A_1972 = arith.divf %div3A_1971, %slice3A_1969 : vector<256x1xf32>
    %mul3A_1973 = vector.broadcast %div3A_1972 : vector<256x1xf32> to vector<256x16xf32>
    %mul3A_1974 = arith.mulf %slice3A_1968, %mul3A_1973 : vector<256x16xf32>
    %slice3A_1975 = vector.extract_strided_slice %dot_general3A_1751 {offsets = [0, 16], sizes = [256, 16], strides = [1, 1]} : vector<256x65xf32> to vector<256x16xf32>
    %slice3A_1976 = vector.extract_strided_slice %dot_general3A_1751 {offsets = [0, 64], sizes = [256, 1], strides = [1, 1]} : vector<256x65xf32> to vector<256x1xf32>
    %div3A_1977 = arith.constant 1.000000e+00 : f32
    %div3A_1978 = vector.broadcast %div3A_1977 : f32 to vector<256x1xf32>
    %div3A_1979 = arith.divf %div3A_1978, %slice3A_1976 : vector<256x1xf32>
    %mul3A_1980 = vector.broadcast %div3A_1979 : vector<256x1xf32> to vector<256x16xf32>
    %mul3A_1981 = arith.mulf %slice3A_1975, %mul3A_1980 : vector<256x16xf32>
    %slice3A_1982 = vector.extract_strided_slice %dot_general3A_1754 {offsets = [0, 32], sizes = [256, 16], strides = [1, 1]} : vector<256x65xf32> to vector<256x16xf32>
    %slice3A_1983 = vector.extract_strided_slice %dot_general3A_1754 {offsets = [0, 64], sizes = [256, 1], strides = [1, 1]} : vector<256x65xf32> to vector<256x1xf32>
    %div3A_1984 = arith.constant 1.000000e+00 : f32
    %div3A_1985 = vector.broadcast %div3A_1984 : f32 to vector<256x1xf32>
    %div3A_1986 = arith.divf %div3A_1985, %slice3A_1983 : vector<256x1xf32>
    %mul3A_1987 = vector.broadcast %div3A_1986 : vector<256x1xf32> to vector<256x16xf32>
    %mul3A_1988 = arith.mulf %slice3A_1982, %mul3A_1987 : vector<256x16xf32>
    %slice3A_1989 = vector.extract_strided_slice %dot_general3A_1757 {offsets = [0, 48], sizes = [256, 16], strides = [1, 1]} : vector<256x65xf32> to vector<256x16xf32>
    %slice3A_1990 = vector.extract_strided_slice %dot_general3A_1757 {offsets = [0, 64], sizes = [256, 1], strides = [1, 1]} : vector<256x65xf32> to vector<256x1xf32>
    %div3A_1991 = arith.constant 1.000000e+00 : f32
    %div3A_1992 = vector.broadcast %div3A_1991 : f32 to vector<256x1xf32>
    %div3A_1993 = arith.divf %div3A_1992, %slice3A_1990 : vector<256x1xf32>
    %mul3A_1994 = vector.broadcast %div3A_1993 : vector<256x1xf32> to vector<256x16xf32>
    %mul3A_1995 = arith.mulf %slice3A_1989, %mul3A_1994 : vector<256x16xf32>
    %concatenate3A_1996 = tpu.concatenate %mul3A_1974, %mul3A_1981, %mul3A_1988, %mul3A_1995 in 1 : vector<256x16xf32>, vector<256x16xf32>, vector<256x16xf32>, vector<256x16xf32> -> vector<256x64xf32>
    %slice3A_1997 = vector.extract_strided_slice %dot_general3A_1760 {offsets = [0, 0], sizes = [256, 16], strides = [1, 1]} : vector<256x65xf32> to vector<256x16xf32>
    %slice3A_1998 = vector.extract_strided_slice %dot_general3A_1760 {offsets = [0, 64], sizes = [256, 1], strides = [1, 1]} : vector<256x65xf32> to vector<256x1xf32>
    %div3A_1999 = arith.constant 1.000000e+00 : f32
    %div3A_2000 = vector.broadcast %div3A_1999 : f32 to vector<256x1xf32>
    %div3A_2001 = arith.divf %div3A_2000, %slice3A_1998 : vector<256x1xf32>
    %mul3A_2002 = vector.broadcast %div3A_2001 : vector<256x1xf32> to vector<256x16xf32>
    %mul3A_2003 = arith.mulf %slice3A_1997, %mul3A_2002 : vector<256x16xf32>
    %slice3A_2004 = vector.extract_strided_slice %dot_general3A_1763 {offsets = [0, 16], sizes = [256, 16], strides = [1, 1]} : vector<256x65xf32> to vector<256x16xf32>
    %slice3A_2005 = vector.extract_strided_slice %dot_general3A_1763 {offsets = [0, 64], sizes = [256, 1], strides = [1, 1]} : vector<256x65xf32> to vector<256x1xf32>
    %div3A_2006 = arith.constant 1.000000e+00 : f32
    %div3A_2007 = vector.broadcast %div3A_2006 : f32 to vector<256x1xf32>
    %div3A_2008 = arith.divf %div3A_2007, %slice3A_2005 : vector<256x1xf32>
    %mul3A_2009 = vector.broadcast %div3A_2008 : vector<256x1xf32> to vector<256x16xf32>
    %mul3A_2010 = arith.mulf %slice3A_2004, %mul3A_2009 : vector<256x16xf32>
    %slice3A_2011 = vector.extract_strided_slice %dot_general3A_1766 {offsets = [0, 32], sizes = [256, 16], strides = [1, 1]} : vector<256x65xf32> to vector<256x16xf32>
    %slice3A_2012 = vector.extract_strided_slice %dot_general3A_1766 {offsets = [0, 64], sizes = [256, 1], strides = [1, 1]} : vector<256x65xf32> to vector<256x1xf32>
    %div3A_2013 = arith.constant 1.000000e+00 : f32
    %div3A_2014 = vector.broadcast %div3A_2013 : f32 to vector<256x1xf32>
    %div3A_2015 = arith.divf %div3A_2014, %slice3A_2012 : vector<256x1xf32>
    %mul3A_2016 = vector.broadcast %div3A_2015 : vector<256x1xf32> to vector<256x16xf32>
    %mul3A_2017 = arith.mulf %slice3A_2011, %mul3A_2016 : vector<256x16xf32>
    %slice3A_2018 = vector.extract_strided_slice %dot_general3A_1769 {offsets = [0, 48], sizes = [256, 16], strides = [1, 1]} : vector<256x65xf32> to vector<256x16xf32>
    %slice3A_2019 = vector.extract_strided_slice %dot_general3A_1769 {offsets = [0, 64], sizes = [256, 1], strides = [1, 1]} : vector<256x65xf32> to vector<256x1xf32>
    %div3A_2020 = arith.constant 1.000000e+00 : f32
    %div3A_2021 = vector.broadcast %div3A_2020 : f32 to vector<256x1xf32>
    %div3A_2022 = arith.divf %div3A_2021, %slice3A_2019 : vector<256x1xf32>
    %mul3A_2023 = vector.broadcast %div3A_2022 : vector<256x1xf32> to vector<256x16xf32>
    %mul3A_2024 = arith.mulf %slice3A_2018, %mul3A_2023 : vector<256x16xf32>
    %concatenate3A_2025 = tpu.concatenate %mul3A_2003, %mul3A_2010, %mul3A_2017, %mul3A_2024 in 1 : vector<256x16xf32>, vector<256x16xf32>, vector<256x16xf32>, vector<256x16xf32> -> vector<256x64xf32>
    %slice3A_2026 = vector.extract_strided_slice %dot_general3A_1772 {offsets = [0, 0], sizes = [256, 16], strides = [1, 1]} : vector<256x65xf32> to vector<256x16xf32>
    %slice3A_2027 = vector.extract_strided_slice %dot_general3A_1772 {offsets = [0, 64], sizes = [256, 1], strides = [1, 1]} : vector<256x65xf32> to vector<256x1xf32>
    %div3A_2028 = arith.constant 1.000000e+00 : f32
    %div3A_2029 = vector.broadcast %div3A_2028 : f32 to vector<256x1xf32>
    %div3A_2030 = arith.divf %div3A_2029, %slice3A_2027 : vector<256x1xf32>
    %mul3A_2031 = vector.broadcast %div3A_2030 : vector<256x1xf32> to vector<256x16xf32>
    %mul3A_2032 = arith.mulf %slice3A_2026, %mul3A_2031 : vector<256x16xf32>
    %slice3A_2033 = vector.extract_strided_slice %dot_general3A_1775 {offsets = [0, 16], sizes = [256, 16], strides = [1, 1]} : vector<256x65xf32> to vector<256x16xf32>
    %slice3A_2034 = vector.extract_strided_slice %dot_general3A_1775 {offsets = [0, 64], sizes = [256, 1], strides = [1, 1]} : vector<256x65xf32> to vector<256x1xf32>
    %div3A_2035 = arith.constant 1.000000e+00 : f32
    %div3A_2036 = vector.broadcast %div3A_2035 : f32 to vector<256x1xf32>
    %div3A_2037 = arith.divf %div3A_2036, %slice3A_2034 : vector<256x1xf32>
    %mul3A_2038 = vector.broadcast %div3A_2037 : vector<256x1xf32> to vector<256x16xf32>
    %mul3A_2039 = arith.mulf %slice3A_2033, %mul3A_2038 : vector<256x16xf32>
    %slice3A_2040 = vector.extract_strided_slice %dot_general3A_1778 {offsets = [0, 32], sizes = [256, 16], strides = [1, 1]} : vector<256x65xf32> to vector<256x16xf32>
    %slice3A_2041 = vector.extract_strided_slice %dot_general3A_1778 {offsets = [0, 64], sizes = [256, 1], strides = [1, 1]} : vector<256x65xf32> to vector<256x1xf32>
    %div3A_2042 = arith.constant 1.000000e+00 : f32
    %div3A_2043 = vector.broadcast %div3A_2042 : f32 to vector<256x1xf32>
    %div3A_2044 = arith.divf %div3A_2043, %slice3A_2041 : vector<256x1xf32>
    %mul3A_2045 = vector.broadcast %div3A_2044 : vector<256x1xf32> to vector<256x16xf32>
    %mul3A_2046 = arith.mulf %slice3A_2040, %mul3A_2045 : vector<256x16xf32>
    %slice3A_2047 = vector.extract_strided_slice %dot_general3A_1781 {offsets = [0, 48], sizes = [256, 16], strides = [1, 1]} : vector<256x65xf32> to vector<256x16xf32>
    %slice3A_2048 = vector.extract_strided_slice %dot_general3A_1781 {offsets = [0, 64], sizes = [256, 1], strides = [1, 1]} : vector<256x65xf32> to vector<256x1xf32>
    %div3A_2049 = arith.constant 1.000000e+00 : f32
    %div3A_2050 = vector.broadcast %div3A_2049 : f32 to vector<256x1xf32>
    %div3A_2051 = arith.divf %div3A_2050, %slice3A_2048 : vector<256x1xf32>
    %mul3A_2052 = vector.broadcast %div3A_2051 : vector<256x1xf32> to vector<256x16xf32>
    %mul3A_2053 = arith.mulf %slice3A_2047, %mul3A_2052 : vector<256x16xf32>
    %concatenate3A_2054 = tpu.concatenate %mul3A_2032, %mul3A_2039, %mul3A_2046, %mul3A_2053 in 1 : vector<256x16xf32>, vector<256x16xf32>, vector<256x16xf32>, vector<256x16xf32> -> vector<256x64xf32>
    %slice3A_2055 = vector.extract_strided_slice %dot_general3A_1784 {offsets = [0, 0], sizes = [256, 16], strides = [1, 1]} : vector<256x65xf32> to vector<256x16xf32>
    %slice3A_2056 = vector.extract_strided_slice %dot_general3A_1784 {offsets = [0, 64], sizes = [256, 1], strides = [1, 1]} : vector<256x65xf32> to vector<256x1xf32>
    %div3A_2057 = arith.constant 1.000000e+00 : f32
    %div3A_2058 = vector.broadcast %div3A_2057 : f32 to vector<256x1xf32>
    %div3A_2059 = arith.divf %div3A_2058, %slice3A_2056 : vector<256x1xf32>
    %mul3A_2060 = vector.broadcast %div3A_2059 : vector<256x1xf32> to vector<256x16xf32>
    %mul3A_2061 = arith.mulf %slice3A_2055, %mul3A_2060 : vector<256x16xf32>
    %slice3A_2062 = vector.extract_strided_slice %dot_general3A_1787 {offsets = [0, 16], sizes = [256, 16], strides = [1, 1]} : vector<256x65xf32> to vector<256x16xf32>
    %slice3A_2063 = vector.extract_strided_slice %dot_general3A_1787 {offsets = [0, 64], sizes = [256, 1], strides = [1, 1]} : vector<256x65xf32> to vector<256x1xf32>
    %div3A_2064 = arith.constant 1.000000e+00 : f32
    %div3A_2065 = vector.broadcast %div3A_2064 : f32 to vector<256x1xf32>
    %div3A_2066 = arith.divf %div3A_2065, %slice3A_2063 : vector<256x1xf32>
    %mul3A_2067 = vector.broadcast %div3A_2066 : vector<256x1xf32> to vector<256x16xf32>
    %mul3A_2068 = arith.mulf %slice3A_2062, %mul3A_2067 : vector<256x16xf32>
    %slice3A_2069 = vector.extract_strided_slice %dot_general3A_1790 {offsets = [0, 32], sizes = [256, 16], strides = [1, 1]} : vector<256x65xf32> to vector<256x16xf32>
    %slice3A_2070 = vector.extract_strided_slice %dot_general3A_1790 {offsets = [0, 64], sizes = [256, 1], strides = [1, 1]} : vector<256x65xf32> to vector<256x1xf32>
    %div3A_2071 = arith.constant 1.000000e+00 : f32
    %div3A_2072 = vector.broadcast %div3A_2071 : f32 to vector<256x1xf32>
    %div3A_2073 = arith.divf %div3A_2072, %slice3A_2070 : vector<256x1xf32>
    %mul3A_2074 = vector.broadcast %div3A_2073 : vector<256x1xf32> to vector<256x16xf32>
    %mul3A_2075 = arith.mulf %slice3A_2069, %mul3A_2074 : vector<256x16xf32>
    %slice3A_2076 = vector.extract_strided_slice %dot_general3A_1793 {offsets = [0, 48], sizes = [256, 16], strides = [1, 1]} : vector<256x65xf32> to vector<256x16xf32>
    %slice3A_2077 = vector.extract_strided_slice %dot_general3A_1793 {offsets = [0, 64], sizes = [256, 1], strides = [1, 1]} : vector<256x65xf32> to vector<256x1xf32>
    %div3A_2078 = arith.constant 1.000000e+00 : f32
    %div3A_2079 = vector.broadcast %div3A_2078 : f32 to vector<256x1xf32>
    %div3A_2080 = arith.divf %div3A_2079, %slice3A_2077 : vector<256x1xf32>
    %mul3A_2081 = vector.broadcast %div3A_2080 : vector<256x1xf32> to vector<256x16xf32>
    %mul3A_2082 = arith.mulf %slice3A_2076, %mul3A_2081 : vector<256x16xf32>
    %concatenate3A_2083 = tpu.concatenate %mul3A_2061, %mul3A_2068, %mul3A_2075, %mul3A_2082 in 1 : vector<256x16xf32>, vector<256x16xf32>, vector<256x16xf32>, vector<256x16xf32> -> vector<256x64xf32>
    %convert_element_type3A_2084 = arith.truncf %concatenate3A_1822 : vector<256x64xf32> to vector<256x64xbf16>
    %dot_general3A_2085 = arith.constant dense<0.000000e+00> : vector<256x64xf32>
    %dot_general3A_2086 = tpu.matmul %convert_element_type3A_2084, %get3A_16, %dot_general3A_2085 {dimension_numbers = #tpu.dot_dimension_numbers<[1], [0], [0], [1], [0, 0, 1, 1], [], []>, transpose_lhs_hint = false} : vector<256x64xbf16>, vector<64x64xbf16>, vector<256x64xf32> -> vector<256x64xf32>
    %add3A_2087 = arith.addf %get3A_4, %dot_general3A_2086 : vector<256x64xf32>
    %convert_element_type3A_2088 = arith.truncf %concatenate3A_1851 : vector<256x64xf32> to vector<256x64xbf16>
    %dot_general3A_2089 = arith.constant dense<0.000000e+00> : vector<256x64xf32>
    %dot_general3A_2090 = tpu.matmul %convert_element_type3A_2088, %get3A_16, %dot_general3A_2089 {dimension_numbers = #tpu.dot_dimension_numbers<[1], [0], [0], [1], [0, 0, 1, 1], [], []>, transpose_lhs_hint = false} : vector<256x64xbf16>, vector<64x64xbf16>, vector<256x64xf32> -> vector<256x64xf32>
    %add3A_2091 = arith.addf %get3A_4, %dot_general3A_2090 : vector<256x64xf32>
    %convert_element_type3A_2092 = arith.truncf %concatenate3A_1880 : vector<256x64xf32> to vector<256x64xbf16>
    %dot_general3A_2093 = arith.constant dense<0.000000e+00> : vector<256x64xf32>
    %dot_general3A_2094 = tpu.matmul %convert_element_type3A_2092, %get3A_16, %dot_general3A_2093 {dimension_numbers = #tpu.dot_dimension_numbers<[1], [0], [0], [1], [0, 0, 1, 1], [], []>, transpose_lhs_hint = false} : vector<256x64xbf16>, vector<64x64xbf16>, vector<256x64xf32> -> vector<256x64xf32>
    %add3A_2095 = arith.addf %get3A_4, %dot_general3A_2094 : vector<256x64xf32>
    %convert_element_type3A_2096 = arith.truncf %concatenate3A_1909 : vector<256x64xf32> to vector<256x64xbf16>
    %dot_general3A_2097 = arith.constant dense<0.000000e+00> : vector<256x64xf32>
    %dot_general3A_2098 = tpu.matmul %convert_element_type3A_2096, %get3A_16, %dot_general3A_2097 {dimension_numbers = #tpu.dot_dimension_numbers<[1], [0], [0], [1], [0, 0, 1, 1], [], []>, transpose_lhs_hint = false} : vector<256x64xbf16>, vector<64x64xbf16>, vector<256x64xf32> -> vector<256x64xf32>
    %add3A_2099 = arith.addf %get3A_4, %dot_general3A_2098 : vector<256x64xf32>
    %convert_element_type3A_2100 = arith.truncf %concatenate3A_1938 : vector<256x64xf32> to vector<256x64xbf16>
    %dot_general3A_2101 = arith.constant dense<0.000000e+00> : vector<256x64xf32>
    %dot_general3A_2102 = tpu.matmul %convert_element_type3A_2100, %get3A_16, %dot_general3A_2101 {dimension_numbers = #tpu.dot_dimension_numbers<[1], [0], [0], [1], [0, 0, 1, 1], [], []>, transpose_lhs_hint = false} : vector<256x64xbf16>, vector<64x64xbf16>, vector<256x64xf32> -> vector<256x64xf32>
    %add3A_2103 = arith.addf %get3A_4, %dot_general3A_2102 : vector<256x64xf32>
    %convert_element_type3A_2104 = arith.truncf %concatenate3A_1967 : vector<256x64xf32> to vector<256x64xbf16>
    %dot_general3A_2105 = arith.constant dense<0.000000e+00> : vector<256x64xf32>
    %dot_general3A_2106 = tpu.matmul %convert_element_type3A_2104, %get3A_16, %dot_general3A_2105 {dimension_numbers = #tpu.dot_dimension_numbers<[1], [0], [0], [1], [0, 0, 1, 1], [], []>, transpose_lhs_hint = false} : vector<256x64xbf16>, vector<64x64xbf16>, vector<256x64xf32> -> vector<256x64xf32>
    %add3A_2107 = arith.addf %get3A_4, %dot_general3A_2106 : vector<256x64xf32>
    %convert_element_type3A_2108 = arith.truncf %concatenate3A_1996 : vector<256x64xf32> to vector<256x64xbf16>
    %dot_general3A_2109 = arith.constant dense<0.000000e+00> : vector<256x64xf32>
    %dot_general3A_2110 = tpu.matmul %convert_element_type3A_2108, %get3A_16, %dot_general3A_2109 {dimension_numbers = #tpu.dot_dimension_numbers<[1], [0], [0], [1], [0, 0, 1, 1], [], []>, transpose_lhs_hint = false} : vector<256x64xbf16>, vector<64x64xbf16>, vector<256x64xf32> -> vector<256x64xf32>
    %add3A_2111 = arith.addf %get3A_4, %dot_general3A_2110 : vector<256x64xf32>
    %convert_element_type3A_2112 = arith.truncf %concatenate3A_2025 : vector<256x64xf32> to vector<256x64xbf16>
    %dot_general3A_2113 = arith.constant dense<0.000000e+00> : vector<256x64xf32>
    %dot_general3A_2114 = tpu.matmul %convert_element_type3A_2112, %get3A_16, %dot_general3A_2113 {dimension_numbers = #tpu.dot_dimension_numbers<[1], [0], [0], [1], [0, 0, 1, 1], [], []>, transpose_lhs_hint = false} : vector<256x64xbf16>, vector<64x64xbf16>, vector<256x64xf32> -> vector<256x64xf32>
    %add3A_2115 = arith.addf %get3A_4, %dot_general3A_2114 : vector<256x64xf32>
    %convert_element_type3A_2116 = arith.truncf %concatenate3A_2054 : vector<256x64xf32> to vector<256x64xbf16>
    %dot_general3A_2117 = arith.constant dense<0.000000e+00> : vector<256x64xf32>
    %dot_general3A_2118 = tpu.matmul %convert_element_type3A_2116, %get3A_16, %dot_general3A_2117 {dimension_numbers = #tpu.dot_dimension_numbers<[1], [0], [0], [1], [0, 0, 1, 1], [], []>, transpose_lhs_hint = false} : vector<256x64xbf16>, vector<64x64xbf16>, vector<256x64xf32> -> vector<256x64xf32>
    %add3A_2119 = arith.addf %get3A_4, %dot_general3A_2118 : vector<256x64xf32>
    %convert_element_type3A_2120 = arith.truncf %concatenate3A_2083 : vector<256x64xf32> to vector<256x64xbf16>
    %dot_general3A_2121 = arith.constant dense<0.000000e+00> : vector<256x64xf32>
    %dot_general3A_2122 = tpu.matmul %convert_element_type3A_2120, %get3A_16, %dot_general3A_2121 {dimension_numbers = #tpu.dot_dimension_numbers<[1], [0], [0], [1], [0, 0, 1, 1], [], []>, transpose_lhs_hint = false} : vector<256x64xbf16>, vector<64x64xbf16>, vector<256x64xf32> -> vector<256x64xf32>
    %add3A_2123 = arith.addf %get3A_4, %dot_general3A_2122 : vector<256x64xf32>
    %convert_element_type3A_2124 = arith.truncf %add3A_2087 : vector<256x64xf32> to vector<256x64xbf16>
    %dot_general3A_2125 = arith.constant dense<0.000000e+00> : vector<256x128xf32>
    %dot_general3A_2126 = tpu.matmul %convert_element_type3A_2124, %get3A_19, %dot_general3A_2125 {dimension_numbers = #tpu.dot_dimension_numbers<[1], [0], [0], [1], [0, 0, 1, 1], [], []>, transpose_lhs_hint = false} : vector<256x64xbf16>, vector<64x128xbf16>, vector<256x128xf32> -> vector<256x128xf32>
    %add3A_2127 = vector.broadcast %get3A_28 : vector<1x128xf32> to vector<256x128xf32>
    %add3A_2128 = arith.addf %dot_general3A_2126, %add3A_2127 : vector<256x128xf32>
    %max3A_2129 = arith.constant 0.000000e+00 : f32
    %max3A_2130 = vector.broadcast %max3A_2129 : f32 to vector<256x128xf32>
    %max3A_2131 = arith.maximumf %add3A_2128, %max3A_2130 : vector<256x128xf32>
    %convert_element_type3A_2132 = arith.truncf %add3A_2091 : vector<256x64xf32> to vector<256x64xbf16>
    %dot_general3A_2133 = arith.constant dense<0.000000e+00> : vector<256x128xf32>
    %dot_general3A_2134 = tpu.matmul %convert_element_type3A_2132, %get3A_19, %dot_general3A_2133 {dimension_numbers = #tpu.dot_dimension_numbers<[1], [0], [0], [1], [0, 0, 1, 1], [], []>, transpose_lhs_hint = false} : vector<256x64xbf16>, vector<64x128xbf16>, vector<256x128xf32> -> vector<256x128xf32>
    %add3A_2135 = vector.broadcast %get3A_28 : vector<1x128xf32> to vector<256x128xf32>
    %add3A_2136 = arith.addf %dot_general3A_2134, %add3A_2135 : vector<256x128xf32>
    %max3A_2137 = arith.constant 0.000000e+00 : f32
    %max3A_2138 = vector.broadcast %max3A_2137 : f32 to vector<256x128xf32>
    %max3A_2139 = arith.maximumf %add3A_2136, %max3A_2138 : vector<256x128xf32>
    %convert_element_type3A_2140 = arith.truncf %add3A_2095 : vector<256x64xf32> to vector<256x64xbf16>
    %dot_general3A_2141 = arith.constant dense<0.000000e+00> : vector<256x128xf32>
    %dot_general3A_2142 = tpu.matmul %convert_element_type3A_2140, %get3A_19, %dot_general3A_2141 {dimension_numbers = #tpu.dot_dimension_numbers<[1], [0], [0], [1], [0, 0, 1, 1], [], []>, transpose_lhs_hint = false} : vector<256x64xbf16>, vector<64x128xbf16>, vector<256x128xf32> -> vector<256x128xf32>
    %add3A_2143 = vector.broadcast %get3A_28 : vector<1x128xf32> to vector<256x128xf32>
    %add3A_2144 = arith.addf %dot_general3A_2142, %add3A_2143 : vector<256x128xf32>
    %max3A_2145 = arith.constant 0.000000e+00 : f32
    %max3A_2146 = vector.broadcast %max3A_2145 : f32 to vector<256x128xf32>
    %max3A_2147 = arith.maximumf %add3A_2144, %max3A_2146 : vector<256x128xf32>
    %convert_element_type3A_2148 = arith.truncf %add3A_2099 : vector<256x64xf32> to vector<256x64xbf16>
    %dot_general3A_2149 = arith.constant dense<0.000000e+00> : vector<256x128xf32>
    %dot_general3A_2150 = tpu.matmul %convert_element_type3A_2148, %get3A_19, %dot_general3A_2149 {dimension_numbers = #tpu.dot_dimension_numbers<[1], [0], [0], [1], [0, 0, 1, 1], [], []>, transpose_lhs_hint = false} : vector<256x64xbf16>, vector<64x128xbf16>, vector<256x128xf32> -> vector<256x128xf32>
    %add3A_2151 = vector.broadcast %get3A_28 : vector<1x128xf32> to vector<256x128xf32>
    %add3A_2152 = arith.addf %dot_general3A_2150, %add3A_2151 : vector<256x128xf32>
    %max3A_2153 = arith.constant 0.000000e+00 : f32
    %max3A_2154 = vector.broadcast %max3A_2153 : f32 to vector<256x128xf32>
    %max3A_2155 = arith.maximumf %add3A_2152, %max3A_2154 : vector<256x128xf32>
    %convert_element_type3A_2156 = arith.truncf %add3A_2103 : vector<256x64xf32> to vector<256x64xbf16>
    %dot_general3A_2157 = arith.constant dense<0.000000e+00> : vector<256x128xf32>
    %dot_general3A_2158 = tpu.matmul %convert_element_type3A_2156, %get3A_19, %dot_general3A_2157 {dimension_numbers = #tpu.dot_dimension_numbers<[1], [0], [0], [1], [0, 0, 1, 1], [], []>, transpose_lhs_hint = false} : vector<256x64xbf16>, vector<64x128xbf16>, vector<256x128xf32> -> vector<256x128xf32>
    %add3A_2159 = vector.broadcast %get3A_28 : vector<1x128xf32> to vector<256x128xf32>
    %add3A_2160 = arith.addf %dot_general3A_2158, %add3A_2159 : vector<256x128xf32>
    %max3A_2161 = arith.constant 0.000000e+00 : f32
    %max3A_2162 = vector.broadcast %max3A_2161 : f32 to vector<256x128xf32>
    %max3A_2163 = arith.maximumf %add3A_2160, %max3A_2162 : vector<256x128xf32>
    %convert_element_type3A_2164 = arith.truncf %add3A_2107 : vector<256x64xf32> to vector<256x64xbf16>
    %dot_general3A_2165 = arith.constant dense<0.000000e+00> : vector<256x128xf32>
    %dot_general3A_2166 = tpu.matmul %convert_element_type3A_2164, %get3A_19, %dot_general3A_2165 {dimension_numbers = #tpu.dot_dimension_numbers<[1], [0], [0], [1], [0, 0, 1, 1], [], []>, transpose_lhs_hint = false} : vector<256x64xbf16>, vector<64x128xbf16>, vector<256x128xf32> -> vector<256x128xf32>
    %add3A_2167 = vector.broadcast %get3A_28 : vector<1x128xf32> to vector<256x128xf32>
    %add3A_2168 = arith.addf %dot_general3A_2166, %add3A_2167 : vector<256x128xf32>
    %max3A_2169 = arith.constant 0.000000e+00 : f32
    %max3A_2170 = vector.broadcast %max3A_2169 : f32 to vector<256x128xf32>
    %max3A_2171 = arith.maximumf %add3A_2168, %max3A_2170 : vector<256x128xf32>
    %convert_element_type3A_2172 = arith.truncf %add3A_2111 : vector<256x64xf32> to vector<256x64xbf16>
    %dot_general3A_2173 = arith.constant dense<0.000000e+00> : vector<256x128xf32>
    %dot_general3A_2174 = tpu.matmul %convert_element_type3A_2172, %get3A_19, %dot_general3A_2173 {dimension_numbers = #tpu.dot_dimension_numbers<[1], [0], [0], [1], [0, 0, 1, 1], [], []>, transpose_lhs_hint = false} : vector<256x64xbf16>, vector<64x128xbf16>, vector<256x128xf32> -> vector<256x128xf32>
    %add3A_2175 = vector.broadcast %get3A_28 : vector<1x128xf32> to vector<256x128xf32>
    %add3A_2176 = arith.addf %dot_general3A_2174, %add3A_2175 : vector<256x128xf32>
    %max3A_2177 = arith.constant 0.000000e+00 : f32
    %max3A_2178 = vector.broadcast %max3A_2177 : f32 to vector<256x128xf32>
    %max3A_2179 = arith.maximumf %add3A_2176, %max3A_2178 : vector<256x128xf32>
    %convert_element_type3A_2180 = arith.truncf %add3A_2115 : vector<256x64xf32> to vector<256x64xbf16>
    %dot_general3A_2181 = arith.constant dense<0.000000e+00> : vector<256x128xf32>
    %dot_general3A_2182 = tpu.matmul %convert_element_type3A_2180, %get3A_19, %dot_general3A_2181 {dimension_numbers = #tpu.dot_dimension_numbers<[1], [0], [0], [1], [0, 0, 1, 1], [], []>, transpose_lhs_hint = false} : vector<256x64xbf16>, vector<64x128xbf16>, vector<256x128xf32> -> vector<256x128xf32>
    %add3A_2183 = vector.broadcast %get3A_28 : vector<1x128xf32> to vector<256x128xf32>
    %add3A_2184 = arith.addf %dot_general3A_2182, %add3A_2183 : vector<256x128xf32>
    %max3A_2185 = arith.constant 0.000000e+00 : f32
    %max3A_2186 = vector.broadcast %max3A_2185 : f32 to vector<256x128xf32>
    %max3A_2187 = arith.maximumf %add3A_2184, %max3A_2186 : vector<256x128xf32>
    %convert_element_type3A_2188 = arith.truncf %add3A_2119 : vector<256x64xf32> to vector<256x64xbf16>
    %dot_general3A_2189 = arith.constant dense<0.000000e+00> : vector<256x128xf32>
    %dot_general3A_2190 = tpu.matmul %convert_element_type3A_2188, %get3A_19, %dot_general3A_2189 {dimension_numbers = #tpu.dot_dimension_numbers<[1], [0], [0], [1], [0, 0, 1, 1], [], []>, transpose_lhs_hint = false} : vector<256x64xbf16>, vector<64x128xbf16>, vector<256x128xf32> -> vector<256x128xf32>
    %add3A_2191 = vector.broadcast %get3A_28 : vector<1x128xf32> to vector<256x128xf32>
    %add3A_2192 = arith.addf %dot_general3A_2190, %add3A_2191 : vector<256x128xf32>
    %max3A_2193 = arith.constant 0.000000e+00 : f32
    %max3A_2194 = vector.broadcast %max3A_2193 : f32 to vector<256x128xf32>
    %max3A_2195 = arith.maximumf %add3A_2192, %max3A_2194 : vector<256x128xf32>
    %convert_element_type3A_2196 = arith.truncf %add3A_2123 : vector<256x64xf32> to vector<256x64xbf16>
    %dot_general3A_2197 = arith.constant dense<0.000000e+00> : vector<256x128xf32>
    %dot_general3A_2198 = tpu.matmul %convert_element_type3A_2196, %get3A_19, %dot_general3A_2197 {dimension_numbers = #tpu.dot_dimension_numbers<[1], [0], [0], [1], [0, 0, 1, 1], [], []>, transpose_lhs_hint = false} : vector<256x64xbf16>, vector<64x128xbf16>, vector<256x128xf32> -> vector<256x128xf32>
    %add3A_2199 = vector.broadcast %get3A_28 : vector<1x128xf32> to vector<256x128xf32>
    %add3A_2200 = arith.addf %dot_general3A_2198, %add3A_2199 : vector<256x128xf32>
    %max3A_2201 = arith.constant 0.000000e+00 : f32
    %max3A_2202 = vector.broadcast %max3A_2201 : f32 to vector<256x128xf32>
    %max3A_2203 = arith.maximumf %add3A_2200, %max3A_2202 : vector<256x128xf32>
    %convert_element_type3A_2204 = arith.truncf %max3A_2131 : vector<256x128xf32> to vector<256x128xbf16>
    %dot_general3A_2205 = arith.constant dense<0.000000e+00> : vector<256x64xf32>
    %dot_general3A_2206 = tpu.matmul %convert_element_type3A_2204, %get3A_22, %dot_general3A_2205 {dimension_numbers = #tpu.dot_dimension_numbers<[1], [0], [0], [1], [0, 0, 1, 1], [], []>, transpose_lhs_hint = false} : vector<256x128xbf16>, vector<128x64xbf16>, vector<256x64xf32> -> vector<256x64xf32>
    %add3A_2207 = arith.addf %add3A_2087, %dot_general3A_2206 : vector<256x64xf32>
    %add3A_2208 = vector.broadcast %get3A_31 : vector<1x64xf32> to vector<256x64xf32>
    %add3A_2209 = arith.addf %add3A_2207, %add3A_2208 : vector<256x64xf32>
    %convert_element_type3A_2210 = arith.truncf %max3A_2139 : vector<256x128xf32> to vector<256x128xbf16>
    %dot_general3A_2211 = arith.constant dense<0.000000e+00> : vector<256x64xf32>
    %dot_general3A_2212 = tpu.matmul %convert_element_type3A_2210, %get3A_22, %dot_general3A_2211 {dimension_numbers = #tpu.dot_dimension_numbers<[1], [0], [0], [1], [0, 0, 1, 1], [], []>, transpose_lhs_hint = false} : vector<256x128xbf16>, vector<128x64xbf16>, vector<256x64xf32> -> vector<256x64xf32>
    %add3A_2213 = arith.addf %add3A_2091, %dot_general3A_2212 : vector<256x64xf32>
    %add3A_2214 = vector.broadcast %get3A_31 : vector<1x64xf32> to vector<256x64xf32>
    %add3A_2215 = arith.addf %add3A_2213, %add3A_2214 : vector<256x64xf32>
    %convert_element_type3A_2216 = arith.truncf %max3A_2147 : vector<256x128xf32> to vector<256x128xbf16>
    %dot_general3A_2217 = arith.constant dense<0.000000e+00> : vector<256x64xf32>
    %dot_general3A_2218 = tpu.matmul %convert_element_type3A_2216, %get3A_22, %dot_general3A_2217 {dimension_numbers = #tpu.dot_dimension_numbers<[1], [0], [0], [1], [0, 0, 1, 1], [], []>, transpose_lhs_hint = false} : vector<256x128xbf16>, vector<128x64xbf16>, vector<256x64xf32> -> vector<256x64xf32>
    %add3A_2219 = arith.addf %add3A_2095, %dot_general3A_2218 : vector<256x64xf32>
    %add3A_2220 = vector.broadcast %get3A_31 : vector<1x64xf32> to vector<256x64xf32>
    %add3A_2221 = arith.addf %add3A_2219, %add3A_2220 : vector<256x64xf32>
    %convert_element_type3A_2222 = arith.truncf %max3A_2155 : vector<256x128xf32> to vector<256x128xbf16>
    %dot_general3A_2223 = arith.constant dense<0.000000e+00> : vector<256x64xf32>
    %dot_general3A_2224 = tpu.matmul %convert_element_type3A_2222, %get3A_22, %dot_general3A_2223 {dimension_numbers = #tpu.dot_dimension_numbers<[1], [0], [0], [1], [0, 0, 1, 1], [], []>, transpose_lhs_hint = false} : vector<256x128xbf16>, vector<128x64xbf16>, vector<256x64xf32> -> vector<256x64xf32>
    %add3A_2225 = arith.addf %add3A_2099, %dot_general3A_2224 : vector<256x64xf32>
    %add3A_2226 = vector.broadcast %get3A_31 : vector<1x64xf32> to vector<256x64xf32>
    %add3A_2227 = arith.addf %add3A_2225, %add3A_2226 : vector<256x64xf32>
    %convert_element_type3A_2228 = arith.truncf %max3A_2163 : vector<256x128xf32> to vector<256x128xbf16>
    %dot_general3A_2229 = arith.constant dense<0.000000e+00> : vector<256x64xf32>
    %dot_general3A_2230 = tpu.matmul %convert_element_type3A_2228, %get3A_22, %dot_general3A_2229 {dimension_numbers = #tpu.dot_dimension_numbers<[1], [0], [0], [1], [0, 0, 1, 1], [], []>, transpose_lhs_hint = false} : vector<256x128xbf16>, vector<128x64xbf16>, vector<256x64xf32> -> vector<256x64xf32>
    %add3A_2231 = arith.addf %add3A_2103, %dot_general3A_2230 : vector<256x64xf32>
    %add3A_2232 = vector.broadcast %get3A_31 : vector<1x64xf32> to vector<256x64xf32>
    %add3A_2233 = arith.addf %add3A_2231, %add3A_2232 : vector<256x64xf32>
    %convert_element_type3A_2234 = arith.truncf %max3A_2171 : vector<256x128xf32> to vector<256x128xbf16>
    %dot_general3A_2235 = arith.constant dense<0.000000e+00> : vector<256x64xf32>
    %dot_general3A_2236 = tpu.matmul %convert_element_type3A_2234, %get3A_22, %dot_general3A_2235 {dimension_numbers = #tpu.dot_dimension_numbers<[1], [0], [0], [1], [0, 0, 1, 1], [], []>, transpose_lhs_hint = false} : vector<256x128xbf16>, vector<128x64xbf16>, vector<256x64xf32> -> vector<256x64xf32>
    %add3A_2237 = arith.addf %add3A_2107, %dot_general3A_2236 : vector<256x64xf32>
    %add3A_2238 = vector.broadcast %get3A_31 : vector<1x64xf32> to vector<256x64xf32>
    %add3A_2239 = arith.addf %add3A_2237, %add3A_2238 : vector<256x64xf32>
    %convert_element_type3A_2240 = arith.truncf %max3A_2179 : vector<256x128xf32> to vector<256x128xbf16>
    %dot_general3A_2241 = arith.constant dense<0.000000e+00> : vector<256x64xf32>
    %dot_general3A_2242 = tpu.matmul %convert_element_type3A_2240, %get3A_22, %dot_general3A_2241 {dimension_numbers = #tpu.dot_dimension_numbers<[1], [0], [0], [1], [0, 0, 1, 1], [], []>, transpose_lhs_hint = false} : vector<256x128xbf16>, vector<128x64xbf16>, vector<256x64xf32> -> vector<256x64xf32>
    %add3A_2243 = arith.addf %add3A_2111, %dot_general3A_2242 : vector<256x64xf32>
    %add3A_2244 = vector.broadcast %get3A_31 : vector<1x64xf32> to vector<256x64xf32>
    %add3A_2245 = arith.addf %add3A_2243, %add3A_2244 : vector<256x64xf32>
    %convert_element_type3A_2246 = arith.truncf %max3A_2187 : vector<256x128xf32> to vector<256x128xbf16>
    %dot_general3A_2247 = arith.constant dense<0.000000e+00> : vector<256x64xf32>
    %dot_general3A_2248 = tpu.matmul %convert_element_type3A_2246, %get3A_22, %dot_general3A_2247 {dimension_numbers = #tpu.dot_dimension_numbers<[1], [0], [0], [1], [0, 0, 1, 1], [], []>, transpose_lhs_hint = false} : vector<256x128xbf16>, vector<128x64xbf16>, vector<256x64xf32> -> vector<256x64xf32>
    %add3A_2249 = arith.addf %add3A_2115, %dot_general3A_2248 : vector<256x64xf32>
    %add3A_2250 = vector.broadcast %get3A_31 : vector<1x64xf32> to vector<256x64xf32>
    %add3A_2251 = arith.addf %add3A_2249, %add3A_2250 : vector<256x64xf32>
    %convert_element_type3A_2252 = arith.truncf %max3A_2195 : vector<256x128xf32> to vector<256x128xbf16>
    %dot_general3A_2253 = arith.constant dense<0.000000e+00> : vector<256x64xf32>
    %dot_general3A_2254 = tpu.matmul %convert_element_type3A_2252, %get3A_22, %dot_general3A_2253 {dimension_numbers = #tpu.dot_dimension_numbers<[1], [0], [0], [1], [0, 0, 1, 1], [], []>, transpose_lhs_hint = false} : vector<256x128xbf16>, vector<128x64xbf16>, vector<256x64xf32> -> vector<256x64xf32>
    %add3A_2255 = arith.addf %add3A_2119, %dot_general3A_2254 : vector<256x64xf32>
    %add3A_2256 = vector.broadcast %get3A_31 : vector<1x64xf32> to vector<256x64xf32>
    %add3A_2257 = arith.addf %add3A_2255, %add3A_2256 : vector<256x64xf32>
    %convert_element_type3A_2258 = arith.truncf %max3A_2203 : vector<256x128xf32> to vector<256x128xbf16>
    %dot_general3A_2259 = arith.constant dense<0.000000e+00> : vector<256x64xf32>
    %dot_general3A_2260 = tpu.matmul %convert_element_type3A_2258, %get3A_22, %dot_general3A_2259 {dimension_numbers = #tpu.dot_dimension_numbers<[1], [0], [0], [1], [0, 0, 1, 1], [], []>, transpose_lhs_hint = false} : vector<256x128xbf16>, vector<128x64xbf16>, vector<256x64xf32> -> vector<256x64xf32>
    %add3A_2261 = arith.addf %add3A_2123, %dot_general3A_2260 : vector<256x64xf32>
    %add3A_2262 = vector.broadcast %get3A_31 : vector<1x64xf32> to vector<256x64xf32>
    %add3A_2263 = arith.addf %add3A_2261, %add3A_2262 : vector<256x64xf32>
    %convert_element_type3A_2264 = arith.truncf %add3A_2209 : vector<256x64xf32> to vector<256x64xbf16>
    %convert_element_type3A_2265 = arith.truncf %add3A_2215 : vector<256x64xf32> to vector<256x64xbf16>
    %convert_element_type3A_2266 = arith.truncf %add3A_2221 : vector<256x64xf32> to vector<256x64xbf16>
    %convert_element_type3A_2267 = arith.truncf %add3A_2227 : vector<256x64xf32> to vector<256x64xbf16>
    %convert_element_type3A_2268 = arith.truncf %add3A_2233 : vector<256x64xf32> to vector<256x64xbf16>
    %convert_element_type3A_2269 = arith.truncf %add3A_2239 : vector<256x64xf32> to vector<256x64xbf16>
    %convert_element_type3A_2270 = arith.truncf %add3A_2245 : vector<256x64xf32> to vector<256x64xbf16>
    %convert_element_type3A_2271 = arith.truncf %add3A_2251 : vector<256x64xf32> to vector<256x64xbf16>
    %convert_element_type3A_2272 = arith.truncf %add3A_2257 : vector<256x64xf32> to vector<256x64xbf16>
    %convert_element_type3A_2273 = arith.truncf %add3A_2263 : vector<256x64xf32> to vector<256x64xbf16>
    %concatenate3A_2274 = tpu.concatenate %convert_element_type3A_2264, %convert_element_type3A_2265, %convert_element_type3A_2266, %convert_element_type3A_2267, %convert_element_type3A_2268, %convert_element_type3A_2269, %convert_element_type3A_2270, %convert_element_type3A_2271, %convert_element_type3A_2272, %convert_element_type3A_2273 in 1 : vector<256x64xbf16>, vector<256x64xbf16>, vector<256x64xbf16>, vector<256x64xbf16>, vector<256x64xbf16>, vector<256x64xbf16>, vector<256x64xbf16>, vector<256x64xbf16>, vector<256x64xbf16>, vector<256x64xbf16> -> vector<256x640xbf16>
    %dot_general3A_2275 = arith.constant dense<0.000000e+00> : vector<256x60xf32>
    %dot_general3A_2276 = tpu.matmul %concatenate3A_2274, %get3A_25, %dot_general3A_2275 {dimension_numbers = #tpu.dot_dimension_numbers<[1], [0], [0], [1], [0, 0, 1, 1], [], []>, transpose_lhs_hint = false} : vector<256x640xbf16>, vector<640x60xbf16>, vector<256x60xf32> -> vector<256x60xf32>
    %add3A_2277 = vector.broadcast %get3A_34 : vector<1x60xf32> to vector<256x60xf32>
    %add3A_2278 = arith.addf %dot_general3A_2276, %add3A_2277 : vector<256x60xf32>
    %swap3A_2279 = arith.constant 2 : index
    %swap3A_2280 = arith.constant 0 : index
    %swap3A_2281 = arith.constant 0 : index
    %swap3A_2282 = vector.load %arg15[%swap3A_2279, %swap3A_2280, %swap3A_2281] : memref<4x256x60xf32, #tpu.memory_space<vmem>>, vector<1x256x60xf32>
    %swap3A_2283 = vector.shape_cast %swap3A_2282 : vector<1x256x60xf32> to vector<256x60xf32>
    %swap3A_2284 = vector.shape_cast %add3A_2278 : vector<256x60xf32> to vector<1x256x60xf32>
    tpu.vector_store %arg15[%swap3A_2279, %swap3A_2280, %swap3A_2281], %swap3A_2284 {strides = array<i32>} : memref<4x256x60xf32, #tpu.memory_space<vmem>>, vector<1x256x60xf32>,
    %get3A_2285 = arith.constant 2 : index
    %get3A_2286 = arith.constant 0 : index
    %get3A_2287 = arith.constant 0 : index
    %get3A_2288 = vector.load %arg2[%get3A_2285, %get3A_2286, %get3A_2287] : memref<4x256x60xf32, #tpu.memory_space<vmem>>, vector<1x256x60xf32>
    %get3A_2289 = vector.shape_cast %get3A_2288 : vector<1x256x60xf32> to vector<256x60xf32>
    %sub3A_2290 = arith.subf %add3A_2278, %get3A_2289 : vector<256x60xf32>
    %abs3A_2291 = math.absf %sub3A_2290 : vector<256x60xf32>
    %reduce_sum3A_2292 = vector.shape_cast %abs3A_2291 : vector<256x60xf32> to vector<1x256x60xf32>
    %reduce_sum3A_2293 = arith.constant dense<0.000000e+00> : vector<1xf32>
    %reduce_sum3A_2294 = vector.multi_reduction <add>, %reduce_sum3A_2292, %reduce_sum3A_2293 [1, 2] : vector<1x256x60xf32> to vector<1xf32>
    %reduce_sum3A_2295 = vector.shape_cast %reduce_sum3A_2294 : vector<1xf32> to vector<1x1x1xf32>
    %reduce_sum3A_2296 = vector.extract %reduce_sum3A_2295[0, 0, 0] : f32 from vector<1x1x1xf32>
    %add3A_2297 = arith.addf %add3A_1539, %reduce_sum3A_2296 : f32
    %get3A_2298 = arith.constant 3 : index
    %get3A_2299 = arith.constant 0 : index
    %get3A_2300 = arith.constant 0 : index
    %get3A_2301 = vector.load %arg1[%get3A_2298, %get3A_2299, %get3A_2300] : memref<4x256x60xf32, #tpu.memory_space<vmem>>, vector<1x256x60xf32>
    %get3A_2302 = vector.shape_cast %get3A_2301 : vector<1x256x60xf32> to vector<256x60xf32>
    %convert_element_type3A_2303 = arith.truncf %get3A_2302 : vector<256x60xf32> to vector<256x60xbf16>
    %dot_general3A_2304 = arith.constant dense<0.000000e+00> : vector<256x640xf32>
    %dot_general3A_2305 = tpu.matmul %convert_element_type3A_2303, %get3A_13, %dot_general3A_2304 {dimension_numbers = #tpu.dot_dimension_numbers<[1], [0], [0], [1], [0, 0, 1, 1], [], []>, transpose_lhs_hint = false} : vector<256x60xbf16>, vector<60x640xbf16>, vector<256x640xf32> -> vector<256x640xf32>
    %add3A_2306 = arith.addf %dot_general3A_2305, %get3A_1 : vector<256x640xf32>
    %convert_element_type3A_2307 = arith.truncf %add3A_2306 : vector<256x640xf32> to vector<256x640xbf16>
    %slice3A_2308 = vector.extract_strided_slice %convert_element_type3A_2307 {offsets = [0, 0], sizes = [256, 64], strides = [1, 1]} : vector<256x640xbf16> to vector<256x64xbf16>
    %slice3A_2309 = vector.extract_strided_slice %convert_element_type3A_2307 {offsets = [0, 64], sizes = [256, 64], strides = [1, 1]} : vector<256x640xbf16> to vector<256x64xbf16>
    %slice3A_2310 = vector.extract_strided_slice %convert_element_type3A_2307 {offsets = [0, 128], sizes = [256, 64], strides = [1, 1]} : vector<256x640xbf16> to vector<256x64xbf16>
    %slice3A_2311 = vector.extract_strided_slice %convert_element_type3A_2307 {offsets = [0, 192], sizes = [256, 64], strides = [1, 1]} : vector<256x640xbf16> to vector<256x64xbf16>
    %slice3A_2312 = vector.extract_strided_slice %convert_element_type3A_2307 {offsets = [0, 256], sizes = [256, 64], strides = [1, 1]} : vector<256x640xbf16> to vector<256x64xbf16>
    %slice3A_2313 = vector.extract_strided_slice %convert_element_type3A_2307 {offsets = [0, 320], sizes = [256, 64], strides = [1, 1]} : vector<256x640xbf16> to vector<256x64xbf16>
    %slice3A_2314 = vector.extract_strided_slice %convert_element_type3A_2307 {offsets = [0, 384], sizes = [256, 64], strides = [1, 1]} : vector<256x640xbf16> to vector<256x64xbf16>
    %slice3A_2315 = vector.extract_strided_slice %convert_element_type3A_2307 {offsets = [0, 448], sizes = [256, 64], strides = [1, 1]} : vector<256x640xbf16> to vector<256x64xbf16>
    %slice3A_2316 = vector.extract_strided_slice %convert_element_type3A_2307 {offsets = [0, 512], sizes = [256, 64], strides = [1, 1]} : vector<256x640xbf16> to vector<256x64xbf16>
    %slice3A_2317 = vector.extract_strided_slice %convert_element_type3A_2307 {offsets = [0, 576], sizes = [256, 64], strides = [1, 1]} : vector<256x640xbf16> to vector<256x64xbf16>
    %dot_general3A_2318 = arith.constant dense<0.000000e+00> : vector<256x128xf32>
    %dot_general3A_2319 = tpu.matmul %slice3A_2308, %get3A_10, %dot_general3A_2318 {dimension_numbers = #tpu.dot_dimension_numbers<[1], [0], [0], [1], [0, 0, 1, 1], [], []>, transpose_lhs_hint = false} : vector<256x64xbf16>, vector<64x128xbf16>, vector<256x128xf32> -> vector<256x128xf32>
    %convert_element_type3A_2320 = arith.truncf %dot_general3A_2319 : vector<256x128xf32> to vector<256x128xbf16>
    %dot_general3A_2321 = arith.constant dense<0.000000e+00> : vector<256x128xf32>
    %dot_general3A_2322 = tpu.matmul %slice3A_2309, %get3A_10, %dot_general3A_2321 {dimension_numbers = #tpu.dot_dimension_numbers<[1], [0], [0], [1], [0, 0, 1, 1], [], []>, transpose_lhs_hint = false} : vector<256x64xbf16>, vector<64x128xbf16>, vector<256x128xf32> -> vector<256x128xf32>
    %convert_element_type3A_2323 = arith.truncf %dot_general3A_2322 : vector<256x128xf32> to vector<256x128xbf16>
    %dot_general3A_2324 = arith.constant dense<0.000000e+00> : vector<256x128xf32>
    %dot_general3A_2325 = tpu.matmul %slice3A_2310, %get3A_10, %dot_general3A_2324 {dimension_numbers = #tpu.dot_dimension_numbers<[1], [0], [0], [1], [0, 0, 1, 1], [], []>, transpose_lhs_hint = false} : vector<256x64xbf16>, vector<64x128xbf16>, vector<256x128xf32> -> vector<256x128xf32>
    %convert_element_type3A_2326 = arith.truncf %dot_general3A_2325 : vector<256x128xf32> to vector<256x128xbf16>
    %dot_general3A_2327 = arith.constant dense<0.000000e+00> : vector<256x128xf32>
    %dot_general3A_2328 = tpu.matmul %slice3A_2311, %get3A_10, %dot_general3A_2327 {dimension_numbers = #tpu.dot_dimension_numbers<[1], [0], [0], [1], [0, 0, 1, 1], [], []>, transpose_lhs_hint = false} : vector<256x64xbf16>, vector<64x128xbf16>, vector<256x128xf32> -> vector<256x128xf32>
    %convert_element_type3A_2329 = arith.truncf %dot_general3A_2328 : vector<256x128xf32> to vector<256x128xbf16>
    %dot_general3A_2330 = arith.constant dense<0.000000e+00> : vector<256x128xf32>
    %dot_general3A_2331 = tpu.matmul %slice3A_2312, %get3A_10, %dot_general3A_2330 {dimension_numbers = #tpu.dot_dimension_numbers<[1], [0], [0], [1], [0, 0, 1, 1], [], []>, transpose_lhs_hint = false} : vector<256x64xbf16>, vector<64x128xbf16>, vector<256x128xf32> -> vector<256x128xf32>
    %convert_element_type3A_2332 = arith.truncf %dot_general3A_2331 : vector<256x128xf32> to vector<256x128xbf16>
    %dot_general3A_2333 = arith.constant dense<0.000000e+00> : vector<256x128xf32>
    %dot_general3A_2334 = tpu.matmul %slice3A_2313, %get3A_10, %dot_general3A_2333 {dimension_numbers = #tpu.dot_dimension_numbers<[1], [0], [0], [1], [0, 0, 1, 1], [], []>, transpose_lhs_hint = false} : vector<256x64xbf16>, vector<64x128xbf16>, vector<256x128xf32> -> vector<256x128xf32>
    %convert_element_type3A_2335 = arith.truncf %dot_general3A_2334 : vector<256x128xf32> to vector<256x128xbf16>
    %dot_general3A_2336 = arith.constant dense<0.000000e+00> : vector<256x128xf32>
    %dot_general3A_2337 = tpu.matmul %slice3A_2314, %get3A_10, %dot_general3A_2336 {dimension_numbers = #tpu.dot_dimension_numbers<[1], [0], [0], [1], [0, 0, 1, 1], [], []>, transpose_lhs_hint = false} : vector<256x64xbf16>, vector<64x128xbf16>, vector<256x128xf32> -> vector<256x128xf32>
    %convert_element_type3A_2338 = arith.truncf %dot_general3A_2337 : vector<256x128xf32> to vector<256x128xbf16>
    %dot_general3A_2339 = arith.constant dense<0.000000e+00> : vector<256x128xf32>
    %dot_general3A_2340 = tpu.matmul %slice3A_2315, %get3A_10, %dot_general3A_2339 {dimension_numbers = #tpu.dot_dimension_numbers<[1], [0], [0], [1], [0, 0, 1, 1], [], []>, transpose_lhs_hint = false} : vector<256x64xbf16>, vector<64x128xbf16>, vector<256x128xf32> -> vector<256x128xf32>
    %convert_element_type3A_2341 = arith.truncf %dot_general3A_2340 : vector<256x128xf32> to vector<256x128xbf16>
    %dot_general3A_2342 = arith.constant dense<0.000000e+00> : vector<256x128xf32>
    %dot_general3A_2343 = tpu.matmul %slice3A_2316, %get3A_10, %dot_general3A_2342 {dimension_numbers = #tpu.dot_dimension_numbers<[1], [0], [0], [1], [0, 0, 1, 1], [], []>, transpose_lhs_hint = false} : vector<256x64xbf16>, vector<64x128xbf16>, vector<256x128xf32> -> vector<256x128xf32>
    %convert_element_type3A_2344 = arith.truncf %dot_general3A_2343 : vector<256x128xf32> to vector<256x128xbf16>
    %dot_general3A_2345 = arith.constant dense<0.000000e+00> : vector<256x128xf32>
    %dot_general3A_2346 = tpu.matmul %slice3A_2317, %get3A_10, %dot_general3A_2345 {dimension_numbers = #tpu.dot_dimension_numbers<[1], [0], [0], [1], [0, 0, 1, 1], [], []>, transpose_lhs_hint = false} : vector<256x64xbf16>, vector<64x128xbf16>, vector<256x128xf32> -> vector<256x128xf32>
    %convert_element_type3A_2347 = arith.truncf %dot_general3A_2346 : vector<256x128xf32> to vector<256x128xbf16>
    %slice3A_2348 = vector.extract_strided_slice %convert_element_type3A_2320 {offsets = [0, 64], sizes = [256, 64], strides = [1, 1]} : vector<256x128xbf16> to vector<256x64xbf16>
    %concatenate3A_2349 = tpu.concatenate %slice3A_2348, %broadcast_in_dim3A_35 in 1 : vector<256x64xbf16>, vector<256x1xbf16> -> vector<256x65xbf16>
    %slice3A_2350 = vector.extract_strided_slice %convert_element_type3A_2323 {offsets = [0, 64], sizes = [256, 64], strides = [1, 1]} : vector<256x128xbf16> to vector<256x64xbf16>
    %concatenate3A_2351 = tpu.concatenate %slice3A_2350, %broadcast_in_dim3A_35 in 1 : vector<256x64xbf16>, vector<256x1xbf16> -> vector<256x65xbf16>
    %slice3A_2352 = vector.extract_strided_slice %convert_element_type3A_2326 {offsets = [0, 64], sizes = [256, 64], strides = [1, 1]} : vector<256x128xbf16> to vector<256x64xbf16>
    %concatenate3A_2353 = tpu.concatenate %slice3A_2352, %broadcast_in_dim3A_35 in 1 : vector<256x64xbf16>, vector<256x1xbf16> -> vector<256x65xbf16>
    %slice3A_2354 = vector.extract_strided_slice %convert_element_type3A_2329 {offsets = [0, 64], sizes = [256, 64], strides = [1, 1]} : vector<256x128xbf16> to vector<256x64xbf16>
    %concatenate3A_2355 = tpu.concatenate %slice3A_2354, %broadcast_in_dim3A_35 in 1 : vector<256x64xbf16>, vector<256x1xbf16> -> vector<256x65xbf16>
    %slice3A_2356 = vector.extract_strided_slice %convert_element_type3A_2332 {offsets = [0, 64], sizes = [256, 64], strides = [1, 1]} : vector<256x128xbf16> to vector<256x64xbf16>
    %concatenate3A_2357 = tpu.concatenate %slice3A_2356, %broadcast_in_dim3A_35 in 1 : vector<256x64xbf16>, vector<256x1xbf16> -> vector<256x65xbf16>
    %slice3A_2358 = vector.extract_strided_slice %convert_element_type3A_2335 {offsets = [0, 64], sizes = [256, 64], strides = [1, 1]} : vector<256x128xbf16> to vector<256x64xbf16>
    %concatenate3A_2359 = tpu.concatenate %slice3A_2358, %broadcast_in_dim3A_35 in 1 : vector<256x64xbf16>, vector<256x1xbf16> -> vector<256x65xbf16>
    %slice3A_2360 = vector.extract_strided_slice %convert_element_type3A_2338 {offsets = [0, 64], sizes = [256, 64], strides = [1, 1]} : vector<256x128xbf16> to vector<256x64xbf16>
    %concatenate3A_2361 = tpu.concatenate %slice3A_2360, %broadcast_in_dim3A_35 in 1 : vector<256x64xbf16>, vector<256x1xbf16> -> vector<256x65xbf16>
    %slice3A_2362 = vector.extract_strided_slice %convert_element_type3A_2341 {offsets = [0, 64], sizes = [256, 64], strides = [1, 1]} : vector<256x128xbf16> to vector<256x64xbf16>
    %concatenate3A_2363 = tpu.concatenate %slice3A_2362, %broadcast_in_dim3A_35 in 1 : vector<256x64xbf16>, vector<256x1xbf16> -> vector<256x65xbf16>
    %slice3A_2364 = vector.extract_strided_slice %convert_element_type3A_2344 {offsets = [0, 64], sizes = [256, 64], strides = [1, 1]} : vector<256x128xbf16> to vector<256x64xbf16>
    %concatenate3A_2365 = tpu.concatenate %slice3A_2364, %broadcast_in_dim3A_35 in 1 : vector<256x64xbf16>, vector<256x1xbf16> -> vector<256x65xbf16>
    %slice3A_2366 = vector.extract_strided_slice %convert_element_type3A_2347 {offsets = [0, 64], sizes = [256, 64], strides = [1, 1]} : vector<256x128xbf16> to vector<256x64xbf16>
    %concatenate3A_2367 = tpu.concatenate %slice3A_2366, %broadcast_in_dim3A_35 in 1 : vector<256x64xbf16>, vector<256x1xbf16> -> vector<256x65xbf16>
    %slice3A_2368 = vector.extract_strided_slice %get3A_7 {offsets = [0, 0], sizes = [256, 16], strides = [1, 1]} : vector<256x64xbf16> to vector<256x16xbf16>
    %slice3A_2369 = vector.extract_strided_slice %get3A_7 {offsets = [0, 16], sizes = [256, 16], strides = [1, 1]} : vector<256x64xbf16> to vector<256x16xbf16>
    %slice3A_2370 = vector.extract_strided_slice %get3A_7 {offsets = [0, 32], sizes = [256, 16], strides = [1, 1]} : vector<256x64xbf16> to vector<256x16xbf16>
    %slice3A_2371 = vector.extract_strided_slice %get3A_7 {offsets = [0, 48], sizes = [256, 16], strides = [1, 1]} : vector<256x64xbf16> to vector<256x16xbf16>
    %slice3A_2372 = vector.extract_strided_slice %convert_element_type3A_2320 {offsets = [0, 0], sizes = [256, 16], strides = [1, 1]} : vector<256x128xbf16> to vector<256x16xbf16>
    %slice3A_2373 = vector.extract_strided_slice %convert_element_type3A_2323 {offsets = [0, 0], sizes = [256, 16], strides = [1, 1]} : vector<256x128xbf16> to vector<256x16xbf16>
    %slice3A_2374 = vector.extract_strided_slice %convert_element_type3A_2326 {offsets = [0, 0], sizes = [256, 16], strides = [1, 1]} : vector<256x128xbf16> to vector<256x16xbf16>
    %slice3A_2375 = vector.extract_strided_slice %convert_element_type3A_2329 {offsets = [0, 0], sizes = [256, 16], strides = [1, 1]} : vector<256x128xbf16> to vector<256x16xbf16>
    %slice3A_2376 = vector.extract_strided_slice %convert_element_type3A_2332 {offsets = [0, 0], sizes = [256, 16], strides = [1, 1]} : vector<256x128xbf16> to vector<256x16xbf16>
    %slice3A_2377 = vector.extract_strided_slice %convert_element_type3A_2335 {offsets = [0, 0], sizes = [256, 16], strides = [1, 1]} : vector<256x128xbf16> to vector<256x16xbf16>
    %slice3A_2378 = vector.extract_strided_slice %convert_element_type3A_2338 {offsets = [0, 0], sizes = [256, 16], strides = [1, 1]} : vector<256x128xbf16> to vector<256x16xbf16>
    %slice3A_2379 = vector.extract_strided_slice %convert_element_type3A_2341 {offsets = [0, 0], sizes = [256, 16], strides = [1, 1]} : vector<256x128xbf16> to vector<256x16xbf16>
    %slice3A_2380 = vector.extract_strided_slice %convert_element_type3A_2344 {offsets = [0, 0], sizes = [256, 16], strides = [1, 1]} : vector<256x128xbf16> to vector<256x16xbf16>
    %slice3A_2381 = vector.extract_strided_slice %convert_element_type3A_2347 {offsets = [0, 0], sizes = [256, 16], strides = [1, 1]} : vector<256x128xbf16> to vector<256x16xbf16>
    %concatenate3A_2382 = tpu.concatenate %slice3A_2372, %slice3A_2373, %slice3A_2374, %slice3A_2375, %slice3A_2376, %slice3A_2377, %slice3A_2378, %slice3A_2379, %slice3A_2380, %slice3A_2381 in 0 : vector<256x16xbf16>, vector<256x16xbf16>, vector<256x16xbf16>, vector<256x16xbf16>, vector<256x16xbf16>, vector<256x16xbf16>, vector<256x16xbf16>, vector<256x16xbf16>, vector<256x16xbf16>, vector<256x16xbf16> -> vector<2560x16xbf16>
    %slice3A_2383 = vector.extract_strided_slice %convert_element_type3A_2320 {offsets = [0, 16], sizes = [256, 16], strides = [1, 1]} : vector<256x128xbf16> to vector<256x16xbf16>
    %slice3A_2384 = vector.extract_strided_slice %convert_element_type3A_2323 {offsets = [0, 16], sizes = [256, 16], strides = [1, 1]} : vector<256x128xbf16> to vector<256x16xbf16>
    %slice3A_2385 = vector.extract_strided_slice %convert_element_type3A_2326 {offsets = [0, 16], sizes = [256, 16], strides = [1, 1]} : vector<256x128xbf16> to vector<256x16xbf16>
    %slice3A_2386 = vector.extract_strided_slice %convert_element_type3A_2329 {offsets = [0, 16], sizes = [256, 16], strides = [1, 1]} : vector<256x128xbf16> to vector<256x16xbf16>
    %slice3A_2387 = vector.extract_strided_slice %convert_element_type3A_2332 {offsets = [0, 16], sizes = [256, 16], strides = [1, 1]} : vector<256x128xbf16> to vector<256x16xbf16>
    %slice3A_2388 = vector.extract_strided_slice %convert_element_type3A_2335 {offsets = [0, 16], sizes = [256, 16], strides = [1, 1]} : vector<256x128xbf16> to vector<256x16xbf16>
    %slice3A_2389 = vector.extract_strided_slice %convert_element_type3A_2338 {offsets = [0, 16], sizes = [256, 16], strides = [1, 1]} : vector<256x128xbf16> to vector<256x16xbf16>
    %slice3A_2390 = vector.extract_strided_slice %convert_element_type3A_2341 {offsets = [0, 16], sizes = [256, 16], strides = [1, 1]} : vector<256x128xbf16> to vector<256x16xbf16>
    %slice3A_2391 = vector.extract_strided_slice %convert_element_type3A_2344 {offsets = [0, 16], sizes = [256, 16], strides = [1, 1]} : vector<256x128xbf16> to vector<256x16xbf16>
    %slice3A_2392 = vector.extract_strided_slice %convert_element_type3A_2347 {offsets = [0, 16], sizes = [256, 16], strides = [1, 1]} : vector<256x128xbf16> to vector<256x16xbf16>
    %concatenate3A_2393 = tpu.concatenate %slice3A_2383, %slice3A_2384, %slice3A_2385, %slice3A_2386, %slice3A_2387, %slice3A_2388, %slice3A_2389, %slice3A_2390, %slice3A_2391, %slice3A_2392 in 0 : vector<256x16xbf16>, vector<256x16xbf16>, vector<256x16xbf16>, vector<256x16xbf16>, vector<256x16xbf16>, vector<256x16xbf16>, vector<256x16xbf16>, vector<256x16xbf16>, vector<256x16xbf16>, vector<256x16xbf16> -> vector<2560x16xbf16>
    %slice3A_2394 = vector.extract_strided_slice %convert_element_type3A_2320 {offsets = [0, 32], sizes = [256, 16], strides = [1, 1]} : vector<256x128xbf16> to vector<256x16xbf16>
    %slice3A_2395 = vector.extract_strided_slice %convert_element_type3A_2323 {offsets = [0, 32], sizes = [256, 16], strides = [1, 1]} : vector<256x128xbf16> to vector<256x16xbf16>
    %slice3A_2396 = vector.extract_strided_slice %convert_element_type3A_2326 {offsets = [0, 32], sizes = [256, 16], strides = [1, 1]} : vector<256x128xbf16> to vector<256x16xbf16>
    %slice3A_2397 = vector.extract_strided_slice %convert_element_type3A_2329 {offsets = [0, 32], sizes = [256, 16], strides = [1, 1]} : vector<256x128xbf16> to vector<256x16xbf16>
    %slice3A_2398 = vector.extract_strided_slice %convert_element_type3A_2332 {offsets = [0, 32], sizes = [256, 16], strides = [1, 1]} : vector<256x128xbf16> to vector<256x16xbf16>
    %slice3A_2399 = vector.extract_strided_slice %convert_element_type3A_2335 {offsets = [0, 32], sizes = [256, 16], strides = [1, 1]} : vector<256x128xbf16> to vector<256x16xbf16>
    %slice3A_2400 = vector.extract_strided_slice %convert_element_type3A_2338 {offsets = [0, 32], sizes = [256, 16], strides = [1, 1]} : vector<256x128xbf16> to vector<256x16xbf16>
    %slice3A_2401 = vector.extract_strided_slice %convert_element_type3A_2341 {offsets = [0, 32], sizes = [256, 16], strides = [1, 1]} : vector<256x128xbf16> to vector<256x16xbf16>
    %slice3A_2402 = vector.extract_strided_slice %convert_element_type3A_2344 {offsets = [0, 32], sizes = [256, 16], strides = [1, 1]} : vector<256x128xbf16> to vector<256x16xbf16>
    %slice3A_2403 = vector.extract_strided_slice %convert_element_type3A_2347 {offsets = [0, 32], sizes = [256, 16], strides = [1, 1]} : vector<256x128xbf16> to vector<256x16xbf16>
    %concatenate3A_2404 = tpu.concatenate %slice3A_2394, %slice3A_2395, %slice3A_2396, %slice3A_2397, %slice3A_2398, %slice3A_2399, %slice3A_2400, %slice3A_2401, %slice3A_2402, %slice3A_2403 in 0 : vector<256x16xbf16>, vector<256x16xbf16>, vector<256x16xbf16>, vector<256x16xbf16>, vector<256x16xbf16>, vector<256x16xbf16>, vector<256x16xbf16>, vector<256x16xbf16>, vector<256x16xbf16>, vector<256x16xbf16> -> vector<2560x16xbf16>
    %slice3A_2405 = vector.extract_strided_slice %convert_element_type3A_2320 {offsets = [0, 48], sizes = [256, 16], strides = [1, 1]} : vector<256x128xbf16> to vector<256x16xbf16>
    %slice3A_2406 = vector.extract_strided_slice %convert_element_type3A_2323 {offsets = [0, 48], sizes = [256, 16], strides = [1, 1]} : vector<256x128xbf16> to vector<256x16xbf16>
    %slice3A_2407 = vector.extract_strided_slice %convert_element_type3A_2326 {offsets = [0, 48], sizes = [256, 16], strides = [1, 1]} : vector<256x128xbf16> to vector<256x16xbf16>
    %slice3A_2408 = vector.extract_strided_slice %convert_element_type3A_2329 {offsets = [0, 48], sizes = [256, 16], strides = [1, 1]} : vector<256x128xbf16> to vector<256x16xbf16>
    %slice3A_2409 = vector.extract_strided_slice %convert_element_type3A_2332 {offsets = [0, 48], sizes = [256, 16], strides = [1, 1]} : vector<256x128xbf16> to vector<256x16xbf16>
    %slice3A_2410 = vector.extract_strided_slice %convert_element_type3A_2335 {offsets = [0, 48], sizes = [256, 16], strides = [1, 1]} : vector<256x128xbf16> to vector<256x16xbf16>
    %slice3A_2411 = vector.extract_strided_slice %convert_element_type3A_2338 {offsets = [0, 48], sizes = [256, 16], strides = [1, 1]} : vector<256x128xbf16> to vector<256x16xbf16>
    %slice3A_2412 = vector.extract_strided_slice %convert_element_type3A_2341 {offsets = [0, 48], sizes = [256, 16], strides = [1, 1]} : vector<256x128xbf16> to vector<256x16xbf16>
    %slice3A_2413 = vector.extract_strided_slice %convert_element_type3A_2344 {offsets = [0, 48], sizes = [256, 16], strides = [1, 1]} : vector<256x128xbf16> to vector<256x16xbf16>
    %slice3A_2414 = vector.extract_strided_slice %convert_element_type3A_2347 {offsets = [0, 48], sizes = [256, 16], strides = [1, 1]} : vector<256x128xbf16> to vector<256x16xbf16>
    %concatenate3A_2415 = tpu.concatenate %slice3A_2405, %slice3A_2406, %slice3A_2407, %slice3A_2408, %slice3A_2409, %slice3A_2410, %slice3A_2411, %slice3A_2412, %slice3A_2413, %slice3A_2414 in 0 : vector<256x16xbf16>, vector<256x16xbf16>, vector<256x16xbf16>, vector<256x16xbf16>, vector<256x16xbf16>, vector<256x16xbf16>, vector<256x16xbf16>, vector<256x16xbf16>, vector<256x16xbf16>, vector<256x16xbf16> -> vector<2560x16xbf16>
    %dot_general3A_2416 = arith.constant dense<0.000000e+00> : vector<256x2560xf32>
    %dot_general3A_2417 = tpu.matmul %slice3A_2368, %concatenate3A_2382, %dot_general3A_2416 {dimension_numbers = #tpu.dot_dimension_numbers<[1], [1], [0], [0], [0, 0, 1, 0], [], []>, transpose_lhs_hint = false} : vector<256x16xbf16>, vector<2560x16xbf16>, vector<256x2560xf32> -> vector<256x2560xf32>
    %dot_general3A_2418 = arith.constant dense<0.000000e+00> : vector<256x2560xf32>
    %dot_general3A_2419 = tpu.matmul %slice3A_2369, %concatenate3A_2393, %dot_general3A_2418 {dimension_numbers = #tpu.dot_dimension_numbers<[1], [1], [0], [0], [0, 0, 1, 0], [], []>, transpose_lhs_hint = false} : vector<256x16xbf16>, vector<2560x16xbf16>, vector<256x2560xf32> -> vector<256x2560xf32>
    %dot_general3A_2420 = arith.constant dense<0.000000e+00> : vector<256x2560xf32>
    %dot_general3A_2421 = tpu.matmul %slice3A_2370, %concatenate3A_2404, %dot_general3A_2420 {dimension_numbers = #tpu.dot_dimension_numbers<[1], [1], [0], [0], [0, 0, 1, 0], [], []>, transpose_lhs_hint = false} : vector<256x16xbf16>, vector<2560x16xbf16>, vector<256x2560xf32> -> vector<256x2560xf32>
    %dot_general3A_2422 = arith.constant dense<0.000000e+00> : vector<256x2560xf32>
    %dot_general3A_2423 = tpu.matmul %slice3A_2371, %concatenate3A_2415, %dot_general3A_2422 {dimension_numbers = #tpu.dot_dimension_numbers<[1], [1], [0], [0], [0, 0, 1, 0], [], []>, transpose_lhs_hint = false} : vector<256x16xbf16>, vector<2560x16xbf16>, vector<256x2560xf32> -> vector<256x2560xf32>
    %convert_element_type3A_2424 = arith.truncf %dot_general3A_2417 : vector<256x2560xf32> to vector<256x2560xbf16>
    %exp23A_2425 = math.exp2 %convert_element_type3A_2424 : vector<256x2560xbf16>
    %convert_element_type3A_2426 = arith.truncf %dot_general3A_2419 : vector<256x2560xf32> to vector<256x2560xbf16>
    %exp23A_2427 = math.exp2 %convert_element_type3A_2426 : vector<256x2560xbf16>
    %convert_element_type3A_2428 = arith.truncf %dot_general3A_2421 : vector<256x2560xf32> to vector<256x2560xbf16>
    %exp23A_2429 = math.exp2 %convert_element_type3A_2428 : vector<256x2560xbf16>
    %convert_element_type3A_2430 = arith.truncf %dot_general3A_2423 : vector<256x2560xf32> to vector<256x2560xbf16>
    %exp23A_2431 = math.exp2 %convert_element_type3A_2430 : vector<256x2560xbf16>
    %slice3A_2432 = vector.extract_strided_slice %exp23A_2425 {offsets = [0, 0], sizes = [256, 256], strides = [1, 1]} : vector<256x2560xbf16> to vector<256x256xbf16>
    %dot_general3A_2433 = arith.constant dense<0.000000e+00> : vector<256x65xf32>
    %dot_general3A_2434 = tpu.matmul %slice3A_2432, %concatenate3A_2349, %dot_general3A_2433 {dimension_numbers = #tpu.dot_dimension_numbers<[1], [0], [0], [1], [0, 0, 1, 1], [], []>, transpose_lhs_hint = false} : vector<256x256xbf16>, vector<256x65xbf16>, vector<256x65xf32> -> vector<256x65xf32>
    %slice3A_2435 = vector.extract_strided_slice %exp23A_2427 {offsets = [0, 0], sizes = [256, 256], strides = [1, 1]} : vector<256x2560xbf16> to vector<256x256xbf16>
    %dot_general3A_2436 = arith.constant dense<0.000000e+00> : vector<256x65xf32>
    %dot_general3A_2437 = tpu.matmul %slice3A_2435, %concatenate3A_2349, %dot_general3A_2436 {dimension_numbers = #tpu.dot_dimension_numbers<[1], [0], [0], [1], [0, 0, 1, 1], [], []>, transpose_lhs_hint = false} : vector<256x256xbf16>, vector<256x65xbf16>, vector<256x65xf32> -> vector<256x65xf32>
    %slice3A_2438 = vector.extract_strided_slice %exp23A_2429 {offsets = [0, 0], sizes = [256, 256], strides = [1, 1]} : vector<256x2560xbf16> to vector<256x256xbf16>
    %dot_general3A_2439 = arith.constant dense<0.000000e+00> : vector<256x65xf32>
    %dot_general3A_2440 = tpu.matmul %slice3A_2438, %concatenate3A_2349, %dot_general3A_2439 {dimension_numbers = #tpu.dot_dimension_numbers<[1], [0], [0], [1], [0, 0, 1, 1], [], []>, transpose_lhs_hint = false} : vector<256x256xbf16>, vector<256x65xbf16>, vector<256x65xf32> -> vector<256x65xf32>
    %slice3A_2441 = vector.extract_strided_slice %exp23A_2431 {offsets = [0, 0], sizes = [256, 256], strides = [1, 1]} : vector<256x2560xbf16> to vector<256x256xbf16>
    %dot_general3A_2442 = arith.constant dense<0.000000e+00> : vector<256x65xf32>
    %dot_general3A_2443 = tpu.matmul %slice3A_2441, %concatenate3A_2349, %dot_general3A_2442 {dimension_numbers = #tpu.dot_dimension_numbers<[1], [0], [0], [1], [0, 0, 1, 1], [], []>, transpose_lhs_hint = false} : vector<256x256xbf16>, vector<256x65xbf16>, vector<256x65xf32> -> vector<256x65xf32>
    %slice3A_2444 = vector.extract_strided_slice %exp23A_2425 {offsets = [0, 256], sizes = [256, 256], strides = [1, 1]} : vector<256x2560xbf16> to vector<256x256xbf16>
    %dot_general3A_2445 = arith.constant dense<0.000000e+00> : vector<256x65xf32>
    %dot_general3A_2446 = tpu.matmul %slice3A_2444, %concatenate3A_2351, %dot_general3A_2445 {dimension_numbers = #tpu.dot_dimension_numbers<[1], [0], [0], [1], [0, 0, 1, 1], [], []>, transpose_lhs_hint = false} : vector<256x256xbf16>, vector<256x65xbf16>, vector<256x65xf32> -> vector<256x65xf32>
    %slice3A_2447 = vector.extract_strided_slice %exp23A_2427 {offsets = [0, 256], sizes = [256, 256], strides = [1, 1]} : vector<256x2560xbf16> to vector<256x256xbf16>
    %dot_general3A_2448 = arith.constant dense<0.000000e+00> : vector<256x65xf32>
    %dot_general3A_2449 = tpu.matmul %slice3A_2447, %concatenate3A_2351, %dot_general3A_2448 {dimension_numbers = #tpu.dot_dimension_numbers<[1], [0], [0], [1], [0, 0, 1, 1], [], []>, transpose_lhs_hint = false} : vector<256x256xbf16>, vector<256x65xbf16>, vector<256x65xf32> -> vector<256x65xf32>
    %slice3A_2450 = vector.extract_strided_slice %exp23A_2429 {offsets = [0, 256], sizes = [256, 256], strides = [1, 1]} : vector<256x2560xbf16> to vector<256x256xbf16>
    %dot_general3A_2451 = arith.constant dense<0.000000e+00> : vector<256x65xf32>
    %dot_general3A_2452 = tpu.matmul %slice3A_2450, %concatenate3A_2351, %dot_general3A_2451 {dimension_numbers = #tpu.dot_dimension_numbers<[1], [0], [0], [1], [0, 0, 1, 1], [], []>, transpose_lhs_hint = false} : vector<256x256xbf16>, vector<256x65xbf16>, vector<256x65xf32> -> vector<256x65xf32>
    %slice3A_2453 = vector.extract_strided_slice %exp23A_2431 {offsets = [0, 256], sizes = [256, 256], strides = [1, 1]} : vector<256x2560xbf16> to vector<256x256xbf16>
    %dot_general3A_2454 = arith.constant dense<0.000000e+00> : vector<256x65xf32>
    %dot_general3A_2455 = tpu.matmul %slice3A_2453, %concatenate3A_2351, %dot_general3A_2454 {dimension_numbers = #tpu.dot_dimension_numbers<[1], [0], [0], [1], [0, 0, 1, 1], [], []>, transpose_lhs_hint = false} : vector<256x256xbf16>, vector<256x65xbf16>, vector<256x65xf32> -> vector<256x65xf32>
    %slice3A_2456 = vector.extract_strided_slice %exp23A_2425 {offsets = [0, 512], sizes = [256, 256], strides = [1, 1]} : vector<256x2560xbf16> to vector<256x256xbf16>
    %dot_general3A_2457 = arith.constant dense<0.000000e+00> : vector<256x65xf32>
    %dot_general3A_2458 = tpu.matmul %slice3A_2456, %concatenate3A_2353, %dot_general3A_2457 {dimension_numbers = #tpu.dot_dimension_numbers<[1], [0], [0], [1], [0, 0, 1, 1], [], []>, transpose_lhs_hint = false} : vector<256x256xbf16>, vector<256x65xbf16>, vector<256x65xf32> -> vector<256x65xf32>
    %slice3A_2459 = vector.extract_strided_slice %exp23A_2427 {offsets = [0, 512], sizes = [256, 256], strides = [1, 1]} : vector<256x2560xbf16> to vector<256x256xbf16>
    %dot_general3A_2460 = arith.constant dense<0.000000e+00> : vector<256x65xf32>
    %dot_general3A_2461 = tpu.matmul %slice3A_2459, %concatenate3A_2353, %dot_general3A_2460 {dimension_numbers = #tpu.dot_dimension_numbers<[1], [0], [0], [1], [0, 0, 1, 1], [], []>, transpose_lhs_hint = false} : vector<256x256xbf16>, vector<256x65xbf16>, vector<256x65xf32> -> vector<256x65xf32>
    %slice3A_2462 = vector.extract_strided_slice %exp23A_2429 {offsets = [0, 512], sizes = [256, 256], strides = [1, 1]} : vector<256x2560xbf16> to vector<256x256xbf16>
    %dot_general3A_2463 = arith.constant dense<0.000000e+00> : vector<256x65xf32>
    %dot_general3A_2464 = tpu.matmul %slice3A_2462, %concatenate3A_2353, %dot_general3A_2463 {dimension_numbers = #tpu.dot_dimension_numbers<[1], [0], [0], [1], [0, 0, 1, 1], [], []>, transpose_lhs_hint = false} : vector<256x256xbf16>, vector<256x65xbf16>, vector<256x65xf32> -> vector<256x65xf32>
    %slice3A_2465 = vector.extract_strided_slice %exp23A_2431 {offsets = [0, 512], sizes = [256, 256], strides = [1, 1]} : vector<256x2560xbf16> to vector<256x256xbf16>
    %dot_general3A_2466 = arith.constant dense<0.000000e+00> : vector<256x65xf32>
    %dot_general3A_2467 = tpu.matmul %slice3A_2465, %concatenate3A_2353, %dot_general3A_2466 {dimension_numbers = #tpu.dot_dimension_numbers<[1], [0], [0], [1], [0, 0, 1, 1], [], []>, transpose_lhs_hint = false} : vector<256x256xbf16>, vector<256x65xbf16>, vector<256x65xf32> -> vector<256x65xf32>
    %slice3A_2468 = vector.extract_strided_slice %exp23A_2425 {offsets = [0, 768], sizes = [256, 256], strides = [1, 1]} : vector<256x2560xbf16> to vector<256x256xbf16>
    %dot_general3A_2469 = arith.constant dense<0.000000e+00> : vector<256x65xf32>
    %dot_general3A_2470 = tpu.matmul %slice3A_2468, %concatenate3A_2355, %dot_general3A_2469 {dimension_numbers = #tpu.dot_dimension_numbers<[1], [0], [0], [1], [0, 0, 1, 1], [], []>, transpose_lhs_hint = false} : vector<256x256xbf16>, vector<256x65xbf16>, vector<256x65xf32> -> vector<256x65xf32>
    %slice3A_2471 = vector.extract_strided_slice %exp23A_2427 {offsets = [0, 768], sizes = [256, 256], strides = [1, 1]} : vector<256x2560xbf16> to vector<256x256xbf16>
    %dot_general3A_2472 = arith.constant dense<0.000000e+00> : vector<256x65xf32>
    %dot_general3A_2473 = tpu.matmul %slice3A_2471, %concatenate3A_2355, %dot_general3A_2472 {dimension_numbers = #tpu.dot_dimension_numbers<[1], [0], [0], [1], [0, 0, 1, 1], [], []>, transpose_lhs_hint = false} : vector<256x256xbf16>, vector<256x65xbf16>, vector<256x65xf32> -> vector<256x65xf32>
    %slice3A_2474 = vector.extract_strided_slice %exp23A_2429 {offsets = [0, 768], sizes = [256, 256], strides = [1, 1]} : vector<256x2560xbf16> to vector<256x256xbf16>
    %dot_general3A_2475 = arith.constant dense<0.000000e+00> : vector<256x65xf32>
    %dot_general3A_2476 = tpu.matmul %slice3A_2474, %concatenate3A_2355, %dot_general3A_2475 {dimension_numbers = #tpu.dot_dimension_numbers<[1], [0], [0], [1], [0, 0, 1, 1], [], []>, transpose_lhs_hint = false} : vector<256x256xbf16>, vector<256x65xbf16>, vector<256x65xf32> -> vector<256x65xf32>
    %slice3A_2477 = vector.extract_strided_slice %exp23A_2431 {offsets = [0, 768], sizes = [256, 256], strides = [1, 1]} : vector<256x2560xbf16> to vector<256x256xbf16>
    %dot_general3A_2478 = arith.constant dense<0.000000e+00> : vector<256x65xf32>
    %dot_general3A_2479 = tpu.matmul %slice3A_2477, %concatenate3A_2355, %dot_general3A_2478 {dimension_numbers = #tpu.dot_dimension_numbers<[1], [0], [0], [1], [0, 0, 1, 1], [], []>, transpose_lhs_hint = false} : vector<256x256xbf16>, vector<256x65xbf16>, vector<256x65xf32> -> vector<256x65xf32>
    %slice3A_2480 = vector.extract_strided_slice %exp23A_2425 {offsets = [0, 1024], sizes = [256, 256], strides = [1, 1]} : vector<256x2560xbf16> to vector<256x256xbf16>
    %dot_general3A_2481 = arith.constant dense<0.000000e+00> : vector<256x65xf32>
    %dot_general3A_2482 = tpu.matmul %slice3A_2480, %concatenate3A_2357, %dot_general3A_2481 {dimension_numbers = #tpu.dot_dimension_numbers<[1], [0], [0], [1], [0, 0, 1, 1], [], []>, transpose_lhs_hint = false} : vector<256x256xbf16>, vector<256x65xbf16>, vector<256x65xf32> -> vector<256x65xf32>
    %slice3A_2483 = vector.extract_strided_slice %exp23A_2427 {offsets = [0, 1024], sizes = [256, 256], strides = [1, 1]} : vector<256x2560xbf16> to vector<256x256xbf16>
    %dot_general3A_2484 = arith.constant dense<0.000000e+00> : vector<256x65xf32>
    %dot_general3A_2485 = tpu.matmul %slice3A_2483, %concatenate3A_2357, %dot_general3A_2484 {dimension_numbers = #tpu.dot_dimension_numbers<[1], [0], [0], [1], [0, 0, 1, 1], [], []>, transpose_lhs_hint = false} : vector<256x256xbf16>, vector<256x65xbf16>, vector<256x65xf32> -> vector<256x65xf32>
    %slice3A_2486 = vector.extract_strided_slice %exp23A_2429 {offsets = [0, 1024], sizes = [256, 256], strides = [1, 1]} : vector<256x2560xbf16> to vector<256x256xbf16>
    %dot_general3A_2487 = arith.constant dense<0.000000e+00> : vector<256x65xf32>
    %dot_general3A_2488 = tpu.matmul %slice3A_2486, %concatenate3A_2357, %dot_general3A_2487 {dimension_numbers = #tpu.dot_dimension_numbers<[1], [0], [0], [1], [0, 0, 1, 1], [], []>, transpose_lhs_hint = false} : vector<256x256xbf16>, vector<256x65xbf16>, vector<256x65xf32> -> vector<256x65xf32>
    %slice3A_2489 = vector.extract_strided_slice %exp23A_2431 {offsets = [0, 1024], sizes = [256, 256], strides = [1, 1]} : vector<256x2560xbf16> to vector<256x256xbf16>
    %dot_general3A_2490 = arith.constant dense<0.000000e+00> : vector<256x65xf32>
    %dot_general3A_2491 = tpu.matmul %slice3A_2489, %concatenate3A_2357, %dot_general3A_2490 {dimension_numbers = #tpu.dot_dimension_numbers<[1], [0], [0], [1], [0, 0, 1, 1], [], []>, transpose_lhs_hint = false} : vector<256x256xbf16>, vector<256x65xbf16>, vector<256x65xf32> -> vector<256x65xf32>
    %slice3A_2492 = vector.extract_strided_slice %exp23A_2425 {offsets = [0, 1280], sizes = [256, 256], strides = [1, 1]} : vector<256x2560xbf16> to vector<256x256xbf16>
    %dot_general3A_2493 = arith.constant dense<0.000000e+00> : vector<256x65xf32>
    %dot_general3A_2494 = tpu.matmul %slice3A_2492, %concatenate3A_2359, %dot_general3A_2493 {dimension_numbers = #tpu.dot_dimension_numbers<[1], [0], [0], [1], [0, 0, 1, 1], [], []>, transpose_lhs_hint = false} : vector<256x256xbf16>, vector<256x65xbf16>, vector<256x65xf32> -> vector<256x65xf32>
    %slice3A_2495 = vector.extract_strided_slice %exp23A_2427 {offsets = [0, 1280], sizes = [256, 256], strides = [1, 1]} : vector<256x2560xbf16> to vector<256x256xbf16>
    %dot_general3A_2496 = arith.constant dense<0.000000e+00> : vector<256x65xf32>
    %dot_general3A_2497 = tpu.matmul %slice3A_2495, %concatenate3A_2359, %dot_general3A_2496 {dimension_numbers = #tpu.dot_dimension_numbers<[1], [0], [0], [1], [0, 0, 1, 1], [], []>, transpose_lhs_hint = false} : vector<256x256xbf16>, vector<256x65xbf16>, vector<256x65xf32> -> vector<256x65xf32>
    %slice3A_2498 = vector.extract_strided_slice %exp23A_2429 {offsets = [0, 1280], sizes = [256, 256], strides = [1, 1]} : vector<256x2560xbf16> to vector<256x256xbf16>
    %dot_general3A_2499 = arith.constant dense<0.000000e+00> : vector<256x65xf32>
    %dot_general3A_2500 = tpu.matmul %slice3A_2498, %concatenate3A_2359, %dot_general3A_2499 {dimension_numbers = #tpu.dot_dimension_numbers<[1], [0], [0], [1], [0, 0, 1, 1], [], []>, transpose_lhs_hint = false} : vector<256x256xbf16>, vector<256x65xbf16>, vector<256x65xf32> -> vector<256x65xf32>
    %slice3A_2501 = vector.extract_strided_slice %exp23A_2431 {offsets = [0, 1280], sizes = [256, 256], strides = [1, 1]} : vector<256x2560xbf16> to vector<256x256xbf16>
    %dot_general3A_2502 = arith.constant dense<0.000000e+00> : vector<256x65xf32>
    %dot_general3A_2503 = tpu.matmul %slice3A_2501, %concatenate3A_2359, %dot_general3A_2502 {dimension_numbers = #tpu.dot_dimension_numbers<[1], [0], [0], [1], [0, 0, 1, 1], [], []>, transpose_lhs_hint = false} : vector<256x256xbf16>, vector<256x65xbf16>, vector<256x65xf32> -> vector<256x65xf32>
    %slice3A_2504 = vector.extract_strided_slice %exp23A_2425 {offsets = [0, 1536], sizes = [256, 256], strides = [1, 1]} : vector<256x2560xbf16> to vector<256x256xbf16>
    %dot_general3A_2505 = arith.constant dense<0.000000e+00> : vector<256x65xf32>
    %dot_general3A_2506 = tpu.matmul %slice3A_2504, %concatenate3A_2361, %dot_general3A_2505 {dimension_numbers = #tpu.dot_dimension_numbers<[1], [0], [0], [1], [0, 0, 1, 1], [], []>, transpose_lhs_hint = false} : vector<256x256xbf16>, vector<256x65xbf16>, vector<256x65xf32> -> vector<256x65xf32>
    %slice3A_2507 = vector.extract_strided_slice %exp23A_2427 {offsets = [0, 1536], sizes = [256, 256], strides = [1, 1]} : vector<256x2560xbf16> to vector<256x256xbf16>
    %dot_general3A_2508 = arith.constant dense<0.000000e+00> : vector<256x65xf32>
    %dot_general3A_2509 = tpu.matmul %slice3A_2507, %concatenate3A_2361, %dot_general3A_2508 {dimension_numbers = #tpu.dot_dimension_numbers<[1], [0], [0], [1], [0, 0, 1, 1], [], []>, transpose_lhs_hint = false} : vector<256x256xbf16>, vector<256x65xbf16>, vector<256x65xf32> -> vector<256x65xf32>
    %slice3A_2510 = vector.extract_strided_slice %exp23A_2429 {offsets = [0, 1536], sizes = [256, 256], strides = [1, 1]} : vector<256x2560xbf16> to vector<256x256xbf16>
    %dot_general3A_2511 = arith.constant dense<0.000000e+00> : vector<256x65xf32>
    %dot_general3A_2512 = tpu.matmul %slice3A_2510, %concatenate3A_2361, %dot_general3A_2511 {dimension_numbers = #tpu.dot_dimension_numbers<[1], [0], [0], [1], [0, 0, 1, 1], [], []>, transpose_lhs_hint = false} : vector<256x256xbf16>, vector<256x65xbf16>, vector<256x65xf32> -> vector<256x65xf32>
    %slice3A_2513 = vector.extract_strided_slice %exp23A_2431 {offsets = [0, 1536], sizes = [256, 256], strides = [1, 1]} : vector<256x2560xbf16> to vector<256x256xbf16>
    %dot_general3A_2514 = arith.constant dense<0.000000e+00> : vector<256x65xf32>
    %dot_general3A_2515 = tpu.matmul %slice3A_2513, %concatenate3A_2361, %dot_general3A_2514 {dimension_numbers = #tpu.dot_dimension_numbers<[1], [0], [0], [1], [0, 0, 1, 1], [], []>, transpose_lhs_hint = false} : vector<256x256xbf16>, vector<256x65xbf16>, vector<256x65xf32> -> vector<256x65xf32>
    %slice3A_2516 = vector.extract_strided_slice %exp23A_2425 {offsets = [0, 1792], sizes = [256, 256], strides = [1, 1]} : vector<256x2560xbf16> to vector<256x256xbf16>
    %dot_general3A_2517 = arith.constant dense<0.000000e+00> : vector<256x65xf32>
    %dot_general3A_2518 = tpu.matmul %slice3A_2516, %concatenate3A_2363, %dot_general3A_2517 {dimension_numbers = #tpu.dot_dimension_numbers<[1], [0], [0], [1], [0, 0, 1, 1], [], []>, transpose_lhs_hint = false} : vector<256x256xbf16>, vector<256x65xbf16>, vector<256x65xf32> -> vector<256x65xf32>
    %slice3A_2519 = vector.extract_strided_slice %exp23A_2427 {offsets = [0, 1792], sizes = [256, 256], strides = [1, 1]} : vector<256x2560xbf16> to vector<256x256xbf16>
    %dot_general3A_2520 = arith.constant dense<0.000000e+00> : vector<256x65xf32>
    %dot_general3A_2521 = tpu.matmul %slice3A_2519, %concatenate3A_2363, %dot_general3A_2520 {dimension_numbers = #tpu.dot_dimension_numbers<[1], [0], [0], [1], [0, 0, 1, 1], [], []>, transpose_lhs_hint = false} : vector<256x256xbf16>, vector<256x65xbf16>, vector<256x65xf32> -> vector<256x65xf32>
    %slice3A_2522 = vector.extract_strided_slice %exp23A_2429 {offsets = [0, 1792], sizes = [256, 256], strides = [1, 1]} : vector<256x2560xbf16> to vector<256x256xbf16>
    %dot_general3A_2523 = arith.constant dense<0.000000e+00> : vector<256x65xf32>
    %dot_general3A_2524 = tpu.matmul %slice3A_2522, %concatenate3A_2363, %dot_general3A_2523 {dimension_numbers = #tpu.dot_dimension_numbers<[1], [0], [0], [1], [0, 0, 1, 1], [], []>, transpose_lhs_hint = false} : vector<256x256xbf16>, vector<256x65xbf16>, vector<256x65xf32> -> vector<256x65xf32>
    %slice3A_2525 = vector.extract_strided_slice %exp23A_2431 {offsets = [0, 1792], sizes = [256, 256], strides = [1, 1]} : vector<256x2560xbf16> to vector<256x256xbf16>
    %dot_general3A_2526 = arith.constant dense<0.000000e+00> : vector<256x65xf32>
    %dot_general3A_2527 = tpu.matmul %slice3A_2525, %concatenate3A_2363, %dot_general3A_2526 {dimension_numbers = #tpu.dot_dimension_numbers<[1], [0], [0], [1], [0, 0, 1, 1], [], []>, transpose_lhs_hint = false} : vector<256x256xbf16>, vector<256x65xbf16>, vector<256x65xf32> -> vector<256x65xf32>
    %slice3A_2528 = vector.extract_strided_slice %exp23A_2425 {offsets = [0, 2048], sizes = [256, 256], strides = [1, 1]} : vector<256x2560xbf16> to vector<256x256xbf16>
    %dot_general3A_2529 = arith.constant dense<0.000000e+00> : vector<256x65xf32>
    %dot_general3A_2530 = tpu.matmul %slice3A_2528, %concatenate3A_2365, %dot_general3A_2529 {dimension_numbers = #tpu.dot_dimension_numbers<[1], [0], [0], [1], [0, 0, 1, 1], [], []>, transpose_lhs_hint = false} : vector<256x256xbf16>, vector<256x65xbf16>, vector<256x65xf32> -> vector<256x65xf32>
    %slice3A_2531 = vector.extract_strided_slice %exp23A_2427 {offsets = [0, 2048], sizes = [256, 256], strides = [1, 1]} : vector<256x2560xbf16> to vector<256x256xbf16>
    %dot_general3A_2532 = arith.constant dense<0.000000e+00> : vector<256x65xf32>
    %dot_general3A_2533 = tpu.matmul %slice3A_2531, %concatenate3A_2365, %dot_general3A_2532 {dimension_numbers = #tpu.dot_dimension_numbers<[1], [0], [0], [1], [0, 0, 1, 1], [], []>, transpose_lhs_hint = false} : vector<256x256xbf16>, vector<256x65xbf16>, vector<256x65xf32> -> vector<256x65xf32>
    %slice3A_2534 = vector.extract_strided_slice %exp23A_2429 {offsets = [0, 2048], sizes = [256, 256], strides = [1, 1]} : vector<256x2560xbf16> to vector<256x256xbf16>
    %dot_general3A_2535 = arith.constant dense<0.000000e+00> : vector<256x65xf32>
    %dot_general3A_2536 = tpu.matmul %slice3A_2534, %concatenate3A_2365, %dot_general3A_2535 {dimension_numbers = #tpu.dot_dimension_numbers<[1], [0], [0], [1], [0, 0, 1, 1], [], []>, transpose_lhs_hint = false} : vector<256x256xbf16>, vector<256x65xbf16>, vector<256x65xf32> -> vector<256x65xf32>
    %slice3A_2537 = vector.extract_strided_slice %exp23A_2431 {offsets = [0, 2048], sizes = [256, 256], strides = [1, 1]} : vector<256x2560xbf16> to vector<256x256xbf16>
    %dot_general3A_2538 = arith.constant dense<0.000000e+00> : vector<256x65xf32>
    %dot_general3A_2539 = tpu.matmul %slice3A_2537, %concatenate3A_2365, %dot_general3A_2538 {dimension_numbers = #tpu.dot_dimension_numbers<[1], [0], [0], [1], [0, 0, 1, 1], [], []>, transpose_lhs_hint = false} : vector<256x256xbf16>, vector<256x65xbf16>, vector<256x65xf32> -> vector<256x65xf32>
    %slice3A_2540 = vector.extract_strided_slice %exp23A_2425 {offsets = [0, 2304], sizes = [256, 256], strides = [1, 1]} : vector<256x2560xbf16> to vector<256x256xbf16>
    %dot_general3A_2541 = arith.constant dense<0.000000e+00> : vector<256x65xf32>
    %dot_general3A_2542 = tpu.matmul %slice3A_2540, %concatenate3A_2367, %dot_general3A_2541 {dimension_numbers = #tpu.dot_dimension_numbers<[1], [0], [0], [1], [0, 0, 1, 1], [], []>, transpose_lhs_hint = false} : vector<256x256xbf16>, vector<256x65xbf16>, vector<256x65xf32> -> vector<256x65xf32>
    %slice3A_2543 = vector.extract_strided_slice %exp23A_2427 {offsets = [0, 2304], sizes = [256, 256], strides = [1, 1]} : vector<256x2560xbf16> to vector<256x256xbf16>
    %dot_general3A_2544 = arith.constant dense<0.000000e+00> : vector<256x65xf32>
    %dot_general3A_2545 = tpu.matmul %slice3A_2543, %concatenate3A_2367, %dot_general3A_2544 {dimension_numbers = #tpu.dot_dimension_numbers<[1], [0], [0], [1], [0, 0, 1, 1], [], []>, transpose_lhs_hint = false} : vector<256x256xbf16>, vector<256x65xbf16>, vector<256x65xf32> -> vector<256x65xf32>
    %slice3A_2546 = vector.extract_strided_slice %exp23A_2429 {offsets = [0, 2304], sizes = [256, 256], strides = [1, 1]} : vector<256x2560xbf16> to vector<256x256xbf16>
    %dot_general3A_2547 = arith.constant dense<0.000000e+00> : vector<256x65xf32>
    %dot_general3A_2548 = tpu.matmul %slice3A_2546, %concatenate3A_2367, %dot_general3A_2547 {dimension_numbers = #tpu.dot_dimension_numbers<[1], [0], [0], [1], [0, 0, 1, 1], [], []>, transpose_lhs_hint = false} : vector<256x256xbf16>, vector<256x65xbf16>, vector<256x65xf32> -> vector<256x65xf32>
    %slice3A_2549 = vector.extract_strided_slice %exp23A_2431 {offsets = [0, 2304], sizes = [256, 256], strides = [1, 1]} : vector<256x2560xbf16> to vector<256x256xbf16>
    %dot_general3A_2550 = arith.constant dense<0.000000e+00> : vector<256x65xf32>
    %dot_general3A_2551 = tpu.matmul %slice3A_2549, %concatenate3A_2367, %dot_general3A_2550 {dimension_numbers = #tpu.dot_dimension_numbers<[1], [0], [0], [1], [0, 0, 1, 1], [], []>, transpose_lhs_hint = false} : vector<256x256xbf16>, vector<256x65xbf16>, vector<256x65xf32> -> vector<256x65xf32>
    %slice3A_2552 = vector.extract_strided_slice %dot_general3A_2434 {offsets = [0, 0], sizes = [256, 16], strides = [1, 1]} : vector<256x65xf32> to vector<256x16xf32>
    %slice3A_2553 = vector.extract_strided_slice %dot_general3A_2434 {offsets = [0, 64], sizes = [256, 1], strides = [1, 1]} : vector<256x65xf32> to vector<256x1xf32>
    %div3A_2554 = arith.constant 1.000000e+00 : f32
    %div3A_2555 = vector.broadcast %div3A_2554 : f32 to vector<256x1xf32>
    %div3A_2556 = arith.divf %div3A_2555, %slice3A_2553 : vector<256x1xf32>
    %mul3A_2557 = vector.broadcast %div3A_2556 : vector<256x1xf32> to vector<256x16xf32>
    %mul3A_2558 = arith.mulf %slice3A_2552, %mul3A_2557 : vector<256x16xf32>
    %slice3A_2559 = vector.extract_strided_slice %dot_general3A_2437 {offsets = [0, 16], sizes = [256, 16], strides = [1, 1]} : vector<256x65xf32> to vector<256x16xf32>
    %slice3A_2560 = vector.extract_strided_slice %dot_general3A_2437 {offsets = [0, 64], sizes = [256, 1], strides = [1, 1]} : vector<256x65xf32> to vector<256x1xf32>
    %div3A_2561 = arith.constant 1.000000e+00 : f32
    %div3A_2562 = vector.broadcast %div3A_2561 : f32 to vector<256x1xf32>
    %div3A_2563 = arith.divf %div3A_2562, %slice3A_2560 : vector<256x1xf32>
    %mul3A_2564 = vector.broadcast %div3A_2563 : vector<256x1xf32> to vector<256x16xf32>
    %mul3A_2565 = arith.mulf %slice3A_2559, %mul3A_2564 : vector<256x16xf32>
    %slice3A_2566 = vector.extract_strided_slice %dot_general3A_2440 {offsets = [0, 32], sizes = [256, 16], strides = [1, 1]} : vector<256x65xf32> to vector<256x16xf32>
    %slice3A_2567 = vector.extract_strided_slice %dot_general3A_2440 {offsets = [0, 64], sizes = [256, 1], strides = [1, 1]} : vector<256x65xf32> to vector<256x1xf32>
    %div3A_2568 = arith.constant 1.000000e+00 : f32
    %div3A_2569 = vector.broadcast %div3A_2568 : f32 to vector<256x1xf32>
    %div3A_2570 = arith.divf %div3A_2569, %slice3A_2567 : vector<256x1xf32>
    %mul3A_2571 = vector.broadcast %div3A_2570 : vector<256x1xf32> to vector<256x16xf32>
    %mul3A_2572 = arith.mulf %slice3A_2566, %mul3A_2571 : vector<256x16xf32>
    %slice3A_2573 = vector.extract_strided_slice %dot_general3A_2443 {offsets = [0, 48], sizes = [256, 16], strides = [1, 1]} : vector<256x65xf32> to vector<256x16xf32>
    %slice3A_2574 = vector.extract_strided_slice %dot_general3A_2443 {offsets = [0, 64], sizes = [256, 1], strides = [1, 1]} : vector<256x65xf32> to vector<256x1xf32>
    %div3A_2575 = arith.constant 1.000000e+00 : f32
    %div3A_2576 = vector.broadcast %div3A_2575 : f32 to vector<256x1xf32>
    %div3A_2577 = arith.divf %div3A_2576, %slice3A_2574 : vector<256x1xf32>
    %mul3A_2578 = vector.broadcast %div3A_2577 : vector<256x1xf32> to vector<256x16xf32>
    %mul3A_2579 = arith.mulf %slice3A_2573, %mul3A_2578 : vector<256x16xf32>
    %concatenate3A_2580 = tpu.concatenate %mul3A_2558, %mul3A_2565, %mul3A_2572, %mul3A_2579 in 1 : vector<256x16xf32>, vector<256x16xf32>, vector<256x16xf32>, vector<256x16xf32> -> vector<256x64xf32>
    %slice3A_2581 = vector.extract_strided_slice %dot_general3A_2446 {offsets = [0, 0], sizes = [256, 16], strides = [1, 1]} : vector<256x65xf32> to vector<256x16xf32>
    %slice3A_2582 = vector.extract_strided_slice %dot_general3A_2446 {offsets = [0, 64], sizes = [256, 1], strides = [1, 1]} : vector<256x65xf32> to vector<256x1xf32>
    %div3A_2583 = arith.constant 1.000000e+00 : f32
    %div3A_2584 = vector.broadcast %div3A_2583 : f32 to vector<256x1xf32>
    %div3A_2585 = arith.divf %div3A_2584, %slice3A_2582 : vector<256x1xf32>
    %mul3A_2586 = vector.broadcast %div3A_2585 : vector<256x1xf32> to vector<256x16xf32>
    %mul3A_2587 = arith.mulf %slice3A_2581, %mul3A_2586 : vector<256x16xf32>
    %slice3A_2588 = vector.extract_strided_slice %dot_general3A_2449 {offsets = [0, 16], sizes = [256, 16], strides = [1, 1]} : vector<256x65xf32> to vector<256x16xf32>
    %slice3A_2589 = vector.extract_strided_slice %dot_general3A_2449 {offsets = [0, 64], sizes = [256, 1], strides = [1, 1]} : vector<256x65xf32> to vector<256x1xf32>
    %div3A_2590 = arith.constant 1.000000e+00 : f32
    %div3A_2591 = vector.broadcast %div3A_2590 : f32 to vector<256x1xf32>
    %div3A_2592 = arith.divf %div3A_2591, %slice3A_2589 : vector<256x1xf32>
    %mul3A_2593 = vector.broadcast %div3A_2592 : vector<256x1xf32> to vector<256x16xf32>
    %mul3A_2594 = arith.mulf %slice3A_2588, %mul3A_2593 : vector<256x16xf32>
    %slice3A_2595 = vector.extract_strided_slice %dot_general3A_2452 {offsets = [0, 32], sizes = [256, 16], strides = [1, 1]} : vector<256x65xf32> to vector<256x16xf32>
    %slice3A_2596 = vector.extract_strided_slice %dot_general3A_2452 {offsets = [0, 64], sizes = [256, 1], strides = [1, 1]} : vector<256x65xf32> to vector<256x1xf32>
    %div3A_2597 = arith.constant 1.000000e+00 : f32
    %div3A_2598 = vector.broadcast %div3A_2597 : f32 to vector<256x1xf32>
    %div3A_2599 = arith.divf %div3A_2598, %slice3A_2596 : vector<256x1xf32>
    %mul3A_2600 = vector.broadcast %div3A_2599 : vector<256x1xf32> to vector<256x16xf32>
    %mul3A_2601 = arith.mulf %slice3A_2595, %mul3A_2600 : vector<256x16xf32>
    %slice3A_2602 = vector.extract_strided_slice %dot_general3A_2455 {offsets = [0, 48], sizes = [256, 16], strides = [1, 1]} : vector<256x65xf32> to vector<256x16xf32>
    %slice3A_2603 = vector.extract_strided_slice %dot_general3A_2455 {offsets = [0, 64], sizes = [256, 1], strides = [1, 1]} : vector<256x65xf32> to vector<256x1xf32>
    %div3A_2604 = arith.constant 1.000000e+00 : f32
    %div3A_2605 = vector.broadcast %div3A_2604 : f32 to vector<256x1xf32>
    %div3A_2606 = arith.divf %div3A_2605, %slice3A_2603 : vector<256x1xf32>
    %mul3A_2607 = vector.broadcast %div3A_2606 : vector<256x1xf32> to vector<256x16xf32>
    %mul3A_2608 = arith.mulf %slice3A_2602, %mul3A_2607 : vector<256x16xf32>
    %concatenate3A_2609 = tpu.concatenate %mul3A_2587, %mul3A_2594, %mul3A_2601, %mul3A_2608 in 1 : vector<256x16xf32>, vector<256x16xf32>, vector<256x16xf32>, vector<256x16xf32> -> vector<256x64xf32>
    %slice3A_2610 = vector.extract_strided_slice %dot_general3A_2458 {offsets = [0, 0], sizes = [256, 16], strides = [1, 1]} : vector<256x65xf32> to vector<256x16xf32>
    %slice3A_2611 = vector.extract_strided_slice %dot_general3A_2458 {offsets = [0, 64], sizes = [256, 1], strides = [1, 1]} : vector<256x65xf32> to vector<256x1xf32>
    %div3A_2612 = arith.constant 1.000000e+00 : f32
    %div3A_2613 = vector.broadcast %div3A_2612 : f32 to vector<256x1xf32>
    %div3A_2614 = arith.divf %div3A_2613, %slice3A_2611 : vector<256x1xf32>
    %mul3A_2615 = vector.broadcast %div3A_2614 : vector<256x1xf32> to vector<256x16xf32>
    %mul3A_2616 = arith.mulf %slice3A_2610, %mul3A_2615 : vector<256x16xf32>
    %slice3A_2617 = vector.extract_strided_slice %dot_general3A_2461 {offsets = [0, 16], sizes = [256, 16], strides = [1, 1]} : vector<256x65xf32> to vector<256x16xf32>
    %slice3A_2618 = vector.extract_strided_slice %dot_general3A_2461 {offsets = [0, 64], sizes = [256, 1], strides = [1, 1]} : vector<256x65xf32> to vector<256x1xf32>
    %div3A_2619 = arith.constant 1.000000e+00 : f32
    %div3A_2620 = vector.broadcast %div3A_2619 : f32 to vector<256x1xf32>
    %div3A_2621 = arith.divf %div3A_2620, %slice3A_2618 : vector<256x1xf32>
    %mul3A_2622 = vector.broadcast %div3A_2621 : vector<256x1xf32> to vector<256x16xf32>
    %mul3A_2623 = arith.mulf %slice3A_2617, %mul3A_2622 : vector<256x16xf32>
    %slice3A_2624 = vector.extract_strided_slice %dot_general3A_2464 {offsets = [0, 32], sizes = [256, 16], strides = [1, 1]} : vector<256x65xf32> to vector<256x16xf32>
    %slice3A_2625 = vector.extract_strided_slice %dot_general3A_2464 {offsets = [0, 64], sizes = [256, 1], strides = [1, 1]} : vector<256x65xf32> to vector<256x1xf32>
    %div3A_2626 = arith.constant 1.000000e+00 : f32
    %div3A_2627 = vector.broadcast %div3A_2626 : f32 to vector<256x1xf32>
    %div3A_2628 = arith.divf %div3A_2627, %slice3A_2625 : vector<256x1xf32>
    %mul3A_2629 = vector.broadcast %div3A_2628 : vector<256x1xf32> to vector<256x16xf32>
    %mul3A_2630 = arith.mulf %slice3A_2624, %mul3A_2629 : vector<256x16xf32>
    %slice3A_2631 = vector.extract_strided_slice %dot_general3A_2467 {offsets = [0, 48], sizes = [256, 16], strides = [1, 1]} : vector<256x65xf32> to vector<256x16xf32>
    %slice3A_2632 = vector.extract_strided_slice %dot_general3A_2467 {offsets = [0, 64], sizes = [256, 1], strides = [1, 1]} : vector<256x65xf32> to vector<256x1xf32>
    %div3A_2633 = arith.constant 1.000000e+00 : f32
    %div3A_2634 = vector.broadcast %div3A_2633 : f32 to vector<256x1xf32>
    %div3A_2635 = arith.divf %div3A_2634, %slice3A_2632 : vector<256x1xf32>
    %mul3A_2636 = vector.broadcast %div3A_2635 : vector<256x1xf32> to vector<256x16xf32>
    %mul3A_2637 = arith.mulf %slice3A_2631, %mul3A_2636 : vector<256x16xf32>
    %concatenate3A_2638 = tpu.concatenate %mul3A_2616, %mul3A_2623, %mul3A_2630, %mul3A_2637 in 1 : vector<256x16xf32>, vector<256x16xf32>, vector<256x16xf32>, vector<256x16xf32> -> vector<256x64xf32>
    %slice3A_2639 = vector.extract_strided_slice %dot_general3A_2470 {offsets = [0, 0], sizes = [256, 16], strides = [1, 1]} : vector<256x65xf32> to vector<256x16xf32>
    %slice3A_2640 = vector.extract_strided_slice %dot_general3A_2470 {offsets = [0, 64], sizes = [256, 1], strides = [1, 1]} : vector<256x65xf32> to vector<256x1xf32>
    %div3A_2641 = arith.constant 1.000000e+00 : f32
    %div3A_2642 = vector.broadcast %div3A_2641 : f32 to vector<256x1xf32>
    %div3A_2643 = arith.divf %div3A_2642, %slice3A_2640 : vector<256x1xf32>
    %mul3A_2644 = vector.broadcast %div3A_2643 : vector<256x1xf32> to vector<256x16xf32>
    %mul3A_2645 = arith.mulf %slice3A_2639, %mul3A_2644 : vector<256x16xf32>
    %slice3A_2646 = vector.extract_strided_slice %dot_general3A_2473 {offsets = [0, 16], sizes = [256, 16], strides = [1, 1]} : vector<256x65xf32> to vector<256x16xf32>
    %slice3A_2647 = vector.extract_strided_slice %dot_general3A_2473 {offsets = [0, 64], sizes = [256, 1], strides = [1, 1]} : vector<256x65xf32> to vector<256x1xf32>
    %div3A_2648 = arith.constant 1.000000e+00 : f32
    %div3A_2649 = vector.broadcast %div3A_2648 : f32 to vector<256x1xf32>
    %div3A_2650 = arith.divf %div3A_2649, %slice3A_2647 : vector<256x1xf32>
    %mul3A_2651 = vector.broadcast %div3A_2650 : vector<256x1xf32> to vector<256x16xf32>
    %mul3A_2652 = arith.mulf %slice3A_2646, %mul3A_2651 : vector<256x16xf32>
    %slice3A_2653 = vector.extract_strided_slice %dot_general3A_2476 {offsets = [0, 32], sizes = [256, 16], strides = [1, 1]} : vector<256x65xf32> to vector<256x16xf32>
    %slice3A_2654 = vector.extract_strided_slice %dot_general3A_2476 {offsets = [0, 64], sizes = [256, 1], strides = [1, 1]} : vector<256x65xf32> to vector<256x1xf32>
    %div3A_2655 = arith.constant 1.000000e+00 : f32
    %div3A_2656 = vector.broadcast %div3A_2655 : f32 to vector<256x1xf32>
    %div3A_2657 = arith.divf %div3A_2656, %slice3A_2654 : vector<256x1xf32>
    %mul3A_2658 = vector.broadcast %div3A_2657 : vector<256x1xf32> to vector<256x16xf32>
    %mul3A_2659 = arith.mulf %slice3A_2653, %mul3A_2658 : vector<256x16xf32>
    %slice3A_2660 = vector.extract_strided_slice %dot_general3A_2479 {offsets = [0, 48], sizes = [256, 16], strides = [1, 1]} : vector<256x65xf32> to vector<256x16xf32>
    %slice3A_2661 = vector.extract_strided_slice %dot_general3A_2479 {offsets = [0, 64], sizes = [256, 1], strides = [1, 1]} : vector<256x65xf32> to vector<256x1xf32>
    %div3A_2662 = arith.constant 1.000000e+00 : f32
    %div3A_2663 = vector.broadcast %div3A_2662 : f32 to vector<256x1xf32>
    %div3A_2664 = arith.divf %div3A_2663, %slice3A_2661 : vector<256x1xf32>
    %mul3A_2665 = vector.broadcast %div3A_2664 : vector<256x1xf32> to vector<256x16xf32>
    %mul3A_2666 = arith.mulf %slice3A_2660, %mul3A_2665 : vector<256x16xf32>
    %concatenate3A_2667 = tpu.concatenate %mul3A_2645, %mul3A_2652, %mul3A_2659, %mul3A_2666 in 1 : vector<256x16xf32>, vector<256x16xf32>, vector<256x16xf32>, vector<256x16xf32> -> vector<256x64xf32>
    %slice3A_2668 = vector.extract_strided_slice %dot_general3A_2482 {offsets = [0, 0], sizes = [256, 16], strides = [1, 1]} : vector<256x65xf32> to vector<256x16xf32>
    %slice3A_2669 = vector.extract_strided_slice %dot_general3A_2482 {offsets = [0, 64], sizes = [256, 1], strides = [1, 1]} : vector<256x65xf32> to vector<256x1xf32>
    %div3A_2670 = arith.constant 1.000000e+00 : f32
    %div3A_2671 = vector.broadcast %div3A_2670 : f32 to vector<256x1xf32>
    %div3A_2672 = arith.divf %div3A_2671, %slice3A_2669 : vector<256x1xf32>
    %mul3A_2673 = vector.broadcast %div3A_2672 : vector<256x1xf32> to vector<256x16xf32>
    %mul3A_2674 = arith.mulf %slice3A_2668, %mul3A_2673 : vector<256x16xf32>
    %slice3A_2675 = vector.extract_strided_slice %dot_general3A_2485 {offsets = [0, 16], sizes = [256, 16], strides = [1, 1]} : vector<256x65xf32> to vector<256x16xf32>
    %slice3A_2676 = vector.extract_strided_slice %dot_general3A_2485 {offsets = [0, 64], sizes = [256, 1], strides = [1, 1]} : vector<256x65xf32> to vector<256x1xf32>
    %div3A_2677 = arith.constant 1.000000e+00 : f32
    %div3A_2678 = vector.broadcast %div3A_2677 : f32 to vector<256x1xf32>
    %div3A_2679 = arith.divf %div3A_2678, %slice3A_2676 : vector<256x1xf32>
    %mul3A_2680 = vector.broadcast %div3A_2679 : vector<256x1xf32> to vector<256x16xf32>
    %mul3A_2681 = arith.mulf %slice3A_2675, %mul3A_2680 : vector<256x16xf32>
    %slice3A_2682 = vector.extract_strided_slice %dot_general3A_2488 {offsets = [0, 32], sizes = [256, 16], strides = [1, 1]} : vector<256x65xf32> to vector<256x16xf32>
    %slice3A_2683 = vector.extract_strided_slice %dot_general3A_2488 {offsets = [0, 64], sizes = [256, 1], strides = [1, 1]} : vector<256x65xf32> to vector<256x1xf32>
    %div3A_2684 = arith.constant 1.000000e+00 : f32
    %div3A_2685 = vector.broadcast %div3A_2684 : f32 to vector<256x1xf32>
    %div3A_2686 = arith.divf %div3A_2685, %slice3A_2683 : vector<256x1xf32>
    %mul3A_2687 = vector.broadcast %div3A_2686 : vector<256x1xf32> to vector<256x16xf32>
    %mul3A_2688 = arith.mulf %slice3A_2682, %mul3A_2687 : vector<256x16xf32>
    %slice3A_2689 = vector.extract_strided_slice %dot_general3A_2491 {offsets = [0, 48], sizes = [256, 16], strides = [1, 1]} : vector<256x65xf32> to vector<256x16xf32>
    %slice3A_2690 = vector.extract_strided_slice %dot_general3A_2491 {offsets = [0, 64], sizes = [256, 1], strides = [1, 1]} : vector<256x65xf32> to vector<256x1xf32>
    %div3A_2691 = arith.constant 1.000000e+00 : f32
    %div3A_2692 = vector.broadcast %div3A_2691 : f32 to vector<256x1xf32>
    %div3A_2693 = arith.divf %div3A_2692, %slice3A_2690 : vector<256x1xf32>
    %mul3A_2694 = vector.broadcast %div3A_2693 : vector<256x1xf32> to vector<256x16xf32>
    %mul3A_2695 = arith.mulf %slice3A_2689, %mul3A_2694 : vector<256x16xf32>
    %concatenate3A_2696 = tpu.concatenate %mul3A_2674, %mul3A_2681, %mul3A_2688, %mul3A_2695 in 1 : vector<256x16xf32>, vector<256x16xf32>, vector<256x16xf32>, vector<256x16xf32> -> vector<256x64xf32>
    %slice3A_2697 = vector.extract_strided_slice %dot_general3A_2494 {offsets = [0, 0], sizes = [256, 16], strides = [1, 1]} : vector<256x65xf32> to vector<256x16xf32>
    %slice3A_2698 = vector.extract_strided_slice %dot_general3A_2494 {offsets = [0, 64], sizes = [256, 1], strides = [1, 1]} : vector<256x65xf32> to vector<256x1xf32>
    %div3A_2699 = arith.constant 1.000000e+00 : f32
    %div3A_2700 = vector.broadcast %div3A_2699 : f32 to vector<256x1xf32>
    %div3A_2701 = arith.divf %div3A_2700, %slice3A_2698 : vector<256x1xf32>
    %mul3A_2702 = vector.broadcast %div3A_2701 : vector<256x1xf32> to vector<256x16xf32>
    %mul3A_2703 = arith.mulf %slice3A_2697, %mul3A_2702 : vector<256x16xf32>
    %slice3A_2704 = vector.extract_strided_slice %dot_general3A_2497 {offsets = [0, 16], sizes = [256, 16], strides = [1, 1]} : vector<256x65xf32> to vector<256x16xf32>
    %slice3A_2705 = vector.extract_strided_slice %dot_general3A_2497 {offsets = [0, 64], sizes = [256, 1], strides = [1, 1]} : vector<256x65xf32> to vector<256x1xf32>
    %div3A_2706 = arith.constant 1.000000e+00 : f32
    %div3A_2707 = vector.broadcast %div3A_2706 : f32 to vector<256x1xf32>
    %div3A_2708 = arith.divf %div3A_2707, %slice3A_2705 : vector<256x1xf32>
    %mul3A_2709 = vector.broadcast %div3A_2708 : vector<256x1xf32> to vector<256x16xf32>
    %mul3A_2710 = arith.mulf %slice3A_2704, %mul3A_2709 : vector<256x16xf32>
    %slice3A_2711 = vector.extract_strided_slice %dot_general3A_2500 {offsets = [0, 32], sizes = [256, 16], strides = [1, 1]} : vector<256x65xf32> to vector<256x16xf32>
    %slice3A_2712 = vector.extract_strided_slice %dot_general3A_2500 {offsets = [0, 64], sizes = [256, 1], strides = [1, 1]} : vector<256x65xf32> to vector<256x1xf32>
    %div3A_2713 = arith.constant 1.000000e+00 : f32
    %div3A_2714 = vector.broadcast %div3A_2713 : f32 to vector<256x1xf32>
    %div3A_2715 = arith.divf %div3A_2714, %slice3A_2712 : vector<256x1xf32>
    %mul3A_2716 = vector.broadcast %div3A_2715 : vector<256x1xf32> to vector<256x16xf32>
    %mul3A_2717 = arith.mulf %slice3A_2711, %mul3A_2716 : vector<256x16xf32>
    %slice3A_2718 = vector.extract_strided_slice %dot_general3A_2503 {offsets = [0, 48], sizes = [256, 16], strides = [1, 1]} : vector<256x65xf32> to vector<256x16xf32>
    %slice3A_2719 = vector.extract_strided_slice %dot_general3A_2503 {offsets = [0, 64], sizes = [256, 1], strides = [1, 1]} : vector<256x65xf32> to vector<256x1xf32>
    %div3A_2720 = arith.constant 1.000000e+00 : f32
    %div3A_2721 = vector.broadcast %div3A_2720 : f32 to vector<256x1xf32>
    %div3A_2722 = arith.divf %div3A_2721, %slice3A_2719 : vector<256x1xf32>
    %mul3A_2723 = vector.broadcast %div3A_2722 : vector<256x1xf32> to vector<256x16xf32>
    %mul3A_2724 = arith.mulf %slice3A_2718, %mul3A_2723 : vector<256x16xf32>
    %concatenate3A_2725 = tpu.concatenate %mul3A_2703, %mul3A_2710, %mul3A_2717, %mul3A_2724 in 1 : vector<256x16xf32>, vector<256x16xf32>, vector<256x16xf32>, vector<256x16xf32> -> vector<256x64xf32>
    %slice3A_2726 = vector.extract_strided_slice %dot_general3A_2506 {offsets = [0, 0], sizes = [256, 16], strides = [1, 1]} : vector<256x65xf32> to vector<256x16xf32>
    %slice3A_2727 = vector.extract_strided_slice %dot_general3A_2506 {offsets = [0, 64], sizes = [256, 1], strides = [1, 1]} : vector<256x65xf32> to vector<256x1xf32>
    %div3A_2728 = arith.constant 1.000000e+00 : f32
    %div3A_2729 = vector.broadcast %div3A_2728 : f32 to vector<256x1xf32>
    %div3A_2730 = arith.divf %div3A_2729, %slice3A_2727 : vector<256x1xf32>
    %mul3A_2731 = vector.broadcast %div3A_2730 : vector<256x1xf32> to vector<256x16xf32>
    %mul3A_2732 = arith.mulf %slice3A_2726, %mul3A_2731 : vector<256x16xf32>
    %slice3A_2733 = vector.extract_strided_slice %dot_general3A_2509 {offsets = [0, 16], sizes = [256, 16], strides = [1, 1]} : vector<256x65xf32> to vector<256x16xf32>
    %slice3A_2734 = vector.extract_strided_slice %dot_general3A_2509 {offsets = [0, 64], sizes = [256, 1], strides = [1, 1]} : vector<256x65xf32> to vector<256x1xf32>
    %div3A_2735 = arith.constant 1.000000e+00 : f32
    %div3A_2736 = vector.broadcast %div3A_2735 : f32 to vector<256x1xf32>
    %div3A_2737 = arith.divf %div3A_2736, %slice3A_2734 : vector<256x1xf32>
    %mul3A_2738 = vector.broadcast %div3A_2737 : vector<256x1xf32> to vector<256x16xf32>
    %mul3A_2739 = arith.mulf %slice3A_2733, %mul3A_2738 : vector<256x16xf32>
    %slice3A_2740 = vector.extract_strided_slice %dot_general3A_2512 {offsets = [0, 32], sizes = [256, 16], strides = [1, 1]} : vector<256x65xf32> to vector<256x16xf32>
    %slice3A_2741 = vector.extract_strided_slice %dot_general3A_2512 {offsets = [0, 64], sizes = [256, 1], strides = [1, 1]} : vector<256x65xf32> to vector<256x1xf32>
    %div3A_2742 = arith.constant 1.000000e+00 : f32
    %div3A_2743 = vector.broadcast %div3A_2742 : f32 to vector<256x1xf32>
    %div3A_2744 = arith.divf %div3A_2743, %slice3A_2741 : vector<256x1xf32>
    %mul3A_2745 = vector.broadcast %div3A_2744 : vector<256x1xf32> to vector<256x16xf32>
    %mul3A_2746 = arith.mulf %slice3A_2740, %mul3A_2745 : vector<256x16xf32>
    %slice3A_2747 = vector.extract_strided_slice %dot_general3A_2515 {offsets = [0, 48], sizes = [256, 16], strides = [1, 1]} : vector<256x65xf32> to vector<256x16xf32>
    %slice3A_2748 = vector.extract_strided_slice %dot_general3A_2515 {offsets = [0, 64], sizes = [256, 1], strides = [1, 1]} : vector<256x65xf32> to vector<256x1xf32>
    %div3A_2749 = arith.constant 1.000000e+00 : f32
    %div3A_2750 = vector.broadcast %div3A_2749 : f32 to vector<256x1xf32>
    %div3A_2751 = arith.divf %div3A_2750, %slice3A_2748 : vector<256x1xf32>
    %mul3A_2752 = vector.broadcast %div3A_2751 : vector<256x1xf32> to vector<256x16xf32>
    %mul3A_2753 = arith.mulf %slice3A_2747, %mul3A_2752 : vector<256x16xf32>
    %concatenate3A_2754 = tpu.concatenate %mul3A_2732, %mul3A_2739, %mul3A_2746, %mul3A_2753 in 1 : vector<256x16xf32>, vector<256x16xf32>, vector<256x16xf32>, vector<256x16xf32> -> vector<256x64xf32>
    %slice3A_2755 = vector.extract_strided_slice %dot_general3A_2518 {offsets = [0, 0], sizes = [256, 16], strides = [1, 1]} : vector<256x65xf32> to vector<256x16xf32>
    %slice3A_2756 = vector.extract_strided_slice %dot_general3A_2518 {offsets = [0, 64], sizes = [256, 1], strides = [1, 1]} : vector<256x65xf32> to vector<256x1xf32>
    %div3A_2757 = arith.constant 1.000000e+00 : f32
    %div3A_2758 = vector.broadcast %div3A_2757 : f32 to vector<256x1xf32>
    %div3A_2759 = arith.divf %div3A_2758, %slice3A_2756 : vector<256x1xf32>
    %mul3A_2760 = vector.broadcast %div3A_2759 : vector<256x1xf32> to vector<256x16xf32>
    %mul3A_2761 = arith.mulf %slice3A_2755, %mul3A_2760 : vector<256x16xf32>
    %slice3A_2762 = vector.extract_strided_slice %dot_general3A_2521 {offsets = [0, 16], sizes = [256, 16], strides = [1, 1]} : vector<256x65xf32> to vector<256x16xf32>
    %slice3A_2763 = vector.extract_strided_slice %dot_general3A_2521 {offsets = [0, 64], sizes = [256, 1], strides = [1, 1]} : vector<256x65xf32> to vector<256x1xf32>
    %div3A_2764 = arith.constant 1.000000e+00 : f32
    %div3A_2765 = vector.broadcast %div3A_2764 : f32 to vector<256x1xf32>
    %div3A_2766 = arith.divf %div3A_2765, %slice3A_2763 : vector<256x1xf32>
    %mul3A_2767 = vector.broadcast %div3A_2766 : vector<256x1xf32> to vector<256x16xf32>
    %mul3A_2768 = arith.mulf %slice3A_2762, %mul3A_2767 : vector<256x16xf32>
    %slice3A_2769 = vector.extract_strided_slice %dot_general3A_2524 {offsets = [0, 32], sizes = [256, 16], strides = [1, 1]} : vector<256x65xf32> to vector<256x16xf32>
    %slice3A_2770 = vector.extract_strided_slice %dot_general3A_2524 {offsets = [0, 64], sizes = [256, 1], strides = [1, 1]} : vector<256x65xf32> to vector<256x1xf32>
    %div3A_2771 = arith.constant 1.000000e+00 : f32
    %div3A_2772 = vector.broadcast %div3A_2771 : f32 to vector<256x1xf32>
    %div3A_2773 = arith.divf %div3A_2772, %slice3A_2770 : vector<256x1xf32>
    %mul3A_2774 = vector.broadcast %div3A_2773 : vector<256x1xf32> to vector<256x16xf32>
    %mul3A_2775 = arith.mulf %slice3A_2769, %mul3A_2774 : vector<256x16xf32>
    %slice3A_2776 = vector.extract_strided_slice %dot_general3A_2527 {offsets = [0, 48], sizes = [256, 16], strides = [1, 1]} : vector<256x65xf32> to vector<256x16xf32>
    %slice3A_2777 = vector.extract_strided_slice %dot_general3A_2527 {offsets = [0, 64], sizes = [256, 1], strides = [1, 1]} : vector<256x65xf32> to vector<256x1xf32>
    %div3A_2778 = arith.constant 1.000000e+00 : f32
    %div3A_2779 = vector.broadcast %div3A_2778 : f32 to vector<256x1xf32>
    %div3A_2780 = arith.divf %div3A_2779, %slice3A_2777 : vector<256x1xf32>
    %mul3A_2781 = vector.broadcast %div3A_2780 : vector<256x1xf32> to vector<256x16xf32>
    %mul3A_2782 = arith.mulf %slice3A_2776, %mul3A_2781 : vector<256x16xf32>
    %concatenate3A_2783 = tpu.concatenate %mul3A_2761, %mul3A_2768, %mul3A_2775, %mul3A_2782 in 1 : vector<256x16xf32>, vector<256x16xf32>, vector<256x16xf32>, vector<256x16xf32> -> vector<256x64xf32>
    %slice3A_2784 = vector.extract_strided_slice %dot_general3A_2530 {offsets = [0, 0], sizes = [256, 16], strides = [1, 1]} : vector<256x65xf32> to vector<256x16xf32>
    %slice3A_2785 = vector.extract_strided_slice %dot_general3A_2530 {offsets = [0, 64], sizes = [256, 1], strides = [1, 1]} : vector<256x65xf32> to vector<256x1xf32>
    %div3A_2786 = arith.constant 1.000000e+00 : f32
    %div3A_2787 = vector.broadcast %div3A_2786 : f32 to vector<256x1xf32>
    %div3A_2788 = arith.divf %div3A_2787, %slice3A_2785 : vector<256x1xf32>
    %mul3A_2789 = vector.broadcast %div3A_2788 : vector<256x1xf32> to vector<256x16xf32>
    %mul3A_2790 = arith.mulf %slice3A_2784, %mul3A_2789 : vector<256x16xf32>
    %slice3A_2791 = vector.extract_strided_slice %dot_general3A_2533 {offsets = [0, 16], sizes = [256, 16], strides = [1, 1]} : vector<256x65xf32> to vector<256x16xf32>
    %slice3A_2792 = vector.extract_strided_slice %dot_general3A_2533 {offsets = [0, 64], sizes = [256, 1], strides = [1, 1]} : vector<256x65xf32> to vector<256x1xf32>
    %div3A_2793 = arith.constant 1.000000e+00 : f32
    %div3A_2794 = vector.broadcast %div3A_2793 : f32 to vector<256x1xf32>
    %div3A_2795 = arith.divf %div3A_2794, %slice3A_2792 : vector<256x1xf32>
    %mul3A_2796 = vector.broadcast %div3A_2795 : vector<256x1xf32> to vector<256x16xf32>
    %mul3A_2797 = arith.mulf %slice3A_2791, %mul3A_2796 : vector<256x16xf32>
    %slice3A_2798 = vector.extract_strided_slice %dot_general3A_2536 {offsets = [0, 32], sizes = [256, 16], strides = [1, 1]} : vector<256x65xf32> to vector<256x16xf32>
    %slice3A_2799 = vector.extract_strided_slice %dot_general3A_2536 {offsets = [0, 64], sizes = [256, 1], strides = [1, 1]} : vector<256x65xf32> to vector<256x1xf32>
    %div3A_2800 = arith.constant 1.000000e+00 : f32
    %div3A_2801 = vector.broadcast %div3A_2800 : f32 to vector<256x1xf32>
    %div3A_2802 = arith.divf %div3A_2801, %slice3A_2799 : vector<256x1xf32>
    %mul3A_2803 = vector.broadcast %div3A_2802 : vector<256x1xf32> to vector<256x16xf32>
    %mul3A_2804 = arith.mulf %slice3A_2798, %mul3A_2803 : vector<256x16xf32>
    %slice3A_2805 = vector.extract_strided_slice %dot_general3A_2539 {offsets = [0, 48], sizes = [256, 16], strides = [1, 1]} : vector<256x65xf32> to vector<256x16xf32>
    %slice3A_2806 = vector.extract_strided_slice %dot_general3A_2539 {offsets = [0, 64], sizes = [256, 1], strides = [1, 1]} : vector<256x65xf32> to vector<256x1xf32>
    %div3A_2807 = arith.constant 1.000000e+00 : f32
    %div3A_2808 = vector.broadcast %div3A_2807 : f32 to vector<256x1xf32>
    %div3A_2809 = arith.divf %div3A_2808, %slice3A_2806 : vector<256x1xf32>
    %mul3A_2810 = vector.broadcast %div3A_2809 : vector<256x1xf32> to vector<256x16xf32>
    %mul3A_2811 = arith.mulf %slice3A_2805, %mul3A_2810 : vector<256x16xf32>
    %concatenate3A_2812 = tpu.concatenate %mul3A_2790, %mul3A_2797, %mul3A_2804, %mul3A_2811 in 1 : vector<256x16xf32>, vector<256x16xf32>, vector<256x16xf32>, vector<256x16xf32> -> vector<256x64xf32>
    %slice3A_2813 = vector.extract_strided_slice %dot_general3A_2542 {offsets = [0, 0], sizes = [256, 16], strides = [1, 1]} : vector<256x65xf32> to vector<256x16xf32>
    %slice3A_2814 = vector.extract_strided_slice %dot_general3A_2542 {offsets = [0, 64], sizes = [256, 1], strides = [1, 1]} : vector<256x65xf32> to vector<256x1xf32>
    %div3A_2815 = arith.constant 1.000000e+00 : f32
    %div3A_2816 = vector.broadcast %div3A_2815 : f32 to vector<256x1xf32>
    %div3A_2817 = arith.divf %div3A_2816, %slice3A_2814 : vector<256x1xf32>
    %mul3A_2818 = vector.broadcast %div3A_2817 : vector<256x1xf32> to vector<256x16xf32>
    %mul3A_2819 = arith.mulf %slice3A_2813, %mul3A_2818 : vector<256x16xf32>
    %slice3A_2820 = vector.extract_strided_slice %dot_general3A_2545 {offsets = [0, 16], sizes = [256, 16], strides = [1, 1]} : vector<256x65xf32> to vector<256x16xf32>
    %slice3A_2821 = vector.extract_strided_slice %dot_general3A_2545 {offsets = [0, 64], sizes = [256, 1], strides = [1, 1]} : vector<256x65xf32> to vector<256x1xf32>
    %div3A_2822 = arith.constant 1.000000e+00 : f32
    %div3A_2823 = vector.broadcast %div3A_2822 : f32 to vector<256x1xf32>
    %div3A_2824 = arith.divf %div3A_2823, %slice3A_2821 : vector<256x1xf32>
    %mul3A_2825 = vector.broadcast %div3A_2824 : vector<256x1xf32> to vector<256x16xf32>
    %mul3A_2826 = arith.mulf %slice3A_2820, %mul3A_2825 : vector<256x16xf32>
    %slice3A_2827 = vector.extract_strided_slice %dot_general3A_2548 {offsets = [0, 32], sizes = [256, 16], strides = [1, 1]} : vector<256x65xf32> to vector<256x16xf32>
    %slice3A_2828 = vector.extract_strided_slice %dot_general3A_2548 {offsets = [0, 64], sizes = [256, 1], strides = [1, 1]} : vector<256x65xf32> to vector<256x1xf32>
    %div3A_2829 = arith.constant 1.000000e+00 : f32
    %div3A_2830 = vector.broadcast %div3A_2829 : f32 to vector<256x1xf32>
    %div3A_2831 = arith.divf %div3A_2830, %slice3A_2828 : vector<256x1xf32>
    %mul3A_2832 = vector.broadcast %div3A_2831 : vector<256x1xf32> to vector<256x16xf32>
    %mul3A_2833 = arith.mulf %slice3A_2827, %mul3A_2832 : vector<256x16xf32>
    %slice3A_2834 = vector.extract_strided_slice %dot_general3A_2551 {offsets = [0, 48], sizes = [256, 16], strides = [1, 1]} : vector<256x65xf32> to vector<256x16xf32>
    %slice3A_2835 = vector.extract_strided_slice %dot_general3A_2551 {offsets = [0, 64], sizes = [256, 1], strides = [1, 1]} : vector<256x65xf32> to vector<256x1xf32>
    %div3A_2836 = arith.constant 1.000000e+00 : f32
    %div3A_2837 = vector.broadcast %div3A_2836 : f32 to vector<256x1xf32>
    %div3A_2838 = arith.divf %div3A_2837, %slice3A_2835 : vector<256x1xf32>
    %mul3A_2839 = vector.broadcast %div3A_2838 : vector<256x1xf32> to vector<256x16xf32>
    %mul3A_2840 = arith.mulf %slice3A_2834, %mul3A_2839 : vector<256x16xf32>
    %concatenate3A_2841 = tpu.concatenate %mul3A_2819, %mul3A_2826, %mul3A_2833, %mul3A_2840 in 1 : vector<256x16xf32>, vector<256x16xf32>, vector<256x16xf32>, vector<256x16xf32> -> vector<256x64xf32>
    %convert_element_type3A_2842 = arith.truncf %concatenate3A_2580 : vector<256x64xf32> to vector<256x64xbf16>
    %dot_general3A_2843 = arith.constant dense<0.000000e+00> : vector<256x64xf32>
    %dot_general3A_2844 = tpu.matmul %convert_element_type3A_2842, %get3A_16, %dot_general3A_2843 {dimension_numbers = #tpu.dot_dimension_numbers<[1], [0], [0], [1], [0, 0, 1, 1], [], []>, transpose_lhs_hint = false} : vector<256x64xbf16>, vector<64x64xbf16>, vector<256x64xf32> -> vector<256x64xf32>
    %add3A_2845 = arith.addf %get3A_4, %dot_general3A_2844 : vector<256x64xf32>
    %convert_element_type3A_2846 = arith.truncf %concatenate3A_2609 : vector<256x64xf32> to vector<256x64xbf16>
    %dot_general3A_2847 = arith.constant dense<0.000000e+00> : vector<256x64xf32>
    %dot_general3A_2848 = tpu.matmul %convert_element_type3A_2846, %get3A_16, %dot_general3A_2847 {dimension_numbers = #tpu.dot_dimension_numbers<[1], [0], [0], [1], [0, 0, 1, 1], [], []>, transpose_lhs_hint = false} : vector<256x64xbf16>, vector<64x64xbf16>, vector<256x64xf32> -> vector<256x64xf32>
    %add3A_2849 = arith.addf %get3A_4, %dot_general3A_2848 : vector<256x64xf32>
    %convert_element_type3A_2850 = arith.truncf %concatenate3A_2638 : vector<256x64xf32> to vector<256x64xbf16>
    %dot_general3A_2851 = arith.constant dense<0.000000e+00> : vector<256x64xf32>
    %dot_general3A_2852 = tpu.matmul %convert_element_type3A_2850, %get3A_16, %dot_general3A_2851 {dimension_numbers = #tpu.dot_dimension_numbers<[1], [0], [0], [1], [0, 0, 1, 1], [], []>, transpose_lhs_hint = false} : vector<256x64xbf16>, vector<64x64xbf16>, vector<256x64xf32> -> vector<256x64xf32>
    %add3A_2853 = arith.addf %get3A_4, %dot_general3A_2852 : vector<256x64xf32>
    %convert_element_type3A_2854 = arith.truncf %concatenate3A_2667 : vector<256x64xf32> to vector<256x64xbf16>
    %dot_general3A_2855 = arith.constant dense<0.000000e+00> : vector<256x64xf32>
    %dot_general3A_2856 = tpu.matmul %convert_element_type3A_2854, %get3A_16, %dot_general3A_2855 {dimension_numbers = #tpu.dot_dimension_numbers<[1], [0], [0], [1], [0, 0, 1, 1], [], []>, transpose_lhs_hint = false} : vector<256x64xbf16>, vector<64x64xbf16>, vector<256x64xf32> -> vector<256x64xf32>
    %add3A_2857 = arith.addf %get3A_4, %dot_general3A_2856 : vector<256x64xf32>
    %convert_element_type3A_2858 = arith.truncf %concatenate3A_2696 : vector<256x64xf32> to vector<256x64xbf16>
    %dot_general3A_2859 = arith.constant dense<0.000000e+00> : vector<256x64xf32>
    %dot_general3A_2860 = tpu.matmul %convert_element_type3A_2858, %get3A_16, %dot_general3A_2859 {dimension_numbers = #tpu.dot_dimension_numbers<[1], [0], [0], [1], [0, 0, 1, 1], [], []>, transpose_lhs_hint = false} : vector<256x64xbf16>, vector<64x64xbf16>, vector<256x64xf32> -> vector<256x64xf32>
    %add3A_2861 = arith.addf %get3A_4, %dot_general3A_2860 : vector<256x64xf32>
    %convert_element_type3A_2862 = arith.truncf %concatenate3A_2725 : vector<256x64xf32> to vector<256x64xbf16>
    %dot_general3A_2863 = arith.constant dense<0.000000e+00> : vector<256x64xf32>
    %dot_general3A_2864 = tpu.matmul %convert_element_type3A_2862, %get3A_16, %dot_general3A_2863 {dimension_numbers = #tpu.dot_dimension_numbers<[1], [0], [0], [1], [0, 0, 1, 1], [], []>, transpose_lhs_hint = false} : vector<256x64xbf16>, vector<64x64xbf16>, vector<256x64xf32> -> vector<256x64xf32>
    %add3A_2865 = arith.addf %get3A_4, %dot_general3A_2864 : vector<256x64xf32>
    %convert_element_type3A_2866 = arith.truncf %concatenate3A_2754 : vector<256x64xf32> to vector<256x64xbf16>
    %dot_general3A_2867 = arith.constant dense<0.000000e+00> : vector<256x64xf32>
    %dot_general3A_2868 = tpu.matmul %convert_element_type3A_2866, %get3A_16, %dot_general3A_2867 {dimension_numbers = #tpu.dot_dimension_numbers<[1], [0], [0], [1], [0, 0, 1, 1], [], []>, transpose_lhs_hint = false} : vector<256x64xbf16>, vector<64x64xbf16>, vector<256x64xf32> -> vector<256x64xf32>
    %add3A_2869 = arith.addf %get3A_4, %dot_general3A_2868 : vector<256x64xf32>
    %convert_element_type3A_2870 = arith.truncf %concatenate3A_2783 : vector<256x64xf32> to vector<256x64xbf16>
    %dot_general3A_2871 = arith.constant dense<0.000000e+00> : vector<256x64xf32>
    %dot_general3A_2872 = tpu.matmul %convert_element_type3A_2870, %get3A_16, %dot_general3A_2871 {dimension_numbers = #tpu.dot_dimension_numbers<[1], [0], [0], [1], [0, 0, 1, 1], [], []>, transpose_lhs_hint = false} : vector<256x64xbf16>, vector<64x64xbf16>, vector<256x64xf32> -> vector<256x64xf32>
    %add3A_2873 = arith.addf %get3A_4, %dot_general3A_2872 : vector<256x64xf32>
    %convert_element_type3A_2874 = arith.truncf %concatenate3A_2812 : vector<256x64xf32> to vector<256x64xbf16>
    %dot_general3A_2875 = arith.constant dense<0.000000e+00> : vector<256x64xf32>
    %dot_general3A_2876 = tpu.matmul %convert_element_type3A_2874, %get3A_16, %dot_general3A_2875 {dimension_numbers = #tpu.dot_dimension_numbers<[1], [0], [0], [1], [0, 0, 1, 1], [], []>, transpose_lhs_hint = false} : vector<256x64xbf16>, vector<64x64xbf16>, vector<256x64xf32> -> vector<256x64xf32>
    %add3A_2877 = arith.addf %get3A_4, %dot_general3A_2876 : vector<256x64xf32>
    %convert_element_type3A_2878 = arith.truncf %concatenate3A_2841 : vector<256x64xf32> to vector<256x64xbf16>
    %dot_general3A_2879 = arith.constant dense<0.000000e+00> : vector<256x64xf32>
    %dot_general3A_2880 = tpu.matmul %convert_element_type3A_2878, %get3A_16, %dot_general3A_2879 {dimension_numbers = #tpu.dot_dimension_numbers<[1], [0], [0], [1], [0, 0, 1, 1], [], []>, transpose_lhs_hint = false} : vector<256x64xbf16>, vector<64x64xbf16>, vector<256x64xf32> -> vector<256x64xf32>
    %add3A_2881 = arith.addf %get3A_4, %dot_general3A_2880 : vector<256x64xf32>
    %convert_element_type3A_2882 = arith.truncf %add3A_2845 : vector<256x64xf32> to vector<256x64xbf16>
    %dot_general3A_2883 = arith.constant dense<0.000000e+00> : vector<256x128xf32>
    %dot_general3A_2884 = tpu.matmul %convert_element_type3A_2882, %get3A_19, %dot_general3A_2883 {dimension_numbers = #tpu.dot_dimension_numbers<[1], [0], [0], [1], [0, 0, 1, 1], [], []>, transpose_lhs_hint = false} : vector<256x64xbf16>, vector<64x128xbf16>, vector<256x128xf32> -> vector<256x128xf32>
    %add3A_2885 = vector.broadcast %get3A_28 : vector<1x128xf32> to vector<256x128xf32>
    %add3A_2886 = arith.addf %dot_general3A_2884, %add3A_2885 : vector<256x128xf32>
    %max3A_2887 = arith.constant 0.000000e+00 : f32
    %max3A_2888 = vector.broadcast %max3A_2887 : f32 to vector<256x128xf32>
    %max3A_2889 = arith.maximumf %add3A_2886, %max3A_2888 : vector<256x128xf32>
    %convert_element_type3A_2890 = arith.truncf %add3A_2849 : vector<256x64xf32> to vector<256x64xbf16>
    %dot_general3A_2891 = arith.constant dense<0.000000e+00> : vector<256x128xf32>
    %dot_general3A_2892 = tpu.matmul %convert_element_type3A_2890, %get3A_19, %dot_general3A_2891 {dimension_numbers = #tpu.dot_dimension_numbers<[1], [0], [0], [1], [0, 0, 1, 1], [], []>, transpose_lhs_hint = false} : vector<256x64xbf16>, vector<64x128xbf16>, vector<256x128xf32> -> vector<256x128xf32>
    %add3A_2893 = vector.broadcast %get3A_28 : vector<1x128xf32> to vector<256x128xf32>
    %add3A_2894 = arith.addf %dot_general3A_2892, %add3A_2893 : vector<256x128xf32>
    %max3A_2895 = arith.constant 0.000000e+00 : f32
    %max3A_2896 = vector.broadcast %max3A_2895 : f32 to vector<256x128xf32>
    %max3A_2897 = arith.maximumf %add3A_2894, %max3A_2896 : vector<256x128xf32>
    %convert_element_type3A_2898 = arith.truncf %add3A_2853 : vector<256x64xf32> to vector<256x64xbf16>
    %dot_general3A_2899 = arith.constant dense<0.000000e+00> : vector<256x128xf32>
    %dot_general3A_2900 = tpu.matmul %convert_element_type3A_2898, %get3A_19, %dot_general3A_2899 {dimension_numbers = #tpu.dot_dimension_numbers<[1], [0], [0], [1], [0, 0, 1, 1], [], []>, transpose_lhs_hint = false} : vector<256x64xbf16>, vector<64x128xbf16>, vector<256x128xf32> -> vector<256x128xf32>
    %add3A_2901 = vector.broadcast %get3A_28 : vector<1x128xf32> to vector<256x128xf32>
    %add3A_2902 = arith.addf %dot_general3A_2900, %add3A_2901 : vector<256x128xf32>
    %max3A_2903 = arith.constant 0.000000e+00 : f32
    %max3A_2904 = vector.broadcast %max3A_2903 : f32 to vector<256x128xf32>
    %max3A_2905 = arith.maximumf %add3A_2902, %max3A_2904 : vector<256x128xf32>
    %convert_element_type3A_2906 = arith.truncf %add3A_2857 : vector<256x64xf32> to vector<256x64xbf16>
    %dot_general3A_2907 = arith.constant dense<0.000000e+00> : vector<256x128xf32>
    %dot_general3A_2908 = tpu.matmul %convert_element_type3A_2906, %get3A_19, %dot_general3A_2907 {dimension_numbers = #tpu.dot_dimension_numbers<[1], [0], [0], [1], [0, 0, 1, 1], [], []>, transpose_lhs_hint = false} : vector<256x64xbf16>, vector<64x128xbf16>, vector<256x128xf32> -> vector<256x128xf32>
    %add3A_2909 = vector.broadcast %get3A_28 : vector<1x128xf32> to vector<256x128xf32>
    %add3A_2910 = arith.addf %dot_general3A_2908, %add3A_2909 : vector<256x128xf32>
    %max3A_2911 = arith.constant 0.000000e+00 : f32
    %max3A_2912 = vector.broadcast %max3A_2911 : f32 to vector<256x128xf32>
    %max3A_2913 = arith.maximumf %add3A_2910, %max3A_2912 : vector<256x128xf32>
    %convert_element_type3A_2914 = arith.truncf %add3A_2861 : vector<256x64xf32> to vector<256x64xbf16>
    %dot_general3A_2915 = arith.constant dense<0.000000e+00> : vector<256x128xf32>
    %dot_general3A_2916 = tpu.matmul %convert_element_type3A_2914, %get3A_19, %dot_general3A_2915 {dimension_numbers = #tpu.dot_dimension_numbers<[1], [0], [0], [1], [0, 0, 1, 1], [], []>, transpose_lhs_hint = false} : vector<256x64xbf16>, vector<64x128xbf16>, vector<256x128xf32> -> vector<256x128xf32>
    %add3A_2917 = vector.broadcast %get3A_28 : vector<1x128xf32> to vector<256x128xf32>
    %add3A_2918 = arith.addf %dot_general3A_2916, %add3A_2917 : vector<256x128xf32>
    %max3A_2919 = arith.constant 0.000000e+00 : f32
    %max3A_2920 = vector.broadcast %max3A_2919 : f32 to vector<256x128xf32>
    %max3A_2921 = arith.maximumf %add3A_2918, %max3A_2920 : vector<256x128xf32>
    %convert_element_type3A_2922 = arith.truncf %add3A_2865 : vector<256x64xf32> to vector<256x64xbf16>
    %dot_general3A_2923 = arith.constant dense<0.000000e+00> : vector<256x128xf32>
    %dot_general3A_2924 = tpu.matmul %convert_element_type3A_2922, %get3A_19, %dot_general3A_2923 {dimension_numbers = #tpu.dot_dimension_numbers<[1], [0], [0], [1], [0, 0, 1, 1], [], []>, transpose_lhs_hint = false} : vector<256x64xbf16>, vector<64x128xbf16>, vector<256x128xf32> -> vector<256x128xf32>
    %add3A_2925 = vector.broadcast %get3A_28 : vector<1x128xf32> to vector<256x128xf32>
    %add3A_2926 = arith.addf %dot_general3A_2924, %add3A_2925 : vector<256x128xf32>
    %max3A_2927 = arith.constant 0.000000e+00 : f32
    %max3A_2928 = vector.broadcast %max3A_2927 : f32 to vector<256x128xf32>
    %max3A_2929 = arith.maximumf %add3A_2926, %max3A_2928 : vector<256x128xf32>
    %convert_element_type3A_2930 = arith.truncf %add3A_2869 : vector<256x64xf32> to vector<256x64xbf16>
    %dot_general3A_2931 = arith.constant dense<0.000000e+00> : vector<256x128xf32>
    %dot_general3A_2932 = tpu.matmul %convert_element_type3A_2930, %get3A_19, %dot_general3A_2931 {dimension_numbers = #tpu.dot_dimension_numbers<[1], [0], [0], [1], [0, 0, 1, 1], [], []>, transpose_lhs_hint = false} : vector<256x64xbf16>, vector<64x128xbf16>, vector<256x128xf32> -> vector<256x128xf32>
    %add3A_2933 = vector.broadcast %get3A_28 : vector<1x128xf32> to vector<256x128xf32>
    %add3A_2934 = arith.addf %dot_general3A_2932, %add3A_2933 : vector<256x128xf32>
    %max3A_2935 = arith.constant 0.000000e+00 : f32
    %max3A_2936 = vector.broadcast %max3A_2935 : f32 to vector<256x128xf32>
    %max3A_2937 = arith.maximumf %add3A_2934, %max3A_2936 : vector<256x128xf32>
    %convert_element_type3A_2938 = arith.truncf %add3A_2873 : vector<256x64xf32> to vector<256x64xbf16>
    %dot_general3A_2939 = arith.constant dense<0.000000e+00> : vector<256x128xf32>
    %dot_general3A_2940 = tpu.matmul %convert_element_type3A_2938, %get3A_19, %dot_general3A_2939 {dimension_numbers = #tpu.dot_dimension_numbers<[1], [0], [0], [1], [0, 0, 1, 1], [], []>, transpose_lhs_hint = false} : vector<256x64xbf16>, vector<64x128xbf16>, vector<256x128xf32> -> vector<256x128xf32>
    %add3A_2941 = vector.broadcast %get3A_28 : vector<1x128xf32> to vector<256x128xf32>
    %add3A_2942 = arith.addf %dot_general3A_2940, %add3A_2941 : vector<256x128xf32>
    %max3A_2943 = arith.constant 0.000000e+00 : f32
    %max3A_2944 = vector.broadcast %max3A_2943 : f32 to vector<256x128xf32>
    %max3A_2945 = arith.maximumf %add3A_2942, %max3A_2944 : vector<256x128xf32>
    %convert_element_type3A_2946 = arith.truncf %add3A_2877 : vector<256x64xf32> to vector<256x64xbf16>
    %dot_general3A_2947 = arith.constant dense<0.000000e+00> : vector<256x128xf32>
    %dot_general3A_2948 = tpu.matmul %convert_element_type3A_2946, %get3A_19, %dot_general3A_2947 {dimension_numbers = #tpu.dot_dimension_numbers<[1], [0], [0], [1], [0, 0, 1, 1], [], []>, transpose_lhs_hint = false} : vector<256x64xbf16>, vector<64x128xbf16>, vector<256x128xf32> -> vector<256x128xf32>
    %add3A_2949 = vector.broadcast %get3A_28 : vector<1x128xf32> to vector<256x128xf32>
    %add3A_2950 = arith.addf %dot_general3A_2948, %add3A_2949 : vector<256x128xf32>
    %max3A_2951 = arith.constant 0.000000e+00 : f32
    %max3A_2952 = vector.broadcast %max3A_2951 : f32 to vector<256x128xf32>
    %max3A_2953 = arith.maximumf %add3A_2950, %max3A_2952 : vector<256x128xf32>
    %convert_element_type3A_2954 = arith.truncf %add3A_2881 : vector<256x64xf32> to vector<256x64xbf16>
    %dot_general3A_2955 = arith.constant dense<0.000000e+00> : vector<256x128xf32>
    %dot_general3A_2956 = tpu.matmul %convert_element_type3A_2954, %get3A_19, %dot_general3A_2955 {dimension_numbers = #tpu.dot_dimension_numbers<[1], [0], [0], [1], [0, 0, 1, 1], [], []>, transpose_lhs_hint = false} : vector<256x64xbf16>, vector<64x128xbf16>, vector<256x128xf32> -> vector<256x128xf32>
    %add3A_2957 = vector.broadcast %get3A_28 : vector<1x128xf32> to vector<256x128xf32>
    %add3A_2958 = arith.addf %dot_general3A_2956, %add3A_2957 : vector<256x128xf32>
    %max3A_2959 = arith.constant 0.000000e+00 : f32
    %max3A_2960 = vector.broadcast %max3A_2959 : f32 to vector<256x128xf32>
    %max3A_2961 = arith.maximumf %add3A_2958, %max3A_2960 : vector<256x128xf32>
    %convert_element_type3A_2962 = arith.truncf %max3A_2889 : vector<256x128xf32> to vector<256x128xbf16>
    %dot_general3A_2963 = arith.constant dense<0.000000e+00> : vector<256x64xf32>
    %dot_general3A_2964 = tpu.matmul %convert_element_type3A_2962, %get3A_22, %dot_general3A_2963 {dimension_numbers = #tpu.dot_dimension_numbers<[1], [0], [0], [1], [0, 0, 1, 1], [], []>, transpose_lhs_hint = false} : vector<256x128xbf16>, vector<128x64xbf16>, vector<256x64xf32> -> vector<256x64xf32>
    %add3A_2965 = arith.addf %add3A_2845, %dot_general3A_2964 : vector<256x64xf32>
    %add3A_2966 = vector.broadcast %get3A_31 : vector<1x64xf32> to vector<256x64xf32>
    %add3A_2967 = arith.addf %add3A_2965, %add3A_2966 : vector<256x64xf32>
    %convert_element_type3A_2968 = arith.truncf %max3A_2897 : vector<256x128xf32> to vector<256x128xbf16>
    %dot_general3A_2969 = arith.constant dense<0.000000e+00> : vector<256x64xf32>
    %dot_general3A_2970 = tpu.matmul %convert_element_type3A_2968, %get3A_22, %dot_general3A_2969 {dimension_numbers = #tpu.dot_dimension_numbers<[1], [0], [0], [1], [0, 0, 1, 1], [], []>, transpose_lhs_hint = false} : vector<256x128xbf16>, vector<128x64xbf16>, vector<256x64xf32> -> vector<256x64xf32>
    %add3A_2971 = arith.addf %add3A_2849, %dot_general3A_2970 : vector<256x64xf32>
    %add3A_2972 = vector.broadcast %get3A_31 : vector<1x64xf32> to vector<256x64xf32>
    %add3A_2973 = arith.addf %add3A_2971, %add3A_2972 : vector<256x64xf32>
    %convert_element_type3A_2974 = arith.truncf %max3A_2905 : vector<256x128xf32> to vector<256x128xbf16>
    %dot_general3A_2975 = arith.constant dense<0.000000e+00> : vector<256x64xf32>
    %dot_general3A_2976 = tpu.matmul %convert_element_type3A_2974, %get3A_22, %dot_general3A_2975 {dimension_numbers = #tpu.dot_dimension_numbers<[1], [0], [0], [1], [0, 0, 1, 1], [], []>, transpose_lhs_hint = false} : vector<256x128xbf16>, vector<128x64xbf16>, vector<256x64xf32> -> vector<256x64xf32>
    %add3A_2977 = arith.addf %add3A_2853, %dot_general3A_2976 : vector<256x64xf32>
    %add3A_2978 = vector.broadcast %get3A_31 : vector<1x64xf32> to vector<256x64xf32>
    %add3A_2979 = arith.addf %add3A_2977, %add3A_2978 : vector<256x64xf32>
    %convert_element_type3A_2980 = arith.truncf %max3A_2913 : vector<256x128xf32> to vector<256x128xbf16>
    %dot_general3A_2981 = arith.constant dense<0.000000e+00> : vector<256x64xf32>
    %dot_general3A_2982 = tpu.matmul %convert_element_type3A_2980, %get3A_22, %dot_general3A_2981 {dimension_numbers = #tpu.dot_dimension_numbers<[1], [0], [0], [1], [0, 0, 1, 1], [], []>, transpose_lhs_hint = false} : vector<256x128xbf16>, vector<128x64xbf16>, vector<256x64xf32> -> vector<256x64xf32>
    %add3A_2983 = arith.addf %add3A_2857, %dot_general3A_2982 : vector<256x64xf32>
    %add3A_2984 = vector.broadcast %get3A_31 : vector<1x64xf32> to vector<256x64xf32>
    %add3A_2985 = arith.addf %add3A_2983, %add3A_2984 : vector<256x64xf32>
    %convert_element_type3A_2986 = arith.truncf %max3A_2921 : vector<256x128xf32> to vector<256x128xbf16>
    %dot_general3A_2987 = arith.constant dense<0.000000e+00> : vector<256x64xf32>
    %dot_general3A_2988 = tpu.matmul %convert_element_type3A_2986, %get3A_22, %dot_general3A_2987 {dimension_numbers = #tpu.dot_dimension_numbers<[1], [0], [0], [1], [0, 0, 1, 1], [], []>, transpose_lhs_hint = false} : vector<256x128xbf16>, vector<128x64xbf16>, vector<256x64xf32> -> vector<256x64xf32>
    %add3A_2989 = arith.addf %add3A_2861, %dot_general3A_2988 : vector<256x64xf32>
    %add3A_2990 = vector.broadcast %get3A_31 : vector<1x64xf32> to vector<256x64xf32>
    %add3A_2991 = arith.addf %add3A_2989, %add3A_2990 : vector<256x64xf32>
    %convert_element_type3A_2992 = arith.truncf %max3A_2929 : vector<256x128xf32> to vector<256x128xbf16>
    %dot_general3A_2993 = arith.constant dense<0.000000e+00> : vector<256x64xf32>
    %dot_general3A_2994 = tpu.matmul %convert_element_type3A_2992, %get3A_22, %dot_general3A_2993 {dimension_numbers = #tpu.dot_dimension_numbers<[1], [0], [0], [1], [0, 0, 1, 1], [], []>, transpose_lhs_hint = false} : vector<256x128xbf16>, vector<128x64xbf16>, vector<256x64xf32> -> vector<256x64xf32>
    %add3A_2995 = arith.addf %add3A_2865, %dot_general3A_2994 : vector<256x64xf32>
    %add3A_2996 = vector.broadcast %get3A_31 : vector<1x64xf32> to vector<256x64xf32>
    %add3A_2997 = arith.addf %add3A_2995, %add3A_2996 : vector<256x64xf32>
    %convert_element_type3A_2998 = arith.truncf %max3A_2937 : vector<256x128xf32> to vector<256x128xbf16>
    %dot_general3A_2999 = arith.constant dense<0.000000e+00> : vector<256x64xf32>
    %dot_general3A_3000 = tpu.matmul %convert_element_type3A_2998, %get3A_22, %dot_general3A_2999 {dimension_numbers = #tpu.dot_dimension_numbers<[1], [0], [0], [1], [0, 0, 1, 1], [], []>, transpose_lhs_hint = false} : vector<256x128xbf16>, vector<128x64xbf16>, vector<256x64xf32> -> vector<256x64xf32>
    %add3A_3001 = arith.addf %add3A_2869, %dot_general3A_3000 : vector<256x64xf32>
    %add3A_3002 = vector.broadcast %get3A_31 : vector<1x64xf32> to vector<256x64xf32>
    %add3A_3003 = arith.addf %add3A_3001, %add3A_3002 : vector<256x64xf32>
    %convert_element_type3A_3004 = arith.truncf %max3A_2945 : vector<256x128xf32> to vector<256x128xbf16>
    %dot_general3A_3005 = arith.constant dense<0.000000e+00> : vector<256x64xf32>
    %dot_general3A_3006 = tpu.matmul %convert_element_type3A_3004, %get3A_22, %dot_general3A_3005 {dimension_numbers = #tpu.dot_dimension_numbers<[1], [0], [0], [1], [0, 0, 1, 1], [], []>, transpose_lhs_hint = false} : vector<256x128xbf16>, vector<128x64xbf16>, vector<256x64xf32> -> vector<256x64xf32>
    %add3A_3007 = arith.addf %add3A_2873, %dot_general3A_3006 : vector<256x64xf32>
    %add3A_3008 = vector.broadcast %get3A_31 : vector<1x64xf32> to vector<256x64xf32>
    %add3A_3009 = arith.addf %add3A_3007, %add3A_3008 : vector<256x64xf32>
    %convert_element_type3A_3010 = arith.truncf %max3A_2953 : vector<256x128xf32> to vector<256x128xbf16>
    %dot_general3A_3011 = arith.constant dense<0.000000e+00> : vector<256x64xf32>
    %dot_general3A_3012 = tpu.matmul %convert_element_type3A_3010, %get3A_22, %dot_general3A_3011 {dimension_numbers = #tpu.dot_dimension_numbers<[1], [0], [0], [1], [0, 0, 1, 1], [], []>, transpose_lhs_hint = false} : vector<256x128xbf16>, vector<128x64xbf16>, vector<256x64xf32> -> vector<256x64xf32>
    %add3A_3013 = arith.addf %add3A_2877, %dot_general3A_3012 : vector<256x64xf32>
    %add3A_3014 = vector.broadcast %get3A_31 : vector<1x64xf32> to vector<256x64xf32>
    %add3A_3015 = arith.addf %add3A_3013, %add3A_3014 : vector<256x64xf32>
    %convert_element_type3A_3016 = arith.truncf %max3A_2961 : vector<256x128xf32> to vector<256x128xbf16>
    %dot_general3A_3017 = arith.constant dense<0.000000e+00> : vector<256x64xf32>
    %dot_general3A_3018 = tpu.matmul %convert_element_type3A_3016, %get3A_22, %dot_general3A_3017 {dimension_numbers = #tpu.dot_dimension_numbers<[1], [0], [0], [1], [0, 0, 1, 1], [], []>, transpose_lhs_hint = false} : vector<256x128xbf16>, vector<128x64xbf16>, vector<256x64xf32> -> vector<256x64xf32>
    %add3A_3019 = arith.addf %add3A_2881, %dot_general3A_3018 : vector<256x64xf32>
    %add3A_3020 = vector.broadcast %get3A_31 : vector<1x64xf32> to vector<256x64xf32>
    %add3A_3021 = arith.addf %add3A_3019, %add3A_3020 : vector<256x64xf32>
    %convert_element_type3A_3022 = arith.truncf %add3A_2967 : vector<256x64xf32> to vector<256x64xbf16>
    %convert_element_type3A_3023 = arith.truncf %add3A_2973 : vector<256x64xf32> to vector<256x64xbf16>
    %convert_element_type3A_3024 = arith.truncf %add3A_2979 : vector<256x64xf32> to vector<256x64xbf16>
    %convert_element_type3A_3025 = arith.truncf %add3A_2985 : vector<256x64xf32> to vector<256x64xbf16>
    %convert_element_type3A_3026 = arith.truncf %add3A_2991 : vector<256x64xf32> to vector<256x64xbf16>
    %convert_element_type3A_3027 = arith.truncf %add3A_2997 : vector<256x64xf32> to vector<256x64xbf16>
    %convert_element_type3A_3028 = arith.truncf %add3A_3003 : vector<256x64xf32> to vector<256x64xbf16>
    %convert_element_type3A_3029 = arith.truncf %add3A_3009 : vector<256x64xf32> to vector<256x64xbf16>
    %convert_element_type3A_3030 = arith.truncf %add3A_3015 : vector<256x64xf32> to vector<256x64xbf16>
    %convert_element_type3A_3031 = arith.truncf %add3A_3021 : vector<256x64xf32> to vector<256x64xbf16>
    %concatenate3A_3032 = tpu.concatenate %convert_element_type3A_3022, %convert_element_type3A_3023, %convert_element_type3A_3024, %convert_element_type3A_3025, %convert_element_type3A_3026, %convert_element_type3A_3027, %convert_element_type3A_3028, %convert_element_type3A_3029, %convert_element_type3A_3030, %convert_element_type3A_3031 in 1 : vector<256x64xbf16>, vector<256x64xbf16>, vector<256x64xbf16>, vector<256x64xbf16>, vector<256x64xbf16>, vector<256x64xbf16>, vector<256x64xbf16>, vector<256x64xbf16>, vector<256x64xbf16>, vector<256x64xbf16> -> vector<256x640xbf16>
    %dot_general3A_3033 = arith.constant dense<0.000000e+00> : vector<256x60xf32>
    %dot_general3A_3034 = tpu.matmul %concatenate3A_3032, %get3A_25, %dot_general3A_3033 {dimension_numbers = #tpu.dot_dimension_numbers<[1], [0], [0], [1], [0, 0, 1, 1], [], []>, transpose_lhs_hint = false} : vector<256x640xbf16>, vector<640x60xbf16>, vector<256x60xf32> -> vector<256x60xf32>
    %add3A_3035 = vector.broadcast %get3A_34 : vector<1x60xf32> to vector<256x60xf32>
    %add3A_3036 = arith.addf %dot_general3A_3034, %add3A_3035 : vector<256x60xf32>
    %swap3A_3037 = arith.constant 3 : index
    %swap3A_3038 = arith.constant 0 : index
    %swap3A_3039 = arith.constant 0 : index
    %swap3A_3040 = vector.load %arg15[%swap3A_3037, %swap3A_3038, %swap3A_3039] : memref<4x256x60xf32, #tpu.memory_space<vmem>>, vector<1x256x60xf32>
    %swap3A_3041 = vector.shape_cast %swap3A_3040 : vector<1x256x60xf32> to vector<256x60xf32>
    %swap3A_3042 = vector.shape_cast %add3A_3036 : vector<256x60xf32> to vector<1x256x60xf32>
    tpu.vector_store %arg15[%swap3A_3037, %swap3A_3038, %swap3A_3039], %swap3A_3042 {strides = array<i32>} : memref<4x256x60xf32, #tpu.memory_space<vmem>>, vector<1x256x60xf32>,
    %get3A_3043 = arith.constant 3 : index
    %get3A_3044 = arith.constant 0 : index
    %get3A_3045 = arith.constant 0 : index
    %get3A_3046 = vector.load %arg2[%get3A_3043, %get3A_3044, %get3A_3045] : memref<4x256x60xf32, #tpu.memory_space<vmem>>, vector<1x256x60xf32>
    %get3A_3047 = vector.shape_cast %get3A_3046 : vector<1x256x60xf32> to vector<256x60xf32>
    %sub3A_3048 = arith.subf %add3A_3036, %get3A_3047 : vector<256x60xf32>
    %abs3A_3049 = math.absf %sub3A_3048 : vector<256x60xf32>
    %reduce_sum3A_3050 = vector.shape_cast %abs3A_3049 : vector<256x60xf32> to vector<1x256x60xf32>
    %reduce_sum3A_3051 = arith.constant dense<0.000000e+00> : vector<1xf32>
    %reduce_sum3A_3052 = vector.multi_reduction <add>, %reduce_sum3A_3050, %reduce_sum3A_3051 [1, 2] : vector<1x256x60xf32> to vector<1xf32>
    %reduce_sum3A_3053 = vector.shape_cast %reduce_sum3A_3052 : vector<1xf32> to vector<1x1x1xf32>
    %reduce_sum3A_3054 = vector.extract %reduce_sum3A_3053[0, 0, 0] : f32 from vector<1x1x1xf32>
    %add3A_3055 = arith.addf %add3A_2297, %reduce_sum3A_3054 : f32
    %eq3A = arith.constant 0 : i32
    %eq3A_3056 = arith.cmpi eq, %arg0, %eq3A : i32
    %convert_element_type3A_3057 = arith.extui %eq3A_3056 : i1 to i32
    %cond3A = arith.constant 0 : i32
    %cond3A_3058 = arith.cmpi ne, %convert_element_type3A_3057, %cond3A : i32
    scf.if %cond3A_3058 {
      %swap3A_3071 = arith.constant 0.000000e+00 : f32
      %swap3A_3072 = arith.constant 0 : index
      %swap3A_3073 = arith.constant 0 : index
      %swap3A_3074 = memref.load %arg16[%swap3A_3072, %swap3A_3073] : memref<1x1xf32, #tpu.memory_space<smem>>
      memref.store %swap3A_3071, %arg16[%swap3A_3072, %swap3A_3073] : memref<1x1xf32, #tpu.memory_space<smem>>
    } else {
    }
    %get3A_3059 = arith.constant 0 : index
    %get3A_3060 = arith.constant 0 : index
    %get3A_3061 = memref.load %arg16[%get3A_3059, %get3A_3060] : memref<1x1xf32, #tpu.memory_space<smem>>
    %add3A_3062 = arith.addf %get3A_3061, %add3A_3055 : f32
    %swap3A_3063 = arith.constant 0 : index
    %swap3A_3064 = arith.constant 0 : index
    %swap3A_3065 = memref.load %arg16[%swap3A_3063, %swap3A_3064] : memref<1x1xf32, #tpu.memory_space<smem>>
    memref.store %add3A_3062, %arg16[%swap3A_3063, %swap3A_3064] : memref<1x1xf32, #tpu.memory_space<smem>>
    %eq3A_3066 = arith.constant 3 : i32
    %eq3A_3067 = arith.cmpi eq, %arg0, %eq3A_3066 : i32
    %convert_element_type3A_3068 = arith.extui %eq3A_3067 : i1 to i32
    %cond3A_3069 = arith.constant 0 : i32
    %cond3A_3070 = arith.cmpi ne, %convert_element_type3A_3068, %cond3A_3069 : i32
    scf.if %cond3A_3070 {
      %get3A_3071 = arith.constant 0 : index
      %get3A_3072 = arith.constant 0 : index
      %get3A_3073 = memref.load %arg16[%get3A_3071, %get3A_3072] : memref<1x1xf32, #tpu.memory_space<smem>>
      %mul3A_3074 = arith.constant 4.06901063E-6 : f32
      %mul3A_3075 = arith.mulf %get3A_3073, %mul3A_3074 : f32
      %swap3A_3076 = arith.constant 0 : index
      %swap3A_3077 = arith.constant 0 : index
      %swap3A_3078 = memref.load %arg16[%swap3A_3076, %swap3A_3077] : memref<1x1xf32, #tpu.memory_space<smem>>
      memref.store %mul3A_3075, %arg16[%swap3A_3076, %swap3A_3077] : memref<1x1xf32, #tpu.memory_space<smem>>
    } else {
    }
    return
  }
  func.func @transform_0(%arg0: i32) -> (i32, i32, i32) {
    %c0_i32 = arith.constant 0 : i32
    %c0_i32_0 = arith.constant 0 : i32
    %c0_i32_1 = arith.constant 0 : i32
    return %arg0, %c0_i32, %c0_i32_0 : i32, i32, i32
  }
  func.func @transform_1(%arg0: i32) -> (i32, i32, i32) {
    %c0_i32 = arith.constant 0 : i32
    %c0_i32_0 = arith.constant 0 : i32
    %c0_i32_1 = arith.constant 0 : i32
    return %arg0, %c0_i32, %c0_i32_0 : i32, i32, i32
  }
  func.func @transform_2(%arg0: i32) -> (i32, i32) {
    %c0_i32 = arith.constant 0 : i32
    %c0_i32_0 = arith.constant 0 : i32
    %c0_i32_1 = arith.constant 0 : i32
    return %c0_i32, %c0_i32_0 : i32, i32
  }
  func.func @transform_3(%arg0: i32) -> (i32, i32) {
    %c0_i32 = arith.constant 0 : i32
    %c0_i32_0 = arith.constant 0 : i32
    %c0_i32_1 = arith.constant 0 : i32
    return %c0_i32, %c0_i32_0 : i32, i32
  }
  func.func @transform_4(%arg0: i32) -> (i32, i32) {
    %c0_i32 = arith.constant 0 : i32
    %c0_i32_0 = arith.constant 0 : i32
    %c0_i32_1 = arith.constant 0 : i32
    return %c0_i32, %c0_i32_0 : i32, i32
  }
  func.func @transform_5(%arg0: i32) -> (i32, i32) {
    %c0_i32 = arith.constant 0 : i32
    %c0_i32_0 = arith.constant 0 : i32
    %c0_i32_1 = arith.constant 0 : i32
    return %c0_i32, %c0_i32_0 : i32, i32
  }
  func.func @transform_6(%arg0: i32) -> (i32, i32) {
    %c0_i32 = arith.constant 0 : i32
    %c0_i32_0 = arith.constant 0 : i32
    %c0_i32_1 = arith.constant 0 : i32
    return %c0_i32, %c0_i32_0 : i32, i32
  }
  func.func @transform_7(%arg0: i32) -> (i32, i32) {
    %c0_i32 = arith.constant 0 : i32
    %c0_i32_0 = arith.constant 0 : i32
    %c0_i32_1 = arith.constant 0 : i32
    return %c0_i32, %c0_i32_0 : i32, i32
  }
  func.func @transform_8(%arg0: i32) -> (i32, i32) {
    %c0_i32 = arith.constant 0 : i32
    %c0_i32_0 = arith.constant 0 : i32
    %c0_i32_1 = arith.constant 0 : i32
    return %c0_i32, %c0_i32_0 : i32, i32
  }
  func.func @transform_9(%arg0: i32) -> (i32, i32) {
    %c0_i32 = arith.constant 0 : i32
    %c0_i32_0 = arith.constant 0 : i32
    %c0_i32_1 = arith.constant 0 : i32
    return %c0_i32, %c0_i32_0 : i32, i32
  }
  func.func @transform_10(%arg0: i32) -> (i32, i32) {
    %c0_i32 = arith.constant 0 : i32
    %c0_i32_0 = arith.constant 0 : i32
    %c0_i32_1 = arith.constant 0 : i32
    return %c0_i32, %c0_i32_0 : i32, i32
  }
  func.func @transform_11(%arg0: i32) -> (i32, i32) {
    %c0_i32 = arith.constant 0 : i32
    %c0_i32_0 = arith.constant 0 : i32
    %c0_i32_1 = arith.constant 0 : i32
    return %c0_i32, %c0_i32_0 : i32, i32
  }
  func.func @transform_12(%arg0: i32) -> (i32, i32) {
    %c0_i32 = arith.constant 0 : i32
    %c0_i32_0 = arith.constant 0 : i32
    %c0_i32_1 = arith.constant 0 : i32
    return %c0_i32, %c0_i32_0 : i32, i32
  }
  func.func @transform_13(%arg0: i32) -> (i32, i32) {
    %c0_i32 = arith.constant 0 : i32
    %c0_i32_0 = arith.constant 0 : i32
    %c0_i32_1 = arith.constant 0 : i32
    return %c0_i32, %c0_i32_0 : i32, i32
  }
  func.func @transform_14(%arg0: i32) -> (i32, i32, i32) {
    %c0_i32 = arith.constant 0 : i32
    %c0_i32_0 = arith.constant 0 : i32
    %c0_i32_1 = arith.constant 0 : i32
    return %arg0, %c0_i32, %c0_i32_0 : i32, i32, i32
  }
  func.func @transform_15(%arg0: i32) -> (i32, i32) {
    %c0_i32 = arith.constant 0 : i32
    %c0_i32_0 = arith.constant 0 : i32
    %c0_i32_1 = arith.constant 0 : i32
    return %c0_i32, %c0_i32_0 : i32, i32
  }
}

</mosaic_0001>

<sc_bundles>
// kernel: kernel.5.cloned.1.call-start
scs
__scs_entry_jumppad:
0x0: {  	(pc) =	sbr.rel $0x88, $3  }
0x1: {  	(tag) =	ssettag $0x0;
	lr =	simm.s32 $0x1  }
0x2: {  	[smem:$0x3F90] =	sst lr;
	_ =	strace $0xD0000000  }
0x3: {  	_ = 	snop  }
0x4: {  	_ = 	snop  }
0x5: {  	_ = 	snop  }
0x6: {  	_ = 	snop  }
0x7: {  	_ = 	snop  }
__scs_overlays_trampoline_lowered:
0x8: {  	[smem:$0x3F9F] =	sst s0  }
0x9: {  	[smem:$0x3FA0] =	sst s1  }
0xa: {  	[smem:$0x3FA1] =	sst s2  }
0xb: {  	[smem:$0x3FA2] =	sst s3  }
0xc: {  	[smem:$0x3FA3] =	sst s4  }
0xd: {  	[smem:$0x3FA4] =	sst s5  }
0xe: {  	[smem:$0x3FA5] =	sst s6  }
0xf: {  	[smem:$0x3FA6] =	sst s7  }
0x10: {  	[smem:$0x3FA7] =	sst s8  }
0x11: {  	[smem:$0x3FA8] =	sst s9;
	s0 =	simm.s32 @!p0 $0x0  }
0x12: {  	s1 =	sld [smem:$0x3F8E];
	s0 =	simm.s32 @p0 $0x1  }
0x13: {  	[smem:$0x3FA9] =	sst s0;
	s0 =	simm.s32 @!p1 $0x0  }
0x14: {  	s2 =	sld [smem:$0x3F8D];
	s0 =	simm.s32 @p1 $0x1  }
0x15: {  	[smem:$0x3FAA] =	sst s0;
	s0 =	simm.s32 @!p2 $0x0  }
0x16: {  	s3 =	sld [smem:$0x3FDB];
	s0 =	simm.s32 @p2 $0x1  }
0x17: {  	s4 =	simm.s32 $0x1BF5;
	[smem:$0x3FAC] =	sst s0  }
0x18: {  	s0 =	sld [smem:$0x3F8F];
	_ =	swait.ge [sflag:s4], $0x0  }
0x19: {  	s7 =	sld [smem:$0x3F90]  }
0x1a: {  	s8 =	sadd.s32 $0xFFFFE003, lr  }
0x1b: {  	s9 =	sadd.s32 $0xFFFFFEF7, lr;
	s5 =	simm.s32 $0xFFFFFFFF;
	p2 =	slt.u32 s8, $0xFFFFF086  }
0x1c: {  	p1 =	slt.u32 s9, $0xF7A;
	s5 =	simm.s32 @!p2 $0x0  }
0x1d: {  	s5 =	simm.s32 @p1 $0x1;
	p0 =	seq.s32 s7, s2  }
0x1e: {  	s7 =	smul.u32 @!p0 $0xF7A, s2;
	p2 =	seq.s32 @!p0 s5, $0x0  }
0x1f: {  	s9 =	smul.u32 $0xF7A, s1;
	s8 =	simm.s32 @!p0 $0x1BF5;
	p2 =	por !p2, p0  }
0x20: {  	[sflag:s8] =	ssyncset.s32 @!p0 $0xFFFFF086;
	s6 =	sadd.s32 @!p0 s3, s7;
	s7 =	simm.s32 @!p0 $0x108  }
0x21: {  	s3 =	sadd.s32 s3, s9;
	s6 =	sadd.s32 @!p0 $0x88, s6;
	s7 =	simm.s32 @p2 $0x1082  }
0x22: {  	[simem:s7], [sflag:s8] =	dma.local @!p0 [hbm:s6], $0xF7A  }
0x23: {  	s9 =	sor.u32 $0xD0000000, s2;
	s6 =	simm.s32 $0x108;
	_ =	swait.ge @!p0 [sflag:s8], $0x0  }
0x24: {  	s3 =	sadd.s32 $0x88, s3;
	s6 =	simm.s32 @!p1 $0x1082;
	[sflag:s4] =	ssyncset.s32 $0xFFFFF086  }
0x25: {  	[simem:s6], [sflag:s4] =	dma.local [hbm:s3], $0xF7A  }
0x26: {  	[smem:$0x3F90] =	sst s1;
	(tag) =	ssettag s2;
	_ =	strace s9  }
0x27: {  	s1 =	sld [smem:$0x3FA0]  }
0x28: {  	s2 =	sld [smem:$0x3FA1]  }
0x29: {  	s4 =	sld [smem:$0x3FA3]  }
0x2a: {  	p0 =	seq.s32 s5, $0x0;
	s5 =	sld [smem:$0x3FA4]  }
0x2b: {  	s6 =	sld [smem:$0x3FA5]  }
0x2c: {  	s7 =	sld [smem:$0x3FA6]  }
0x2d: {  	s3 =	simm.s32 $0x108;
	s8 =	sld [smem:$0x3FA7]  }
0x2e: {  	s3 =	simm.s32 @!p0 $0x1082;
	s9 =	sld [smem:$0x3FA8]  }
0x2f: {  	lr =	sadd.s32 s0, s3;
	s0 =	sld [smem:$0x3F9F]  }
0x30: {  	s3 =	sld [smem:$0x3FA2]  }
0x31: {  	[smem:$0x3FAB] =	sst s10  }
0x32: {  	s10 =	sld [smem:$0x3FA9];
	_ =	sdelay $0x3  }
0x33: {  	p0 =	seq.s32 s10, $0x1;
	s10 =	sld [smem:$0x3FAB];
	_ =	sdelay $0x3  }
0x34: {  	[smem:$0x3FAB] =	sst s10  }
0x35: {  	s10 =	sld [smem:$0x3FAA];
	_ =	sdelay $0x3  }
0x36: {  	p1 =	seq.s32 s10, $0x1;
	s10 =	sld [smem:$0x3FAB];
	_ =	sdelay $0x3  }
0x37: {  	[smem:$0x3FAB] =	sst s10  }
0x38: {  	s10 =	sld [smem:$0x3FAC]  }
0x39: {  	_ = 	snop;
	(pc) =	sbr.ind lr, $3  }
0x3a: {  	_ = 	snop  }
0x3b: {  	_ = 	snop  }
0x3c: {  	p2 =	seq.s32 s10, $0x1;
	s10 =	sld [smem:$0x3FAB]  }
0x3d: {  	_ =	shalt  }
0x3e: {  	_ =	shalt  }
0x3f: {  	_ =	shalt  }
0x40: {  	_ =	shalt  }
0x41: {  	_ =	shalt  }
0x42: {  	_ =	shalt  }
0x43: {  	_ =	shalt  }
0x44: {  	_ =	shalt  }
0x45: {  	_ =	shalt  }
0x46: {  	_ =	shalt  }
0x47: {  	_ =	shalt  }
0x48: {  	_ =	shalt  }
0x49: {  	_ =	shalt  }
0x4a: {  	_ =	shalt  }
0x4b: {  	_ =	shalt  }
0x4c: {  	_ =	shalt  }
0x4d: {  	_ =	shalt  }
0x4e: {  	_ =	shalt  }
0x4f: {  	_ =	shalt  }
0x50: {  	_ =	shalt  }
0x51: {  	_ =	shalt  }
0x52: {  	_ =	shalt  }
0x53: {  	_ =	shalt  }
0x54: {  	_ =	shalt  }
0x55: {  	_ =	shalt  }
0x56: {  	_ =	shalt  }
0x57: {  	_ =	shalt  }
0x58: {  	_ =	shalt  }
0x59: {  	_ =	shalt  }
0x5a: {  	_ =	shalt  }
0x5b: {  	_ =	shalt  }
0x5c: {  	_ =	shalt  }
0x5d: {  	_ =	shalt  }
0x5e: {  	_ =	shalt  }
0x5f: {  	_ =	shalt  }
0x60: {  	_ =	shalt  }
0x61: {  	_ =	shalt  }
0x62: {  	_ =	shalt  }
0x63: {  	_ =	shalt  }
0x64: {  	_ =	shalt  }
0x65: {  	_ =	shalt  }
0x66: {  	_ =	shalt  }
0x67: {  	_ =	shalt  }
0x68: {  	_ =	shalt  }
0x69: {  	_ =	shalt  }
0x6a: {  	_ =	shalt  }
0x6b: {  	_ =	shalt  }
0x6c: {  	_ =	shalt  }
0x6d: {  	_ =	shalt  }
0x6e: {  	_ =	shalt  }
0x6f: {  	_ =	shalt  }
0x70: {  	_ =	shalt  }
0x71: {  	_ =	shalt  }
0x72: {  	_ =	shalt  }
0x73: {  	_ =	shalt  }
0x74: {  	_ =	shalt  }
0x75: {  	_ =	shalt  }
0x76: {  	_ =	shalt  }
0x77: {  	_ =	shalt  }
0x78: {  	_ =	shalt  }
0x79: {  	_ =	shalt  }
0x7a: {  	_ =	shalt  }
0x7b: {  	_ =	shalt  }
0x7c: {  	_ =	shalt  }
0x7d: {  	_ =	shalt  }
0x7e: {  	_ =	shalt  }
0x7f: {  	_ =	shalt  }
0x80: {  	_ =	shalt  }
0x81: {  	_ =	shalt  }
0x82: {  	_ =	shalt  }
0x83: {  	_ =	shalt  }
0x84: {  	_ =	shalt  }
0x85: {  	_ =	shalt  }
0x86: {  	_ =	shalt  }
0x87: {  	_ =	shalt  }
.Lfunc_end0:
.L_simem_size_0:
called_computation_lowered:
.L_overlay_start_0:
0x88: {  	s2 =	sld [smem:$0x3FD9]  }
0x89: {  	s3 =	sld [smem:$0x3FFE];
	_ =	sdelay $0x1  }
0x8a: {  	s1 =	srdreg.scid  }
0x8b: {  	s0 =	sand.u32 $0x1, s1  }
0x8c: {  	s14 =	sshll.u32 s0, $0xA;
	s2 =	sadd.s32 s3, s2  }
0x8d: {  	s2 =	sadd.s32 s2, s14  }
0x8e: {  	[smem:$0x3FB7] =	sst s2  }
0x8f: {  	_ = 	snop  }
0x90: {  	s2 =	sld [smem:$0x3FD0];
	_ =	sdelay $0x1  }
0x91: {  	s15 =	sld [smem:$0x3FC8]  }
0x92: {  	s5 =	simm.s32 $0xA;
	s6 =	simm.s32 $0x10;
	s4 =	sld [smem:$0x3FC7]  }
0x93: {  	[smem:s6], [sflag:s5] =	dma.local [hbm:s2], $0x1  }
0x94: {  	_ =	swait.eq [sflag:s5], $0x1  }
0x95: {  	[sflag:s5] =	ssyncset.done $0x0  }
0x96: {  	[sflag:s5] =	ssyncadd.s32 $0xFFFFFFFF  }
0x97: {  	s16 =	sld [smem:$0x10];
	(tm) =	ssettm $0x1  }
0x98: {  	s17 =	sld [smem:$0x3FFB];
	_ =	sdelay $0x3  }
0x99: {  	_ =	strace s17  }
0x9a: {  	s5 =	sld [smem:$0x3FFC];
	_ =	sdelay $0x3  }
0x9b: {  	_ =	strace s5  }
0x9c: {  	s5 =	sld [smem:$0x3FFD];
	_ =	sdelay $0x3  }
0x9d: {  	_ =	strace s5  }
0x9e: {  	_ =	strace $0x8FFFFFFF  }
0x9f: {  	s18 =	sld [smem:$0x3FDB];
	_ =	sdelay $0x1  }
0xa0: {  	s19 =	simm.s32 $_scs_section_size  }
0xa1: {  	s7 =	simm.s32 $_size__tile_overlayer_lowered;
	s8 =	simm.s32 $_tile_overlayer_lowered  }
0xa2: {  	s22 =	simm.s32 $0x1BFF;
	s21 =	sshll.u32 s8, $0x1;
	s5 =	sadd.s32 s19, s18  }
0xa3: {  	s9 =	simm.s32 $0x0;
	s20 =	sshll.u32 s7, $0x1;
	s7 =	sadd.s32 s21, s5  }
0xa4: {  	[timem:s9], [sflag:s22] =	dma.local [hbm:s7], s20  }
0xa5: {  	_ =	swait.ge [sflag:s22], s20  }
0xa6: {  	s6 =	ssub.s32 $0x0, s20;
	[sflag:s22] =	ssyncset.done $0x0  }
0xa7: {  	[sflag:s22] =	ssyncadd.s32 s6;
	_ =	sdelay $0x1  }
0xa8: {  	s23 =	simm.s32 $0x1B8B  }
0xa9: {  	_ =	swait.ge [sflag:s23], $0x1  }
0xaa: {  	[sflag:s23] =	ssyncset.done $0x0  }
0xab: {  	s25 =	simm.s32 $0x1B8E;
	s24 =	sld [smem:$0x3FFE];
	[sflag:s23] =	ssyncadd.s32 $0xFFFFFFFF  }
0xac: {  	s26 =	simm.s32 $execute0_lowered;
	[smem:$0x3FD2] =	sst s25  }
0xad: {  	s7 =	sshll.u32 s26, $0x1;
	_ =	strace $0x80000046;
	[dreg:$0x1] =	wrdreg $0xFFFFFFFF  }
0xae: {  	s28 =	simm.s32 $_size_execute0_lowered;
	s5 =	sadd.s32 s5, s7;
	[dreg:$0x0] =	wrdreg $0x0  }
0xaf: {  	s7 =	sshll.u32 s28, $0x1;
	[dreg:$0x2] =	wrdreg s5  }
0xb0: {  	[dreg:$0x3] =	wrdreg s7  }
0xb1: {  	[dreg:$0x4] =	wrdreg $0xC0  }
0xb2: {  	_ =	task [dreg:s9], $0x5FFFF  }
0xb3: {  	[dreg:$0x1] =	wrdreg $0xFFFFFFFF  }
0xb4: {  	[dreg:$0x0] =	wrdreg $0x60  }
0xb5: {  	[dreg:$0x2] =	wrdreg s24  }
0xb6: {  	[dreg:$0x3] =	wrdreg s15  }
0xb7: {  	[dreg:$0x4] =	wrdreg s4  }
0xb8: {  	[dreg:$0x5] =	wrdreg s16  }
0xb9: {  	[dreg:$0x6] =	wrdreg $0x9  }
0xba: {  	_ =	task.clear_ibuf [dreg:s9], $0x7FFFF;
	_ =	strace $0x90000046  }
0xbb: {  	s29 =	simm.s32 $0x9;
	_ =	strace $0x80000048  }
0xbc: {  	_ =	swait.ge [sflag:s29], $0x1  }
0xbd: {  	[sflag:s29] =	ssyncadd.s32 $0xFFFFFFFF  }
0xbe: {  	_ =	strace $0x90000048  }
0xbf: {  	_ =	sfence  }
0xc0: {  	s30 =	sld [smem:$0x0];
	_ =	sdelay $0x2  }
0xc1: {  	s31 =	sshll.u32 s1, $0xD;
	s1 =	sshrl.u32 s1, $0x2  }
0xc2: {  	s3 =	sand.u32 $0x4000, s31;
	s1 =	sadd.s32 s1, s30  }
0xc3: {  	s0 =	sor.u32 s3, s0;
	s1 =	sshll.u32 s1, $0x11  }
0xc4: {  	s0 =	sor.u32 s1, s0  }
0xc5: {  	s0 =	sadd.s32 $0x8F2B, s0  }
0xc6: {  	[sflag:s0] =	ssyncadd.remote.s32 $0x1  }
0xc7: {  	_ =	sfence.sel $0xFFFF  }
0xc8: {  	[dreg:$0x0] =	wrdreg $0xFFFFFFFF;
	(pc) =	sbr.abs _section_cstart, $3  }
0xc9: {  	[dreg:$0x1] =	wrdreg $0xFFFFFFFF  }
0xca: {  	_ =	task.clear_ibuf [dreg:s9], $0x2FFFF;
	_ =	strace $0x9FFFFFFF  }
0xcb: {  	(tm) =	ssettm $0x7FFFFFFF  }
tec
execute0_lowered:
.L_overlay_start_1:
0x0: {  	(tag) =	ssettag $0x1  }
0x1: {  	s1 =	srdreg.scid;
	s4 =	rddreg [dreg:$0x0]  }
0x2: {  	s0 =	stileid.u32;
	s6 =	rddreg [dreg:$0x1]  }
0x3: {  	s7 =	rddreg [dreg:$0x2];
	s5 =	sand.u32 $0x1, s1;
	s29 =	sshll.u32 s0, $0x1  }
0x4: {  	s8 =	simm.s32 $0x1;
	s9 =	rddreg [dreg:$0x3];
	s3 =	sor.u32 s5, s29  }
0x5: {  	s2 =	simm.s32 $0x0;
	p1 =	seq.s32 s5, $0x1;
	p0 =	seq.s32 s3, $0x0  }
0x6: {  	s13 =	simm.s32 $0x0;
	[smem:$0x7FF] =	sst s2;
	p0 =	por !p0, !p1  }
0x7: {  	s1 =	rddreg [dreg:$0x4];
	_ =	strace $0x80000047;
	p0 =	por !p0, !p0  }
0x8: {  	s11 =	ssub.s32 $0x2, s5;
	s31 =	sshll.u32 s5, $0x4;
	s8 =	simm.s32 @!p0 $0x0  }
0x9: {  	s10 =	smul.u32 $0x3C0, s3;
	s3 =	simm.s32 $0x1;
	s8 =	ssub.s32 s0, s8  }
0xa: {  	s30 =	sshrl.u32 s11, $0x1;
	s5 =	sadd.s32 s6, s31;
	s8 =	smul.u32 $0x7800, s8  }
0xb: {  	s6 =	sadd.s32 s7, s31;
	s11 =	ssub.s32 s11, s30;
	s12 =	sadd.s32 s10, s4  }
0xc: {  	s7 =	sadd.s32 s9, s10;
	s9 =	smax.u32 s11, $0x1;
	s8 =	sshrl.u32 s8, $0x3  }
0xd: {  	s10 =	simm.s32 $0x7800;
	s11 =	simm.s32 $0x7880;
	s8 =	sadd.s32 s8, s4  }
0xe: {  	v0 =	vlaneseq.u32;
	s4 =	sadd.s32 $0x2C00, s8;
	s8 =	sadd.s32 $0x11C00, s12;
	s12 =	simm.s32 $0x7900  }
.LBB2_1:
0xf: {  	[tilespmem:s2], [sflag:$0x1] =	stream.linear.gather [hbm4b:s4+s2], $0x7800, $0x38;
	[tilespmem:$0x9700] =	vst v63  }
0x10: {  	s14 =	simm.s32 $0x70  }
0x11: {  	s15 =	simm.s32 $0x10;
	s19 =	simm.s32 $0x20;
	_ =	swait.ge [sflag:s3], $0x7800  }
0x12: {  	v4 =	vor.u32 s2, v0;
	s20 =	simm.s32 $0x30;
	s21 =	simm.s32 $0x40;
	[sflag:s3] =	ssyncset.done $0x0  }
0x13: {  	s22 =	simm.s32 $0x50;
	s16 =	simm.s32 $0x60;
	v1 =	vor.u32 s14, v0;
	v2 =	vor.u32 s15, v0;
	v6 =	vor.u32 s19, v0;
	[sflag:s3] =	ssyncadd.s32 $0xFFFF8800  }
0x14: {  	v7 =	vor.u32 s20, v0;
	v8 =	vor.u32 s21, v0;
	v10 =	vor.u32 s22, v0;
	[tilespmem:s10], [sflag:$0x1] =	stream.linear.gather [hbm4b:s5+s2], $0x80, $0x38;
	[tilespmem:$0x9700] =	vst v63  }
0x15: {  	s31 =	simm.s32 $0xE0;
	v11 =	vor.u32 s16, v0;
	v15 =	vmul.u32 $0x8889, v4;
	v3 =	vmul.u32 $0x8889, v1;
	_ =	swait.ge [sflag:s3], $0x80  }
0x16: {  	v62 =	vor.u32 s31, v0;
	v5 =	vmul.u32 $0x8889, v2;
	v9 =	vmul.u32 $0x8889, v6;
	[sflag:s3] =	ssyncset.done $0x0  }
0x17: {  	v12 =	vmul.u32 $0x8889, v7;
	v13 =	vmul.u32 $0x8889, v8;
	v3 =	vshrl.u32 v3, $0x15;
	[sflag:s3] =	ssyncadd.s32 $0xFFFFFF80  }
0x18: {  	v14 =	vmul.u32 $0x8889, v10;
	v16 =	vmul.u32 $0x8889, v11;
	v30 =	vmul.u32 $0x8889, v62;
	[tilespmem:s11], [sflag:$0x1] =	stream.linear.gather [hbm4b:s6+s2], $0x80, $0x38;
	[tilespmem:$0x9700] =	vst v63  }
0x19: {  	v15 =	vshrl.u32 v15, $0x15;
	v5 =	vshrl.u32 v5, $0x15;
	v9 =	vshrl.u32 v9, $0x15;
	_ =	swait.ge [sflag:s3], $0x80  }
0x1a: {  	v12 =	vshrl.u32 v12, $0x15;
	v13 =	vshrl.u32 v13, $0x15;
	v14 =	vshrl.u32 v14, $0x15;
	[sflag:s3] =	ssyncset.done $0x0  }
0x1b: {  	v16 =	vshrl.u32 v16, $0x15;
	v22 =	vmul.u32 $0xFFFFFFC4, v15;
	v30 =	vshrl.u32 v30, $0x15;
	[sflag:s3] =	ssyncadd.s32 $0xFFFFFF80  }
0x1c: {  	v18 =	vmul.u32 $0xFFFFFFC4, v5;
	v19 =	vmul.u32 $0xFFFFFFC4, v9;
	v20 =	vmul.u32 $0xFFFFFFC4, v12;
	v17 =	vld.idx.msk [tilespmem:v3+s10+$0x0], $0xffff  }
0x1d: {  	s24 =	simm.s32 $0x90;
	v21 =	vmul.u32 $0xFFFFFFC4, v13;
	v23 =	vmul.u32 $0xFFFFFFC4, v14;
	v24 =	vmul.u32 $0xFFFFFFC4, v16  }
0x1e: {  	v40 =	vmul.u32 $0xFFFFFFC4, v30;
	v22 =	vadd.s32 v4, v22;
	v4 =	vor.u32 s24, v0  }
0x1f: {  	v2 =	vadd.s32 v2, v18;
	v6 =	vadd.s32 v6, v19;
	v7 =	vadd.s32 v7, v20  }
0x20: {  	s26 =	simm.s32 $0xA0;
	v8 =	vadd.s32 v8, v21;
	v20 =	vadd.s32 v10, v23;
	v3 =	vmul.u32 $0xFFFFFFC4, v3  }
0x21: {  	s28 =	simm.s32 $0xB0;
	s29 =	simm.s32 $0xC0;
	v23 =	vadd.s32 v11, v24;
	v10 =	vor.u32 s26, v0;
	v5 =	vld.idx.msk [tilespmem:v5+s10+$0x0], $0xffff;
	v17 =	vmul.u32 $0x3C, v17  }
0x22: {  	s25 =	simm.s32 $0xF0;
	v18 =	vor.u32 s28, v0;
	v19 =	vor.u32 s29, v0;
	v9 =	vld.idx.msk [tilespmem:v9+s10+$0x0], $0xffff;
	v1 =	vadd.s32 v1, v3  }
0x23: {  	s30 =	simm.s32 $0xD0;
	v25 =	vmul.u32 $0x8889, v4;
	v12 =	vld.idx.msk [tilespmem:v12+s10+$0x0], $0xffff;
	v1 =	vadd.s32 v17, v1;
	v17 =	vor.u32 s25, v0  }
0x24: {  	v21 =	vor.u32 s30, v0;
	v26 =	vmul.u32 $0x8889, v10;
	v13 =	vld.idx.msk [tilespmem:v13+s10+$0x0], $0xffff;
	v11 =	vmul.u32 $0x8889, v17  }
0x25: {  	v28 =	vmul.u32 $0x8889, v19;
	v29 =	vmul.u32 $0x8889, v21;
	v25 =	vshrl.u32 v25, $0x15;
	v14 =	vld.idx.msk [tilespmem:v14+s10+$0x0], $0xffff  }
0x26: {  	s23 =	simm.s32 $0x80;
	v26 =	vshrl.u32 v26, $0x15;
	v16 =	vld.idx.msk [tilespmem:v16+s10+$0x0], $0xffff;
	v3 =	vmul.u32 $0x3C, v5;
	v27 =	vshrl.u32 v11, $0x15  }
0x27: {  	v28 =	vshrl.u32 v28, $0x15;
	v29 =	vshrl.u32 v29, $0x15;
	v15 =	vld.idx.msk [tilespmem:v15+s10+$0x0], $0xffff;
	v5 =	vor.u32 s23, v0  }
0x28: {  	v2 =	vadd.s32 v3, v2;
	v3 =	vmul.u32 $0x8889, v5;
	v11 =	vmul.u32 $0x8889, v18  }
0x29: {  	v35 =	vmul.u32 $0xFFFFFFC4, v28;
	v38 =	vmul.u32 $0xFFFFFFC4, v29;
	v9 =	vmul.u32 $0x3C, v9  }
0x2a: {  	v32 =	vshrl.u32 v3, $0x15;
	v3 =	vmul.u32 $0xFFFFFFC4, v25;
	v25 =	vld.idx.msk [tilespmem:v25+s10+$0x0], $0xffff;
	v31 =	vshrl.u32 v11, $0x15  }
0x2b: {  	v12 =	vmul.u32 $0x3C, v12;
	v13 =	vmul.u32 $0x3C, v13;
	v41 =	vmul.u32 $0x3C, v14;
	v36 =	vld.idx.msk [tilespmem:v27+s10+$0x0], $0xffff  }
0x2c: {  	v42 =	vmul.u32 $0x3C, v16;
	v43 =	vmul.u32 $0x3C, v15;
	v14 =	vadd.s32 v62, v40;
	v33 =	vld.idx.msk [tilespmem:v1+s2+$0x0], $0xffff  }
0x2d: {  	v37 =	vmul.u32 $0xFFFFFFC4, v32;
	v15 =	vmul.u32 $0xFFFFFFC4, v27;
	v1 =	vmul.u32 $0xFFFFFFC4, v26;
	v39 =	vld.idx.msk [tilespmem:v2+s2+$0x0], $0xffff  }
0x2e: {  	v11 =	vadd.s32 v4, v3;
	v26 =	vld.idx.msk [tilespmem:v26+s10+$0x0], $0xffff;
	v2 =	vadd.s32 v19, v35;
	v19 =	vadd.s32 v9, v6  }
0x2f: {  	v34 =	vmul.u32 $0xFFFFFFC4, v31;
	v9 =	vadd.s32 v17, v15;
	v17 =	vadd.s32 v13, v8;
	v16 =	vld.idx.msk [tilespmem:v31+s10+$0x0], $0xffff  }
0x30: {  	v6 =	vld.idx.msk [tilespmem:v29+s10+$0x0], $0xffff;
	v13 =	vadd.s32 v41, v20;
	v3 =	vadd.s32 v10, v1;
	v63 =	vmul.u32 $0x3C, v36  }
0x31: {  	s14 =	simm.s32 $0x7940;
	v10 =	vadd.s32 v5, v37;
	v5 =	vld.idx.msk [tilespmem:v28+s10+$0x0], $0xffff;
	v4 =	vadd.s32 v18, v34;
	v18 =	vadd.s32 v12, v7  }
0x32: {  	v1 =	vadd.s32 v21, v38;
	v21 =	vmul.u32 $0x3C, v25;
	v8 =	vld.idx.msk [tilespmem:v32+s10+$0x0], $0xffff;
	[tilespmem:s14+$0x30] =	vst v33;
	v20 =	vadd.s32 v63, v9  }
0x33: {  	s17 =	simm.s32 $0x100;
	s16 =	simm.s32 $0x8;
	s15 =	simm.s32 $0x7940;
	v15 =	vadd.s32 v42, v23;
	v7 =	vld.idx.msk [tilespmem:v30+s10+$0x0], $0xffff;
	v12 =	vadd.s32 v43, v22;
	[tilespmem:s14+$0xFFFFFFD0] =	vst v39;
	v9 =	vmul.u32 $0x3C, v26  }
.LBB2_2:
0x34: {  	v22 =	vor.u32 s17, v0;
	s18 =	sadd.s32 $0x10, s17;
	s19 =	sadd.s32 $0x70, s17;
	s16 =	sadd.s32 $0x8, s16;
	v11 =	vadd.s32 v21, v11;
	v21 =	vmul.u32 $0x3C, v16;
	v23 =	vmovc v10;
	v24 =	vmovc v14  }
0x35: {  	s20 =	sadd.s32 $0x30, s17;
	v10 =	vmul.u32 $0x8889, v22;
	v14 =	vor.u32 s18, v0;
	s18 =	sadd.s32 $0x20, s17;
	v25 =	vor.u32 s19, v0;
	p0 =	slt.u32 s16, $0x1D8;
	v16 =	vld.idx.msk [tilespmem:v19+s2+$0x0], $0xffff  }
0x36: {  	v26 =	vor.u32 s20, v0;
	s19 =	sadd.s32 $0x50, s17;
	s20 =	sadd.s32 $0x60, s17;
	v19 =	vor.u32 s18, v0;
	s18 =	sadd.s32 $0x40, s17;
	v27 =	vmul.u32 $0x8889, v25;
	v18 =	vld.idx.msk [tilespmem:v18+s2+$0x0], $0xffff  }
0x37: {  	v29 =	vor.u32 s19, v0;
	v30 =	vor.u32 s20, v0;
	v28 =	vor.u32 s18, v0;
	v20 =	vld.idx.msk [tilespmem:v20+s2+$0x0], $0xffff  }
0x38: {  	v31 =	vmul.u32 $0x8889, v14;
	v32 =	vmul.u32 $0x8889, v19;
	v27 =	vshrl.u32 v27, $0x15;
	v17 =	vld.idx.msk [tilespmem:v17+s2+$0x0], $0xffff  }
0x39: {  	v33 =	vmul.u32 $0x8889, v26;
	v35 =	vmul.u32 $0x8889, v29;
	v34 =	vmul.u32 $0x8889, v28;
	v11 =	vld.idx.msk [tilespmem:v11+s2+$0x0], $0xffff  }
0x3a: {  	v36 =	vmul.u32 $0x8889, v30;
	v31 =	vshrl.u32 v31, $0x15;
	v32 =	vshrl.u32 v32, $0x15;
	v13 =	vld.idx.msk [tilespmem:v13+s2+$0x0], $0xffff  }
0x3b: {  	v33 =	vshrl.u32 v33, $0x15;
	v35 =	vshrl.u32 v35, $0x15;
	v34 =	vshrl.u32 v34, $0x15;
	[tilespmem:s14+$0xFFFFFFE0] =	vst v16;
	v15 =	vld.idx.msk [tilespmem:v15+s2+$0x0], $0xffff  }
0x3c: {  	v37 =	vshrl.u32 v10, $0x15;
	v10 =	vmul.u32 $0xFFFFFFC4, v31;
	v36 =	vshrl.u32 v36, $0x15;
	s14 =	sadd.s32 $0x80, s14;
	v12 =	vld.idx.msk [tilespmem:v12+s2+$0x0], $0xffff;
	[tilespmem:s15+$0xFFFFFFF0] =	vst v18  }
0x3d: {  	v16 =	vmul.u32 $0xFFFFFFC4, v32;
	v38 =	vmul.u32 $0xFFFFFFC4, v34;
	v18 =	vmul.u32 $0xFFFFFFC4, v33;
	v39 =	vld.idx.msk [tilespmem:v27+s10+$0x0], $0xffff;
	[tilespmem:s14+$0x30] =	vst v20  }
0x3e: {  	v40 =	vmul.u32 $0xFFFFFFC4, v35;
	v41 =	vmul.u32 $0xFFFFFFC4, v36;
	v20 =	vmul.u32 $0xFFFFFFC4, v37;
	[tilespmem:s15+$0x0] =	vst v17  }
0x3f: {  	v42 =	vmul.u32 $0x3C, v6;
	v43 =	vmul.u32 $0x3C, v7;
	v17 =	vmul.u32 $0x3C, v5;
	v31 =	vld.idx.msk [tilespmem:v31+s10+$0x0], $0xffff;
	[tilespmem:s14+$0xFFFFFFD0] =	vst v11  }
0x40: {  	v45 =	vmul.u32 $0x3C, v8;
	v44 =	vadd.s32 v19, v16;
	v11 =	vadd.s32 v14, v10;
	v32 =	vld.idx.msk [tilespmem:v32+s10+$0x0], $0xffff;
	[tilespmem:s15+$0x10] =	vst v13  }
0x41: {  	v29 =	vadd.s32 v29, v40;
	v28 =	vadd.s32 v28, v38;
	v26 =	vadd.s32 v26, v18;
	v16 =	vld.idx.msk [tilespmem:v33+s10+$0x0], $0xffff  }
.Ltmp0:
0x42: {  	v8 =	vmul.u32 $0xFFFFFFC4, v27;
	v10 =	vadd.s32 v22, v20;
	v14 =	vadd.s32 v30, v41;
	v5 =	vld.idx.msk [tilespmem:v34+s10+$0x0], $0xffff;
	[tilespmem:s15+$0x20] =	vst v15;
	(pc) =	sbr.rel @p0 .LBB2_2-.Ltmp0, $4  }
0x43: {  	v19 =	vadd.s32 v9, v3;
	v18 =	vadd.s32 v21, v4;
	v15 =	vmul.u32 $0x3C, v39;
	v6 =	vld.idx.msk [tilespmem:v35+s10+$0x0], $0xffff;
	[tilespmem:s15+$0xFFFFFFC0] =	vst v12;
	s15 =	smov.u32 s14  }
0x44: {  	v22 =	vadd.s32 v25, v8;
	v17 =	vadd.s32 v17, v2;
	v13 =	vadd.s32 v42, v1;
	v7 =	vld.idx.msk [tilespmem:v36+s10+$0x0], $0xffff  }
0x45: {  	v3 =	vmovc v44;
	v21 =	vmul.u32 $0x3C, v31;
	v20 =	vadd.s32 v15, v22;
	v15 =	vadd.s32 v43, v24;
	v8 =	vld.idx.msk [tilespmem:v37+s10+$0x0], $0xffff  }
0x46: {  	s17 =	sadd.s32 $0x80, s17;
	v4 =	vmovc v26;
	v2 =	vmovc v28;
	v1 =	vmov v29;
	v12 =	vadd.s32 v45, v23;
	v9 =	vmul.u32 $0x3C, v32  }
0x47: {  	_ =	sdelay $0x3  }
0x48: {  	v19 =	vld.idx.msk [tilespmem:v19+s2+$0x0], $0xffff  }
0x49: {  	v18 =	vld.idx.msk [tilespmem:v18+s2+$0x0], $0xffff;
	v3 =	vadd.s32 v9, v3  }
0x4a: {  	v11 =	vadd.s32 v21, v11;
	v16 =	vmul.u32 $0x3C, v16;
	v20 =	vld.idx.msk [tilespmem:v20+s2+$0x0], $0xffff;
	v5 =	vmul.u32 $0x3C, v5  }
0x4b: {  	v17 =	vld.idx.msk [tilespmem:v17+s2+$0x0], $0xffff;
	v6 =	vmul.u32 $0x3C, v6  }
0x4c: {  	v4 =	vadd.s32 v16, v4;
	v2 =	vadd.s32 v5, v2;
	v5 =	vld.idx.msk [tilespmem:v15+s2+$0x0], $0xffff;
	v8 =	vmul.u32 $0x3C, v8  }
0x4d: {  	v1 =	vadd.s32 v6, v1;
	v6 =	vld.idx.msk [tilespmem:v12+s2+$0x0], $0xffff;
	[tilespmem:s14+$0xFFFFFFE0] =	vst v19  }
0x4e: {  	s30 =	sadd.s32 $0x80, s14;
	v7 =	vmul.u32 $0x3C, v7;
	[tilespmem:s15+$0xFFFFFFF0] =	vst v18;
	v8 =	vadd.s32 v8, v10;
	v3 =	vld.idx.msk [tilespmem:v3+s2+$0x0], $0xffff  }
0x4f: {  	v9 =	vld.idx.msk [tilespmem:v11+s2+$0x0], $0xffff;
	[tilespmem:s30+$0x30] =	vst v20  }
0x50: {  	v7 =	vadd.s32 v7, v14;
	v11 =	vld.idx.msk [tilespmem:v13+s2+$0x0], $0xffff;
	[tilespmem:s15+$0x0] =	vst v17  }
0x51: {  	v4 =	vld.idx.msk [tilespmem:v4+s2+$0x0], $0xffff;
	[tilespmem:s15+$0x20] =	vst v5  }
0x52: {  	s21 =	simm.s32 $0x50;
	v1 =	vld.idx.msk [tilespmem:v1+s2+$0x0], $0xffff;
	[tilespmem:s15+$0xFFFFFFC0] =	vst v6  }
0x53: {  	v10 =	vor.u32 s21, v0;
	[tilespmem:s30+$0xFFFFFFE0] =	vst v3;
	v3 =	vld.idx.msk [tilespmem:v8+s2+$0x0], $0xffff  }
0x54: {  	v14 =	vmul.u32 $0x8889, v10;
	v2 =	vld.idx.msk [tilespmem:v2+s2+$0x0], $0xffff;
	[tilespmem:s30+$0xFFFFFFD0] =	vst v9  }
0x55: {  	s18 =	simm.s32 $0x20;
	v5 =	vld.idx.msk [tilespmem:v7+s2+$0x0], $0xffff;
	[tilespmem:s15+$0x10] =	vst v11  }
0x56: {  	s31 =	simm.s32 $0x70;
	s19 =	simm.s32 $0x30;
	v6 =	vor.u32 s18, v0;
	v14 =	vshrl.u32 v14, $0x15;
	[tilespmem:s30+$0xFFFFFFF0] =	vst v4  }
0x57: {  	s22 =	simm.s32 $0x60;
	v7 =	vor.u32 s19, v0;
	v23 =	vmul.u32 $0xFFFFFFC4, v14;
	[tilespmem:s30+$0x10] =	vst v1;
	v1 =	vor.u32 s31, v0  }
0x58: {  	s20 =	simm.s32 $0x40;
	v9 =	vmul.u32 $0x8889, v6;
	v11 =	vor.u32 s22, v0;
	[tilespmem:s30+$0xFFFFFFC0] =	vst v3;
	v3 =	vmul.u32 $0x8889, v1  }
0x59: {  	s17 =	simm.s32 $0x0;
	s16 =	simm.s32 $0x10;
	v12 =	vmul.u32 $0x8889, v7;
	v8 =	vor.u32 s20, v0;
	v16 =	vmul.u32 $0x8889, v11;
	[tilespmem:s30+$0x0] =	vst v2  }
0x5a: {  	v2 =	vor.u32 s16, v0;
	v4 =	vor.u32 s17, v0;
	[tilespmem:s30+$0x20] =	vst v5;
	v3 =	vshrl.u32 v3, $0x15  }
0x5b: {  	v13 =	vmul.u32 $0x8889, v8;
	v9 =	vshrl.u32 v9, $0x15;
	v12 =	vshrl.u32 v12, $0x15;
	[hbm4b:s7+s17] =	stream.linear.scatter [tilespmem:s12], [sflag:$0x1], $0x1E00, $0x38;
	[tilespmem:$0x9700] =	vst v63  }
0x5c: {  	v15 =	vmul.u32 $0x8889, v4;
	v16 =	vshrl.u32 v16, $0x15;
	v5 =	vmul.u32 $0x8889, v2;
	_ =	swait.ge [sflag:s3], $0x1E00  }
0x5d: {  	v19 =	vmul.u32 $0xFFFFFFC4, v9;
	v20 =	vmul.u32 $0xFFFFFFC4, v12;
	s31 =	simm.s32 $0xE0;
	v13 =	vshrl.u32 v13, $0x15;
	[sflag:s3] =	ssyncset.done $0x0  }
0x5e: {  	v24 =	vmul.u32 $0xFFFFFFC4, v16;
	v62 =	vor.u32 s31, v0;
	v5 =	vshrl.u32 v5, $0x15;
	[sflag:s3] =	ssyncadd.s32 $0xFFFFE200  }
0x5f: {  	s26 =	simm.s32 $0xA0;
	v15 =	vshrl.u32 v15, $0x15;
	v21 =	vmul.u32 $0xFFFFFFC4, v13;
	v6 =	vadd.s32 v6, v19;
	v17 =	vld.idx.msk [tilespmem:v3+s11+$0x0], $0xffff  }
0x60: {  	s29 =	simm.s32 $0xC0;
	v7 =	vadd.s32 v7, v20;
	v20 =	vadd.s32 v10, v23;
	v10 =	vor.u32 s26, v0  }
0x61: {  	v19 =	vor.u32 s29, v0;
	v30 =	vmul.u32 $0x8889, v62;
	v22 =	vmul.u32 $0xFFFFFFC4, v15  }
0x62: {  	v23 =	vadd.s32 v11, v24;
	v26 =	vmul.u32 $0x8889, v10;
	v28 =	vmul.u32 $0x8889, v19  }
0x63: {  	s30 =	simm.s32 $0xD0;
	v18 =	vmul.u32 $0xFFFFFFC4, v5;
	v8 =	vadd.s32 v8, v21;
	v5 =	vld.idx.msk [tilespmem:v5+s11+$0x0], $0xffff;
	v3 =	vmul.u32 $0xFFFFFFC4, v3  }
0x64: {  	s24 =	simm.s32 $0x90;
	v21 =	vor.u32 s30, v0;
	v30 =	vshrl.u32 v30, $0x15;
	v17 =	vmul.u32 $0x3C, v17  }
0x65: {  	s25 =	simm.s32 $0xF0;
	v22 =	vadd.s32 v4, v22;
	v4 =	vor.u32 s24, v0;
	v9 =	vld.idx.msk [tilespmem:v9+s11+$0x0], $0xffff;
	v1 =	vadd.s32 v1, v3  }
0x66: {  	v25 =	vmul.u32 $0x8889, v4;
	v12 =	vld.idx.msk [tilespmem:v12+s11+$0x0], $0xffff;
	v1 =	vadd.s32 v17, v1;
	v17 =	vor.u32 s25, v0  }
0x67: {  	v29 =	vmul.u32 $0x8889, v21;
	v26 =	vshrl.u32 v26, $0x15;
	v13 =	vld.idx.msk [tilespmem:v13+s11+$0x0], $0xffff;
	v11 =	vmul.u32 $0x8889, v17  }
0x68: {  	v28 =	vshrl.u32 v28, $0x15;
	v14 =	vld.idx.msk [tilespmem:v14+s11+$0x0], $0xffff;
	v25 =	vshrl.u32 v25, $0x15;
	v3 =	vmul.u32 $0x3C, v5  }
0x69: {  	s23 =	simm.s32 $0x80;
	s28 =	simm.s32 $0xB0;
	v40 =	vmul.u32 $0xFFFFFFC4, v30;
	v2 =	vadd.s32 v2, v18;
	v16 =	vld.idx.msk [tilespmem:v16+s11+$0x0], $0xffff;
	v27 =	vshrl.u32 v11, $0x15  }
0x6a: {  	v18 =	vor.u32 s28, v0;
	v15 =	vld.idx.msk [tilespmem:v15+s11+$0x0], $0xffff;
	v5 =	vor.u32 s23, v0;
	v2 =	vadd.s32 v3, v2  }
0x6b: {  	v29 =	vshrl.u32 v29, $0x15;
	v3 =	vmul.u32 $0x8889, v5;
	v11 =	vmul.u32 $0x8889, v18  }
0x6c: {  	v35 =	vmul.u32 $0xFFFFFFC4, v28;
	v38 =	vmul.u32 $0xFFFFFFC4, v29;
	v9 =	vmul.u32 $0x3C, v9  }
0x6d: {  	v32 =	vshrl.u32 v3, $0x15;
	v3 =	vmul.u32 $0xFFFFFFC4, v25;
	v25 =	vld.idx.msk [tilespmem:v25+s11+$0x0], $0xffff;
	v31 =	vshrl.u32 v11, $0x15  }
0x6e: {  	v12 =	vmul.u32 $0x3C, v12;
	v13 =	vmul.u32 $0x3C, v13;
	v41 =	vmul.u32 $0x3C, v14;
	v36 =	vld.idx.msk [tilespmem:v27+s11+$0x0], $0xffff  }
0x6f: {  	v42 =	vmul.u32 $0x3C, v16;
	v43 =	vmul.u32 $0x3C, v15;
	v14 =	vadd.s32 v62, v40;
	v39 =	vld.idx.msk [tilespmem:v2+s2+$0x0], $0xffff  }
0x70: {  	v37 =	vmul.u32 $0xFFFFFFC4, v32;
	v2 =	vadd.s32 v19, v35;
	v15 =	vmul.u32 $0xFFFFFFC4, v27;
	v33 =	vld.idx.msk [tilespmem:v1+s2+$0x0], $0xffff  }
0x71: {  	v19 =	vadd.s32 v9, v6;
	v1 =	vmul.u32 $0xFFFFFFC4, v26;
	v11 =	vadd.s32 v4, v3;
	v26 =	vld.idx.msk [tilespmem:v26+s11+$0x0], $0xffff  }
0x72: {  	v34 =	vmul.u32 $0xFFFFFFC4, v31;
	v9 =	vadd.s32 v17, v15;
	v17 =	vadd.s32 v13, v8;
	v16 =	vld.idx.msk [tilespmem:v31+s11+$0x0], $0xffff  }
0x73: {  	v6 =	vld.idx.msk [tilespmem:v29+s11+$0x0], $0xffff;
	v13 =	vadd.s32 v41, v20;
	v3 =	vadd.s32 v10, v1;
	v63 =	vmul.u32 $0x3C, v36  }
0x74: {  	s14 =	simm.s32 $0x7940;
	v8 =	vld.idx.msk [tilespmem:v32+s11+$0x0], $0xffff;
	v1 =	vadd.s32 v21, v38;
	v4 =	vadd.s32 v18, v34;
	v18 =	vadd.s32 v12, v7  }
0x75: {  	v10 =	vadd.s32 v5, v37;
	v5 =	vld.idx.msk [tilespmem:v28+s11+$0x0], $0xffff;
	v21 =	vmul.u32 $0x3C, v25;
	[tilespmem:s14+$0xFFFFFFD0] =	vst v39;
	v20 =	vadd.s32 v63, v9  }
0x76: {  	s15 =	simm.s32 $0x7940;
	s16 =	simm.s32 $0x8;
	s17 =	simm.s32 $0x100;
	v15 =	vadd.s32 v42, v23;
	v7 =	vld.idx.msk [tilespmem:v30+s11+$0x0], $0xffff;
	v12 =	vadd.s32 v43, v22;
	[tilespmem:s14+$0x30] =	vst v33;
	v9 =	vmul.u32 $0x3C, v26  }
.LBB2_4:
0x77: {  	v22 =	vor.u32 s17, v0;
	s18 =	sadd.s32 $0x10, s17;
	s19 =	sadd.s32 $0x70, s17;
	s16 =	sadd.s32 $0x8, s16;
	v11 =	vadd.s32 v21, v11;
	v21 =	vmul.u32 $0x3C, v16;
	v23 =	vmovc v10;
	v24 =	vmovc v14  }
0x78: {  	s20 =	sadd.s32 $0x30, s17;
	v10 =	vmul.u32 $0x8889, v22;
	v14 =	vor.u32 s18, v0;
	s18 =	sadd.s32 $0x20, s17;
	v25 =	vor.u32 s19, v0;
	p0 =	slt.u32 s16, $0x1D8;
	v16 =	vld.idx.msk [tilespmem:v19+s2+$0x0], $0xffff  }
0x79: {  	v26 =	vor.u32 s20, v0;
	s19 =	sadd.s32 $0x50, s17;
	s20 =	sadd.s32 $0x60, s17;
	v19 =	vor.u32 s18, v0;
	s18 =	sadd.s32 $0x40, s17;
	v27 =	vmul.u32 $0x8889, v25;
	v18 =	vld.idx.msk [tilespmem:v18+s2+$0x0], $0xffff  }
0x7a: {  	v29 =	vor.u32 s19, v0;
	v30 =	vor.u32 s20, v0;
	v28 =	vor.u32 s18, v0;
	v20 =	vld.idx.msk [tilespmem:v20+s2+$0x0], $0xffff  }
0x7b: {  	v31 =	vmul.u32 $0x8889, v14;
	v32 =	vmul.u32 $0x8889, v19;
	v27 =	vshrl.u32 v27, $0x15;
	v17 =	vld.idx.msk [tilespmem:v17+s2+$0x0], $0xffff  }
0x7c: {  	v33 =	vmul.u32 $0x8889, v26;
	v35 =	vmul.u32 $0x8889, v29;
	v34 =	vmul.u32 $0x8889, v28;
	v11 =	vld.idx.msk [tilespmem:v11+s2+$0x0], $0xffff  }
0x7d: {  	v36 =	vmul.u32 $0x8889, v30;
	v31 =	vshrl.u32 v31, $0x15;
	v32 =	vshrl.u32 v32, $0x15;
	v13 =	vld.idx.msk [tilespmem:v13+s2+$0x0], $0xffff  }
0x7e: {  	v33 =	vshrl.u32 v33, $0x15;
	v35 =	vshrl.u32 v35, $0x15;
	v34 =	vshrl.u32 v34, $0x15;
	[tilespmem:s14+$0xFFFFFFE0] =	vst v16;
	v15 =	vld.idx.msk [tilespmem:v15+s2+$0x0], $0xffff  }
0x7f: {  	v37 =	vshrl.u32 v10, $0x15;
	v10 =	vmul.u32 $0xFFFFFFC4, v31;
	v36 =	vshrl.u32 v36, $0x15;
	s14 =	sadd.s32 $0x80, s14;
	v12 =	vld.idx.msk [tilespmem:v12+s2+$0x0], $0xffff;
	[tilespmem:s15+$0xFFFFFFF0] =	vst v18  }
0x80: {  	v16 =	vmul.u32 $0xFFFFFFC4, v32;
	v38 =	vmul.u32 $0xFFFFFFC4, v34;
	v18 =	vmul.u32 $0xFFFFFFC4, v33;
	v39 =	vld.idx.msk [tilespmem:v27+s11+$0x0], $0xffff;
	[tilespmem:s14+$0x30] =	vst v20  }
0x81: {  	v40 =	vmul.u32 $0xFFFFFFC4, v35;
	v41 =	vmul.u32 $0xFFFFFFC4, v36;
	v20 =	vmul.u32 $0xFFFFFFC4, v37;
	[tilespmem:s15+$0x0] =	vst v17  }
0x82: {  	v42 =	vmul.u32 $0x3C, v6;
	v43 =	vmul.u32 $0x3C, v7;
	v17 =	vmul.u32 $0x3C, v5;
	v31 =	vld.idx.msk [tilespmem:v31+s11+$0x0], $0xffff;
	[tilespmem:s14+$0xFFFFFFD0] =	vst v11  }
0x83: {  	v45 =	vmul.u32 $0x3C, v8;
	v44 =	vadd.s32 v19, v16;
	v11 =	vadd.s32 v14, v10;
	v32 =	vld.idx.msk [tilespmem:v32+s11+$0x0], $0xffff;
	[tilespmem:s15+$0x10] =	vst v13  }
0x84: {  	v29 =	vadd.s32 v29, v40;
	v28 =	vadd.s32 v28, v38;
	v26 =	vadd.s32 v26, v18;
	v16 =	vld.idx.msk [tilespmem:v33+s11+$0x0], $0xffff  }
.Ltmp1:
0x85: {  	v8 =	vmul.u32 $0xFFFFFFC4, v27;
	v10 =	vadd.s32 v22, v20;
	v14 =	vadd.s32 v30, v41;
	v5 =	vld.idx.msk [tilespmem:v34+s11+$0x0], $0xffff;
	[tilespmem:s15+$0x20] =	vst v15;
	(pc) =	sbr.rel @p0 .LBB2_4-.Ltmp1, $4  }
0x86: {  	v19 =	vadd.s32 v9, v3;
	v18 =	vadd.s32 v21, v4;
	v15 =	vmul.u32 $0x3C, v39;
	v6 =	vld.idx.msk [tilespmem:v35+s11+$0x0], $0xffff;
	[tilespmem:s15+$0xFFFFFFC0] =	vst v12;
	s15 =	smov.u32 s14  }
0x87: {  	v22 =	vadd.s32 v25, v8;
	v17 =	vadd.s32 v17, v2;
	v13 =	vadd.s32 v42, v1;
	v7 =	vld.idx.msk [tilespmem:v36+s11+$0x0], $0xffff  }
0x88: {  	v3 =	vmovc v44;
	v21 =	vmul.u32 $0x3C, v31;
	v20 =	vadd.s32 v15, v22;
	v15 =	vadd.s32 v43, v24;
	v8 =	vld.idx.msk [tilespmem:v37+s11+$0x0], $0xffff  }
0x89: {  	s17 =	sadd.s32 $0x80, s17;
	v4 =	vmovc v26;
	v2 =	vmovc v28;
	v1 =	vmov v29;
	v12 =	vadd.s32 v45, v23;
	v9 =	vmul.u32 $0x3C, v32  }
0x8a: {  	_ =	sdelay $0x3  }
0x8b: {  	v19 =	vld.idx.msk [tilespmem:v19+s2+$0x0], $0xffff  }
0x8c: {  	v18 =	vld.idx.msk [tilespmem:v18+s2+$0x0], $0xffff  }
0x8d: {  	v11 =	vadd.s32 v21, v11;
	v16 =	vmul.u32 $0x3C, v16;
	v20 =	vld.idx.msk [tilespmem:v20+s2+$0x0], $0xffff  }
0x8e: {  	v17 =	vld.idx.msk [tilespmem:v17+s2+$0x0], $0xffff;
	v5 =	vmul.u32 $0x3C, v5;
	v3 =	vadd.s32 v9, v3  }
0x8f: {  	v60 =	vld.idx.msk [tilespmem:v13+s2+$0x0], $0xffff;
	v6 =	vmul.u32 $0x3C, v6;
	v4 =	vadd.s32 v16, v4  }
0x90: {  	v61 =	vld.idx.msk [tilespmem:v15+s2+$0x0], $0xffff;
	v7 =	vmul.u32 $0x3C, v7;
	v2 =	vadd.s32 v5, v2;
	[tilespmem:s14+$0xFFFFFFE0] =	vst v19  }
0x91: {  	s31 =	sadd.s32 $0x80, s14;
	v62 =	vld.idx.msk [tilespmem:v12+s2+$0x0], $0xffff;
	v8 =	vmul.u32 $0x3C, v8;
	v1 =	vadd.s32 v6, v1;
	[tilespmem:s15+$0xFFFFFFF0] =	vst v18  }
0x92: {  	v7 =	vadd.s32 v7, v14;
	v59 =	vld.idx.msk [tilespmem:v11+s2+$0x0], $0xffff;
	[tilespmem:s31+$0x30] =	vst v20  }
0x93: {  	[tilespmem:s15+$0x0] =	vst v17;
	v8 =	vadd.s32 v8, v10;
	v3 =	vld.idx.msk [tilespmem:v3+s2+$0x0], $0xffff  }
0x94: {  	[tilespmem:s15+$0x10] =	vst v60;
	v4 =	vld.idx.msk [tilespmem:v4+s2+$0x0], $0xffff  }
0x95: {  	[tilespmem:s15+$0x20] =	vst v61;
	v2 =	vld.idx.msk [tilespmem:v2+s2+$0x0], $0xffff  }
0x96: {  	[tilespmem:s15+$0xFFFFFFC0] =	vst v62;
	v1 =	vld.idx.msk [tilespmem:v1+s2+$0x0], $0xffff  }
0x97: {  	v63 =	vld.idx.msk [tilespmem:v7+s2+$0x0], $0xffff;
	[tilespmem:s31+$0xFFFFFFD0] =	vst v59  }
0x98: {  	[tilespmem:s31+$0xFFFFFFE0] =	vst v3;
	v3 =	vld.idx.msk [tilespmem:v8+s2+$0x0], $0xffff  }
0x99: {  	[tilespmem:s31+$0xFFFFFFF0] =	vst v4  }
0x9a: {  	[tilespmem:s31+$0x0] =	vst v2  }
0x9b: {  	s13 =	sadd.s32 $0x1, s13;
	[tilespmem:s31+$0x10] =	vst v1  }
0x9c: {  	p0 =	sne.s32 s13, s9;
	[tilespmem:s31+$0x20] =	vst v63  }
.Ltmp2:
0x9d: {  	[tilespmem:s31+$0xFFFFFFC0] =	vst v3;
	(pc) =	sbr.rel @p0 .LBB2_1-.Ltmp2, $4  }
0x9e: {  	[hbm4b:s8+s2] =	stream.linear.scatter [tilespmem:s12], [sflag:$0x1], $0x1E00, $0x38;
	[tilespmem:$0x9700] =	vst v63  }
0x9f: {  	_ =	swait.ge [sflag:s3], $0x1E00  }
0xa0: {  	[sflag:s3] =	ssyncset.done $0x0  }
0xa1: {  	[sflag:s3] =	ssyncadd.s32 $0xFFFFE200  }
0xa2: {  	_ =	sfence.sel $0x180000  }
0xa3: {  	[bflag:$0x0] =	sbarrier.arrive $0xFFFF  }
0xa4: {  	p0 =	sne.s32 s0, $0x0;
	_ =	strace $0x90000047  }
0xa5: {  	s0 =	sadd.s32 @!p0 $0x100000, s1;
	[bflag:$0x2] =	sbarrier.arrive $0xFFFF  }
0xa6: {  	[sflag:s0] =	ssyncadd.tile.s32 @!p0 $0x1;
	_ =	shalt  }
.Lfunc_end2:
_tile_overlayer_lowered:
.L_overlay_start_2:
0xa7: {  	(tag) =	ssettag $0x2  }
0xa8: {  	s0 =	rddreg [dreg:$0x0];
	s2 =	stileid.u32  }
0xa9: {  	s1 =	rddreg [dreg:$0x1];
	p0 =	sne.s32 s2, $0x0  }
0xaa: {  	s3 =	rddreg [dreg:$0x2];
	[bflag:$0x3] =	sbarrier.arrive $0xFFFF;
	s2 =	simm.s32 @!p0 $0x1C01  }
0xab: {  	[timem:s3], [sflag:s2] =	dma.local @!p0 [hbm:s0], s1  }
0xac: {  	s0 =	simm.s32 @!p0 $0x1  }
0xad: {  	_ =	swait.ge @!p0 [sflag:s0], s1  }
0xae: {  	s1 =	ssub.s32 @!p0 $0x0, s1;
	[sflag:s0] =	ssyncset.done @!p0 $0x0  }
0xaf: {  	[sflag:s0] =	ssyncadd.s32 @!p0 s1  }
0xb0: {  	[bflag:$0x3] =	sbarrier.arrive $0xFFFF  }
0xb1: {  	_ =	shalt  }

</sc_bundles>
